<compile_context>
chip_gen: v7x
topology: tpu7x:2x2x1
jax: 0.10.2.dev20260603
libtpu: 0.0.44.dev20260713+nightly
codegen_flags: <defaults>
</compile_context>

<pallas_src>
import functools

import jax
import jax.numpy as jnp
from jax import lax
from jax.experimental import pallas as pl
from jax.experimental.pallas import tpu as pltpu
from jax.experimental.pallas import tpu_sc as plsc

_SB = 4


def _make_sc_embed(B, S, V, D, NC, NS):
    NW = NC * NS
    BT = B // NW
    ST = S // 8
    n_batches = S // _SB
    NI = n_batches // 2
    CH = _SB * BT
    DT, DI = D // 8, 8
    mesh = plsc.VectorSubcoreMesh(core_axis_name="c", subcore_axis_name="s")

    @functools.partial(
        pl.kernel,
        mesh=mesh,
        out_type=jax.ShapeDtypeStruct((S, DT, NW, DI, BT), jnp.float32),
        compiler_params=pltpu.CompilerParams(
            use_tc_tiling_on_sc=False, needs_layout_passes=False
        ),
        scratch_types=[
            pltpu.VMEM((ST, 8 * BT), jnp.int32),
            pltpu.VMEM((CH, D), jnp.float32),
            pltpu.VMEM((CH, D), jnp.float32),
            pltpu.VMEM((DT, _SB, DI, BT), jnp.float32),
            pltpu.VMEM((DT, _SB, DI, BT), jnp.float32),
            pltpu.SemaphoreType.DMA,
            pltpu.SemaphoreType.DMA,
            pltpu.SemaphoreType.DMA,
            pltpu.SemaphoreType.DMA,
        ],
    )
    def emb(idx_hbm, table_hbm, out_hbm, idx_v, rows0, rows1, tv0, tv1,
            g0, g1, o0, o1):
        wid = lax.axis_index("s") * NC + lax.axis_index("c")
        pltpu.sync_copy(idx_hbm.at[:, wid], idx_v)

        rows = [rows0, rows1]
        tv = [tv0, tv1]
        gsem = [g0, g1]
        osem = [o0, o1]

        iota = lax.iota(jnp.int32, 16)

        def idx_ref(p, st):
            return idx_v.at[st, pl.ds(p * CH, CH)]

        def start_gather(p, st):
            return pltpu.async_copy(
                table_hbm.at[idx_ref(p, st)], rows[p], gsem[p]
            )

        def wait_gather(p, st):
            pltpu.make_async_copy(
                table_hbm.at[idx_ref(p, st)], rows[p], gsem[p]
            ).wait()

        def permute(p):
            rp = rows[p]
            tp = tv[p]

            @plsc.parallel_loop(0, D, unroll=4)
            def _(d0):
                dcol = (d0 + iota) & (D - 1)
                dtv = dcol >> 3
                div = dcol & 7
                for sb in range(_SB):
                    sbv = jnp.full((16,), sb, jnp.int32)
                    for b0 in range(0, BT, 16):
                        val = plsc.load_gather(
                            rp, [iota + (sb * BT + b0), dcol]
                        )
                        plsc.store_scatter(tp, [dtv, sbv, div, iota + b0], val)

        def start_out(p, k):
            s0 = k * _SB
            for dt in range(DT):
                pltpu.async_copy(
                    tv[p].at[dt], out_hbm.at[pl.ds(s0, _SB), dt, wid], osem[p]
                )

        def wait_out(p):
            for _ in range(DT):
                pltpu.make_async_copy(
                    tv[p].at[0], out_hbm.at[pl.ds(0, _SB), 0, wid], osem[p]
                ).wait()

        start_gather(0, 0)
        start_gather(1, 0)

        def step(i, p):
            k = 2 * i + p

            @pl.when(i >= 1)
            def _():
                wait_out(p)

            wait_gather(p, i)
            permute(p)
            start_out(p, k)

            @pl.when(i < NI - 1)
            def _():
                start_gather(p, i + 1)

        def body(i, carry):
            step(i, 0)
            step(i, 1)
            return carry

        lax.fori_loop(0, NI, body, 0)
        wait_out(0)
        wait_out(1)

    return emb


def kernel(token_ids, table):
    B, S = token_ids.shape
    V, D = table.shape
    idx4 = (
        token_ids.astype(jnp.int32)
        .T.reshape(S // 8, 8, B // 128, 128)
        .transpose(0, 2, 1, 3)
        .reshape(S // 8, B // 128, 8 * 128)
    )
    info = plsc.get_sparse_core_info()
    NC, NS = info.num_cores, info.num_subcores
    emb = _make_sc_embed(B, S, V, D, NC, NS)
    out5 = emb(idx4, table)
    return out5.transpose(2, 4, 0, 1, 3).reshape(B, S, D)

# --- scband reference (transcript-rebuilt; emitter-appended) ---
"""Pipeline reference for scband-token-embedding-87101936763458 (READ-ONLY COPY).

The authoritative reference and input builder live on the scoring server;
editing this copy changes nothing except your own understanding.
"""

import jax, jax.numpy as jnp
import numpy as np

VOCAB_SIZE = 1000000
EMBED_DIM = 32
BATCH = 4096
SEQ_LEN = 200

def setup_inputs(seed: int = 0) -> dict:
    key = jax.random.key(seed)
    k_idx, k_tab = jax.random.split(key)
    token_ids = jax.random.randint(k_idx, (BATCH, SEQ_LEN), 0, VOCAB_SIZE, dtype=jnp.int64 if jax.config.jax_enable_x64 else jnp.int32)
    # nn.Embedding default init: N(0, 1)
    table = jax.random.normal(k_tab, (VOCAB_SIZE, EMBED_DIM), dtype=jnp.float32)
    return {"token_ids": token_ids, "table": table}

def reference(token_ids, table):
    # TokenEmbedding.forward: self.embedding(token_ids) -> gather rows
    return jnp.take(table, token_ids, axis=0)

if __name__ == "__main__":
    import jax
    _d = setup_inputs()
    print(jax.jit(kernel)(*tuple(_d.values())))

</pallas_src>

<mosaic_0001>
#map = affine_map<(d0, d1) -> (0, 0, 0)>
#map1 = affine_map<(d0, d1) -> (0, 0)>
#map2 = affine_map<(d0, d1) -> (0, 0, 0, 0, 0)>
module attributes {stable_mosaic.version = 14 : i64} {
  func.func @emb(%arg0: i32, %arg1: i32, %arg2: memref<25x32x1024xi32, #tpu.memory_space<hbm>>, %arg3: memref<1000000x32xf32, #tpu.memory_space<hbm>>, %arg4: memref<200x4x32x8x128xf32, #tpu.memory_space<hbm>>, %arg5: memref<25x1024xi32, #tpu.memory_space<vmem>>, %arg6: memref<512x32xf32, #tpu.memory_space<vmem>>, %arg7: memref<512x32xf32, #tpu.memory_space<vmem>>, %arg8: memref<4x4x8x128xf32, #tpu.memory_space<vmem>>, %arg9: memref<4x4x8x128xf32, #tpu.memory_space<vmem>>, %arg10: memref<!tpu.dma_semaphore, #tpu.memory_space<semaphore_mem>>, %arg11: memref<!tpu.dma_semaphore, #tpu.memory_space<semaphore_mem>>, %arg12: memref<!tpu.dma_semaphore, #tpu.memory_space<semaphore_mem>>, %arg13: memref<!tpu.dma_semaphore, #tpu.memory_space<semaphore_mem>>) attributes {dimension_semantics = [#tpu.dimension_semantics<core_parallel>, #tpu.dimension_semantics<subcore_parallel>], iteration_bounds = array<i64: 2, 16>, scalar_prefetch = 0 : i64, scratch_operands = 9 : i64, tpu.core_type = #tpu.core_type<sc_vector_subcore>, window_params = [{transform_indices = #map}, {transform_indices = #map1}, {transform_indices = #map2}]} {
    %mul3A = arith.constant 2 : i32
    %mul3A_0 = arith.muli %arg1, %mul3A : i32
    %add3A = arith.addi %mul3A_0, %arg0 : i32
    "tpu.region"() ({
      %run_scoped3A = tpu.sem_alloc : memref<!tpu.dma_semaphore, #tpu.memory_space<semaphore_mem>>
      %dma_start3A_194 = arith.constant 0 : i32
      %dma_start3A_195 = arith.constant 0 : i32
      %dma_start3A_196 = tpu.memref_slice %arg2[%dma_start3A_194, %add3A, %dma_start3A_195] : memref<25x32x1024xi32, #tpu.memory_space<hbm>> -> memref<25x1x1024xi32, #tpu.memory_space<hbm>>
      %dma_start3A_197 = tpu.memref_squeeze %dma_start3A_196 : memref<25x1x1024xi32, #tpu.memory_space<hbm>> -> memref<25x1024xi32, #tpu.memory_space<hbm>>
      %dma_start3A_198 = arith.constant 0 : i32
      %dma_start3A_199 = arith.constant 0 : i32
      %dma_start3A_200 = tpu.memref_slice %arg2[%dma_start3A_198, %add3A, %dma_start3A_199] : memref<25x32x1024xi32, #tpu.memory_space<hbm>> -> memref<25x1x1024xi32, #tpu.memory_space<hbm>>
      %dma_start3A_201 = tpu.memref_squeeze %dma_start3A_200 : memref<25x1x1024xi32, #tpu.memory_space<hbm>> -> memref<25x1024xi32, #tpu.memory_space<hbm>>
      tpu.enqueue_dma source(%dma_start3A_201 : memref<25x1024xi32, #tpu.memory_space<hbm>>) target(%arg5 : memref<25x1024xi32, #tpu.memory_space<vmem>>) target_semaphore(%run_scoped3A : memref<!tpu.dma_semaphore, #tpu.memory_space<semaphore_mem>>)
      %dma_wait3A_202 = arith.constant 0 : i32
      %dma_wait3A_203 = arith.constant 0 : i32
      %dma_wait3A_204 = tpu.memref_slice %arg2[%dma_wait3A_202, %add3A, %dma_wait3A_203] : memref<25x32x1024xi32, #tpu.memory_space<hbm>> -> memref<25x1x1024xi32, #tpu.memory_space<hbm>>
      %dma_wait3A_205 = tpu.memref_squeeze %dma_wait3A_204 : memref<25x1x1024xi32, #tpu.memory_space<hbm>> -> memref<25x1024xi32, #tpu.memory_space<hbm>>
      %dma_wait3A_206 = arith.constant 0 : i32
      %dma_wait3A_207 = arith.constant 0 : i32
      %dma_wait3A_208 = tpu.memref_slice %arg2[%dma_wait3A_206, %add3A, %dma_wait3A_207] : memref<25x32x1024xi32, #tpu.memory_space<hbm>> -> memref<25x1x1024xi32, #tpu.memory_space<hbm>>
      %dma_wait3A_209 = tpu.memref_squeeze %dma_wait3A_208 : memref<25x1x1024xi32, #tpu.memory_space<hbm>> -> memref<25x1024xi32, #tpu.memory_space<hbm>>
      tpu.wait_dma2 semaphore(%run_scoped3A : memref<!tpu.dma_semaphore, #tpu.memory_space<semaphore_mem>>) src(%dma_wait3A_209 : memref<25x1024xi32, #tpu.memory_space<hbm>>) dst(%arg5 : memref<25x1024xi32, #tpu.memory_space<vmem>>)
      tpu.yield
    }) : () -> ()
    %iota3A = tpu.iota {dimensions = array<i32: 0>} : vector<16xi32>
    %dma_start3A = arith.constant 0 : i32
    %dma_start3A_1 = arith.constant 0 : i32
    %dma_start3A_2 = tpu.memref_slice %arg5[%dma_start3A, %dma_start3A_1] : memref<25x1024xi32, #tpu.memory_space<vmem>> -> memref<1x512xi32, #tpu.memory_space<vmem>>
    %dma_start3A_3 = tpu.memref_squeeze %dma_start3A_2 : memref<1x512xi32, #tpu.memory_space<vmem>> -> memref<512xi32, #tpu.memory_space<vmem>>
    %dma_start3A_4 = arith.constant 0 : i32
    %dma_start3A_5 = arith.constant 0 : i32
    %dma_start3A_6 = tpu.memref_slice %arg3[%dma_start3A_4, %dma_start3A_5] : memref<1000000x32xf32, #tpu.memory_space<hbm>> -> memref<1000000x32xf32, #tpu.memory_space<hbm>>
    tpu.enqueue_indirect_dma source(%dma_start3A_6 : memref<1000000x32xf32, #tpu.memory_space<hbm>>) target(%arg6 : memref<512x32xf32, #tpu.memory_space<vmem>>) offsets(%dma_start3A_3 : memref<512xi32, #tpu.memory_space<vmem>>) semaphore(%arg10 : memref<!tpu.dma_semaphore, #tpu.memory_space<semaphore_mem>>)
    %dma_start3A_7 = arith.constant 0 : i32
    %dma_start3A_8 = arith.constant 512 : i32
    %dma_start3A_9 = tpu.memref_slice %arg5[%dma_start3A_7, %dma_start3A_8] : memref<25x1024xi32, #tpu.memory_space<vmem>> -> memref<1x512xi32, #tpu.memory_space<vmem>>
    %dma_start3A_10 = tpu.memref_squeeze %dma_start3A_9 : memref<1x512xi32, #tpu.memory_space<vmem>> -> memref<512xi32, #tpu.memory_space<vmem>>
    %dma_start3A_11 = arith.constant 0 : i32
    %dma_start3A_12 = arith.constant 0 : i32
    %dma_start3A_13 = tpu.memref_slice %arg3[%dma_start3A_11, %dma_start3A_12] : memref<1000000x32xf32, #tpu.memory_space<hbm>> -> memref<1000000x32xf32, #tpu.memory_space<hbm>>
    tpu.enqueue_indirect_dma source(%dma_start3A_13 : memref<1000000x32xf32, #tpu.memory_space<hbm>>) target(%arg7 : memref<512x32xf32, #tpu.memory_space<vmem>>) offsets(%dma_start3A_10 : memref<512xi32, #tpu.memory_space<vmem>>) semaphore(%arg11 : memref<!tpu.dma_semaphore, #tpu.memory_space<semaphore_mem>>)
    %scan3A = arith.constant 0 : i32
    %scan3A_14 = arith.constant 0 : i32
    %scan3A_15 = arith.constant 25 : i32
    %scan3A_16 = arith.addi %scan3A_14, %scan3A_15 : i32
    %scan3A_17 = arith.constant 1 : i32
    scf.for %scan3A_194 = %scan3A_14 to %scan3A_16 step %scan3A_17  : i32 {
      %mul3A_195 = arith.constant 2 : i32
      %mul3A_196 = arith.muli %mul3A_195, %scan3A_194 : i32
      %add3A_197 = arith.constant 0 : i32
      %add3A_198 = arith.addi %mul3A_196, %add3A_197 : i32
      %ge3A = arith.constant 1 : i32
      %ge3A_199 = arith.cmpi sge, %scan3A_194, %ge3A : i32
      %convert_element_type3A = arith.extui %ge3A_199 : i1 to i32
      %cond3A = arith.constant 0 : i32
      %cond3A_200 = arith.cmpi ne, %convert_element_type3A, %cond3A : i32
      scf.if %cond3A_200 {
        %dma_wait3A_400 = arith.constant 0 : i32
        %dma_wait3A_401 = arith.constant 0 : i32
        %dma_wait3A_402 = arith.constant 0 : i32
        %dma_wait3A_403 = arith.constant 0 : i32
        %dma_wait3A_404 = arith.constant 0 : i32
        %dma_wait3A_405 = tpu.memref_slice %arg8[%dma_wait3A_400, %dma_wait3A_402, %dma_wait3A_403, %dma_wait3A_404] : memref<4x4x8x128xf32, #tpu.memory_space<vmem>> -> memref<1x4x8x128xf32, #tpu.memory_space<vmem>>
        %dma_wait3A_406 = tpu.memref_squeeze %dma_wait3A_405 : memref<1x4x8x128xf32, #tpu.memory_space<vmem>> -> memref<4x8x128xf32, #tpu.memory_space<vmem>>
        %dma_wait3A_407 = arith.constant 0 : i32
        %dma_wait3A_408 = arith.constant 0 : i32
        %dma_wait3A_409 = arith.constant 0 : i32
        %dma_wait3A_410 = tpu.memref_slice %arg4[%dma_wait3A_407, %dma_wait3A_401, %add3A, %dma_wait3A_408, %dma_wait3A_409] : memref<200x4x32x8x128xf32, #tpu.memory_space<hbm>> -> memref<4x1x1x8x128xf32, #tpu.memory_space<hbm>>
        %dma_wait3A_411 = tpu.memref_squeeze %dma_wait3A_410 : memref<4x1x1x8x128xf32, #tpu.memory_space<hbm>> -> memref<4x8x128xf32, #tpu.memory_space<hbm>>
        %dma_wait3A_412 = arith.constant 0 : i32
        %dma_wait3A_413 = arith.constant 0 : i32
        %dma_wait3A_414 = arith.constant 0 : i32
        %dma_wait3A_415 = tpu.memref_slice %arg4[%dma_wait3A_412, %dma_wait3A_401, %add3A, %dma_wait3A_413, %dma_wait3A_414] : memref<200x4x32x8x128xf32, #tpu.memory_space<hbm>> -> memref<4x1x1x8x128xf32, #tpu.memory_space<hbm>>
        %dma_wait3A_416 = tpu.memref_squeeze %dma_wait3A_415 : memref<4x1x1x8x128xf32, #tpu.memory_space<hbm>> -> memref<4x8x128xf32, #tpu.memory_space<hbm>>
        %dma_wait3A_417 = arith.constant 0 : i32
        %dma_wait3A_418 = arith.constant 0 : i32
        %dma_wait3A_419 = arith.constant 0 : i32
        %dma_wait3A_420 = tpu.memref_slice %arg8[%dma_wait3A_400, %dma_wait3A_417, %dma_wait3A_418, %dma_wait3A_419] : memref<4x4x8x128xf32, #tpu.memory_space<vmem>> -> memref<1x4x8x128xf32, #tpu.memory_space<vmem>>
        %dma_wait3A_421 = tpu.memref_squeeze %dma_wait3A_420 : memref<1x4x8x128xf32, #tpu.memory_space<vmem>> -> memref<4x8x128xf32, #tpu.memory_space<vmem>>
        tpu.wait_dma2 semaphore(%arg12 : memref<!tpu.dma_semaphore, #tpu.memory_space<semaphore_mem>>) src(%dma_wait3A_421 : memref<4x8x128xf32, #tpu.memory_space<vmem>>) dst(%dma_wait3A_416 : memref<4x8x128xf32, #tpu.memory_space<hbm>>)
        %dma_wait3A_422 = arith.constant 0 : i32
        %dma_wait3A_423 = arith.constant 0 : i32
        %dma_wait3A_424 = arith.constant 0 : i32
        %dma_wait3A_425 = arith.constant 0 : i32
        %dma_wait3A_426 = arith.constant 0 : i32
        %dma_wait3A_427 = tpu.memref_slice %arg8[%dma_wait3A_422, %dma_wait3A_424, %dma_wait3A_425, %dma_wait3A_426] : memref<4x4x8x128xf32, #tpu.memory_space<vmem>> -> memref<1x4x8x128xf32, #tpu.memory_space<vmem>>
        %dma_wait3A_428 = tpu.memref_squeeze %dma_wait3A_427 : memref<1x4x8x128xf32, #tpu.memory_space<vmem>> -> memref<4x8x128xf32, #tpu.memory_space<vmem>>
        %dma_wait3A_429 = arith.constant 0 : i32
        %dma_wait3A_430 = arith.constant 0 : i32
        %dma_wait3A_431 = arith.constant 0 : i32
        %dma_wait3A_432 = tpu.memref_slice %arg4[%dma_wait3A_429, %dma_wait3A_423, %add3A, %dma_wait3A_430, %dma_wait3A_431] : memref<200x4x32x8x128xf32, #tpu.memory_space<hbm>> -> memref<4x1x1x8x128xf32, #tpu.memory_space<hbm>>
        %dma_wait3A_433 = tpu.memref_squeeze %dma_wait3A_432 : memref<4x1x1x8x128xf32, #tpu.memory_space<hbm>> -> memref<4x8x128xf32, #tpu.memory_space<hbm>>
        %dma_wait3A_434 = arith.constant 0 : i32
        %dma_wait3A_435 = arith.constant 0 : i32
        %dma_wait3A_436 = arith.constant 0 : i32
        %dma_wait3A_437 = tpu.memref_slice %arg4[%dma_wait3A_434, %dma_wait3A_423, %add3A, %dma_wait3A_435, %dma_wait3A_436] : memref<200x4x32x8x128xf32, #tpu.memory_space<hbm>> -> memref<4x1x1x8x128xf32, #tpu.memory_space<hbm>>
        %dma_wait3A_438 = tpu.memref_squeeze %dma_wait3A_437 : memref<4x1x1x8x128xf32, #tpu.memory_space<hbm>> -> memref<4x8x128xf32, #tpu.memory_space<hbm>>
        %dma_wait3A_439 = arith.constant 0 : i32
        %dma_wait3A_440 = arith.constant 0 : i32
        %dma_wait3A_441 = arith.constant 0 : i32
        %dma_wait3A_442 = tpu.memref_slice %arg8[%dma_wait3A_422, %dma_wait3A_439, %dma_wait3A_440, %dma_wait3A_441] : memref<4x4x8x128xf32, #tpu.memory_space<vmem>> -> memref<1x4x8x128xf32, #tpu.memory_space<vmem>>
        %dma_wait3A_443 = tpu.memref_squeeze %dma_wait3A_442 : memref<1x4x8x128xf32, #tpu.memory_space<vmem>> -> memref<4x8x128xf32, #tpu.memory_space<vmem>>
        tpu.wait_dma2 semaphore(%arg12 : memref<!tpu.dma_semaphore, #tpu.memory_space<semaphore_mem>>) src(%dma_wait3A_443 : memref<4x8x128xf32, #tpu.memory_space<vmem>>) dst(%dma_wait3A_438 : memref<4x8x128xf32, #tpu.memory_space<hbm>>)
        %dma_wait3A_444 = arith.constant 0 : i32
        %dma_wait3A_445 = arith.constant 0 : i32
        %dma_wait3A_446 = arith.constant 0 : i32
        %dma_wait3A_447 = arith.constant 0 : i32
        %dma_wait3A_448 = arith.constant 0 : i32
        %dma_wait3A_449 = tpu.memref_slice %arg8[%dma_wait3A_444, %dma_wait3A_446, %dma_wait3A_447, %dma_wait3A_448] : memref<4x4x8x128xf32, #tpu.memory_space<vmem>> -> memref<1x4x8x128xf32, #tpu.memory_space<vmem>>
        %dma_wait3A_450 = tpu.memref_squeeze %dma_wait3A_449 : memref<1x4x8x128xf32, #tpu.memory_space<vmem>> -> memref<4x8x128xf32, #tpu.memory_space<vmem>>
        %dma_wait3A_451 = arith.constant 0 : i32
        %dma_wait3A_452 = arith.constant 0 : i32
        %dma_wait3A_453 = arith.constant 0 : i32
        %dma_wait3A_454 = tpu.memref_slice %arg4[%dma_wait3A_451, %dma_wait3A_445, %add3A, %dma_wait3A_452, %dma_wait3A_453] : memref<200x4x32x8x128xf32, #tpu.memory_space<hbm>> -> memref<4x1x1x8x128xf32, #tpu.memory_space<hbm>>
        %dma_wait3A_455 = tpu.memref_squeeze %dma_wait3A_454 : memref<4x1x1x8x128xf32, #tpu.memory_space<hbm>> -> memref<4x8x128xf32, #tpu.memory_space<hbm>>
        %dma_wait3A_456 = arith.constant 0 : i32
        %dma_wait3A_457 = arith.constant 0 : i32
        %dma_wait3A_458 = arith.constant 0 : i32
        %dma_wait3A_459 = tpu.memref_slice %arg4[%dma_wait3A_456, %dma_wait3A_445, %add3A, %dma_wait3A_457, %dma_wait3A_458] : memref<200x4x32x8x128xf32, #tpu.memory_space<hbm>> -> memref<4x1x1x8x128xf32, #tpu.memory_space<hbm>>
        %dma_wait3A_460 = tpu.memref_squeeze %dma_wait3A_459 : memref<4x1x1x8x128xf32, #tpu.memory_space<hbm>> -> memref<4x8x128xf32, #tpu.memory_space<hbm>>
        %dma_wait3A_461 = arith.constant 0 : i32
        %dma_wait3A_462 = arith.constant 0 : i32
        %dma_wait3A_463 = arith.constant 0 : i32
        %dma_wait3A_464 = tpu.memref_slice %arg8[%dma_wait3A_444, %dma_wait3A_461, %dma_wait3A_462, %dma_wait3A_463] : memref<4x4x8x128xf32, #tpu.memory_space<vmem>> -> memref<1x4x8x128xf32, #tpu.memory_space<vmem>>
        %dma_wait3A_465 = tpu.memref_squeeze %dma_wait3A_464 : memref<1x4x8x128xf32, #tpu.memory_space<vmem>> -> memref<4x8x128xf32, #tpu.memory_space<vmem>>
        tpu.wait_dma2 semaphore(%arg12 : memref<!tpu.dma_semaphore, #tpu.memory_space<semaphore_mem>>) src(%dma_wait3A_465 : memref<4x8x128xf32, #tpu.memory_space<vmem>>) dst(%dma_wait3A_460 : memref<4x8x128xf32, #tpu.memory_space<hbm>>)
        %dma_wait3A_466 = arith.constant 0 : i32
        %dma_wait3A_467 = arith.constant 0 : i32
        %dma_wait3A_468 = arith.constant 0 : i32
        %dma_wait3A_469 = arith.constant 0 : i32
        %dma_wait3A_470 = arith.constant 0 : i32
        %dma_wait3A_471 = tpu.memref_slice %arg8[%dma_wait3A_466, %dma_wait3A_468, %dma_wait3A_469, %dma_wait3A_470] : memref<4x4x8x128xf32, #tpu.memory_space<vmem>> -> memref<1x4x8x128xf32, #tpu.memory_space<vmem>>
        %dma_wait3A_472 = tpu.memref_squeeze %dma_wait3A_471 : memref<1x4x8x128xf32, #tpu.memory_space<vmem>> -> memref<4x8x128xf32, #tpu.memory_space<vmem>>
        %dma_wait3A_473 = arith.constant 0 : i32
        %dma_wait3A_474 = arith.constant 0 : i32
        %dma_wait3A_475 = arith.constant 0 : i32
        %dma_wait3A_476 = tpu.memref_slice %arg4[%dma_wait3A_473, %dma_wait3A_467, %add3A, %dma_wait3A_474, %dma_wait3A_475] : memref<200x4x32x8x128xf32, #tpu.memory_space<hbm>> -> memref<4x1x1x8x128xf32, #tpu.memory_space<hbm>>
        %dma_wait3A_477 = tpu.memref_squeeze %dma_wait3A_476 : memref<4x1x1x8x128xf32, #tpu.memory_space<hbm>> -> memref<4x8x128xf32, #tpu.memory_space<hbm>>
        %dma_wait3A_478 = arith.constant 0 : i32
        %dma_wait3A_479 = arith.constant 0 : i32
        %dma_wait3A_480 = arith.constant 0 : i32
        %dma_wait3A_481 = tpu.memref_slice %arg4[%dma_wait3A_478, %dma_wait3A_467, %add3A, %dma_wait3A_479, %dma_wait3A_480] : memref<200x4x32x8x128xf32, #tpu.memory_space<hbm>> -> memref<4x1x1x8x128xf32, #tpu.memory_space<hbm>>
        %dma_wait3A_482 = tpu.memref_squeeze %dma_wait3A_481 : memref<4x1x1x8x128xf32, #tpu.memory_space<hbm>> -> memref<4x8x128xf32, #tpu.memory_space<hbm>>
        %dma_wait3A_483 = arith.constant 0 : i32
        %dma_wait3A_484 = arith.constant 0 : i32
        %dma_wait3A_485 = arith.constant 0 : i32
        %dma_wait3A_486 = tpu.memref_slice %arg8[%dma_wait3A_466, %dma_wait3A_483, %dma_wait3A_484, %dma_wait3A_485] : memref<4x4x8x128xf32, #tpu.memory_space<vmem>> -> memref<1x4x8x128xf32, #tpu.memory_space<vmem>>
        %dma_wait3A_487 = tpu.memref_squeeze %dma_wait3A_486 : memref<1x4x8x128xf32, #tpu.memory_space<vmem>> -> memref<4x8x128xf32, #tpu.memory_space<vmem>>
        tpu.wait_dma2 semaphore(%arg12 : memref<!tpu.dma_semaphore, #tpu.memory_space<semaphore_mem>>) src(%dma_wait3A_487 : memref<4x8x128xf32, #tpu.memory_space<vmem>>) dst(%dma_wait3A_482 : memref<4x8x128xf32, #tpu.memory_space<hbm>>)
      } else {
      }
      %dma_wait3A_201 = arith.constant 0 : i32
      %dma_wait3A_202 = tpu.memref_slice %arg5[%scan3A_194, %dma_wait3A_201] : memref<25x1024xi32, #tpu.memory_space<vmem>> -> memref<1x512xi32, #tpu.memory_space<vmem>>
      %dma_wait3A_203 = tpu.memref_squeeze %dma_wait3A_202 : memref<1x512xi32, #tpu.memory_space<vmem>> -> memref<512xi32, #tpu.memory_space<vmem>>
      %dma_wait3A_204 = arith.constant 0 : i32
      %dma_wait3A_205 = arith.constant 0 : i32
      %dma_wait3A_206 = tpu.memref_slice %arg3[%dma_wait3A_204, %dma_wait3A_205] : memref<1000000x32xf32, #tpu.memory_space<hbm>> -> memref<1000000x32xf32, #tpu.memory_space<hbm>>
      tpu.wait_indirect_dma semaphore(%arg10 : memref<!tpu.dma_semaphore, #tpu.memory_space<semaphore_mem>>) src(%dma_wait3A_206 : memref<1000000x32xf32, #tpu.memory_space<hbm>>) dst(%arg6 : memref<512x32xf32, #tpu.memory_space<vmem>>)
      %parallel_loop3A = arith.constant 0 : i32
      %parallel_loop3A_207 = arith.constant 32 : i32
      %parallel_loop3A_208 = arith.constant 1 : i32
      scf.for %parallel_loop3A_400 = %parallel_loop3A to %parallel_loop3A_207 step %parallel_loop3A_208  : i32 {
        %parallel_loop3A_401 = vector.broadcast %parallel_loop3A_400 : i32 to vector<16xi32>
        %parallel_loop3A_402 = arith.addi %parallel_loop3A_401, %iota3A : vector<16xi32>
        %parallel_loop3A_403 = arith.constant 31 : i32
        %parallel_loop3A_404 = vector.broadcast %parallel_loop3A_403 : i32 to vector<16xi32>
        %parallel_loop3A_405 = arith.andi %parallel_loop3A_402, %parallel_loop3A_404 : vector<16xi32>
        %parallel_loop3A_406 = arith.constant 3 : i32
        %parallel_loop3A_407 = vector.broadcast %parallel_loop3A_406 : i32 to vector<16xi32>
        %parallel_loop3A_408 = arith.shrsi %parallel_loop3A_405, %parallel_loop3A_407 : vector<16xi32>
        %parallel_loop3A_409 = arith.constant 7 : i32
        %parallel_loop3A_410 = vector.broadcast %parallel_loop3A_409 : i32 to vector<16xi32>
        %parallel_loop3A_411 = arith.andi %parallel_loop3A_405, %parallel_loop3A_410 : vector<16xi32>
        %parallel_loop3A_412 = arith.constant 0 : i32
        %parallel_loop3A_413 = vector.broadcast %parallel_loop3A_412 : i32 to vector<16xi32>
        %parallel_loop3A_414 = arith.constant 0 : i32
        %parallel_loop3A_415 = vector.broadcast %parallel_loop3A_414 : i32 to vector<16xi32>
        %parallel_loop3A_416 = arith.addi %iota3A, %parallel_loop3A_415 : vector<16xi32>
        %parallel_loop3A_417 = tpu.vector_load_idx %arg6[%parallel_loop3A_416, %parallel_loop3A_405] : memref<512x32xf32, #tpu.memory_space<vmem>>[vector<16xi32>, vector<16xi32>], vector<16xf32>,
        %parallel_loop3A_418 = arith.constant 0 : i32
        %parallel_loop3A_419 = vector.broadcast %parallel_loop3A_418 : i32 to vector<16xi32>
        %parallel_loop3A_420 = arith.addi %iota3A, %parallel_loop3A_419 : vector<16xi32>
        tpu.vector_store_idx %arg8[%parallel_loop3A_408, %parallel_loop3A_413, %parallel_loop3A_411, %parallel_loop3A_420], %parallel_loop3A_417 : memref<4x4x8x128xf32, #tpu.memory_space<vmem>>[vector<16xi32>, vector<16xi32>, vector<16xi32>, vector<16xi32>], vector<16xf32>,
        %parallel_loop3A_421 = arith.constant 16 : i32
        %parallel_loop3A_422 = vector.broadcast %parallel_loop3A_421 : i32 to vector<16xi32>
        %parallel_loop3A_423 = arith.addi %iota3A, %parallel_loop3A_422 : vector<16xi32>
        %parallel_loop3A_424 = tpu.vector_load_idx %arg6[%parallel_loop3A_423, %parallel_loop3A_405] : memref<512x32xf32, #tpu.memory_space<vmem>>[vector<16xi32>, vector<16xi32>], vector<16xf32>,
        %parallel_loop3A_425 = arith.constant 16 : i32
        %parallel_loop3A_426 = vector.broadcast %parallel_loop3A_425 : i32 to vector<16xi32>
        %parallel_loop3A_427 = arith.addi %iota3A, %parallel_loop3A_426 : vector<16xi32>
        tpu.vector_store_idx %arg8[%parallel_loop3A_408, %parallel_loop3A_413, %parallel_loop3A_411, %parallel_loop3A_427], %parallel_loop3A_424 : memref<4x4x8x128xf32, #tpu.memory_space<vmem>>[vector<16xi32>, vector<16xi32>, vector<16xi32>, vector<16xi32>], vector<16xf32>,
        %parallel_loop3A_428 = arith.constant 32 : i32
        %parallel_loop3A_429 = vector.broadcast %parallel_loop3A_428 : i32 to vector<16xi32>
        %parallel_loop3A_430 = arith.addi %iota3A, %parallel_loop3A_429 : vector<16xi32>
        %parallel_loop3A_431 = tpu.vector_load_idx %arg6[%parallel_loop3A_430, %parallel_loop3A_405] : memref<512x32xf32, #tpu.memory_space<vmem>>[vector<16xi32>, vector<16xi32>], vector<16xf32>,
        %parallel_loop3A_432 = arith.constant 32 : i32
        %parallel_loop3A_433 = vector.broadcast %parallel_loop3A_432 : i32 to vector<16xi32>
        %parallel_loop3A_434 = arith.addi %iota3A, %parallel_loop3A_433 : vector<16xi32>
        tpu.vector_store_idx %arg8[%parallel_loop3A_408, %parallel_loop3A_413, %parallel_loop3A_411, %parallel_loop3A_434], %parallel_loop3A_431 : memref<4x4x8x128xf32, #tpu.memory_space<vmem>>[vector<16xi32>, vector<16xi32>, vector<16xi32>, vector<16xi32>], vector<16xf32>,
        %parallel_loop3A_435 = arith.constant 48 : i32
        %parallel_loop3A_436 = vector.broadcast %parallel_loop3A_435 : i32 to vector<16xi32>
        %parallel_loop3A_437 = arith.addi %iota3A, %parallel_loop3A_436 : vector<16xi32>
        %parallel_loop3A_438 = tpu.vector_load_idx %arg6[%parallel_loop3A_437, %parallel_loop3A_405] : memref<512x32xf32, #tpu.memory_space<vmem>>[vector<16xi32>, vector<16xi32>], vector<16xf32>,
        %parallel_loop3A_439 = arith.constant 48 : i32
        %parallel_loop3A_440 = vector.broadcast %parallel_loop3A_439 : i32 to vector<16xi32>
        %parallel_loop3A_441 = arith.addi %iota3A, %parallel_loop3A_440 : vector<16xi32>
        tpu.vector_store_idx %arg8[%parallel_loop3A_408, %parallel_loop3A_413, %parallel_loop3A_411, %parallel_loop3A_441], %parallel_loop3A_438 : memref<4x4x8x128xf32, #tpu.memory_space<vmem>>[vector<16xi32>, vector<16xi32>, vector<16xi32>, vector<16xi32>], vector<16xf32>,
        %parallel_loop3A_442 = arith.constant 64 : i32
        %parallel_loop3A_443 = vector.broadcast %parallel_loop3A_442 : i32 to vector<16xi32>
        %parallel_loop3A_444 = arith.addi %iota3A, %parallel_loop3A_443 : vector<16xi32>
        %parallel_loop3A_445 = tpu.vector_load_idx %arg6[%parallel_loop3A_444, %parallel_loop3A_405] : memref<512x32xf32, #tpu.memory_space<vmem>>[vector<16xi32>, vector<16xi32>], vector<16xf32>,
        %parallel_loop3A_446 = arith.constant 64 : i32
        %parallel_loop3A_447 = vector.broadcast %parallel_loop3A_446 : i32 to vector<16xi32>
        %parallel_loop3A_448 = arith.addi %iota3A, %parallel_loop3A_447 : vector<16xi32>
        tpu.vector_store_idx %arg8[%parallel_loop3A_408, %parallel_loop3A_413, %parallel_loop3A_411, %parallel_loop3A_448], %parallel_loop3A_445 : memref<4x4x8x128xf32, #tpu.memory_space<vmem>>[vector<16xi32>, vector<16xi32>, vector<16xi32>, vector<16xi32>], vector<16xf32>,
        %parallel_loop3A_449 = arith.constant 80 : i32
        %parallel_loop3A_450 = vector.broadcast %parallel_loop3A_449 : i32 to vector<16xi32>
        %parallel_loop3A_451 = arith.addi %iota3A, %parallel_loop3A_450 : vector<16xi32>
        %parallel_loop3A_452 = tpu.vector_load_idx %arg6[%parallel_loop3A_451, %parallel_loop3A_405] : memref<512x32xf32, #tpu.memory_space<vmem>>[vector<16xi32>, vector<16xi32>], vector<16xf32>,
        %parallel_loop3A_453 = arith.constant 80 : i32
        %parallel_loop3A_454 = vector.broadcast %parallel_loop3A_453 : i32 to vector<16xi32>
        %parallel_loop3A_455 = arith.addi %iota3A, %parallel_loop3A_454 : vector<16xi32>
        tpu.vector_store_idx %arg8[%parallel_loop3A_408, %parallel_loop3A_413, %parallel_loop3A_411, %parallel_loop3A_455], %parallel_loop3A_452 : memref<4x4x8x128xf32, #tpu.memory_space<vmem>>[vector<16xi32>, vector<16xi32>, vector<16xi32>, vector<16xi32>], vector<16xf32>,
        %parallel_loop3A_456 = arith.constant 96 : i32
        %parallel_loop3A_457 = vector.broadcast %parallel_loop3A_456 : i32 to vector<16xi32>
        %parallel_loop3A_458 = arith.addi %iota3A, %parallel_loop3A_457 : vector<16xi32>
        %parallel_loop3A_459 = tpu.vector_load_idx %arg6[%parallel_loop3A_458, %parallel_loop3A_405] : memref<512x32xf32, #tpu.memory_space<vmem>>[vector<16xi32>, vector<16xi32>], vector<16xf32>,
        %parallel_loop3A_460 = arith.constant 96 : i32
        %parallel_loop3A_461 = vector.broadcast %parallel_loop3A_460 : i32 to vector<16xi32>
        %parallel_loop3A_462 = arith.addi %iota3A, %parallel_loop3A_461 : vector<16xi32>
        tpu.vector_store_idx %arg8[%parallel_loop3A_408, %parallel_loop3A_413, %parallel_loop3A_411, %parallel_loop3A_462], %parallel_loop3A_459 : memref<4x4x8x128xf32, #tpu.memory_space<vmem>>[vector<16xi32>, vector<16xi32>, vector<16xi32>, vector<16xi32>], vector<16xf32>,
        %parallel_loop3A_463 = arith.constant 112 : i32
        %parallel_loop3A_464 = vector.broadcast %parallel_loop3A_463 : i32 to vector<16xi32>
        %parallel_loop3A_465 = arith.addi %iota3A, %parallel_loop3A_464 : vector<16xi32>
        %parallel_loop3A_466 = tpu.vector_load_idx %arg6[%parallel_loop3A_465, %parallel_loop3A_405] : memref<512x32xf32, #tpu.memory_space<vmem>>[vector<16xi32>, vector<16xi32>], vector<16xf32>,
        %parallel_loop3A_467 = arith.constant 112 : i32
        %parallel_loop3A_468 = vector.broadcast %parallel_loop3A_467 : i32 to vector<16xi32>
        %parallel_loop3A_469 = arith.addi %iota3A, %parallel_loop3A_468 : vector<16xi32>
        tpu.vector_store_idx %arg8[%parallel_loop3A_408, %parallel_loop3A_413, %parallel_loop3A_411, %parallel_loop3A_469], %parallel_loop3A_466 : memref<4x4x8x128xf32, #tpu.memory_space<vmem>>[vector<16xi32>, vector<16xi32>, vector<16xi32>, vector<16xi32>], vector<16xf32>,
        %parallel_loop3A_470 = arith.constant 1 : i32
        %parallel_loop3A_471 = vector.broadcast %parallel_loop3A_470 : i32 to vector<16xi32>
        %parallel_loop3A_472 = arith.constant 128 : i32
        %parallel_loop3A_473 = vector.broadcast %parallel_loop3A_472 : i32 to vector<16xi32>
        %parallel_loop3A_474 = arith.addi %iota3A, %parallel_loop3A_473 : vector<16xi32>
        %parallel_loop3A_475 = tpu.vector_load_idx %arg6[%parallel_loop3A_474, %parallel_loop3A_405] : memref<512x32xf32, #tpu.memory_space<vmem>>[vector<16xi32>, vector<16xi32>], vector<16xf32>,
        %parallel_loop3A_476 = arith.constant 0 : i32
        %parallel_loop3A_477 = vector.broadcast %parallel_loop3A_476 : i32 to vector<16xi32>
        %parallel_loop3A_478 = arith.addi %iota3A, %parallel_loop3A_477 : vector<16xi32>
        tpu.vector_store_idx %arg8[%parallel_loop3A_408, %parallel_loop3A_471, %parallel_loop3A_411, %parallel_loop3A_478], %parallel_loop3A_475 : memref<4x4x8x128xf32, #tpu.memory_space<vmem>>[vector<16xi32>, vector<16xi32>, vector<16xi32>, vector<16xi32>], vector<16xf32>,
        %parallel_loop3A_479 = arith.constant 144 : i32
        %parallel_loop3A_480 = vector.broadcast %parallel_loop3A_479 : i32 to vector<16xi32>
        %parallel_loop3A_481 = arith.addi %iota3A, %parallel_loop3A_480 : vector<16xi32>
        %parallel_loop3A_482 = tpu.vector_load_idx %arg6[%parallel_loop3A_481, %parallel_loop3A_405] : memref<512x32xf32, #tpu.memory_space<vmem>>[vector<16xi32>, vector<16xi32>], vector<16xf32>,
        %parallel_loop3A_483 = arith.constant 16 : i32
        %parallel_loop3A_484 = vector.broadcast %parallel_loop3A_483 : i32 to vector<16xi32>
        %parallel_loop3A_485 = arith.addi %iota3A, %parallel_loop3A_484 : vector<16xi32>
        tpu.vector_store_idx %arg8[%parallel_loop3A_408, %parallel_loop3A_471, %parallel_loop3A_411, %parallel_loop3A_485], %parallel_loop3A_482 : memref<4x4x8x128xf32, #tpu.memory_space<vmem>>[vector<16xi32>, vector<16xi32>, vector<16xi32>, vector<16xi32>], vector<16xf32>,
        %parallel_loop3A_486 = arith.constant 160 : i32
        %parallel_loop3A_487 = vector.broadcast %parallel_loop3A_486 : i32 to vector<16xi32>
        %parallel_loop3A_488 = arith.addi %iota3A, %parallel_loop3A_487 : vector<16xi32>
        %parallel_loop3A_489 = tpu.vector_load_idx %arg6[%parallel_loop3A_488, %parallel_loop3A_405] : memref<512x32xf32, #tpu.memory_space<vmem>>[vector<16xi32>, vector<16xi32>], vector<16xf32>,
        %parallel_loop3A_490 = arith.constant 32 : i32
        %parallel_loop3A_491 = vector.broadcast %parallel_loop3A_490 : i32 to vector<16xi32>
        %parallel_loop3A_492 = arith.addi %iota3A, %parallel_loop3A_491 : vector<16xi32>
        tpu.vector_store_idx %arg8[%parallel_loop3A_408, %parallel_loop3A_471, %parallel_loop3A_411, %parallel_loop3A_492], %parallel_loop3A_489 : memref<4x4x8x128xf32, #tpu.memory_space<vmem>>[vector<16xi32>, vector<16xi32>, vector<16xi32>, vector<16xi32>], vector<16xf32>,
        %parallel_loop3A_493 = arith.constant 176 : i32
        %parallel_loop3A_494 = vector.broadcast %parallel_loop3A_493 : i32 to vector<16xi32>
        %parallel_loop3A_495 = arith.addi %iota3A, %parallel_loop3A_494 : vector<16xi32>
        %parallel_loop3A_496 = tpu.vector_load_idx %arg6[%parallel_loop3A_495, %parallel_loop3A_405] : memref<512x32xf32, #tpu.memory_space<vmem>>[vector<16xi32>, vector<16xi32>], vector<16xf32>,
        %parallel_loop3A_497 = arith.constant 48 : i32
        %parallel_loop3A_498 = vector.broadcast %parallel_loop3A_497 : i32 to vector<16xi32>
        %parallel_loop3A_499 = arith.addi %iota3A, %parallel_loop3A_498 : vector<16xi32>
        tpu.vector_store_idx %arg8[%parallel_loop3A_408, %parallel_loop3A_471, %parallel_loop3A_411, %parallel_loop3A_499], %parallel_loop3A_496 : memref<4x4x8x128xf32, #tpu.memory_space<vmem>>[vector<16xi32>, vector<16xi32>, vector<16xi32>, vector<16xi32>], vector<16xf32>,
        %parallel_loop3A_500 = arith.constant 192 : i32
        %parallel_loop3A_501 = vector.broadcast %parallel_loop3A_500 : i32 to vector<16xi32>
        %parallel_loop3A_502 = arith.addi %iota3A, %parallel_loop3A_501 : vector<16xi32>
        %parallel_loop3A_503 = tpu.vector_load_idx %arg6[%parallel_loop3A_502, %parallel_loop3A_405] : memref<512x32xf32, #tpu.memory_space<vmem>>[vector<16xi32>, vector<16xi32>], vector<16xf32>,
        %parallel_loop3A_504 = arith.constant 64 : i32
        %parallel_loop3A_505 = vector.broadcast %parallel_loop3A_504 : i32 to vector<16xi32>
        %parallel_loop3A_506 = arith.addi %iota3A, %parallel_loop3A_505 : vector<16xi32>
        tpu.vector_store_idx %arg8[%parallel_loop3A_408, %parallel_loop3A_471, %parallel_loop3A_411, %parallel_loop3A_506], %parallel_loop3A_503 : memref<4x4x8x128xf32, #tpu.memory_space<vmem>>[vector<16xi32>, vector<16xi32>, vector<16xi32>, vector<16xi32>], vector<16xf32>,
        %parallel_loop3A_507 = arith.constant 208 : i32
        %parallel_loop3A_508 = vector.broadcast %parallel_loop3A_507 : i32 to vector<16xi32>
        %parallel_loop3A_509 = arith.addi %iota3A, %parallel_loop3A_508 : vector<16xi32>
        %parallel_loop3A_510 = tpu.vector_load_idx %arg6[%parallel_loop3A_509, %parallel_loop3A_405] : memref<512x32xf32, #tpu.memory_space<vmem>>[vector<16xi32>, vector<16xi32>], vector<16xf32>,
        %parallel_loop3A_511 = arith.constant 80 : i32
        %parallel_loop3A_512 = vector.broadcast %parallel_loop3A_511 : i32 to vector<16xi32>
        %parallel_loop3A_513 = arith.addi %iota3A, %parallel_loop3A_512 : vector<16xi32>
        tpu.vector_store_idx %arg8[%parallel_loop3A_408, %parallel_loop3A_471, %parallel_loop3A_411, %parallel_loop3A_513], %parallel_loop3A_510 : memref<4x4x8x128xf32, #tpu.memory_space<vmem>>[vector<16xi32>, vector<16xi32>, vector<16xi32>, vector<16xi32>], vector<16xf32>,
        %parallel_loop3A_514 = arith.constant 224 : i32
        %parallel_loop3A_515 = vector.broadcast %parallel_loop3A_514 : i32 to vector<16xi32>
        %parallel_loop3A_516 = arith.addi %iota3A, %parallel_loop3A_515 : vector<16xi32>
        %parallel_loop3A_517 = tpu.vector_load_idx %arg6[%parallel_loop3A_516, %parallel_loop3A_405] : memref<512x32xf32, #tpu.memory_space<vmem>>[vector<16xi32>, vector<16xi32>], vector<16xf32>,
        %parallel_loop3A_518 = arith.constant 96 : i32
        %parallel_loop3A_519 = vector.broadcast %parallel_loop3A_518 : i32 to vector<16xi32>
        %parallel_loop3A_520 = arith.addi %iota3A, %parallel_loop3A_519 : vector<16xi32>
        tpu.vector_store_idx %arg8[%parallel_loop3A_408, %parallel_loop3A_471, %parallel_loop3A_411, %parallel_loop3A_520], %parallel_loop3A_517 : memref<4x4x8x128xf32, #tpu.memory_space<vmem>>[vector<16xi32>, vector<16xi32>, vector<16xi32>, vector<16xi32>], vector<16xf32>,
        %parallel_loop3A_521 = arith.constant 240 : i32
        %parallel_loop3A_522 = vector.broadcast %parallel_loop3A_521 : i32 to vector<16xi32>
        %parallel_loop3A_523 = arith.addi %iota3A, %parallel_loop3A_522 : vector<16xi32>
        %parallel_loop3A_524 = tpu.vector_load_idx %arg6[%parallel_loop3A_523, %parallel_loop3A_405] : memref<512x32xf32, #tpu.memory_space<vmem>>[vector<16xi32>, vector<16xi32>], vector<16xf32>,
        %parallel_loop3A_525 = arith.constant 112 : i32
        %parallel_loop3A_526 = vector.broadcast %parallel_loop3A_525 : i32 to vector<16xi32>
        %parallel_loop3A_527 = arith.addi %iota3A, %parallel_loop3A_526 : vector<16xi32>
        tpu.vector_store_idx %arg8[%parallel_loop3A_408, %parallel_loop3A_471, %parallel_loop3A_411, %parallel_loop3A_527], %parallel_loop3A_524 : memref<4x4x8x128xf32, #tpu.memory_space<vmem>>[vector<16xi32>, vector<16xi32>, vector<16xi32>, vector<16xi32>], vector<16xf32>,
        %parallel_loop3A_528 = arith.constant 2 : i32
        %parallel_loop3A_529 = vector.broadcast %parallel_loop3A_528 : i32 to vector<16xi32>
        %parallel_loop3A_530 = arith.constant 256 : i32
        %parallel_loop3A_531 = vector.broadcast %parallel_loop3A_530 : i32 to vector<16xi32>
        %parallel_loop3A_532 = arith.addi %iota3A, %parallel_loop3A_531 : vector<16xi32>
        %parallel_loop3A_533 = tpu.vector_load_idx %arg6[%parallel_loop3A_532, %parallel_loop3A_405] : memref<512x32xf32, #tpu.memory_space<vmem>>[vector<16xi32>, vector<16xi32>], vector<16xf32>,
        %parallel_loop3A_534 = arith.constant 0 : i32
        %parallel_loop3A_535 = vector.broadcast %parallel_loop3A_534 : i32 to vector<16xi32>
        %parallel_loop3A_536 = arith.addi %iota3A, %parallel_loop3A_535 : vector<16xi32>
        tpu.vector_store_idx %arg8[%parallel_loop3A_408, %parallel_loop3A_529, %parallel_loop3A_411, %parallel_loop3A_536], %parallel_loop3A_533 : memref<4x4x8x128xf32, #tpu.memory_space<vmem>>[vector<16xi32>, vector<16xi32>, vector<16xi32>, vector<16xi32>], vector<16xf32>,
        %parallel_loop3A_537 = arith.constant 272 : i32
        %parallel_loop3A_538 = vector.broadcast %parallel_loop3A_537 : i32 to vector<16xi32>
        %parallel_loop3A_539 = arith.addi %iota3A, %parallel_loop3A_538 : vector<16xi32>
        %parallel_loop3A_540 = tpu.vector_load_idx %arg6[%parallel_loop3A_539, %parallel_loop3A_405] : memref<512x32xf32, #tpu.memory_space<vmem>>[vector<16xi32>, vector<16xi32>], vector<16xf32>,
        %parallel_loop3A_541 = arith.constant 16 : i32
        %parallel_loop3A_542 = vector.broadcast %parallel_loop3A_541 : i32 to vector<16xi32>
        %parallel_loop3A_543 = arith.addi %iota3A, %parallel_loop3A_542 : vector<16xi32>
        tpu.vector_store_idx %arg8[%parallel_loop3A_408, %parallel_loop3A_529, %parallel_loop3A_411, %parallel_loop3A_543], %parallel_loop3A_540 : memref<4x4x8x128xf32, #tpu.memory_space<vmem>>[vector<16xi32>, vector<16xi32>, vector<16xi32>, vector<16xi32>], vector<16xf32>,
        %parallel_loop3A_544 = arith.constant 288 : i32
        %parallel_loop3A_545 = vector.broadcast %parallel_loop3A_544 : i32 to vector<16xi32>
        %parallel_loop3A_546 = arith.addi %iota3A, %parallel_loop3A_545 : vector<16xi32>
        %parallel_loop3A_547 = tpu.vector_load_idx %arg6[%parallel_loop3A_546, %parallel_loop3A_405] : memref<512x32xf32, #tpu.memory_space<vmem>>[vector<16xi32>, vector<16xi32>], vector<16xf32>,
        %parallel_loop3A_548 = arith.constant 32 : i32
        %parallel_loop3A_549 = vector.broadcast %parallel_loop3A_548 : i32 to vector<16xi32>
        %parallel_loop3A_550 = arith.addi %iota3A, %parallel_loop3A_549 : vector<16xi32>
        tpu.vector_store_idx %arg8[%parallel_loop3A_408, %parallel_loop3A_529, %parallel_loop3A_411, %parallel_loop3A_550], %parallel_loop3A_547 : memref<4x4x8x128xf32, #tpu.memory_space<vmem>>[vector<16xi32>, vector<16xi32>, vector<16xi32>, vector<16xi32>], vector<16xf32>,
        %parallel_loop3A_551 = arith.constant 304 : i32
        %parallel_loop3A_552 = vector.broadcast %parallel_loop3A_551 : i32 to vector<16xi32>
        %parallel_loop3A_553 = arith.addi %iota3A, %parallel_loop3A_552 : vector<16xi32>
        %parallel_loop3A_554 = tpu.vector_load_idx %arg6[%parallel_loop3A_553, %parallel_loop3A_405] : memref<512x32xf32, #tpu.memory_space<vmem>>[vector<16xi32>, vector<16xi32>], vector<16xf32>,
        %parallel_loop3A_555 = arith.constant 48 : i32
        %parallel_loop3A_556 = vector.broadcast %parallel_loop3A_555 : i32 to vector<16xi32>
        %parallel_loop3A_557 = arith.addi %iota3A, %parallel_loop3A_556 : vector<16xi32>
        tpu.vector_store_idx %arg8[%parallel_loop3A_408, %parallel_loop3A_529, %parallel_loop3A_411, %parallel_loop3A_557], %parallel_loop3A_554 : memref<4x4x8x128xf32, #tpu.memory_space<vmem>>[vector<16xi32>, vector<16xi32>, vector<16xi32>, vector<16xi32>], vector<16xf32>,
        %parallel_loop3A_558 = arith.constant 320 : i32
        %parallel_loop3A_559 = vector.broadcast %parallel_loop3A_558 : i32 to vector<16xi32>
        %parallel_loop3A_560 = arith.addi %iota3A, %parallel_loop3A_559 : vector<16xi32>
        %parallel_loop3A_561 = tpu.vector_load_idx %arg6[%parallel_loop3A_560, %parallel_loop3A_405] : memref<512x32xf32, #tpu.memory_space<vmem>>[vector<16xi32>, vector<16xi32>], vector<16xf32>,
        %parallel_loop3A_562 = arith.constant 64 : i32
        %parallel_loop3A_563 = vector.broadcast %parallel_loop3A_562 : i32 to vector<16xi32>
        %parallel_loop3A_564 = arith.addi %iota3A, %parallel_loop3A_563 : vector<16xi32>
        tpu.vector_store_idx %arg8[%parallel_loop3A_408, %parallel_loop3A_529, %parallel_loop3A_411, %parallel_loop3A_564], %parallel_loop3A_561 : memref<4x4x8x128xf32, #tpu.memory_space<vmem>>[vector<16xi32>, vector<16xi32>, vector<16xi32>, vector<16xi32>], vector<16xf32>,
        %parallel_loop3A_565 = arith.constant 336 : i32
        %parallel_loop3A_566 = vector.broadcast %parallel_loop3A_565 : i32 to vector<16xi32>
        %parallel_loop3A_567 = arith.addi %iota3A, %parallel_loop3A_566 : vector<16xi32>
        %parallel_loop3A_568 = tpu.vector_load_idx %arg6[%parallel_loop3A_567, %parallel_loop3A_405] : memref<512x32xf32, #tpu.memory_space<vmem>>[vector<16xi32>, vector<16xi32>], vector<16xf32>,
        %parallel_loop3A_569 = arith.constant 80 : i32
        %parallel_loop3A_570 = vector.broadcast %parallel_loop3A_569 : i32 to vector<16xi32>
        %parallel_loop3A_571 = arith.addi %iota3A, %parallel_loop3A_570 : vector<16xi32>
        tpu.vector_store_idx %arg8[%parallel_loop3A_408, %parallel_loop3A_529, %parallel_loop3A_411, %parallel_loop3A_571], %parallel_loop3A_568 : memref<4x4x8x128xf32, #tpu.memory_space<vmem>>[vector<16xi32>, vector<16xi32>, vector<16xi32>, vector<16xi32>], vector<16xf32>,
        %parallel_loop3A_572 = arith.constant 352 : i32
        %parallel_loop3A_573 = vector.broadcast %parallel_loop3A_572 : i32 to vector<16xi32>
        %parallel_loop3A_574 = arith.addi %iota3A, %parallel_loop3A_573 : vector<16xi32>
        %parallel_loop3A_575 = tpu.vector_load_idx %arg6[%parallel_loop3A_574, %parallel_loop3A_405] : memref<512x32xf32, #tpu.memory_space<vmem>>[vector<16xi32>, vector<16xi32>], vector<16xf32>,
        %parallel_loop3A_576 = arith.constant 96 : i32
        %parallel_loop3A_577 = vector.broadcast %parallel_loop3A_576 : i32 to vector<16xi32>
        %parallel_loop3A_578 = arith.addi %iota3A, %parallel_loop3A_577 : vector<16xi32>
        tpu.vector_store_idx %arg8[%parallel_loop3A_408, %parallel_loop3A_529, %parallel_loop3A_411, %parallel_loop3A_578], %parallel_loop3A_575 : memref<4x4x8x128xf32, #tpu.memory_space<vmem>>[vector<16xi32>, vector<16xi32>, vector<16xi32>, vector<16xi32>], vector<16xf32>,
        %parallel_loop3A_579 = arith.constant 368 : i32
        %parallel_loop3A_580 = vector.broadcast %parallel_loop3A_579 : i32 to vector<16xi32>
        %parallel_loop3A_581 = arith.addi %iota3A, %parallel_loop3A_580 : vector<16xi32>
        %parallel_loop3A_582 = tpu.vector_load_idx %arg6[%parallel_loop3A_581, %parallel_loop3A_405] : memref<512x32xf32, #tpu.memory_space<vmem>>[vector<16xi32>, vector<16xi32>], vector<16xf32>,
        %parallel_loop3A_583 = arith.constant 112 : i32
        %parallel_loop3A_584 = vector.broadcast %parallel_loop3A_583 : i32 to vector<16xi32>
        %parallel_loop3A_585 = arith.addi %iota3A, %parallel_loop3A_584 : vector<16xi32>
        tpu.vector_store_idx %arg8[%parallel_loop3A_408, %parallel_loop3A_529, %parallel_loop3A_411, %parallel_loop3A_585], %parallel_loop3A_582 : memref<4x4x8x128xf32, #tpu.memory_space<vmem>>[vector<16xi32>, vector<16xi32>, vector<16xi32>, vector<16xi32>], vector<16xf32>,
        %parallel_loop3A_586 = arith.constant 3 : i32
        %parallel_loop3A_587 = vector.broadcast %parallel_loop3A_586 : i32 to vector<16xi32>
        %parallel_loop3A_588 = arith.constant 384 : i32
        %parallel_loop3A_589 = vector.broadcast %parallel_loop3A_588 : i32 to vector<16xi32>
        %parallel_loop3A_590 = arith.addi %iota3A, %parallel_loop3A_589 : vector<16xi32>
        %parallel_loop3A_591 = tpu.vector_load_idx %arg6[%parallel_loop3A_590, %parallel_loop3A_405] : memref<512x32xf32, #tpu.memory_space<vmem>>[vector<16xi32>, vector<16xi32>], vector<16xf32>,
        %parallel_loop3A_592 = arith.constant 0 : i32
        %parallel_loop3A_593 = vector.broadcast %parallel_loop3A_592 : i32 to vector<16xi32>
        %parallel_loop3A_594 = arith.addi %iota3A, %parallel_loop3A_593 : vector<16xi32>
        tpu.vector_store_idx %arg8[%parallel_loop3A_408, %parallel_loop3A_587, %parallel_loop3A_411, %parallel_loop3A_594], %parallel_loop3A_591 : memref<4x4x8x128xf32, #tpu.memory_space<vmem>>[vector<16xi32>, vector<16xi32>, vector<16xi32>, vector<16xi32>], vector<16xf32>,
        %parallel_loop3A_595 = arith.constant 400 : i32
        %parallel_loop3A_596 = vector.broadcast %parallel_loop3A_595 : i32 to vector<16xi32>
        %parallel_loop3A_597 = arith.addi %iota3A, %parallel_loop3A_596 : vector<16xi32>
        %parallel_loop3A_598 = tpu.vector_load_idx %arg6[%parallel_loop3A_597, %parallel_loop3A_405] : memref<512x32xf32, #tpu.memory_space<vmem>>[vector<16xi32>, vector<16xi32>], vector<16xf32>,
        %parallel_loop3A_599 = arith.constant 16 : i32
        %parallel_loop3A_600 = vector.broadcast %parallel_loop3A_599 : i32 to vector<16xi32>
        %parallel_loop3A_601 = arith.addi %iota3A, %parallel_loop3A_600 : vector<16xi32>
        tpu.vector_store_idx %arg8[%parallel_loop3A_408, %parallel_loop3A_587, %parallel_loop3A_411, %parallel_loop3A_601], %parallel_loop3A_598 : memref<4x4x8x128xf32, #tpu.memory_space<vmem>>[vector<16xi32>, vector<16xi32>, vector<16xi32>, vector<16xi32>], vector<16xf32>,
        %parallel_loop3A_602 = arith.constant 416 : i32
        %parallel_loop3A_603 = vector.broadcast %parallel_loop3A_602 : i32 to vector<16xi32>
        %parallel_loop3A_604 = arith.addi %iota3A, %parallel_loop3A_603 : vector<16xi32>
        %parallel_loop3A_605 = tpu.vector_load_idx %arg6[%parallel_loop3A_604, %parallel_loop3A_405] : memref<512x32xf32, #tpu.memory_space<vmem>>[vector<16xi32>, vector<16xi32>], vector<16xf32>,
        %parallel_loop3A_606 = arith.constant 32 : i32
        %parallel_loop3A_607 = vector.broadcast %parallel_loop3A_606 : i32 to vector<16xi32>
        %parallel_loop3A_608 = arith.addi %iota3A, %parallel_loop3A_607 : vector<16xi32>
        tpu.vector_store_idx %arg8[%parallel_loop3A_408, %parallel_loop3A_587, %parallel_loop3A_411, %parallel_loop3A_608], %parallel_loop3A_605 : memref<4x4x8x128xf32, #tpu.memory_space<vmem>>[vector<16xi32>, vector<16xi32>, vector<16xi32>, vector<16xi32>], vector<16xf32>,
        %parallel_loop3A_609 = arith.constant 432 : i32
        %parallel_loop3A_610 = vector.broadcast %parallel_loop3A_609 : i32 to vector<16xi32>
        %parallel_loop3A_611 = arith.addi %iota3A, %parallel_loop3A_610 : vector<16xi32>
        %parallel_loop3A_612 = tpu.vector_load_idx %arg6[%parallel_loop3A_611, %parallel_loop3A_405] : memref<512x32xf32, #tpu.memory_space<vmem>>[vector<16xi32>, vector<16xi32>], vector<16xf32>,
        %parallel_loop3A_613 = arith.constant 48 : i32
        %parallel_loop3A_614 = vector.broadcast %parallel_loop3A_613 : i32 to vector<16xi32>
        %parallel_loop3A_615 = arith.addi %iota3A, %parallel_loop3A_614 : vector<16xi32>
        tpu.vector_store_idx %arg8[%parallel_loop3A_408, %parallel_loop3A_587, %parallel_loop3A_411, %parallel_loop3A_615], %parallel_loop3A_612 : memref<4x4x8x128xf32, #tpu.memory_space<vmem>>[vector<16xi32>, vector<16xi32>, vector<16xi32>, vector<16xi32>], vector<16xf32>,
        %parallel_loop3A_616 = arith.constant 448 : i32
        %parallel_loop3A_617 = vector.broadcast %parallel_loop3A_616 : i32 to vector<16xi32>
        %parallel_loop3A_618 = arith.addi %iota3A, %parallel_loop3A_617 : vector<16xi32>
        %parallel_loop3A_619 = tpu.vector_load_idx %arg6[%parallel_loop3A_618, %parallel_loop3A_405] : memref<512x32xf32, #tpu.memory_space<vmem>>[vector<16xi32>, vector<16xi32>], vector<16xf32>,
        %parallel_loop3A_620 = arith.constant 64 : i32
        %parallel_loop3A_621 = vector.broadcast %parallel_loop3A_620 : i32 to vector<16xi32>
        %parallel_loop3A_622 = arith.addi %iota3A, %parallel_loop3A_621 : vector<16xi32>
        tpu.vector_store_idx %arg8[%parallel_loop3A_408, %parallel_loop3A_587, %parallel_loop3A_411, %parallel_loop3A_622], %parallel_loop3A_619 : memref<4x4x8x128xf32, #tpu.memory_space<vmem>>[vector<16xi32>, vector<16xi32>, vector<16xi32>, vector<16xi32>], vector<16xf32>,
        %parallel_loop3A_623 = arith.constant 464 : i32
        %parallel_loop3A_624 = vector.broadcast %parallel_loop3A_623 : i32 to vector<16xi32>
        %parallel_loop3A_625 = arith.addi %iota3A, %parallel_loop3A_624 : vector<16xi32>
        %parallel_loop3A_626 = tpu.vector_load_idx %arg6[%parallel_loop3A_625, %parallel_loop3A_405] : memref<512x32xf32, #tpu.memory_space<vmem>>[vector<16xi32>, vector<16xi32>], vector<16xf32>,
        %parallel_loop3A_627 = arith.constant 80 : i32
        %parallel_loop3A_628 = vector.broadcast %parallel_loop3A_627 : i32 to vector<16xi32>
        %parallel_loop3A_629 = arith.addi %iota3A, %parallel_loop3A_628 : vector<16xi32>
        tpu.vector_store_idx %arg8[%parallel_loop3A_408, %parallel_loop3A_587, %parallel_loop3A_411, %parallel_loop3A_629], %parallel_loop3A_626 : memref<4x4x8x128xf32, #tpu.memory_space<vmem>>[vector<16xi32>, vector<16xi32>, vector<16xi32>, vector<16xi32>], vector<16xf32>,
        %parallel_loop3A_630 = arith.constant 480 : i32
        %parallel_loop3A_631 = vector.broadcast %parallel_loop3A_630 : i32 to vector<16xi32>
        %parallel_loop3A_632 = arith.addi %iota3A, %parallel_loop3A_631 : vector<16xi32>
        %parallel_loop3A_633 = tpu.vector_load_idx %arg6[%parallel_loop3A_632, %parallel_loop3A_405] : memref<512x32xf32, #tpu.memory_space<vmem>>[vector<16xi32>, vector<16xi32>], vector<16xf32>,
        %parallel_loop3A_634 = arith.constant 96 : i32
        %parallel_loop3A_635 = vector.broadcast %parallel_loop3A_634 : i32 to vector<16xi32>
        %parallel_loop3A_636 = arith.addi %iota3A, %parallel_loop3A_635 : vector<16xi32>
        tpu.vector_store_idx %arg8[%parallel_loop3A_408, %parallel_loop3A_587, %parallel_loop3A_411, %parallel_loop3A_636], %parallel_loop3A_633 : memref<4x4x8x128xf32, #tpu.memory_space<vmem>>[vector<16xi32>, vector<16xi32>, vector<16xi32>, vector<16xi32>], vector<16xf32>,
        %parallel_loop3A_637 = arith.constant 496 : i32
        %parallel_loop3A_638 = vector.broadcast %parallel_loop3A_637 : i32 to vector<16xi32>
        %parallel_loop3A_639 = arith.addi %iota3A, %parallel_loop3A_638 : vector<16xi32>
        %parallel_loop3A_640 = tpu.vector_load_idx %arg6[%parallel_loop3A_639, %parallel_loop3A_405] : memref<512x32xf32, #tpu.memory_space<vmem>>[vector<16xi32>, vector<16xi32>], vector<16xf32>,
        %parallel_loop3A_641 = arith.constant 112 : i32
        %parallel_loop3A_642 = vector.broadcast %parallel_loop3A_641 : i32 to vector<16xi32>
        %parallel_loop3A_643 = arith.addi %iota3A, %parallel_loop3A_642 : vector<16xi32>
        tpu.vector_store_idx %arg8[%parallel_loop3A_408, %parallel_loop3A_587, %parallel_loop3A_411, %parallel_loop3A_643], %parallel_loop3A_640 : memref<4x4x8x128xf32, #tpu.memory_space<vmem>>[vector<16xi32>, vector<16xi32>, vector<16xi32>, vector<16xi32>], vector<16xf32>,
      } {sc.loop_unroll_factor = 4 : i64, sc.parallel_access}
      %mul3A_209 = arith.constant 4 : i32
      %mul3A_210 = arith.muli %add3A_198, %mul3A_209 : i32
      %dma_start3A_211 = arith.constant 0 : i32
      %dma_start3A_212 = arith.constant 0 : i32
      %dma_start3A_213 = arith.constant 0 : i32
      %dma_start3A_214 = arith.constant 0 : i32
      %dma_start3A_215 = arith.constant 0 : i32
      %dma_start3A_216 = tpu.memref_slice %arg8[%dma_start3A_211, %dma_start3A_213, %dma_start3A_214, %dma_start3A_215] : memref<4x4x8x128xf32, #tpu.memory_space<vmem>> -> memref<1x4x8x128xf32, #tpu.memory_space<vmem>>
      %dma_start3A_217 = tpu.memref_squeeze %dma_start3A_216 : memref<1x4x8x128xf32, #tpu.memory_space<vmem>> -> memref<4x8x128xf32, #tpu.memory_space<vmem>>
      %dma_start3A_218 = arith.constant 0 : i32
      %dma_start3A_219 = arith.constant 0 : i32
      %dma_start3A_220 = tpu.memref_slice %arg4[%mul3A_210, %dma_start3A_212, %add3A, %dma_start3A_218, %dma_start3A_219] : memref<200x4x32x8x128xf32, #tpu.memory_space<hbm>> -> memref<4x1x1x8x128xf32, #tpu.memory_space<hbm>>
      %dma_start3A_221 = tpu.memref_squeeze %dma_start3A_220 : memref<4x1x1x8x128xf32, #tpu.memory_space<hbm>> -> memref<4x8x128xf32, #tpu.memory_space<hbm>>
      %dma_start3A_222 = arith.constant 0 : i32
      %dma_start3A_223 = arith.constant 0 : i32
      %dma_start3A_224 = tpu.memref_slice %arg4[%mul3A_210, %dma_start3A_212, %add3A, %dma_start3A_222, %dma_start3A_223] : memref<200x4x32x8x128xf32, #tpu.memory_space<hbm>> -> memref<4x1x1x8x128xf32, #tpu.memory_space<hbm>>
      %dma_start3A_225 = tpu.memref_squeeze %dma_start3A_224 : memref<4x1x1x8x128xf32, #tpu.memory_space<hbm>> -> memref<4x8x128xf32, #tpu.memory_space<hbm>>
      %dma_start3A_226 = arith.constant 0 : i32
      %dma_start3A_227 = arith.constant 0 : i32
      %dma_start3A_228 = arith.constant 0 : i32
      %dma_start3A_229 = tpu.memref_slice %arg8[%dma_start3A_211, %dma_start3A_226, %dma_start3A_227, %dma_start3A_228] : memref<4x4x8x128xf32, #tpu.memory_space<vmem>> -> memref<1x4x8x128xf32, #tpu.memory_space<vmem>>
      %dma_start3A_230 = tpu.memref_squeeze %dma_start3A_229 : memref<1x4x8x128xf32, #tpu.memory_space<vmem>> -> memref<4x8x128xf32, #tpu.memory_space<vmem>>
      tpu.enqueue_dma source(%dma_start3A_230 : memref<4x8x128xf32, #tpu.memory_space<vmem>>) target(%dma_start3A_225 : memref<4x8x128xf32, #tpu.memory_space<hbm>>) target_semaphore(%arg12 : memref<!tpu.dma_semaphore, #tpu.memory_space<semaphore_mem>>)
      %dma_start3A_231 = arith.constant 1 : i32
      %dma_start3A_232 = arith.constant 1 : i32
      %dma_start3A_233 = arith.constant 0 : i32
      %dma_start3A_234 = arith.constant 0 : i32
      %dma_start3A_235 = arith.constant 0 : i32
      %dma_start3A_236 = tpu.memref_slice %arg8[%dma_start3A_231, %dma_start3A_233, %dma_start3A_234, %dma_start3A_235] : memref<4x4x8x128xf32, #tpu.memory_space<vmem>> -> memref<1x4x8x128xf32, #tpu.memory_space<vmem>>
      %dma_start3A_237 = tpu.memref_squeeze %dma_start3A_236 : memref<1x4x8x128xf32, #tpu.memory_space<vmem>> -> memref<4x8x128xf32, #tpu.memory_space<vmem>>
      %dma_start3A_238 = arith.constant 0 : i32
      %dma_start3A_239 = arith.constant 0 : i32
      %dma_start3A_240 = tpu.memref_slice %arg4[%mul3A_210, %dma_start3A_232, %add3A, %dma_start3A_238, %dma_start3A_239] : memref<200x4x32x8x128xf32, #tpu.memory_space<hbm>> -> memref<4x1x1x8x128xf32, #tpu.memory_space<hbm>>
      %dma_start3A_241 = tpu.memref_squeeze %dma_start3A_240 : memref<4x1x1x8x128xf32, #tpu.memory_space<hbm>> -> memref<4x8x128xf32, #tpu.memory_space<hbm>>
      %dma_start3A_242 = arith.constant 0 : i32
      %dma_start3A_243 = arith.constant 0 : i32
      %dma_start3A_244 = tpu.memref_slice %arg4[%mul3A_210, %dma_start3A_232, %add3A, %dma_start3A_242, %dma_start3A_243] : memref<200x4x32x8x128xf32, #tpu.memory_space<hbm>> -> memref<4x1x1x8x128xf32, #tpu.memory_space<hbm>>
      %dma_start3A_245 = tpu.memref_squeeze %dma_start3A_244 : memref<4x1x1x8x128xf32, #tpu.memory_space<hbm>> -> memref<4x8x128xf32, #tpu.memory_space<hbm>>
      %dma_start3A_246 = arith.constant 0 : i32
      %dma_start3A_247 = arith.constant 0 : i32
      %dma_start3A_248 = arith.constant 0 : i32
      %dma_start3A_249 = tpu.memref_slice %arg8[%dma_start3A_231, %dma_start3A_246, %dma_start3A_247, %dma_start3A_248] : memref<4x4x8x128xf32, #tpu.memory_space<vmem>> -> memref<1x4x8x128xf32, #tpu.memory_space<vmem>>
      %dma_start3A_250 = tpu.memref_squeeze %dma_start3A_249 : memref<1x4x8x128xf32, #tpu.memory_space<vmem>> -> memref<4x8x128xf32, #tpu.memory_space<vmem>>
      tpu.enqueue_dma source(%dma_start3A_250 : memref<4x8x128xf32, #tpu.memory_space<vmem>>) target(%dma_start3A_245 : memref<4x8x128xf32, #tpu.memory_space<hbm>>) target_semaphore(%arg12 : memref<!tpu.dma_semaphore, #tpu.memory_space<semaphore_mem>>)
      %dma_start3A_251 = arith.constant 2 : i32
      %dma_start3A_252 = arith.constant 2 : i32
      %dma_start3A_253 = arith.constant 0 : i32
      %dma_start3A_254 = arith.constant 0 : i32
      %dma_start3A_255 = arith.constant 0 : i32
      %dma_start3A_256 = tpu.memref_slice %arg8[%dma_start3A_251, %dma_start3A_253, %dma_start3A_254, %dma_start3A_255] : memref<4x4x8x128xf32, #tpu.memory_space<vmem>> -> memref<1x4x8x128xf32, #tpu.memory_space<vmem>>
      %dma_start3A_257 = tpu.memref_squeeze %dma_start3A_256 : memref<1x4x8x128xf32, #tpu.memory_space<vmem>> -> memref<4x8x128xf32, #tpu.memory_space<vmem>>
      %dma_start3A_258 = arith.constant 0 : i32
      %dma_start3A_259 = arith.constant 0 : i32
      %dma_start3A_260 = tpu.memref_slice %arg4[%mul3A_210, %dma_start3A_252, %add3A, %dma_start3A_258, %dma_start3A_259] : memref<200x4x32x8x128xf32, #tpu.memory_space<hbm>> -> memref<4x1x1x8x128xf32, #tpu.memory_space<hbm>>
      %dma_start3A_261 = tpu.memref_squeeze %dma_start3A_260 : memref<4x1x1x8x128xf32, #tpu.memory_space<hbm>> -> memref<4x8x128xf32, #tpu.memory_space<hbm>>
      %dma_start3A_262 = arith.constant 0 : i32
      %dma_start3A_263 = arith.constant 0 : i32
      %dma_start3A_264 = tpu.memref_slice %arg4[%mul3A_210, %dma_start3A_252, %add3A, %dma_start3A_262, %dma_start3A_263] : memref<200x4x32x8x128xf32, #tpu.memory_space<hbm>> -> memref<4x1x1x8x128xf32, #tpu.memory_space<hbm>>
      %dma_start3A_265 = tpu.memref_squeeze %dma_start3A_264 : memref<4x1x1x8x128xf32, #tpu.memory_space<hbm>> -> memref<4x8x128xf32, #tpu.memory_space<hbm>>
      %dma_start3A_266 = arith.constant 0 : i32
      %dma_start3A_267 = arith.constant 0 : i32
      %dma_start3A_268 = arith.constant 0 : i32
      %dma_start3A_269 = tpu.memref_slice %arg8[%dma_start3A_251, %dma_start3A_266, %dma_start3A_267, %dma_start3A_268] : memref<4x4x8x128xf32, #tpu.memory_space<vmem>> -> memref<1x4x8x128xf32, #tpu.memory_space<vmem>>
      %dma_start3A_270 = tpu.memref_squeeze %dma_start3A_269 : memref<1x4x8x128xf32, #tpu.memory_space<vmem>> -> memref<4x8x128xf32, #tpu.memory_space<vmem>>
      tpu.enqueue_dma source(%dma_start3A_270 : memref<4x8x128xf32, #tpu.memory_space<vmem>>) target(%dma_start3A_265 : memref<4x8x128xf32, #tpu.memory_space<hbm>>) target_semaphore(%arg12 : memref<!tpu.dma_semaphore, #tpu.memory_space<semaphore_mem>>)
      %dma_start3A_271 = arith.constant 3 : i32
      %dma_start3A_272 = arith.constant 3 : i32
      %dma_start3A_273 = arith.constant 0 : i32
      %dma_start3A_274 = arith.constant 0 : i32
      %dma_start3A_275 = arith.constant 0 : i32
      %dma_start3A_276 = tpu.memref_slice %arg8[%dma_start3A_271, %dma_start3A_273, %dma_start3A_274, %dma_start3A_275] : memref<4x4x8x128xf32, #tpu.memory_space<vmem>> -> memref<1x4x8x128xf32, #tpu.memory_space<vmem>>
      %dma_start3A_277 = tpu.memref_squeeze %dma_start3A_276 : memref<1x4x8x128xf32, #tpu.memory_space<vmem>> -> memref<4x8x128xf32, #tpu.memory_space<vmem>>
      %dma_start3A_278 = arith.constant 0 : i32
      %dma_start3A_279 = arith.constant 0 : i32
      %dma_start3A_280 = tpu.memref_slice %arg4[%mul3A_210, %dma_start3A_272, %add3A, %dma_start3A_278, %dma_start3A_279] : memref<200x4x32x8x128xf32, #tpu.memory_space<hbm>> -> memref<4x1x1x8x128xf32, #tpu.memory_space<hbm>>
      %dma_start3A_281 = tpu.memref_squeeze %dma_start3A_280 : memref<4x1x1x8x128xf32, #tpu.memory_space<hbm>> -> memref<4x8x128xf32, #tpu.memory_space<hbm>>
      %dma_start3A_282 = arith.constant 0 : i32
      %dma_start3A_283 = arith.constant 0 : i32
      %dma_start3A_284 = tpu.memref_slice %arg4[%mul3A_210, %dma_start3A_272, %add3A, %dma_start3A_282, %dma_start3A_283] : memref<200x4x32x8x128xf32, #tpu.memory_space<hbm>> -> memref<4x1x1x8x128xf32, #tpu.memory_space<hbm>>
      %dma_start3A_285 = tpu.memref_squeeze %dma_start3A_284 : memref<4x1x1x8x128xf32, #tpu.memory_space<hbm>> -> memref<4x8x128xf32, #tpu.memory_space<hbm>>
      %dma_start3A_286 = arith.constant 0 : i32
      %dma_start3A_287 = arith.constant 0 : i32
      %dma_start3A_288 = arith.constant 0 : i32
      %dma_start3A_289 = tpu.memref_slice %arg8[%dma_start3A_271, %dma_start3A_286, %dma_start3A_287, %dma_start3A_288] : memref<4x4x8x128xf32, #tpu.memory_space<vmem>> -> memref<1x4x8x128xf32, #tpu.memory_space<vmem>>
      %dma_start3A_290 = tpu.memref_squeeze %dma_start3A_289 : memref<1x4x8x128xf32, #tpu.memory_space<vmem>> -> memref<4x8x128xf32, #tpu.memory_space<vmem>>
      tpu.enqueue_dma source(%dma_start3A_290 : memref<4x8x128xf32, #tpu.memory_space<vmem>>) target(%dma_start3A_285 : memref<4x8x128xf32, #tpu.memory_space<hbm>>) target_semaphore(%arg12 : memref<!tpu.dma_semaphore, #tpu.memory_space<semaphore_mem>>)
      %lt3A = arith.constant 24 : i32
      %lt3A_291 = arith.cmpi slt, %scan3A_194, %lt3A : i32
      %convert_element_type3A_292 = arith.extui %lt3A_291 : i1 to i32
      %cond3A_293 = arith.constant 0 : i32
      %cond3A_294 = arith.cmpi ne, %convert_element_type3A_292, %cond3A_293 : i32
      scf.if %cond3A_294 {
        %add3A_400 = arith.constant 1 : i32
        %add3A_401 = arith.addi %scan3A_194, %add3A_400 : i32
        %dma_start3A_402 = arith.constant 0 : i32
        %dma_start3A_403 = tpu.memref_slice %arg5[%add3A_401, %dma_start3A_402] : memref<25x1024xi32, #tpu.memory_space<vmem>> -> memref<1x512xi32, #tpu.memory_space<vmem>>
        %dma_start3A_404 = tpu.memref_squeeze %dma_start3A_403 : memref<1x512xi32, #tpu.memory_space<vmem>> -> memref<512xi32, #tpu.memory_space<vmem>>
        %dma_start3A_405 = arith.constant 0 : i32
        %dma_start3A_406 = arith.constant 0 : i32
        %dma_start3A_407 = tpu.memref_slice %arg3[%dma_start3A_405, %dma_start3A_406] : memref<1000000x32xf32, #tpu.memory_space<hbm>> -> memref<1000000x32xf32, #tpu.memory_space<hbm>>
        tpu.enqueue_indirect_dma source(%dma_start3A_407 : memref<1000000x32xf32, #tpu.memory_space<hbm>>) target(%arg6 : memref<512x32xf32, #tpu.memory_space<vmem>>) offsets(%dma_start3A_404 : memref<512xi32, #tpu.memory_space<vmem>>) semaphore(%arg10 : memref<!tpu.dma_semaphore, #tpu.memory_space<semaphore_mem>>)
      } else {
      }
      %mul3A_295 = arith.constant 2 : i32
      %mul3A_296 = arith.muli %mul3A_295, %scan3A_194 : i32
      %add3A_297 = arith.constant 1 : i32
      %add3A_298 = arith.addi %mul3A_296, %add3A_297 : i32
      %ge3A_299 = arith.constant 1 : i32
      %ge3A_300 = arith.cmpi sge, %scan3A_194, %ge3A_299 : i32
      %convert_element_type3A_301 = arith.extui %ge3A_300 : i1 to i32
      %cond3A_302 = arith.constant 0 : i32
      %cond3A_303 = arith.cmpi ne, %convert_element_type3A_301, %cond3A_302 : i32
      scf.if %cond3A_303 {
        %dma_wait3A_400 = arith.constant 0 : i32
        %dma_wait3A_401 = arith.constant 0 : i32
        %dma_wait3A_402 = arith.constant 0 : i32
        %dma_wait3A_403 = arith.constant 0 : i32
        %dma_wait3A_404 = arith.constant 0 : i32
        %dma_wait3A_405 = tpu.memref_slice %arg9[%dma_wait3A_400, %dma_wait3A_402, %dma_wait3A_403, %dma_wait3A_404] : memref<4x4x8x128xf32, #tpu.memory_space<vmem>> -> memref<1x4x8x128xf32, #tpu.memory_space<vmem>>
        %dma_wait3A_406 = tpu.memref_squeeze %dma_wait3A_405 : memref<1x4x8x128xf32, #tpu.memory_space<vmem>> -> memref<4x8x128xf32, #tpu.memory_space<vmem>>
        %dma_wait3A_407 = arith.constant 0 : i32
        %dma_wait3A_408 = arith.constant 0 : i32
        %dma_wait3A_409 = arith.constant 0 : i32
        %dma_wait3A_410 = tpu.memref_slice %arg4[%dma_wait3A_407, %dma_wait3A_401, %add3A, %dma_wait3A_408, %dma_wait3A_409] : memref<200x4x32x8x128xf32, #tpu.memory_space<hbm>> -> memref<4x1x1x8x128xf32, #tpu.memory_space<hbm>>
        %dma_wait3A_411 = tpu.memref_squeeze %dma_wait3A_410 : memref<4x1x1x8x128xf32, #tpu.memory_space<hbm>> -> memref<4x8x128xf32, #tpu.memory_space<hbm>>
        %dma_wait3A_412 = arith.constant 0 : i32
        %dma_wait3A_413 = arith.constant 0 : i32
        %dma_wait3A_414 = arith.constant 0 : i32
        %dma_wait3A_415 = tpu.memref_slice %arg4[%dma_wait3A_412, %dma_wait3A_401, %add3A, %dma_wait3A_413, %dma_wait3A_414] : memref<200x4x32x8x128xf32, #tpu.memory_space<hbm>> -> memref<4x1x1x8x128xf32, #tpu.memory_space<hbm>>
        %dma_wait3A_416 = tpu.memref_squeeze %dma_wait3A_415 : memref<4x1x1x8x128xf32, #tpu.memory_space<hbm>> -> memref<4x8x128xf32, #tpu.memory_space<hbm>>
        %dma_wait3A_417 = arith.constant 0 : i32
        %dma_wait3A_418 = arith.constant 0 : i32
        %dma_wait3A_419 = arith.constant 0 : i32
        %dma_wait3A_420 = tpu.memref_slice %arg9[%dma_wait3A_400, %dma_wait3A_417, %dma_wait3A_418, %dma_wait3A_419] : memref<4x4x8x128xf32, #tpu.memory_space<vmem>> -> memref<1x4x8x128xf32, #tpu.memory_space<vmem>>
        %dma_wait3A_421 = tpu.memref_squeeze %dma_wait3A_420 : memref<1x4x8x128xf32, #tpu.memory_space<vmem>> -> memref<4x8x128xf32, #tpu.memory_space<vmem>>
        tpu.wait_dma2 semaphore(%arg13 : memref<!tpu.dma_semaphore, #tpu.memory_space<semaphore_mem>>) src(%dma_wait3A_421 : memref<4x8x128xf32, #tpu.memory_space<vmem>>) dst(%dma_wait3A_416 : memref<4x8x128xf32, #tpu.memory_space<hbm>>)
        %dma_wait3A_422 = arith.constant 0 : i32
        %dma_wait3A_423 = arith.constant 0 : i32
        %dma_wait3A_424 = arith.constant 0 : i32
        %dma_wait3A_425 = arith.constant 0 : i32
        %dma_wait3A_426 = arith.constant 0 : i32
        %dma_wait3A_427 = tpu.memref_slice %arg9[%dma_wait3A_422, %dma_wait3A_424, %dma_wait3A_425, %dma_wait3A_426] : memref<4x4x8x128xf32, #tpu.memory_space<vmem>> -> memref<1x4x8x128xf32, #tpu.memory_space<vmem>>
        %dma_wait3A_428 = tpu.memref_squeeze %dma_wait3A_427 : memref<1x4x8x128xf32, #tpu.memory_space<vmem>> -> memref<4x8x128xf32, #tpu.memory_space<vmem>>
        %dma_wait3A_429 = arith.constant 0 : i32
        %dma_wait3A_430 = arith.constant 0 : i32
        %dma_wait3A_431 = arith.constant 0 : i32
        %dma_wait3A_432 = tpu.memref_slice %arg4[%dma_wait3A_429, %dma_wait3A_423, %add3A, %dma_wait3A_430, %dma_wait3A_431] : memref<200x4x32x8x128xf32, #tpu.memory_space<hbm>> -> memref<4x1x1x8x128xf32, #tpu.memory_space<hbm>>
        %dma_wait3A_433 = tpu.memref_squeeze %dma_wait3A_432 : memref<4x1x1x8x128xf32, #tpu.memory_space<hbm>> -> memref<4x8x128xf32, #tpu.memory_space<hbm>>
        %dma_wait3A_434 = arith.constant 0 : i32
        %dma_wait3A_435 = arith.constant 0 : i32
        %dma_wait3A_436 = arith.constant 0 : i32
        %dma_wait3A_437 = tpu.memref_slice %arg4[%dma_wait3A_434, %dma_wait3A_423, %add3A, %dma_wait3A_435, %dma_wait3A_436] : memref<200x4x32x8x128xf32, #tpu.memory_space<hbm>> -> memref<4x1x1x8x128xf32, #tpu.memory_space<hbm>>
        %dma_wait3A_438 = tpu.memref_squeeze %dma_wait3A_437 : memref<4x1x1x8x128xf32, #tpu.memory_space<hbm>> -> memref<4x8x128xf32, #tpu.memory_space<hbm>>
        %dma_wait3A_439 = arith.constant 0 : i32
        %dma_wait3A_440 = arith.constant 0 : i32
        %dma_wait3A_441 = arith.constant 0 : i32
        %dma_wait3A_442 = tpu.memref_slice %arg9[%dma_wait3A_422, %dma_wait3A_439, %dma_wait3A_440, %dma_wait3A_441] : memref<4x4x8x128xf32, #tpu.memory_space<vmem>> -> memref<1x4x8x128xf32, #tpu.memory_space<vmem>>
        %dma_wait3A_443 = tpu.memref_squeeze %dma_wait3A_442 : memref<1x4x8x128xf32, #tpu.memory_space<vmem>> -> memref<4x8x128xf32, #tpu.memory_space<vmem>>
        tpu.wait_dma2 semaphore(%arg13 : memref<!tpu.dma_semaphore, #tpu.memory_space<semaphore_mem>>) src(%dma_wait3A_443 : memref<4x8x128xf32, #tpu.memory_space<vmem>>) dst(%dma_wait3A_438 : memref<4x8x128xf32, #tpu.memory_space<hbm>>)
        %dma_wait3A_444 = arith.constant 0 : i32
        %dma_wait3A_445 = arith.constant 0 : i32
        %dma_wait3A_446 = arith.constant 0 : i32
        %dma_wait3A_447 = arith.constant 0 : i32
        %dma_wait3A_448 = arith.constant 0 : i32
        %dma_wait3A_449 = tpu.memref_slice %arg9[%dma_wait3A_444, %dma_wait3A_446, %dma_wait3A_447, %dma_wait3A_448] : memref<4x4x8x128xf32, #tpu.memory_space<vmem>> -> memref<1x4x8x128xf32, #tpu.memory_space<vmem>>
        %dma_wait3A_450 = tpu.memref_squeeze %dma_wait3A_449 : memref<1x4x8x128xf32, #tpu.memory_space<vmem>> -> memref<4x8x128xf32, #tpu.memory_space<vmem>>
        %dma_wait3A_451 = arith.constant 0 : i32
        %dma_wait3A_452 = arith.constant 0 : i32
        %dma_wait3A_453 = arith.constant 0 : i32
        %dma_wait3A_454 = tpu.memref_slice %arg4[%dma_wait3A_451, %dma_wait3A_445, %add3A, %dma_wait3A_452, %dma_wait3A_453] : memref<200x4x32x8x128xf32, #tpu.memory_space<hbm>> -> memref<4x1x1x8x128xf32, #tpu.memory_space<hbm>>
        %dma_wait3A_455 = tpu.memref_squeeze %dma_wait3A_454 : memref<4x1x1x8x128xf32, #tpu.memory_space<hbm>> -> memref<4x8x128xf32, #tpu.memory_space<hbm>>
        %dma_wait3A_456 = arith.constant 0 : i32
        %dma_wait3A_457 = arith.constant 0 : i32
        %dma_wait3A_458 = arith.constant 0 : i32
        %dma_wait3A_459 = tpu.memref_slice %arg4[%dma_wait3A_456, %dma_wait3A_445, %add3A, %dma_wait3A_457, %dma_wait3A_458] : memref<200x4x32x8x128xf32, #tpu.memory_space<hbm>> -> memref<4x1x1x8x128xf32, #tpu.memory_space<hbm>>
        %dma_wait3A_460 = tpu.memref_squeeze %dma_wait3A_459 : memref<4x1x1x8x128xf32, #tpu.memory_space<hbm>> -> memref<4x8x128xf32, #tpu.memory_space<hbm>>
        %dma_wait3A_461 = arith.constant 0 : i32
        %dma_wait3A_462 = arith.constant 0 : i32
        %dma_wait3A_463 = arith.constant 0 : i32
        %dma_wait3A_464 = tpu.memref_slice %arg9[%dma_wait3A_444, %dma_wait3A_461, %dma_wait3A_462, %dma_wait3A_463] : memref<4x4x8x128xf32, #tpu.memory_space<vmem>> -> memref<1x4x8x128xf32, #tpu.memory_space<vmem>>
        %dma_wait3A_465 = tpu.memref_squeeze %dma_wait3A_464 : memref<1x4x8x128xf32, #tpu.memory_space<vmem>> -> memref<4x8x128xf32, #tpu.memory_space<vmem>>
        tpu.wait_dma2 semaphore(%arg13 : memref<!tpu.dma_semaphore, #tpu.memory_space<semaphore_mem>>) src(%dma_wait3A_465 : memref<4x8x128xf32, #tpu.memory_space<vmem>>) dst(%dma_wait3A_460 : memref<4x8x128xf32, #tpu.memory_space<hbm>>)
        %dma_wait3A_466 = arith.constant 0 : i32
        %dma_wait3A_467 = arith.constant 0 : i32
        %dma_wait3A_468 = arith.constant 0 : i32
        %dma_wait3A_469 = arith.constant 0 : i32
        %dma_wait3A_470 = arith.constant 0 : i32
        %dma_wait3A_471 = tpu.memref_slice %arg9[%dma_wait3A_466, %dma_wait3A_468, %dma_wait3A_469, %dma_wait3A_470] : memref<4x4x8x128xf32, #tpu.memory_space<vmem>> -> memref<1x4x8x128xf32, #tpu.memory_space<vmem>>
        %dma_wait3A_472 = tpu.memref_squeeze %dma_wait3A_471 : memref<1x4x8x128xf32, #tpu.memory_space<vmem>> -> memref<4x8x128xf32, #tpu.memory_space<vmem>>
        %dma_wait3A_473 = arith.constant 0 : i32
        %dma_wait3A_474 = arith.constant 0 : i32
        %dma_wait3A_475 = arith.constant 0 : i32
        %dma_wait3A_476 = tpu.memref_slice %arg4[%dma_wait3A_473, %dma_wait3A_467, %add3A, %dma_wait3A_474, %dma_wait3A_475] : memref<200x4x32x8x128xf32, #tpu.memory_space<hbm>> -> memref<4x1x1x8x128xf32, #tpu.memory_space<hbm>>
        %dma_wait3A_477 = tpu.memref_squeeze %dma_wait3A_476 : memref<4x1x1x8x128xf32, #tpu.memory_space<hbm>> -> memref<4x8x128xf32, #tpu.memory_space<hbm>>
        %dma_wait3A_478 = arith.constant 0 : i32
        %dma_wait3A_479 = arith.constant 0 : i32
        %dma_wait3A_480 = arith.constant 0 : i32
        %dma_wait3A_481 = tpu.memref_slice %arg4[%dma_wait3A_478, %dma_wait3A_467, %add3A, %dma_wait3A_479, %dma_wait3A_480] : memref<200x4x32x8x128xf32, #tpu.memory_space<hbm>> -> memref<4x1x1x8x128xf32, #tpu.memory_space<hbm>>
        %dma_wait3A_482 = tpu.memref_squeeze %dma_wait3A_481 : memref<4x1x1x8x128xf32, #tpu.memory_space<hbm>> -> memref<4x8x128xf32, #tpu.memory_space<hbm>>
        %dma_wait3A_483 = arith.constant 0 : i32
        %dma_wait3A_484 = arith.constant 0 : i32
        %dma_wait3A_485 = arith.constant 0 : i32
        %dma_wait3A_486 = tpu.memref_slice %arg9[%dma_wait3A_466, %dma_wait3A_483, %dma_wait3A_484, %dma_wait3A_485] : memref<4x4x8x128xf32, #tpu.memory_space<vmem>> -> memref<1x4x8x128xf32, #tpu.memory_space<vmem>>
        %dma_wait3A_487 = tpu.memref_squeeze %dma_wait3A_486 : memref<1x4x8x128xf32, #tpu.memory_space<vmem>> -> memref<4x8x128xf32, #tpu.memory_space<vmem>>
        tpu.wait_dma2 semaphore(%arg13 : memref<!tpu.dma_semaphore, #tpu.memory_space<semaphore_mem>>) src(%dma_wait3A_487 : memref<4x8x128xf32, #tpu.memory_space<vmem>>) dst(%dma_wait3A_482 : memref<4x8x128xf32, #tpu.memory_space<hbm>>)
      } else {
      }
      %dma_wait3A_304 = arith.constant 512 : i32
      %dma_wait3A_305 = tpu.memref_slice %arg5[%scan3A_194, %dma_wait3A_304] : memref<25x1024xi32, #tpu.memory_space<vmem>> -> memref<1x512xi32, #tpu.memory_space<vmem>>
      %dma_wait3A_306 = tpu.memref_squeeze %dma_wait3A_305 : memref<1x512xi32, #tpu.memory_space<vmem>> -> memref<512xi32, #tpu.memory_space<vmem>>
      %dma_wait3A_307 = arith.constant 0 : i32
      %dma_wait3A_308 = arith.constant 0 : i32
      %dma_wait3A_309 = tpu.memref_slice %arg3[%dma_wait3A_307, %dma_wait3A_308] : memref<1000000x32xf32, #tpu.memory_space<hbm>> -> memref<1000000x32xf32, #tpu.memory_space<hbm>>
      tpu.wait_indirect_dma semaphore(%arg11 : memref<!tpu.dma_semaphore, #tpu.memory_space<semaphore_mem>>) src(%dma_wait3A_309 : memref<1000000x32xf32, #tpu.memory_space<hbm>>) dst(%arg7 : memref<512x32xf32, #tpu.memory_space<vmem>>)
      %parallel_loop3A_310 = arith.constant 0 : i32
      %parallel_loop3A_311 = arith.constant 32 : i32
      %parallel_loop3A_312 = arith.constant 1 : i32
      scf.for %parallel_loop3A_400 = %parallel_loop3A_310 to %parallel_loop3A_311 step %parallel_loop3A_312  : i32 {
        %parallel_loop3A_401 = vector.broadcast %parallel_loop3A_400 : i32 to vector<16xi32>
        %parallel_loop3A_402 = arith.addi %parallel_loop3A_401, %iota3A : vector<16xi32>
        %parallel_loop3A_403 = arith.constant 31 : i32
        %parallel_loop3A_404 = vector.broadcast %parallel_loop3A_403 : i32 to vector<16xi32>
        %parallel_loop3A_405 = arith.andi %parallel_loop3A_402, %parallel_loop3A_404 : vector<16xi32>
        %parallel_loop3A_406 = arith.constant 3 : i32
        %parallel_loop3A_407 = vector.broadcast %parallel_loop3A_406 : i32 to vector<16xi32>
        %parallel_loop3A_408 = arith.shrsi %parallel_loop3A_405, %parallel_loop3A_407 : vector<16xi32>
        %parallel_loop3A_409 = arith.constant 7 : i32
        %parallel_loop3A_410 = vector.broadcast %parallel_loop3A_409 : i32 to vector<16xi32>
        %parallel_loop3A_411 = arith.andi %parallel_loop3A_405, %parallel_loop3A_410 : vector<16xi32>
        %parallel_loop3A_412 = arith.constant 0 : i32
        %parallel_loop3A_413 = vector.broadcast %parallel_loop3A_412 : i32 to vector<16xi32>
        %parallel_loop3A_414 = arith.constant 0 : i32
        %parallel_loop3A_415 = vector.broadcast %parallel_loop3A_414 : i32 to vector<16xi32>
        %parallel_loop3A_416 = arith.addi %iota3A, %parallel_loop3A_415 : vector<16xi32>
        %parallel_loop3A_417 = tpu.vector_load_idx %arg7[%parallel_loop3A_416, %parallel_loop3A_405] : memref<512x32xf32, #tpu.memory_space<vmem>>[vector<16xi32>, vector<16xi32>], vector<16xf32>,
        %parallel_loop3A_418 = arith.constant 0 : i32
        %parallel_loop3A_419 = vector.broadcast %parallel_loop3A_418 : i32 to vector<16xi32>
        %parallel_loop3A_420 = arith.addi %iota3A, %parallel_loop3A_419 : vector<16xi32>
        tpu.vector_store_idx %arg9[%parallel_loop3A_408, %parallel_loop3A_413, %parallel_loop3A_411, %parallel_loop3A_420], %parallel_loop3A_417 : memref<4x4x8x128xf32, #tpu.memory_space<vmem>>[vector<16xi32>, vector<16xi32>, vector<16xi32>, vector<16xi32>], vector<16xf32>,
        %parallel_loop3A_421 = arith.constant 16 : i32
        %parallel_loop3A_422 = vector.broadcast %parallel_loop3A_421 : i32 to vector<16xi32>
        %parallel_loop3A_423 = arith.addi %iota3A, %parallel_loop3A_422 : vector<16xi32>
        %parallel_loop3A_424 = tpu.vector_load_idx %arg7[%parallel_loop3A_423, %parallel_loop3A_405] : memref<512x32xf32, #tpu.memory_space<vmem>>[vector<16xi32>, vector<16xi32>], vector<16xf32>,
        %parallel_loop3A_425 = arith.constant 16 : i32
        %parallel_loop3A_426 = vector.broadcast %parallel_loop3A_425 : i32 to vector<16xi32>
        %parallel_loop3A_427 = arith.addi %iota3A, %parallel_loop3A_426 : vector<16xi32>
        tpu.vector_store_idx %arg9[%parallel_loop3A_408, %parallel_loop3A_413, %parallel_loop3A_411, %parallel_loop3A_427], %parallel_loop3A_424 : memref<4x4x8x128xf32, #tpu.memory_space<vmem>>[vector<16xi32>, vector<16xi32>, vector<16xi32>, vector<16xi32>], vector<16xf32>,
        %parallel_loop3A_428 = arith.constant 32 : i32
        %parallel_loop3A_429 = vector.broadcast %parallel_loop3A_428 : i32 to vector<16xi32>
        %parallel_loop3A_430 = arith.addi %iota3A, %parallel_loop3A_429 : vector<16xi32>
        %parallel_loop3A_431 = tpu.vector_load_idx %arg7[%parallel_loop3A_430, %parallel_loop3A_405] : memref<512x32xf32, #tpu.memory_space<vmem>>[vector<16xi32>, vector<16xi32>], vector<16xf32>,
        %parallel_loop3A_432 = arith.constant 32 : i32
        %parallel_loop3A_433 = vector.broadcast %parallel_loop3A_432 : i32 to vector<16xi32>
        %parallel_loop3A_434 = arith.addi %iota3A, %parallel_loop3A_433 : vector<16xi32>
        tpu.vector_store_idx %arg9[%parallel_loop3A_408, %parallel_loop3A_413, %parallel_loop3A_411, %parallel_loop3A_434], %parallel_loop3A_431 : memref<4x4x8x128xf32, #tpu.memory_space<vmem>>[vector<16xi32>, vector<16xi32>, vector<16xi32>, vector<16xi32>], vector<16xf32>,
        %parallel_loop3A_435 = arith.constant 48 : i32
        %parallel_loop3A_436 = vector.broadcast %parallel_loop3A_435 : i32 to vector<16xi32>
        %parallel_loop3A_437 = arith.addi %iota3A, %parallel_loop3A_436 : vector<16xi32>
        %parallel_loop3A_438 = tpu.vector_load_idx %arg7[%parallel_loop3A_437, %parallel_loop3A_405] : memref<512x32xf32, #tpu.memory_space<vmem>>[vector<16xi32>, vector<16xi32>], vector<16xf32>,
        %parallel_loop3A_439 = arith.constant 48 : i32
        %parallel_loop3A_440 = vector.broadcast %parallel_loop3A_439 : i32 to vector<16xi32>
        %parallel_loop3A_441 = arith.addi %iota3A, %parallel_loop3A_440 : vector<16xi32>
        tpu.vector_store_idx %arg9[%parallel_loop3A_408, %parallel_loop3A_413, %parallel_loop3A_411, %parallel_loop3A_441], %parallel_loop3A_438 : memref<4x4x8x128xf32, #tpu.memory_space<vmem>>[vector<16xi32>, vector<16xi32>, vector<16xi32>, vector<16xi32>], vector<16xf32>,
        %parallel_loop3A_442 = arith.constant 64 : i32
        %parallel_loop3A_443 = vector.broadcast %parallel_loop3A_442 : i32 to vector<16xi32>
        %parallel_loop3A_444 = arith.addi %iota3A, %parallel_loop3A_443 : vector<16xi32>
        %parallel_loop3A_445 = tpu.vector_load_idx %arg7[%parallel_loop3A_444, %parallel_loop3A_405] : memref<512x32xf32, #tpu.memory_space<vmem>>[vector<16xi32>, vector<16xi32>], vector<16xf32>,
        %parallel_loop3A_446 = arith.constant 64 : i32
        %parallel_loop3A_447 = vector.broadcast %parallel_loop3A_446 : i32 to vector<16xi32>
        %parallel_loop3A_448 = arith.addi %iota3A, %parallel_loop3A_447 : vector<16xi32>
        tpu.vector_store_idx %arg9[%parallel_loop3A_408, %parallel_loop3A_413, %parallel_loop3A_411, %parallel_loop3A_448], %parallel_loop3A_445 : memref<4x4x8x128xf32, #tpu.memory_space<vmem>>[vector<16xi32>, vector<16xi32>, vector<16xi32>, vector<16xi32>], vector<16xf32>,
        %parallel_loop3A_449 = arith.constant 80 : i32
        %parallel_loop3A_450 = vector.broadcast %parallel_loop3A_449 : i32 to vector<16xi32>
        %parallel_loop3A_451 = arith.addi %iota3A, %parallel_loop3A_450 : vector<16xi32>
        %parallel_loop3A_452 = tpu.vector_load_idx %arg7[%parallel_loop3A_451, %parallel_loop3A_405] : memref<512x32xf32, #tpu.memory_space<vmem>>[vector<16xi32>, vector<16xi32>], vector<16xf32>,
        %parallel_loop3A_453 = arith.constant 80 : i32
        %parallel_loop3A_454 = vector.broadcast %parallel_loop3A_453 : i32 to vector<16xi32>
        %parallel_loop3A_455 = arith.addi %iota3A, %parallel_loop3A_454 : vector<16xi32>
        tpu.vector_store_idx %arg9[%parallel_loop3A_408, %parallel_loop3A_413, %parallel_loop3A_411, %parallel_loop3A_455], %parallel_loop3A_452 : memref<4x4x8x128xf32, #tpu.memory_space<vmem>>[vector<16xi32>, vector<16xi32>, vector<16xi32>, vector<16xi32>], vector<16xf32>,
        %parallel_loop3A_456 = arith.constant 96 : i32
        %parallel_loop3A_457 = vector.broadcast %parallel_loop3A_456 : i32 to vector<16xi32>
        %parallel_loop3A_458 = arith.addi %iota3A, %parallel_loop3A_457 : vector<16xi32>
        %parallel_loop3A_459 = tpu.vector_load_idx %arg7[%parallel_loop3A_458, %parallel_loop3A_405] : memref<512x32xf32, #tpu.memory_space<vmem>>[vector<16xi32>, vector<16xi32>], vector<16xf32>,
        %parallel_loop3A_460 = arith.constant 96 : i32
        %parallel_loop3A_461 = vector.broadcast %parallel_loop3A_460 : i32 to vector<16xi32>
        %parallel_loop3A_462 = arith.addi %iota3A, %parallel_loop3A_461 : vector<16xi32>
        tpu.vector_store_idx %arg9[%parallel_loop3A_408, %parallel_loop3A_413, %parallel_loop3A_411, %parallel_loop3A_462], %parallel_loop3A_459 : memref<4x4x8x128xf32, #tpu.memory_space<vmem>>[vector<16xi32>, vector<16xi32>, vector<16xi32>, vector<16xi32>], vector<16xf32>,
        %parallel_loop3A_463 = arith.constant 112 : i32
        %parallel_loop3A_464 = vector.broadcast %parallel_loop3A_463 : i32 to vector<16xi32>
        %parallel_loop3A_465 = arith.addi %iota3A, %parallel_loop3A_464 : vector<16xi32>
        %parallel_loop3A_466 = tpu.vector_load_idx %arg7[%parallel_loop3A_465, %parallel_loop3A_405] : memref<512x32xf32, #tpu.memory_space<vmem>>[vector<16xi32>, vector<16xi32>], vector<16xf32>,
        %parallel_loop3A_467 = arith.constant 112 : i32
        %parallel_loop3A_468 = vector.broadcast %parallel_loop3A_467 : i32 to vector<16xi32>
        %parallel_loop3A_469 = arith.addi %iota3A, %parallel_loop3A_468 : vector<16xi32>
        tpu.vector_store_idx %arg9[%parallel_loop3A_408, %parallel_loop3A_413, %parallel_loop3A_411, %parallel_loop3A_469], %parallel_loop3A_466 : memref<4x4x8x128xf32, #tpu.memory_space<vmem>>[vector<16xi32>, vector<16xi32>, vector<16xi32>, vector<16xi32>], vector<16xf32>,
        %parallel_loop3A_470 = arith.constant 1 : i32
        %parallel_loop3A_471 = vector.broadcast %parallel_loop3A_470 : i32 to vector<16xi32>
        %parallel_loop3A_472 = arith.constant 128 : i32
        %parallel_loop3A_473 = vector.broadcast %parallel_loop3A_472 : i32 to vector<16xi32>
        %parallel_loop3A_474 = arith.addi %iota3A, %parallel_loop3A_473 : vector<16xi32>
        %parallel_loop3A_475 = tpu.vector_load_idx %arg7[%parallel_loop3A_474, %parallel_loop3A_405] : memref<512x32xf32, #tpu.memory_space<vmem>>[vector<16xi32>, vector<16xi32>], vector<16xf32>,
        %parallel_loop3A_476 = arith.constant 0 : i32
        %parallel_loop3A_477 = vector.broadcast %parallel_loop3A_476 : i32 to vector<16xi32>
        %parallel_loop3A_478 = arith.addi %iota3A, %parallel_loop3A_477 : vector<16xi32>
        tpu.vector_store_idx %arg9[%parallel_loop3A_408, %parallel_loop3A_471, %parallel_loop3A_411, %parallel_loop3A_478], %parallel_loop3A_475 : memref<4x4x8x128xf32, #tpu.memory_space<vmem>>[vector<16xi32>, vector<16xi32>, vector<16xi32>, vector<16xi32>], vector<16xf32>,
        %parallel_loop3A_479 = arith.constant 144 : i32
        %parallel_loop3A_480 = vector.broadcast %parallel_loop3A_479 : i32 to vector<16xi32>
        %parallel_loop3A_481 = arith.addi %iota3A, %parallel_loop3A_480 : vector<16xi32>
        %parallel_loop3A_482 = tpu.vector_load_idx %arg7[%parallel_loop3A_481, %parallel_loop3A_405] : memref<512x32xf32, #tpu.memory_space<vmem>>[vector<16xi32>, vector<16xi32>], vector<16xf32>,
        %parallel_loop3A_483 = arith.constant 16 : i32
        %parallel_loop3A_484 = vector.broadcast %parallel_loop3A_483 : i32 to vector<16xi32>
        %parallel_loop3A_485 = arith.addi %iota3A, %parallel_loop3A_484 : vector<16xi32>
        tpu.vector_store_idx %arg9[%parallel_loop3A_408, %parallel_loop3A_471, %parallel_loop3A_411, %parallel_loop3A_485], %parallel_loop3A_482 : memref<4x4x8x128xf32, #tpu.memory_space<vmem>>[vector<16xi32>, vector<16xi32>, vector<16xi32>, vector<16xi32>], vector<16xf32>,
        %parallel_loop3A_486 = arith.constant 160 : i32
        %parallel_loop3A_487 = vector.broadcast %parallel_loop3A_486 : i32 to vector<16xi32>
        %parallel_loop3A_488 = arith.addi %iota3A, %parallel_loop3A_487 : vector<16xi32>
        %parallel_loop3A_489 = tpu.vector_load_idx %arg7[%parallel_loop3A_488, %parallel_loop3A_405] : memref<512x32xf32, #tpu.memory_space<vmem>>[vector<16xi32>, vector<16xi32>], vector<16xf32>,
        %parallel_loop3A_490 = arith.constant 32 : i32
        %parallel_loop3A_491 = vector.broadcast %parallel_loop3A_490 : i32 to vector<16xi32>
        %parallel_loop3A_492 = arith.addi %iota3A, %parallel_loop3A_491 : vector<16xi32>
        tpu.vector_store_idx %arg9[%parallel_loop3A_408, %parallel_loop3A_471, %parallel_loop3A_411, %parallel_loop3A_492], %parallel_loop3A_489 : memref<4x4x8x128xf32, #tpu.memory_space<vmem>>[vector<16xi32>, vector<16xi32>, vector<16xi32>, vector<16xi32>], vector<16xf32>,
        %parallel_loop3A_493 = arith.constant 176 : i32
        %parallel_loop3A_494 = vector.broadcast %parallel_loop3A_493 : i32 to vector<16xi32>
        %parallel_loop3A_495 = arith.addi %iota3A, %parallel_loop3A_494 : vector<16xi32>
        %parallel_loop3A_496 = tpu.vector_load_idx %arg7[%parallel_loop3A_495, %parallel_loop3A_405] : memref<512x32xf32, #tpu.memory_space<vmem>>[vector<16xi32>, vector<16xi32>], vector<16xf32>,
        %parallel_loop3A_497 = arith.constant 48 : i32
        %parallel_loop3A_498 = vector.broadcast %parallel_loop3A_497 : i32 to vector<16xi32>
        %parallel_loop3A_499 = arith.addi %iota3A, %parallel_loop3A_498 : vector<16xi32>
        tpu.vector_store_idx %arg9[%parallel_loop3A_408, %parallel_loop3A_471, %parallel_loop3A_411, %parallel_loop3A_499], %parallel_loop3A_496 : memref<4x4x8x128xf32, #tpu.memory_space<vmem>>[vector<16xi32>, vector<16xi32>, vector<16xi32>, vector<16xi32>], vector<16xf32>,
        %parallel_loop3A_500 = arith.constant 192 : i32
        %parallel_loop3A_501 = vector.broadcast %parallel_loop3A_500 : i32 to vector<16xi32>
        %parallel_loop3A_502 = arith.addi %iota3A, %parallel_loop3A_501 : vector<16xi32>
        %parallel_loop3A_503 = tpu.vector_load_idx %arg7[%parallel_loop3A_502, %parallel_loop3A_405] : memref<512x32xf32, #tpu.memory_space<vmem>>[vector<16xi32>, vector<16xi32>], vector<16xf32>,
        %parallel_loop3A_504 = arith.constant 64 : i32
        %parallel_loop3A_505 = vector.broadcast %parallel_loop3A_504 : i32 to vector<16xi32>
        %parallel_loop3A_506 = arith.addi %iota3A, %parallel_loop3A_505 : vector<16xi32>
        tpu.vector_store_idx %arg9[%parallel_loop3A_408, %parallel_loop3A_471, %parallel_loop3A_411, %parallel_loop3A_506], %parallel_loop3A_503 : memref<4x4x8x128xf32, #tpu.memory_space<vmem>>[vector<16xi32>, vector<16xi32>, vector<16xi32>, vector<16xi32>], vector<16xf32>,
        %parallel_loop3A_507 = arith.constant 208 : i32
        %parallel_loop3A_508 = vector.broadcast %parallel_loop3A_507 : i32 to vector<16xi32>
        %parallel_loop3A_509 = arith.addi %iota3A, %parallel_loop3A_508 : vector<16xi32>
        %parallel_loop3A_510 = tpu.vector_load_idx %arg7[%parallel_loop3A_509, %parallel_loop3A_405] : memref<512x32xf32, #tpu.memory_space<vmem>>[vector<16xi32>, vector<16xi32>], vector<16xf32>,
        %parallel_loop3A_511 = arith.constant 80 : i32
        %parallel_loop3A_512 = vector.broadcast %parallel_loop3A_511 : i32 to vector<16xi32>
        %parallel_loop3A_513 = arith.addi %iota3A, %parallel_loop3A_512 : vector<16xi32>
        tpu.vector_store_idx %arg9[%parallel_loop3A_408, %parallel_loop3A_471, %parallel_loop3A_411, %parallel_loop3A_513], %parallel_loop3A_510 : memref<4x4x8x128xf32, #tpu.memory_space<vmem>>[vector<16xi32>, vector<16xi32>, vector<16xi32>, vector<16xi32>], vector<16xf32>,
        %parallel_loop3A_514 = arith.constant 224 : i32
        %parallel_loop3A_515 = vector.broadcast %parallel_loop3A_514 : i32 to vector<16xi32>
        %parallel_loop3A_516 = arith.addi %iota3A, %parallel_loop3A_515 : vector<16xi32>
        %parallel_loop3A_517 = tpu.vector_load_idx %arg7[%parallel_loop3A_516, %parallel_loop3A_405] : memref<512x32xf32, #tpu.memory_space<vmem>>[vector<16xi32>, vector<16xi32>], vector<16xf32>,
        %parallel_loop3A_518 = arith.constant 96 : i32
        %parallel_loop3A_519 = vector.broadcast %parallel_loop3A_518 : i32 to vector<16xi32>
        %parallel_loop3A_520 = arith.addi %iota3A, %parallel_loop3A_519 : vector<16xi32>
        tpu.vector_store_idx %arg9[%parallel_loop3A_408, %parallel_loop3A_471, %parallel_loop3A_411, %parallel_loop3A_520], %parallel_loop3A_517 : memref<4x4x8x128xf32, #tpu.memory_space<vmem>>[vector<16xi32>, vector<16xi32>, vector<16xi32>, vector<16xi32>], vector<16xf32>,
        %parallel_loop3A_521 = arith.constant 240 : i32
        %parallel_loop3A_522 = vector.broadcast %parallel_loop3A_521 : i32 to vector<16xi32>
        %parallel_loop3A_523 = arith.addi %iota3A, %parallel_loop3A_522 : vector<16xi32>
        %parallel_loop3A_524 = tpu.vector_load_idx %arg7[%parallel_loop3A_523, %parallel_loop3A_405] : memref<512x32xf32, #tpu.memory_space<vmem>>[vector<16xi32>, vector<16xi32>], vector<16xf32>,
        %parallel_loop3A_525 = arith.constant 112 : i32
        %parallel_loop3A_526 = vector.broadcast %parallel_loop3A_525 : i32 to vector<16xi32>
        %parallel_loop3A_527 = arith.addi %iota3A, %parallel_loop3A_526 : vector<16xi32>
        tpu.vector_store_idx %arg9[%parallel_loop3A_408, %parallel_loop3A_471, %parallel_loop3A_411, %parallel_loop3A_527], %parallel_loop3A_524 : memref<4x4x8x128xf32, #tpu.memory_space<vmem>>[vector<16xi32>, vector<16xi32>, vector<16xi32>, vector<16xi32>], vector<16xf32>,
        %parallel_loop3A_528 = arith.constant 2 : i32
        %parallel_loop3A_529 = vector.broadcast %parallel_loop3A_528 : i32 to vector<16xi32>
        %parallel_loop3A_530 = arith.constant 256 : i32
        %parallel_loop3A_531 = vector.broadcast %parallel_loop3A_530 : i32 to vector<16xi32>
        %parallel_loop3A_532 = arith.addi %iota3A, %parallel_loop3A_531 : vector<16xi32>
        %parallel_loop3A_533 = tpu.vector_load_idx %arg7[%parallel_loop3A_532, %parallel_loop3A_405] : memref<512x32xf32, #tpu.memory_space<vmem>>[vector<16xi32>, vector<16xi32>], vector<16xf32>,
        %parallel_loop3A_534 = arith.constant 0 : i32
        %parallel_loop3A_535 = vector.broadcast %parallel_loop3A_534 : i32 to vector<16xi32>
        %parallel_loop3A_536 = arith.addi %iota3A, %parallel_loop3A_535 : vector<16xi32>
        tpu.vector_store_idx %arg9[%parallel_loop3A_408, %parallel_loop3A_529, %parallel_loop3A_411, %parallel_loop3A_536], %parallel_loop3A_533 : memref<4x4x8x128xf32, #tpu.memory_space<vmem>>[vector<16xi32>, vector<16xi32>, vector<16xi32>, vector<16xi32>], vector<16xf32>,
        %parallel_loop3A_537 = arith.constant 272 : i32
        %parallel_loop3A_538 = vector.broadcast %parallel_loop3A_537 : i32 to vector<16xi32>
        %parallel_loop3A_539 = arith.addi %iota3A, %parallel_loop3A_538 : vector<16xi32>
        %parallel_loop3A_540 = tpu.vector_load_idx %arg7[%parallel_loop3A_539, %parallel_loop3A_405] : memref<512x32xf32, #tpu.memory_space<vmem>>[vector<16xi32>, vector<16xi32>], vector<16xf32>,
        %parallel_loop3A_541 = arith.constant 16 : i32
        %parallel_loop3A_542 = vector.broadcast %parallel_loop3A_541 : i32 to vector<16xi32>
        %parallel_loop3A_543 = arith.addi %iota3A, %parallel_loop3A_542 : vector<16xi32>
        tpu.vector_store_idx %arg9[%parallel_loop3A_408, %parallel_loop3A_529, %parallel_loop3A_411, %parallel_loop3A_543], %parallel_loop3A_540 : memref<4x4x8x128xf32, #tpu.memory_space<vmem>>[vector<16xi32>, vector<16xi32>, vector<16xi32>, vector<16xi32>], vector<16xf32>,
        %parallel_loop3A_544 = arith.constant 288 : i32
        %parallel_loop3A_545 = vector.broadcast %parallel_loop3A_544 : i32 to vector<16xi32>
        %parallel_loop3A_546 = arith.addi %iota3A, %parallel_loop3A_545 : vector<16xi32>
        %parallel_loop3A_547 = tpu.vector_load_idx %arg7[%parallel_loop3A_546, %parallel_loop3A_405] : memref<512x32xf32, #tpu.memory_space<vmem>>[vector<16xi32>, vector<16xi32>], vector<16xf32>,
        %parallel_loop3A_548 = arith.constant 32 : i32
        %parallel_loop3A_549 = vector.broadcast %parallel_loop3A_548 : i32 to vector<16xi32>
        %parallel_loop3A_550 = arith.addi %iota3A, %parallel_loop3A_549 : vector<16xi32>
        tpu.vector_store_idx %arg9[%parallel_loop3A_408, %parallel_loop3A_529, %parallel_loop3A_411, %parallel_loop3A_550], %parallel_loop3A_547 : memref<4x4x8x128xf32, #tpu.memory_space<vmem>>[vector<16xi32>, vector<16xi32>, vector<16xi32>, vector<16xi32>], vector<16xf32>,
        %parallel_loop3A_551 = arith.constant 304 : i32
        %parallel_loop3A_552 = vector.broadcast %parallel_loop3A_551 : i32 to vector<16xi32>
        %parallel_loop3A_553 = arith.addi %iota3A, %parallel_loop3A_552 : vector<16xi32>
        %parallel_loop3A_554 = tpu.vector_load_idx %arg7[%parallel_loop3A_553, %parallel_loop3A_405] : memref<512x32xf32, #tpu.memory_space<vmem>>[vector<16xi32>, vector<16xi32>], vector<16xf32>,
        %parallel_loop3A_555 = arith.constant 48 : i32
        %parallel_loop3A_556 = vector.broadcast %parallel_loop3A_555 : i32 to vector<16xi32>
        %parallel_loop3A_557 = arith.addi %iota3A, %parallel_loop3A_556 : vector<16xi32>
        tpu.vector_store_idx %arg9[%parallel_loop3A_408, %parallel_loop3A_529, %parallel_loop3A_411, %parallel_loop3A_557], %parallel_loop3A_554 : memref<4x4x8x128xf32, #tpu.memory_space<vmem>>[vector<16xi32>, vector<16xi32>, vector<16xi32>, vector<16xi32>], vector<16xf32>,
        %parallel_loop3A_558 = arith.constant 320 : i32
        %parallel_loop3A_559 = vector.broadcast %parallel_loop3A_558 : i32 to vector<16xi32>
        %parallel_loop3A_560 = arith.addi %iota3A, %parallel_loop3A_559 : vector<16xi32>
        %parallel_loop3A_561 = tpu.vector_load_idx %arg7[%parallel_loop3A_560, %parallel_loop3A_405] : memref<512x32xf32, #tpu.memory_space<vmem>>[vector<16xi32>, vector<16xi32>], vector<16xf32>,
        %parallel_loop3A_562 = arith.constant 64 : i32
        %parallel_loop3A_563 = vector.broadcast %parallel_loop3A_562 : i32 to vector<16xi32>
        %parallel_loop3A_564 = arith.addi %iota3A, %parallel_loop3A_563 : vector<16xi32>
        tpu.vector_store_idx %arg9[%parallel_loop3A_408, %parallel_loop3A_529, %parallel_loop3A_411, %parallel_loop3A_564], %parallel_loop3A_561 : memref<4x4x8x128xf32, #tpu.memory_space<vmem>>[vector<16xi32>, vector<16xi32>, vector<16xi32>, vector<16xi32>], vector<16xf32>,
        %parallel_loop3A_565 = arith.constant 336 : i32
        %parallel_loop3A_566 = vector.broadcast %parallel_loop3A_565 : i32 to vector<16xi32>
        %parallel_loop3A_567 = arith.addi %iota3A, %parallel_loop3A_566 : vector<16xi32>
        %parallel_loop3A_568 = tpu.vector_load_idx %arg7[%parallel_loop3A_567, %parallel_loop3A_405] : memref<512x32xf32, #tpu.memory_space<vmem>>[vector<16xi32>, vector<16xi32>], vector<16xf32>,
        %parallel_loop3A_569 = arith.constant 80 : i32
        %parallel_loop3A_570 = vector.broadcast %parallel_loop3A_569 : i32 to vector<16xi32>
        %parallel_loop3A_571 = arith.addi %iota3A, %parallel_loop3A_570 : vector<16xi32>
        tpu.vector_store_idx %arg9[%parallel_loop3A_408, %parallel_loop3A_529, %parallel_loop3A_411, %parallel_loop3A_571], %parallel_loop3A_568 : memref<4x4x8x128xf32, #tpu.memory_space<vmem>>[vector<16xi32>, vector<16xi32>, vector<16xi32>, vector<16xi32>], vector<16xf32>,
        %parallel_loop3A_572 = arith.constant 352 : i32
        %parallel_loop3A_573 = vector.broadcast %parallel_loop3A_572 : i32 to vector<16xi32>
        %parallel_loop3A_574 = arith.addi %iota3A, %parallel_loop3A_573 : vector<16xi32>
        %parallel_loop3A_575 = tpu.vector_load_idx %arg7[%parallel_loop3A_574, %parallel_loop3A_405] : memref<512x32xf32, #tpu.memory_space<vmem>>[vector<16xi32>, vector<16xi32>], vector<16xf32>,
        %parallel_loop3A_576 = arith.constant 96 : i32
        %parallel_loop3A_577 = vector.broadcast %parallel_loop3A_576 : i32 to vector<16xi32>
        %parallel_loop3A_578 = arith.addi %iota3A, %parallel_loop3A_577 : vector<16xi32>
        tpu.vector_store_idx %arg9[%parallel_loop3A_408, %parallel_loop3A_529, %parallel_loop3A_411, %parallel_loop3A_578], %parallel_loop3A_575 : memref<4x4x8x128xf32, #tpu.memory_space<vmem>>[vector<16xi32>, vector<16xi32>, vector<16xi32>, vector<16xi32>], vector<16xf32>,
        %parallel_loop3A_579 = arith.constant 368 : i32
        %parallel_loop3A_580 = vector.broadcast %parallel_loop3A_579 : i32 to vector<16xi32>
        %parallel_loop3A_581 = arith.addi %iota3A, %parallel_loop3A_580 : vector<16xi32>
        %parallel_loop3A_582 = tpu.vector_load_idx %arg7[%parallel_loop3A_581, %parallel_loop3A_405] : memref<512x32xf32, #tpu.memory_space<vmem>>[vector<16xi32>, vector<16xi32>], vector<16xf32>,
        %parallel_loop3A_583 = arith.constant 112 : i32
        %parallel_loop3A_584 = vector.broadcast %parallel_loop3A_583 : i32 to vector<16xi32>
        %parallel_loop3A_585 = arith.addi %iota3A, %parallel_loop3A_584 : vector<16xi32>
        tpu.vector_store_idx %arg9[%parallel_loop3A_408, %parallel_loop3A_529, %parallel_loop3A_411, %parallel_loop3A_585], %parallel_loop3A_582 : memref<4x4x8x128xf32, #tpu.memory_space<vmem>>[vector<16xi32>, vector<16xi32>, vector<16xi32>, vector<16xi32>], vector<16xf32>,
        %parallel_loop3A_586 = arith.constant 3 : i32
        %parallel_loop3A_587 = vector.broadcast %parallel_loop3A_586 : i32 to vector<16xi32>
        %parallel_loop3A_588 = arith.constant 384 : i32
        %parallel_loop3A_589 = vector.broadcast %parallel_loop3A_588 : i32 to vector<16xi32>
        %parallel_loop3A_590 = arith.addi %iota3A, %parallel_loop3A_589 : vector<16xi32>
        %parallel_loop3A_591 = tpu.vector_load_idx %arg7[%parallel_loop3A_590, %parallel_loop3A_405] : memref<512x32xf32, #tpu.memory_space<vmem>>[vector<16xi32>, vector<16xi32>], vector<16xf32>,
        %parallel_loop3A_592 = arith.constant 0 : i32
        %parallel_loop3A_593 = vector.broadcast %parallel_loop3A_592 : i32 to vector<16xi32>
        %parallel_loop3A_594 = arith.addi %iota3A, %parallel_loop3A_593 : vector<16xi32>
        tpu.vector_store_idx %arg9[%parallel_loop3A_408, %parallel_loop3A_587, %parallel_loop3A_411, %parallel_loop3A_594], %parallel_loop3A_591 : memref<4x4x8x128xf32, #tpu.memory_space<vmem>>[vector<16xi32>, vector<16xi32>, vector<16xi32>, vector<16xi32>], vector<16xf32>,
        %parallel_loop3A_595 = arith.constant 400 : i32
        %parallel_loop3A_596 = vector.broadcast %parallel_loop3A_595 : i32 to vector<16xi32>
        %parallel_loop3A_597 = arith.addi %iota3A, %parallel_loop3A_596 : vector<16xi32>
        %parallel_loop3A_598 = tpu.vector_load_idx %arg7[%parallel_loop3A_597, %parallel_loop3A_405] : memref<512x32xf32, #tpu.memory_space<vmem>>[vector<16xi32>, vector<16xi32>], vector<16xf32>,
        %parallel_loop3A_599 = arith.constant 16 : i32
        %parallel_loop3A_600 = vector.broadcast %parallel_loop3A_599 : i32 to vector<16xi32>
        %parallel_loop3A_601 = arith.addi %iota3A, %parallel_loop3A_600 : vector<16xi32>
        tpu.vector_store_idx %arg9[%parallel_loop3A_408, %parallel_loop3A_587, %parallel_loop3A_411, %parallel_loop3A_601], %parallel_loop3A_598 : memref<4x4x8x128xf32, #tpu.memory_space<vmem>>[vector<16xi32>, vector<16xi32>, vector<16xi32>, vector<16xi32>], vector<16xf32>,
        %parallel_loop3A_602 = arith.constant 416 : i32
        %parallel_loop3A_603 = vector.broadcast %parallel_loop3A_602 : i32 to vector<16xi32>
        %parallel_loop3A_604 = arith.addi %iota3A, %parallel_loop3A_603 : vector<16xi32>
        %parallel_loop3A_605 = tpu.vector_load_idx %arg7[%parallel_loop3A_604, %parallel_loop3A_405] : memref<512x32xf32, #tpu.memory_space<vmem>>[vector<16xi32>, vector<16xi32>], vector<16xf32>,
        %parallel_loop3A_606 = arith.constant 32 : i32
        %parallel_loop3A_607 = vector.broadcast %parallel_loop3A_606 : i32 to vector<16xi32>
        %parallel_loop3A_608 = arith.addi %iota3A, %parallel_loop3A_607 : vector<16xi32>
        tpu.vector_store_idx %arg9[%parallel_loop3A_408, %parallel_loop3A_587, %parallel_loop3A_411, %parallel_loop3A_608], %parallel_loop3A_605 : memref<4x4x8x128xf32, #tpu.memory_space<vmem>>[vector<16xi32>, vector<16xi32>, vector<16xi32>, vector<16xi32>], vector<16xf32>,
        %parallel_loop3A_609 = arith.constant 432 : i32
        %parallel_loop3A_610 = vector.broadcast %parallel_loop3A_609 : i32 to vector<16xi32>
        %parallel_loop3A_611 = arith.addi %iota3A, %parallel_loop3A_610 : vector<16xi32>
        %parallel_loop3A_612 = tpu.vector_load_idx %arg7[%parallel_loop3A_611, %parallel_loop3A_405] : memref<512x32xf32, #tpu.memory_space<vmem>>[vector<16xi32>, vector<16xi32>], vector<16xf32>,
        %parallel_loop3A_613 = arith.constant 48 : i32
        %parallel_loop3A_614 = vector.broadcast %parallel_loop3A_613 : i32 to vector<16xi32>
        %parallel_loop3A_615 = arith.addi %iota3A, %parallel_loop3A_614 : vector<16xi32>
        tpu.vector_store_idx %arg9[%parallel_loop3A_408, %parallel_loop3A_587, %parallel_loop3A_411, %parallel_loop3A_615], %parallel_loop3A_612 : memref<4x4x8x128xf32, #tpu.memory_space<vmem>>[vector<16xi32>, vector<16xi32>, vector<16xi32>, vector<16xi32>], vector<16xf32>,
        %parallel_loop3A_616 = arith.constant 448 : i32
        %parallel_loop3A_617 = vector.broadcast %parallel_loop3A_616 : i32 to vector<16xi32>
        %parallel_loop3A_618 = arith.addi %iota3A, %parallel_loop3A_617 : vector<16xi32>
        %parallel_loop3A_619 = tpu.vector_load_idx %arg7[%parallel_loop3A_618, %parallel_loop3A_405] : memref<512x32xf32, #tpu.memory_space<vmem>>[vector<16xi32>, vector<16xi32>], vector<16xf32>,
        %parallel_loop3A_620 = arith.constant 64 : i32
        %parallel_loop3A_621 = vector.broadcast %parallel_loop3A_620 : i32 to vector<16xi32>
        %parallel_loop3A_622 = arith.addi %iota3A, %parallel_loop3A_621 : vector<16xi32>
        tpu.vector_store_idx %arg9[%parallel_loop3A_408, %parallel_loop3A_587, %parallel_loop3A_411, %parallel_loop3A_622], %parallel_loop3A_619 : memref<4x4x8x128xf32, #tpu.memory_space<vmem>>[vector<16xi32>, vector<16xi32>, vector<16xi32>, vector<16xi32>], vector<16xf32>,
        %parallel_loop3A_623 = arith.constant 464 : i32
        %parallel_loop3A_624 = vector.broadcast %parallel_loop3A_623 : i32 to vector<16xi32>
        %parallel_loop3A_625 = arith.addi %iota3A, %parallel_loop3A_624 : vector<16xi32>
        %parallel_loop3A_626 = tpu.vector_load_idx %arg7[%parallel_loop3A_625, %parallel_loop3A_405] : memref<512x32xf32, #tpu.memory_space<vmem>>[vector<16xi32>, vector<16xi32>], vector<16xf32>,
        %parallel_loop3A_627 = arith.constant 80 : i32
        %parallel_loop3A_628 = vector.broadcast %parallel_loop3A_627 : i32 to vector<16xi32>
        %parallel_loop3A_629 = arith.addi %iota3A, %parallel_loop3A_628 : vector<16xi32>
        tpu.vector_store_idx %arg9[%parallel_loop3A_408, %parallel_loop3A_587, %parallel_loop3A_411, %parallel_loop3A_629], %parallel_loop3A_626 : memref<4x4x8x128xf32, #tpu.memory_space<vmem>>[vector<16xi32>, vector<16xi32>, vector<16xi32>, vector<16xi32>], vector<16xf32>,
        %parallel_loop3A_630 = arith.constant 480 : i32
        %parallel_loop3A_631 = vector.broadcast %parallel_loop3A_630 : i32 to vector<16xi32>
        %parallel_loop3A_632 = arith.addi %iota3A, %parallel_loop3A_631 : vector<16xi32>
        %parallel_loop3A_633 = tpu.vector_load_idx %arg7[%parallel_loop3A_632, %parallel_loop3A_405] : memref<512x32xf32, #tpu.memory_space<vmem>>[vector<16xi32>, vector<16xi32>], vector<16xf32>,
        %parallel_loop3A_634 = arith.constant 96 : i32
        %parallel_loop3A_635 = vector.broadcast %parallel_loop3A_634 : i32 to vector<16xi32>
        %parallel_loop3A_636 = arith.addi %iota3A, %parallel_loop3A_635 : vector<16xi32>
        tpu.vector_store_idx %arg9[%parallel_loop3A_408, %parallel_loop3A_587, %parallel_loop3A_411, %parallel_loop3A_636], %parallel_loop3A_633 : memref<4x4x8x128xf32, #tpu.memory_space<vmem>>[vector<16xi32>, vector<16xi32>, vector<16xi32>, vector<16xi32>], vector<16xf32>,
        %parallel_loop3A_637 = arith.constant 496 : i32
        %parallel_loop3A_638 = vector.broadcast %parallel_loop3A_637 : i32 to vector<16xi32>
        %parallel_loop3A_639 = arith.addi %iota3A, %parallel_loop3A_638 : vector<16xi32>
        %parallel_loop3A_640 = tpu.vector_load_idx %arg7[%parallel_loop3A_639, %parallel_loop3A_405] : memref<512x32xf32, #tpu.memory_space<vmem>>[vector<16xi32>, vector<16xi32>], vector<16xf32>,
        %parallel_loop3A_641 = arith.constant 112 : i32
        %parallel_loop3A_642 = vector.broadcast %parallel_loop3A_641 : i32 to vector<16xi32>
        %parallel_loop3A_643 = arith.addi %iota3A, %parallel_loop3A_642 : vector<16xi32>
        tpu.vector_store_idx %arg9[%parallel_loop3A_408, %parallel_loop3A_587, %parallel_loop3A_411, %parallel_loop3A_643], %parallel_loop3A_640 : memref<4x4x8x128xf32, #tpu.memory_space<vmem>>[vector<16xi32>, vector<16xi32>, vector<16xi32>, vector<16xi32>], vector<16xf32>,
      } {sc.loop_unroll_factor = 4 : i64, sc.parallel_access}
      %mul3A_313 = arith.constant 4 : i32
      %mul3A_314 = arith.muli %add3A_298, %mul3A_313 : i32
      %dma_start3A_315 = arith.constant 0 : i32
      %dma_start3A_316 = arith.constant 0 : i32
      %dma_start3A_317 = arith.constant 0 : i32
      %dma_start3A_318 = arith.constant 0 : i32
      %dma_start3A_319 = arith.constant 0 : i32
      %dma_start3A_320 = tpu.memref_slice %arg9[%dma_start3A_315, %dma_start3A_317, %dma_start3A_318, %dma_start3A_319] : memref<4x4x8x128xf32, #tpu.memory_space<vmem>> -> memref<1x4x8x128xf32, #tpu.memory_space<vmem>>
      %dma_start3A_321 = tpu.memref_squeeze %dma_start3A_320 : memref<1x4x8x128xf32, #tpu.memory_space<vmem>> -> memref<4x8x128xf32, #tpu.memory_space<vmem>>
      %dma_start3A_322 = arith.constant 0 : i32
      %dma_start3A_323 = arith.constant 0 : i32
      %dma_start3A_324 = tpu.memref_slice %arg4[%mul3A_314, %dma_start3A_316, %add3A, %dma_start3A_322, %dma_start3A_323] : memref<200x4x32x8x128xf32, #tpu.memory_space<hbm>> -> memref<4x1x1x8x128xf32, #tpu.memory_space<hbm>>
      %dma_start3A_325 = tpu.memref_squeeze %dma_start3A_324 : memref<4x1x1x8x128xf32, #tpu.memory_space<hbm>> -> memref<4x8x128xf32, #tpu.memory_space<hbm>>
      %dma_start3A_326 = arith.constant 0 : i32
      %dma_start3A_327 = arith.constant 0 : i32
      %dma_start3A_328 = tpu.memref_slice %arg4[%mul3A_314, %dma_start3A_316, %add3A, %dma_start3A_326, %dma_start3A_327] : memref<200x4x32x8x128xf32, #tpu.memory_space<hbm>> -> memref<4x1x1x8x128xf32, #tpu.memory_space<hbm>>
      %dma_start3A_329 = tpu.memref_squeeze %dma_start3A_328 : memref<4x1x1x8x128xf32, #tpu.memory_space<hbm>> -> memref<4x8x128xf32, #tpu.memory_space<hbm>>
      %dma_start3A_330 = arith.constant 0 : i32
      %dma_start3A_331 = arith.constant 0 : i32
      %dma_start3A_332 = arith.constant 0 : i32
      %dma_start3A_333 = tpu.memref_slice %arg9[%dma_start3A_315, %dma_start3A_330, %dma_start3A_331, %dma_start3A_332] : memref<4x4x8x128xf32, #tpu.memory_space<vmem>> -> memref<1x4x8x128xf32, #tpu.memory_space<vmem>>
      %dma_start3A_334 = tpu.memref_squeeze %dma_start3A_333 : memref<1x4x8x128xf32, #tpu.memory_space<vmem>> -> memref<4x8x128xf32, #tpu.memory_space<vmem>>
      tpu.enqueue_dma source(%dma_start3A_334 : memref<4x8x128xf32, #tpu.memory_space<vmem>>) target(%dma_start3A_329 : memref<4x8x128xf32, #tpu.memory_space<hbm>>) target_semaphore(%arg13 : memref<!tpu.dma_semaphore, #tpu.memory_space<semaphore_mem>>)
      %dma_start3A_335 = arith.constant 1 : i32
      %dma_start3A_336 = arith.constant 1 : i32
      %dma_start3A_337 = arith.constant 0 : i32
      %dma_start3A_338 = arith.constant 0 : i32
      %dma_start3A_339 = arith.constant 0 : i32
      %dma_start3A_340 = tpu.memref_slice %arg9[%dma_start3A_335, %dma_start3A_337, %dma_start3A_338, %dma_start3A_339] : memref<4x4x8x128xf32, #tpu.memory_space<vmem>> -> memref<1x4x8x128xf32, #tpu.memory_space<vmem>>
      %dma_start3A_341 = tpu.memref_squeeze %dma_start3A_340 : memref<1x4x8x128xf32, #tpu.memory_space<vmem>> -> memref<4x8x128xf32, #tpu.memory_space<vmem>>
      %dma_start3A_342 = arith.constant 0 : i32
      %dma_start3A_343 = arith.constant 0 : i32
      %dma_start3A_344 = tpu.memref_slice %arg4[%mul3A_314, %dma_start3A_336, %add3A, %dma_start3A_342, %dma_start3A_343] : memref<200x4x32x8x128xf32, #tpu.memory_space<hbm>> -> memref<4x1x1x8x128xf32, #tpu.memory_space<hbm>>
      %dma_start3A_345 = tpu.memref_squeeze %dma_start3A_344 : memref<4x1x1x8x128xf32, #tpu.memory_space<hbm>> -> memref<4x8x128xf32, #tpu.memory_space<hbm>>
      %dma_start3A_346 = arith.constant 0 : i32
      %dma_start3A_347 = arith.constant 0 : i32
      %dma_start3A_348 = tpu.memref_slice %arg4[%mul3A_314, %dma_start3A_336, %add3A, %dma_start3A_346, %dma_start3A_347] : memref<200x4x32x8x128xf32, #tpu.memory_space<hbm>> -> memref<4x1x1x8x128xf32, #tpu.memory_space<hbm>>
      %dma_start3A_349 = tpu.memref_squeeze %dma_start3A_348 : memref<4x1x1x8x128xf32, #tpu.memory_space<hbm>> -> memref<4x8x128xf32, #tpu.memory_space<hbm>>
      %dma_start3A_350 = arith.constant 0 : i32
      %dma_start3A_351 = arith.constant 0 : i32
      %dma_start3A_352 = arith.constant 0 : i32
      %dma_start3A_353 = tpu.memref_slice %arg9[%dma_start3A_335, %dma_start3A_350, %dma_start3A_351, %dma_start3A_352] : memref<4x4x8x128xf32, #tpu.memory_space<vmem>> -> memref<1x4x8x128xf32, #tpu.memory_space<vmem>>
      %dma_start3A_354 = tpu.memref_squeeze %dma_start3A_353 : memref<1x4x8x128xf32, #tpu.memory_space<vmem>> -> memref<4x8x128xf32, #tpu.memory_space<vmem>>
      tpu.enqueue_dma source(%dma_start3A_354 : memref<4x8x128xf32, #tpu.memory_space<vmem>>) target(%dma_start3A_349 : memref<4x8x128xf32, #tpu.memory_space<hbm>>) target_semaphore(%arg13 : memref<!tpu.dma_semaphore, #tpu.memory_space<semaphore_mem>>)
      %dma_start3A_355 = arith.constant 2 : i32
      %dma_start3A_356 = arith.constant 2 : i32
      %dma_start3A_357 = arith.constant 0 : i32
      %dma_start3A_358 = arith.constant 0 : i32
      %dma_start3A_359 = arith.constant 0 : i32
      %dma_start3A_360 = tpu.memref_slice %arg9[%dma_start3A_355, %dma_start3A_357, %dma_start3A_358, %dma_start3A_359] : memref<4x4x8x128xf32, #tpu.memory_space<vmem>> -> memref<1x4x8x128xf32, #tpu.memory_space<vmem>>
      %dma_start3A_361 = tpu.memref_squeeze %dma_start3A_360 : memref<1x4x8x128xf32, #tpu.memory_space<vmem>> -> memref<4x8x128xf32, #tpu.memory_space<vmem>>
      %dma_start3A_362 = arith.constant 0 : i32
      %dma_start3A_363 = arith.constant 0 : i32
      %dma_start3A_364 = tpu.memref_slice %arg4[%mul3A_314, %dma_start3A_356, %add3A, %dma_start3A_362, %dma_start3A_363] : memref<200x4x32x8x128xf32, #tpu.memory_space<hbm>> -> memref<4x1x1x8x128xf32, #tpu.memory_space<hbm>>
      %dma_start3A_365 = tpu.memref_squeeze %dma_start3A_364 : memref<4x1x1x8x128xf32, #tpu.memory_space<hbm>> -> memref<4x8x128xf32, #tpu.memory_space<hbm>>
      %dma_start3A_366 = arith.constant 0 : i32
      %dma_start3A_367 = arith.constant 0 : i32
      %dma_start3A_368 = tpu.memref_slice %arg4[%mul3A_314, %dma_start3A_356, %add3A, %dma_start3A_366, %dma_start3A_367] : memref<200x4x32x8x128xf32, #tpu.memory_space<hbm>> -> memref<4x1x1x8x128xf32, #tpu.memory_space<hbm>>
      %dma_start3A_369 = tpu.memref_squeeze %dma_start3A_368 : memref<4x1x1x8x128xf32, #tpu.memory_space<hbm>> -> memref<4x8x128xf32, #tpu.memory_space<hbm>>
      %dma_start3A_370 = arith.constant 0 : i32
      %dma_start3A_371 = arith.constant 0 : i32
      %dma_start3A_372 = arith.constant 0 : i32
      %dma_start3A_373 = tpu.memref_slice %arg9[%dma_start3A_355, %dma_start3A_370, %dma_start3A_371, %dma_start3A_372] : memref<4x4x8x128xf32, #tpu.memory_space<vmem>> -> memref<1x4x8x128xf32, #tpu.memory_space<vmem>>
      %dma_start3A_374 = tpu.memref_squeeze %dma_start3A_373 : memref<1x4x8x128xf32, #tpu.memory_space<vmem>> -> memref<4x8x128xf32, #tpu.memory_space<vmem>>
      tpu.enqueue_dma source(%dma_start3A_374 : memref<4x8x128xf32, #tpu.memory_space<vmem>>) target(%dma_start3A_369 : memref<4x8x128xf32, #tpu.memory_space<hbm>>) target_semaphore(%arg13 : memref<!tpu.dma_semaphore, #tpu.memory_space<semaphore_mem>>)
      %dma_start3A_375 = arith.constant 3 : i32
      %dma_start3A_376 = arith.constant 3 : i32
      %dma_start3A_377 = arith.constant 0 : i32
      %dma_start3A_378 = arith.constant 0 : i32
      %dma_start3A_379 = arith.constant 0 : i32
      %dma_start3A_380 = tpu.memref_slice %arg9[%dma_start3A_375, %dma_start3A_377, %dma_start3A_378, %dma_start3A_379] : memref<4x4x8x128xf32, #tpu.memory_space<vmem>> -> memref<1x4x8x128xf32, #tpu.memory_space<vmem>>
      %dma_start3A_381 = tpu.memref_squeeze %dma_start3A_380 : memref<1x4x8x128xf32, #tpu.memory_space<vmem>> -> memref<4x8x128xf32, #tpu.memory_space<vmem>>
      %dma_start3A_382 = arith.constant 0 : i32
      %dma_start3A_383 = arith.constant 0 : i32
      %dma_start3A_384 = tpu.memref_slice %arg4[%mul3A_314, %dma_start3A_376, %add3A, %dma_start3A_382, %dma_start3A_383] : memref<200x4x32x8x128xf32, #tpu.memory_space<hbm>> -> memref<4x1x1x8x128xf32, #tpu.memory_space<hbm>>
      %dma_start3A_385 = tpu.memref_squeeze %dma_start3A_384 : memref<4x1x1x8x128xf32, #tpu.memory_space<hbm>> -> memref<4x8x128xf32, #tpu.memory_space<hbm>>
      %dma_start3A_386 = arith.constant 0 : i32
      %dma_start3A_387 = arith.constant 0 : i32
      %dma_start3A_388 = tpu.memref_slice %arg4[%mul3A_314, %dma_start3A_376, %add3A, %dma_start3A_386, %dma_start3A_387] : memref<200x4x32x8x128xf32, #tpu.memory_space<hbm>> -> memref<4x1x1x8x128xf32, #tpu.memory_space<hbm>>
      %dma_start3A_389 = tpu.memref_squeeze %dma_start3A_388 : memref<4x1x1x8x128xf32, #tpu.memory_space<hbm>> -> memref<4x8x128xf32, #tpu.memory_space<hbm>>
      %dma_start3A_390 = arith.constant 0 : i32
      %dma_start3A_391 = arith.constant 0 : i32
      %dma_start3A_392 = arith.constant 0 : i32
      %dma_start3A_393 = tpu.memref_slice %arg9[%dma_start3A_375, %dma_start3A_390, %dma_start3A_391, %dma_start3A_392] : memref<4x4x8x128xf32, #tpu.memory_space<vmem>> -> memref<1x4x8x128xf32, #tpu.memory_space<vmem>>
      %dma_start3A_394 = tpu.memref_squeeze %dma_start3A_393 : memref<1x4x8x128xf32, #tpu.memory_space<vmem>> -> memref<4x8x128xf32, #tpu.memory_space<vmem>>
      tpu.enqueue_dma source(%dma_start3A_394 : memref<4x8x128xf32, #tpu.memory_space<vmem>>) target(%dma_start3A_389 : memref<4x8x128xf32, #tpu.memory_space<hbm>>) target_semaphore(%arg13 : memref<!tpu.dma_semaphore, #tpu.memory_space<semaphore_mem>>)
      %lt3A_395 = arith.constant 24 : i32
      %lt3A_396 = arith.cmpi slt, %scan3A_194, %lt3A_395 : i32
      %convert_element_type3A_397 = arith.extui %lt3A_396 : i1 to i32
      %cond3A_398 = arith.constant 0 : i32
      %cond3A_399 = arith.cmpi ne, %convert_element_type3A_397, %cond3A_398 : i32
      scf.if %cond3A_399 {
        %add3A_400 = arith.constant 1 : i32
        %add3A_401 = arith.addi %scan3A_194, %add3A_400 : i32
        %dma_start3A_402 = arith.constant 512 : i32
        %dma_start3A_403 = tpu.memref_slice %arg5[%add3A_401, %dma_start3A_402] : memref<25x1024xi32, #tpu.memory_space<vmem>> -> memref<1x512xi32, #tpu.memory_space<vmem>>
        %dma_start3A_404 = tpu.memref_squeeze %dma_start3A_403 : memref<1x512xi32, #tpu.memory_space<vmem>> -> memref<512xi32, #tpu.memory_space<vmem>>
        %dma_start3A_405 = arith.constant 0 : i32
        %dma_start3A_406 = arith.constant 0 : i32
        %dma_start3A_407 = tpu.memref_slice %arg3[%dma_start3A_405, %dma_start3A_406] : memref<1000000x32xf32, #tpu.memory_space<hbm>> -> memref<1000000x32xf32, #tpu.memory_space<hbm>>
        tpu.enqueue_indirect_dma source(%dma_start3A_407 : memref<1000000x32xf32, #tpu.memory_space<hbm>>) target(%arg7 : memref<512x32xf32, #tpu.memory_space<vmem>>) offsets(%dma_start3A_404 : memref<512xi32, #tpu.memory_space<vmem>>) semaphore(%arg11 : memref<!tpu.dma_semaphore, #tpu.memory_space<semaphore_mem>>)
      } else {
      }
    }
    %scan3A_18 = arith.constant 25 : i32
    %dma_wait3A = arith.constant 0 : i32
    %dma_wait3A_19 = arith.constant 0 : i32
    %dma_wait3A_20 = arith.constant 0 : i32
    %dma_wait3A_21 = arith.constant 0 : i32
    %dma_wait3A_22 = arith.constant 0 : i32
    %dma_wait3A_23 = tpu.memref_slice %arg8[%dma_wait3A, %dma_wait3A_20, %dma_wait3A_21, %dma_wait3A_22] : memref<4x4x8x128xf32, #tpu.memory_space<vmem>> -> memref<1x4x8x128xf32, #tpu.memory_space<vmem>>
    %dma_wait3A_24 = tpu.memref_squeeze %dma_wait3A_23 : memref<1x4x8x128xf32, #tpu.memory_space<vmem>> -> memref<4x8x128xf32, #tpu.memory_space<vmem>>
    %dma_wait3A_25 = arith.constant 0 : i32
    %dma_wait3A_26 = arith.constant 0 : i32
    %dma_wait3A_27 = arith.constant 0 : i32
    %dma_wait3A_28 = tpu.memref_slice %arg4[%dma_wait3A_25, %dma_wait3A_19, %add3A, %dma_wait3A_26, %dma_wait3A_27] : memref<200x4x32x8x128xf32, #tpu.memory_space<hbm>> -> memref<4x1x1x8x128xf32, #tpu.memory_space<hbm>>
    %dma_wait3A_29 = tpu.memref_squeeze %dma_wait3A_28 : memref<4x1x1x8x128xf32, #tpu.memory_space<hbm>> -> memref<4x8x128xf32, #tpu.memory_space<hbm>>
    %dma_wait3A_30 = arith.constant 0 : i32
    %dma_wait3A_31 = arith.constant 0 : i32
    %dma_wait3A_32 = arith.constant 0 : i32
    %dma_wait3A_33 = tpu.memref_slice %arg4[%dma_wait3A_30, %dma_wait3A_19, %add3A, %dma_wait3A_31, %dma_wait3A_32] : memref<200x4x32x8x128xf32, #tpu.memory_space<hbm>> -> memref<4x1x1x8x128xf32, #tpu.memory_space<hbm>>
    %dma_wait3A_34 = tpu.memref_squeeze %dma_wait3A_33 : memref<4x1x1x8x128xf32, #tpu.memory_space<hbm>> -> memref<4x8x128xf32, #tpu.memory_space<hbm>>
    %dma_wait3A_35 = arith.constant 0 : i32
    %dma_wait3A_36 = arith.constant 0 : i32
    %dma_wait3A_37 = arith.constant 0 : i32
    %dma_wait3A_38 = tpu.memref_slice %arg8[%dma_wait3A, %dma_wait3A_35, %dma_wait3A_36, %dma_wait3A_37] : memref<4x4x8x128xf32, #tpu.memory_space<vmem>> -> memref<1x4x8x128xf32, #tpu.memory_space<vmem>>
    %dma_wait3A_39 = tpu.memref_squeeze %dma_wait3A_38 : memref<1x4x8x128xf32, #tpu.memory_space<vmem>> -> memref<4x8x128xf32, #tpu.memory_space<vmem>>
    tpu.wait_dma2 semaphore(%arg12 : memref<!tpu.dma_semaphore, #tpu.memory_space<semaphore_mem>>) src(%dma_wait3A_39 : memref<4x8x128xf32, #tpu.memory_space<vmem>>) dst(%dma_wait3A_34 : memref<4x8x128xf32, #tpu.memory_space<hbm>>)
    %dma_wait3A_40 = arith.constant 0 : i32
    %dma_wait3A_41 = arith.constant 0 : i32
    %dma_wait3A_42 = arith.constant 0 : i32
    %dma_wait3A_43 = arith.constant 0 : i32
    %dma_wait3A_44 = arith.constant 0 : i32
    %dma_wait3A_45 = tpu.memref_slice %arg8[%dma_wait3A_40, %dma_wait3A_42, %dma_wait3A_43, %dma_wait3A_44] : memref<4x4x8x128xf32, #tpu.memory_space<vmem>> -> memref<1x4x8x128xf32, #tpu.memory_space<vmem>>
    %dma_wait3A_46 = tpu.memref_squeeze %dma_wait3A_45 : memref<1x4x8x128xf32, #tpu.memory_space<vmem>> -> memref<4x8x128xf32, #tpu.memory_space<vmem>>
    %dma_wait3A_47 = arith.constant 0 : i32
    %dma_wait3A_48 = arith.constant 0 : i32
    %dma_wait3A_49 = arith.constant 0 : i32
    %dma_wait3A_50 = tpu.memref_slice %arg4[%dma_wait3A_47, %dma_wait3A_41, %add3A, %dma_wait3A_48, %dma_wait3A_49] : memref<200x4x32x8x128xf32, #tpu.memory_space<hbm>> -> memref<4x1x1x8x128xf32, #tpu.memory_space<hbm>>
    %dma_wait3A_51 = tpu.memref_squeeze %dma_wait3A_50 : memref<4x1x1x8x128xf32, #tpu.memory_space<hbm>> -> memref<4x8x128xf32, #tpu.memory_space<hbm>>
    %dma_wait3A_52 = arith.constant 0 : i32
    %dma_wait3A_53 = arith.constant 0 : i32
    %dma_wait3A_54 = arith.constant 0 : i32
    %dma_wait3A_55 = tpu.memref_slice %arg4[%dma_wait3A_52, %dma_wait3A_41, %add3A, %dma_wait3A_53, %dma_wait3A_54] : memref<200x4x32x8x128xf32, #tpu.memory_space<hbm>> -> memref<4x1x1x8x128xf32, #tpu.memory_space<hbm>>
    %dma_wait3A_56 = tpu.memref_squeeze %dma_wait3A_55 : memref<4x1x1x8x128xf32, #tpu.memory_space<hbm>> -> memref<4x8x128xf32, #tpu.memory_space<hbm>>
    %dma_wait3A_57 = arith.constant 0 : i32
    %dma_wait3A_58 = arith.constant 0 : i32
    %dma_wait3A_59 = arith.constant 0 : i32
    %dma_wait3A_60 = tpu.memref_slice %arg8[%dma_wait3A_40, %dma_wait3A_57, %dma_wait3A_58, %dma_wait3A_59] : memref<4x4x8x128xf32, #tpu.memory_space<vmem>> -> memref<1x4x8x128xf32, #tpu.memory_space<vmem>>
    %dma_wait3A_61 = tpu.memref_squeeze %dma_wait3A_60 : memref<1x4x8x128xf32, #tpu.memory_space<vmem>> -> memref<4x8x128xf32, #tpu.memory_space<vmem>>
    tpu.wait_dma2 semaphore(%arg12 : memref<!tpu.dma_semaphore, #tpu.memory_space<semaphore_mem>>) src(%dma_wait3A_61 : memref<4x8x128xf32, #tpu.memory_space<vmem>>) dst(%dma_wait3A_56 : memref<4x8x128xf32, #tpu.memory_space<hbm>>)
    %dma_wait3A_62 = arith.constant 0 : i32
    %dma_wait3A_63 = arith.constant 0 : i32
    %dma_wait3A_64 = arith.constant 0 : i32
    %dma_wait3A_65 = arith.constant 0 : i32
    %dma_wait3A_66 = arith.constant 0 : i32
    %dma_wait3A_67 = tpu.memref_slice %arg8[%dma_wait3A_62, %dma_wait3A_64, %dma_wait3A_65, %dma_wait3A_66] : memref<4x4x8x128xf32, #tpu.memory_space<vmem>> -> memref<1x4x8x128xf32, #tpu.memory_space<vmem>>
    %dma_wait3A_68 = tpu.memref_squeeze %dma_wait3A_67 : memref<1x4x8x128xf32, #tpu.memory_space<vmem>> -> memref<4x8x128xf32, #tpu.memory_space<vmem>>
    %dma_wait3A_69 = arith.constant 0 : i32
    %dma_wait3A_70 = arith.constant 0 : i32
    %dma_wait3A_71 = arith.constant 0 : i32
    %dma_wait3A_72 = tpu.memref_slice %arg4[%dma_wait3A_69, %dma_wait3A_63, %add3A, %dma_wait3A_70, %dma_wait3A_71] : memref<200x4x32x8x128xf32, #tpu.memory_space<hbm>> -> memref<4x1x1x8x128xf32, #tpu.memory_space<hbm>>
    %dma_wait3A_73 = tpu.memref_squeeze %dma_wait3A_72 : memref<4x1x1x8x128xf32, #tpu.memory_space<hbm>> -> memref<4x8x128xf32, #tpu.memory_space<hbm>>
    %dma_wait3A_74 = arith.constant 0 : i32
    %dma_wait3A_75 = arith.constant 0 : i32
    %dma_wait3A_76 = arith.constant 0 : i32
    %dma_wait3A_77 = tpu.memref_slice %arg4[%dma_wait3A_74, %dma_wait3A_63, %add3A, %dma_wait3A_75, %dma_wait3A_76] : memref<200x4x32x8x128xf32, #tpu.memory_space<hbm>> -> memref<4x1x1x8x128xf32, #tpu.memory_space<hbm>>
    %dma_wait3A_78 = tpu.memref_squeeze %dma_wait3A_77 : memref<4x1x1x8x128xf32, #tpu.memory_space<hbm>> -> memref<4x8x128xf32, #tpu.memory_space<hbm>>
    %dma_wait3A_79 = arith.constant 0 : i32
    %dma_wait3A_80 = arith.constant 0 : i32
    %dma_wait3A_81 = arith.constant 0 : i32
    %dma_wait3A_82 = tpu.memref_slice %arg8[%dma_wait3A_62, %dma_wait3A_79, %dma_wait3A_80, %dma_wait3A_81] : memref<4x4x8x128xf32, #tpu.memory_space<vmem>> -> memref<1x4x8x128xf32, #tpu.memory_space<vmem>>
    %dma_wait3A_83 = tpu.memref_squeeze %dma_wait3A_82 : memref<1x4x8x128xf32, #tpu.memory_space<vmem>> -> memref<4x8x128xf32, #tpu.memory_space<vmem>>
    tpu.wait_dma2 semaphore(%arg12 : memref<!tpu.dma_semaphore, #tpu.memory_space<semaphore_mem>>) src(%dma_wait3A_83 : memref<4x8x128xf32, #tpu.memory_space<vmem>>) dst(%dma_wait3A_78 : memref<4x8x128xf32, #tpu.memory_space<hbm>>)
    %dma_wait3A_84 = arith.constant 0 : i32
    %dma_wait3A_85 = arith.constant 0 : i32
    %dma_wait3A_86 = arith.constant 0 : i32
    %dma_wait3A_87 = arith.constant 0 : i32
    %dma_wait3A_88 = arith.constant 0 : i32
    %dma_wait3A_89 = tpu.memref_slice %arg8[%dma_wait3A_84, %dma_wait3A_86, %dma_wait3A_87, %dma_wait3A_88] : memref<4x4x8x128xf32, #tpu.memory_space<vmem>> -> memref<1x4x8x128xf32, #tpu.memory_space<vmem>>
    %dma_wait3A_90 = tpu.memref_squeeze %dma_wait3A_89 : memref<1x4x8x128xf32, #tpu.memory_space<vmem>> -> memref<4x8x128xf32, #tpu.memory_space<vmem>>
    %dma_wait3A_91 = arith.constant 0 : i32
    %dma_wait3A_92 = arith.constant 0 : i32
    %dma_wait3A_93 = arith.constant 0 : i32
    %dma_wait3A_94 = tpu.memref_slice %arg4[%dma_wait3A_91, %dma_wait3A_85, %add3A, %dma_wait3A_92, %dma_wait3A_93] : memref<200x4x32x8x128xf32, #tpu.memory_space<hbm>> -> memref<4x1x1x8x128xf32, #tpu.memory_space<hbm>>
    %dma_wait3A_95 = tpu.memref_squeeze %dma_wait3A_94 : memref<4x1x1x8x128xf32, #tpu.memory_space<hbm>> -> memref<4x8x128xf32, #tpu.memory_space<hbm>>
    %dma_wait3A_96 = arith.constant 0 : i32
    %dma_wait3A_97 = arith.constant 0 : i32
    %dma_wait3A_98 = arith.constant 0 : i32
    %dma_wait3A_99 = tpu.memref_slice %arg4[%dma_wait3A_96, %dma_wait3A_85, %add3A, %dma_wait3A_97, %dma_wait3A_98] : memref<200x4x32x8x128xf32, #tpu.memory_space<hbm>> -> memref<4x1x1x8x128xf32, #tpu.memory_space<hbm>>
    %dma_wait3A_100 = tpu.memref_squeeze %dma_wait3A_99 : memref<4x1x1x8x128xf32, #tpu.memory_space<hbm>> -> memref<4x8x128xf32, #tpu.memory_space<hbm>>
    %dma_wait3A_101 = arith.constant 0 : i32
    %dma_wait3A_102 = arith.constant 0 : i32
    %dma_wait3A_103 = arith.constant 0 : i32
    %dma_wait3A_104 = tpu.memref_slice %arg8[%dma_wait3A_84, %dma_wait3A_101, %dma_wait3A_102, %dma_wait3A_103] : memref<4x4x8x128xf32, #tpu.memory_space<vmem>> -> memref<1x4x8x128xf32, #tpu.memory_space<vmem>>
    %dma_wait3A_105 = tpu.memref_squeeze %dma_wait3A_104 : memref<1x4x8x128xf32, #tpu.memory_space<vmem>> -> memref<4x8x128xf32, #tpu.memory_space<vmem>>
    tpu.wait_dma2 semaphore(%arg12 : memref<!tpu.dma_semaphore, #tpu.memory_space<semaphore_mem>>) src(%dma_wait3A_105 : memref<4x8x128xf32, #tpu.memory_space<vmem>>) dst(%dma_wait3A_100 : memref<4x8x128xf32, #tpu.memory_space<hbm>>)
    %dma_wait3A_106 = arith.constant 0 : i32
    %dma_wait3A_107 = arith.constant 0 : i32
    %dma_wait3A_108 = arith.constant 0 : i32
    %dma_wait3A_109 = arith.constant 0 : i32
    %dma_wait3A_110 = arith.constant 0 : i32
    %dma_wait3A_111 = tpu.memref_slice %arg9[%dma_wait3A_106, %dma_wait3A_108, %dma_wait3A_109, %dma_wait3A_110] : memref<4x4x8x128xf32, #tpu.memory_space<vmem>> -> memref<1x4x8x128xf32, #tpu.memory_space<vmem>>
    %dma_wait3A_112 = tpu.memref_squeeze %dma_wait3A_111 : memref<1x4x8x128xf32, #tpu.memory_space<vmem>> -> memref<4x8x128xf32, #tpu.memory_space<vmem>>
    %dma_wait3A_113 = arith.constant 0 : i32
    %dma_wait3A_114 = arith.constant 0 : i32
    %dma_wait3A_115 = arith.constant 0 : i32
    %dma_wait3A_116 = tpu.memref_slice %arg4[%dma_wait3A_113, %dma_wait3A_107, %add3A, %dma_wait3A_114, %dma_wait3A_115] : memref<200x4x32x8x128xf32, #tpu.memory_space<hbm>> -> memref<4x1x1x8x128xf32, #tpu.memory_space<hbm>>
    %dma_wait3A_117 = tpu.memref_squeeze %dma_wait3A_116 : memref<4x1x1x8x128xf32, #tpu.memory_space<hbm>> -> memref<4x8x128xf32, #tpu.memory_space<hbm>>
    %dma_wait3A_118 = arith.constant 0 : i32
    %dma_wait3A_119 = arith.constant 0 : i32
    %dma_wait3A_120 = arith.constant 0 : i32
    %dma_wait3A_121 = tpu.memref_slice %arg4[%dma_wait3A_118, %dma_wait3A_107, %add3A, %dma_wait3A_119, %dma_wait3A_120] : memref<200x4x32x8x128xf32, #tpu.memory_space<hbm>> -> memref<4x1x1x8x128xf32, #tpu.memory_space<hbm>>
    %dma_wait3A_122 = tpu.memref_squeeze %dma_wait3A_121 : memref<4x1x1x8x128xf32, #tpu.memory_space<hbm>> -> memref<4x8x128xf32, #tpu.memory_space<hbm>>
    %dma_wait3A_123 = arith.constant 0 : i32
    %dma_wait3A_124 = arith.constant 0 : i32
    %dma_wait3A_125 = arith.constant 0 : i32
    %dma_wait3A_126 = tpu.memref_slice %arg9[%dma_wait3A_106, %dma_wait3A_123, %dma_wait3A_124, %dma_wait3A_125] : memref<4x4x8x128xf32, #tpu.memory_space<vmem>> -> memref<1x4x8x128xf32, #tpu.memory_space<vmem>>
    %dma_wait3A_127 = tpu.memref_squeeze %dma_wait3A_126 : memref<1x4x8x128xf32, #tpu.memory_space<vmem>> -> memref<4x8x128xf32, #tpu.memory_space<vmem>>
    tpu.wait_dma2 semaphore(%arg13 : memref<!tpu.dma_semaphore, #tpu.memory_space<semaphore_mem>>) src(%dma_wait3A_127 : memref<4x8x128xf32, #tpu.memory_space<vmem>>) dst(%dma_wait3A_122 : memref<4x8x128xf32, #tpu.memory_space<hbm>>)
    %dma_wait3A_128 = arith.constant 0 : i32
    %dma_wait3A_129 = arith.constant 0 : i32
    %dma_wait3A_130 = arith.constant 0 : i32
    %dma_wait3A_131 = arith.constant 0 : i32
    %dma_wait3A_132 = arith.constant 0 : i32
    %dma_wait3A_133 = tpu.memref_slice %arg9[%dma_wait3A_128, %dma_wait3A_130, %dma_wait3A_131, %dma_wait3A_132] : memref<4x4x8x128xf32, #tpu.memory_space<vmem>> -> memref<1x4x8x128xf32, #tpu.memory_space<vmem>>
    %dma_wait3A_134 = tpu.memref_squeeze %dma_wait3A_133 : memref<1x4x8x128xf32, #tpu.memory_space<vmem>> -> memref<4x8x128xf32, #tpu.memory_space<vmem>>
    %dma_wait3A_135 = arith.constant 0 : i32
    %dma_wait3A_136 = arith.constant 0 : i32
    %dma_wait3A_137 = arith.constant 0 : i32
    %dma_wait3A_138 = tpu.memref_slice %arg4[%dma_wait3A_135, %dma_wait3A_129, %add3A, %dma_wait3A_136, %dma_wait3A_137] : memref<200x4x32x8x128xf32, #tpu.memory_space<hbm>> -> memref<4x1x1x8x128xf32, #tpu.memory_space<hbm>>
    %dma_wait3A_139 = tpu.memref_squeeze %dma_wait3A_138 : memref<4x1x1x8x128xf32, #tpu.memory_space<hbm>> -> memref<4x8x128xf32, #tpu.memory_space<hbm>>
    %dma_wait3A_140 = arith.constant 0 : i32
    %dma_wait3A_141 = arith.constant 0 : i32
    %dma_wait3A_142 = arith.constant 0 : i32
    %dma_wait3A_143 = tpu.memref_slice %arg4[%dma_wait3A_140, %dma_wait3A_129, %add3A, %dma_wait3A_141, %dma_wait3A_142] : memref<200x4x32x8x128xf32, #tpu.memory_space<hbm>> -> memref<4x1x1x8x128xf32, #tpu.memory_space<hbm>>
    %dma_wait3A_144 = tpu.memref_squeeze %dma_wait3A_143 : memref<4x1x1x8x128xf32, #tpu.memory_space<hbm>> -> memref<4x8x128xf32, #tpu.memory_space<hbm>>
    %dma_wait3A_145 = arith.constant 0 : i32
    %dma_wait3A_146 = arith.constant 0 : i32
    %dma_wait3A_147 = arith.constant 0 : i32
    %dma_wait3A_148 = tpu.memref_slice %arg9[%dma_wait3A_128, %dma_wait3A_145, %dma_wait3A_146, %dma_wait3A_147] : memref<4x4x8x128xf32, #tpu.memory_space<vmem>> -> memref<1x4x8x128xf32, #tpu.memory_space<vmem>>
    %dma_wait3A_149 = tpu.memref_squeeze %dma_wait3A_148 : memref<1x4x8x128xf32, #tpu.memory_space<vmem>> -> memref<4x8x128xf32, #tpu.memory_space<vmem>>
    tpu.wait_dma2 semaphore(%arg13 : memref<!tpu.dma_semaphore, #tpu.memory_space<semaphore_mem>>) src(%dma_wait3A_149 : memref<4x8x128xf32, #tpu.memory_space<vmem>>) dst(%dma_wait3A_144 : memref<4x8x128xf32, #tpu.memory_space<hbm>>)
    %dma_wait3A_150 = arith.constant 0 : i32
    %dma_wait3A_151 = arith.constant 0 : i32
    %dma_wait3A_152 = arith.constant 0 : i32
    %dma_wait3A_153 = arith.constant 0 : i32
    %dma_wait3A_154 = arith.constant 0 : i32
    %dma_wait3A_155 = tpu.memref_slice %arg9[%dma_wait3A_150, %dma_wait3A_152, %dma_wait3A_153, %dma_wait3A_154] : memref<4x4x8x128xf32, #tpu.memory_space<vmem>> -> memref<1x4x8x128xf32, #tpu.memory_space<vmem>>
    %dma_wait3A_156 = tpu.memref_squeeze %dma_wait3A_155 : memref<1x4x8x128xf32, #tpu.memory_space<vmem>> -> memref<4x8x128xf32, #tpu.memory_space<vmem>>
    %dma_wait3A_157 = arith.constant 0 : i32
    %dma_wait3A_158 = arith.constant 0 : i32
    %dma_wait3A_159 = arith.constant 0 : i32
    %dma_wait3A_160 = tpu.memref_slice %arg4[%dma_wait3A_157, %dma_wait3A_151, %add3A, %dma_wait3A_158, %dma_wait3A_159] : memref<200x4x32x8x128xf32, #tpu.memory_space<hbm>> -> memref<4x1x1x8x128xf32, #tpu.memory_space<hbm>>
    %dma_wait3A_161 = tpu.memref_squeeze %dma_wait3A_160 : memref<4x1x1x8x128xf32, #tpu.memory_space<hbm>> -> memref<4x8x128xf32, #tpu.memory_space<hbm>>
    %dma_wait3A_162 = arith.constant 0 : i32
    %dma_wait3A_163 = arith.constant 0 : i32
    %dma_wait3A_164 = arith.constant 0 : i32
    %dma_wait3A_165 = tpu.memref_slice %arg4[%dma_wait3A_162, %dma_wait3A_151, %add3A, %dma_wait3A_163, %dma_wait3A_164] : memref<200x4x32x8x128xf32, #tpu.memory_space<hbm>> -> memref<4x1x1x8x128xf32, #tpu.memory_space<hbm>>
    %dma_wait3A_166 = tpu.memref_squeeze %dma_wait3A_165 : memref<4x1x1x8x128xf32, #tpu.memory_space<hbm>> -> memref<4x8x128xf32, #tpu.memory_space<hbm>>
    %dma_wait3A_167 = arith.constant 0 : i32
    %dma_wait3A_168 = arith.constant 0 : i32
    %dma_wait3A_169 = arith.constant 0 : i32
    %dma_wait3A_170 = tpu.memref_slice %arg9[%dma_wait3A_150, %dma_wait3A_167, %dma_wait3A_168, %dma_wait3A_169] : memref<4x4x8x128xf32, #tpu.memory_space<vmem>> -> memref<1x4x8x128xf32, #tpu.memory_space<vmem>>
    %dma_wait3A_171 = tpu.memref_squeeze %dma_wait3A_170 : memref<1x4x8x128xf32, #tpu.memory_space<vmem>> -> memref<4x8x128xf32, #tpu.memory_space<vmem>>
    tpu.wait_dma2 semaphore(%arg13 : memref<!tpu.dma_semaphore, #tpu.memory_space<semaphore_mem>>) src(%dma_wait3A_171 : memref<4x8x128xf32, #tpu.memory_space<vmem>>) dst(%dma_wait3A_166 : memref<4x8x128xf32, #tpu.memory_space<hbm>>)
    %dma_wait3A_172 = arith.constant 0 : i32
    %dma_wait3A_173 = arith.constant 0 : i32
    %dma_wait3A_174 = arith.constant 0 : i32
    %dma_wait3A_175 = arith.constant 0 : i32
    %dma_wait3A_176 = arith.constant 0 : i32
    %dma_wait3A_177 = tpu.memref_slice %arg9[%dma_wait3A_172, %dma_wait3A_174, %dma_wait3A_175, %dma_wait3A_176] : memref<4x4x8x128xf32, #tpu.memory_space<vmem>> -> memref<1x4x8x128xf32, #tpu.memory_space<vmem>>
    %dma_wait3A_178 = tpu.memref_squeeze %dma_wait3A_177 : memref<1x4x8x128xf32, #tpu.memory_space<vmem>> -> memref<4x8x128xf32, #tpu.memory_space<vmem>>
    %dma_wait3A_179 = arith.constant 0 : i32
    %dma_wait3A_180 = arith.constant 0 : i32
    %dma_wait3A_181 = arith.constant 0 : i32
    %dma_wait3A_182 = tpu.memref_slice %arg4[%dma_wait3A_179, %dma_wait3A_173, %add3A, %dma_wait3A_180, %dma_wait3A_181] : memref<200x4x32x8x128xf32, #tpu.memory_space<hbm>> -> memref<4x1x1x8x128xf32, #tpu.memory_space<hbm>>
    %dma_wait3A_183 = tpu.memref_squeeze %dma_wait3A_182 : memref<4x1x1x8x128xf32, #tpu.memory_space<hbm>> -> memref<4x8x128xf32, #tpu.memory_space<hbm>>
    %dma_wait3A_184 = arith.constant 0 : i32
    %dma_wait3A_185 = arith.constant 0 : i32
    %dma_wait3A_186 = arith.constant 0 : i32
    %dma_wait3A_187 = tpu.memref_slice %arg4[%dma_wait3A_184, %dma_wait3A_173, %add3A, %dma_wait3A_185, %dma_wait3A_186] : memref<200x4x32x8x128xf32, #tpu.memory_space<hbm>> -> memref<4x1x1x8x128xf32, #tpu.memory_space<hbm>>
    %dma_wait3A_188 = tpu.memref_squeeze %dma_wait3A_187 : memref<4x1x1x8x128xf32, #tpu.memory_space<hbm>> -> memref<4x8x128xf32, #tpu.memory_space<hbm>>
    %dma_wait3A_189 = arith.constant 0 : i32
    %dma_wait3A_190 = arith.constant 0 : i32
    %dma_wait3A_191 = arith.constant 0 : i32
    %dma_wait3A_192 = tpu.memref_slice %arg9[%dma_wait3A_172, %dma_wait3A_189, %dma_wait3A_190, %dma_wait3A_191] : memref<4x4x8x128xf32, #tpu.memory_space<vmem>> -> memref<1x4x8x128xf32, #tpu.memory_space<vmem>>
    %dma_wait3A_193 = tpu.memref_squeeze %dma_wait3A_192 : memref<1x4x8x128xf32, #tpu.memory_space<vmem>> -> memref<4x8x128xf32, #tpu.memory_space<vmem>>
    tpu.wait_dma2 semaphore(%arg13 : memref<!tpu.dma_semaphore, #tpu.memory_space<semaphore_mem>>) src(%dma_wait3A_193 : memref<4x8x128xf32, #tpu.memory_space<vmem>>) dst(%dma_wait3A_188 : memref<4x8x128xf32, #tpu.memory_space<hbm>>)
    return
  }
}

</mosaic_0001>

<sc_bundles>
// kernel: kernel.3.cloned.1.call-start
scs
__scs_entry_jumppad:
0x0: {  	(pc) =	sbr.rel $0x88, $3  }
0x1: {  	(tag) =	ssettag $0x0;
	lr =	simm.s32 $0x1  }
0x2: {  	[smem:$0x3F9F] =	sst lr;
	_ =	strace $0xD0000000  }
0x3: {  	_ = 	snop  }
0x4: {  	_ = 	snop  }
0x5: {  	_ = 	snop  }
0x6: {  	_ = 	snop  }
0x7: {  	_ = 	snop  }
__scs_overlays_trampoline_lowered:
0x8: {  	[smem:$0x3FAE] =	sst s0  }
0x9: {  	[smem:$0x3FAF] =	sst s1  }
0xa: {  	[smem:$0x3FB0] =	sst s2  }
0xb: {  	[smem:$0x3FB1] =	sst s3  }
0xc: {  	[smem:$0x3FB2] =	sst s4  }
0xd: {  	[smem:$0x3FB3] =	sst s5  }
0xe: {  	[smem:$0x3FB4] =	sst s6  }
0xf: {  	[smem:$0x3FB5] =	sst s7  }
0x10: {  	[smem:$0x3FB6] =	sst s8  }
0x11: {  	[smem:$0x3FB7] =	sst s9;
	s0 =	simm.s32 @!p0 $0x0  }
0x12: {  	s1 =	sld [smem:$0x3F9D];
	s0 =	simm.s32 @p0 $0x1  }
0x13: {  	[smem:$0x3FB8] =	sst s0;
	s0 =	simm.s32 @!p1 $0x0  }
0x14: {  	s2 =	sld [smem:$0x3F9C];
	s0 =	simm.s32 @p1 $0x1  }
0x15: {  	[smem:$0x3FB9] =	sst s0;
	s0 =	simm.s32 @!p2 $0x0  }
0x16: {  	s3 =	sld [smem:$0x3FDB];
	s0 =	simm.s32 @p2 $0x1  }
0x17: {  	s4 =	simm.s32 $0x1BF5;
	[smem:$0x3FBB] =	sst s0  }
0x18: {  	s0 =	sld [smem:$0x3F9E];
	_ =	swait.ge [sflag:s4], $0x0  }
0x19: {  	s7 =	sld [smem:$0x3F9F]  }
0x1a: {  	s8 =	sadd.s32 $0xFFFFE003, lr  }
0x1b: {  	s9 =	sadd.s32 $0xFFFFFEF7, lr;
	s5 =	simm.s32 $0xFFFFFFFF;
	p2 =	slt.u32 s8, $0xFFFFF086  }
0x1c: {  	p1 =	slt.u32 s9, $0xF7A;
	s5 =	simm.s32 @!p2 $0x0  }
0x1d: {  	s5 =	simm.s32 @p1 $0x1;
	p0 =	seq.s32 s7, s2  }
0x1e: {  	s7 =	smul.u32 @!p0 $0xF7A, s2;
	p2 =	seq.s32 @!p0 s5, $0x0  }
0x1f: {  	s9 =	smul.u32 $0xF7A, s1;
	s8 =	simm.s32 @!p0 $0x1BF5;
	p2 =	por !p2, p0  }
0x20: {  	[sflag:s8] =	ssyncset.s32 @!p0 $0xFFFFF086;
	s6 =	sadd.s32 @!p0 s3, s7;
	s7 =	simm.s32 @!p0 $0x108  }
0x21: {  	s3 =	sadd.s32 s3, s9;
	s6 =	sadd.s32 @!p0 $0x88, s6;
	s7 =	simm.s32 @p2 $0x1082  }
0x22: {  	[simem:s7], [sflag:s8] =	dma.local @!p0 [hbm:s6], $0xF7A  }
0x23: {  	s9 =	sor.u32 $0xD0000000, s2;
	s6 =	simm.s32 $0x108;
	_ =	swait.ge @!p0 [sflag:s8], $0x0  }
0x24: {  	s3 =	sadd.s32 $0x88, s3;
	s6 =	simm.s32 @!p1 $0x1082;
	[sflag:s4] =	ssyncset.s32 $0xFFFFF086  }
0x25: {  	[simem:s6], [sflag:s4] =	dma.local [hbm:s3], $0xF7A  }
0x26: {  	[smem:$0x3F9F] =	sst s1;
	(tag) =	ssettag s2;
	_ =	strace s9  }
0x27: {  	s1 =	sld [smem:$0x3FAF]  }
0x28: {  	s2 =	sld [smem:$0x3FB0]  }
0x29: {  	s4 =	sld [smem:$0x3FB2]  }
0x2a: {  	p0 =	seq.s32 s5, $0x0;
	s5 =	sld [smem:$0x3FB3]  }
0x2b: {  	s6 =	sld [smem:$0x3FB4]  }
0x2c: {  	s7 =	sld [smem:$0x3FB5]  }
0x2d: {  	s3 =	simm.s32 $0x108;
	s8 =	sld [smem:$0x3FB6]  }
0x2e: {  	s3 =	simm.s32 @!p0 $0x1082;
	s9 =	sld [smem:$0x3FB7]  }
0x2f: {  	lr =	sadd.s32 s0, s3;
	s0 =	sld [smem:$0x3FAE]  }
0x30: {  	s3 =	sld [smem:$0x3FB1]  }
0x31: {  	[smem:$0x3FBA] =	sst s10  }
0x32: {  	s10 =	sld [smem:$0x3FB8];
	_ =	sdelay $0x3  }
0x33: {  	p0 =	seq.s32 s10, $0x1;
	s10 =	sld [smem:$0x3FBA];
	_ =	sdelay $0x3  }
0x34: {  	[smem:$0x3FBA] =	sst s10  }
0x35: {  	s10 =	sld [smem:$0x3FB9];
	_ =	sdelay $0x3  }
0x36: {  	p1 =	seq.s32 s10, $0x1;
	s10 =	sld [smem:$0x3FBA];
	_ =	sdelay $0x3  }
0x37: {  	[smem:$0x3FBA] =	sst s10  }
0x38: {  	s10 =	sld [smem:$0x3FBB]  }
0x39: {  	_ = 	snop;
	(pc) =	sbr.ind lr, $3  }
0x3a: {  	_ = 	snop  }
0x3b: {  	_ = 	snop  }
0x3c: {  	p2 =	seq.s32 s10, $0x1;
	s10 =	sld [smem:$0x3FBA]  }
0x3d: {  	_ =	shalt  }
0x3e: {  	_ =	shalt  }
0x3f: {  	_ =	shalt  }
0x40: {  	_ =	shalt  }
0x41: {  	_ =	shalt  }
0x42: {  	_ =	shalt  }
0x43: {  	_ =	shalt  }
0x44: {  	_ =	shalt  }
0x45: {  	_ =	shalt  }
0x46: {  	_ =	shalt  }
0x47: {  	_ =	shalt  }
0x48: {  	_ =	shalt  }
0x49: {  	_ =	shalt  }
0x4a: {  	_ =	shalt  }
0x4b: {  	_ =	shalt  }
0x4c: {  	_ =	shalt  }
0x4d: {  	_ =	shalt  }
0x4e: {  	_ =	shalt  }
0x4f: {  	_ =	shalt  }
0x50: {  	_ =	shalt  }
0x51: {  	_ =	shalt  }
0x52: {  	_ =	shalt  }
0x53: {  	_ =	shalt  }
0x54: {  	_ =	shalt  }
0x55: {  	_ =	shalt  }
0x56: {  	_ =	shalt  }
0x57: {  	_ =	shalt  }
0x58: {  	_ =	shalt  }
0x59: {  	_ =	shalt  }
0x5a: {  	_ =	shalt  }
0x5b: {  	_ =	shalt  }
0x5c: {  	_ =	shalt  }
0x5d: {  	_ =	shalt  }
0x5e: {  	_ =	shalt  }
0x5f: {  	_ =	shalt  }
0x60: {  	_ =	shalt  }
0x61: {  	_ =	shalt  }
0x62: {  	_ =	shalt  }
0x63: {  	_ =	shalt  }
0x64: {  	_ =	shalt  }
0x65: {  	_ =	shalt  }
0x66: {  	_ =	shalt  }
0x67: {  	_ =	shalt  }
0x68: {  	_ =	shalt  }
0x69: {  	_ =	shalt  }
0x6a: {  	_ =	shalt  }
0x6b: {  	_ =	shalt  }
0x6c: {  	_ =	shalt  }
0x6d: {  	_ =	shalt  }
0x6e: {  	_ =	shalt  }
0x6f: {  	_ =	shalt  }
0x70: {  	_ =	shalt  }
0x71: {  	_ =	shalt  }
0x72: {  	_ =	shalt  }
0x73: {  	_ =	shalt  }
0x74: {  	_ =	shalt  }
0x75: {  	_ =	shalt  }
0x76: {  	_ =	shalt  }
0x77: {  	_ =	shalt  }
0x78: {  	_ =	shalt  }
0x79: {  	_ =	shalt  }
0x7a: {  	_ =	shalt  }
0x7b: {  	_ =	shalt  }
0x7c: {  	_ =	shalt  }
0x7d: {  	_ =	shalt  }
0x7e: {  	_ =	shalt  }
0x7f: {  	_ =	shalt  }
0x80: {  	_ =	shalt  }
0x81: {  	_ =	shalt  }
0x82: {  	_ =	shalt  }
0x83: {  	_ =	shalt  }
0x84: {  	_ =	shalt  }
0x85: {  	_ =	shalt  }
0x86: {  	_ =	shalt  }
0x87: {  	_ =	shalt  }
.Lfunc_end0:
.L_simem_size_0:
called_computation_lowered:
.L_overlay_start_0:
0x88: {  	s2 =	sld [smem:$0x3FD9]  }
0x89: {  	s3 =	sld [smem:$0x3FFE];
	_ =	sdelay $0x1  }
0x8a: {  	s1 =	srdreg.scid  }
0x8b: {  	s0 =	sand.u32 $0x1, s1  }
0x8c: {  	s17 =	sshll.u32 s0, $0xA;
	s2 =	sadd.s32 s3, s2  }
0x8d: {  	s2 =	sadd.s32 s2, s17  }
0x8e: {  	[smem:$0x3FC6] =	sst s2  }
0x8f: {  	_ = 	snop  }
0x90: {  	s2 =	sld [smem:$0x3FC9]  }
0x91: {  	s18 =	sld [smem:$0x3FD0];
	(tm) =	ssettm $0x1  }
0x92: {  	s4 =	sld [smem:$0x3FFB];
	_ =	sdelay $0x3  }
0x93: {  	_ =	strace s4  }
0x94: {  	s4 =	sld [smem:$0x3FFC];
	_ =	sdelay $0x3  }
0x95: {  	_ =	strace s4  }
0x96: {  	s4 =	sld [smem:$0x3FFD];
	_ =	sdelay $0x3  }
0x97: {  	_ =	strace s4  }
0x98: {  	_ =	strace $0x8FFFFFFF  }
0x99: {  	s19 =	sld [smem:$0x3FDB];
	_ =	sdelay $0x1  }
0x9a: {  	s5 =	simm.s32 $_scs_section_size  }
0x9b: {  	s6 =	simm.s32 $_size__tile_overlayer_lowered;
	s7 =	simm.s32 $_tile_overlayer_lowered  }
0x9c: {  	s22 =	simm.s32 $0x1BFF;
	s21 =	sshll.u32 s7, $0x1;
	s4 =	sadd.s32 s5, s19  }
0x9d: {  	s8 =	simm.s32 $0x0;
	s20 =	sshll.u32 s6, $0x1;
	s6 =	sadd.s32 s21, s4  }
0x9e: {  	[timem:s8], [sflag:s22] =	dma.local [hbm:s6], s20  }
0x9f: {  	_ =	swait.ge [sflag:s22], s20  }
0xa0: {  	s5 =	ssub.s32 $0x0, s20;
	[sflag:s22] =	ssyncset.done $0x0  }
0xa1: {  	[sflag:s22] =	ssyncadd.s32 s5;
	_ =	sdelay $0x1  }
0xa2: {  	s23 =	simm.s32 $0x1B8B  }
0xa3: {  	_ =	swait.ge [sflag:s23], $0x1  }
0xa4: {  	[sflag:s23] =	ssyncset.done $0x0  }
0xa5: {  	s25 =	simm.s32 $0x1B8E;
	s24 =	sld [smem:$0x3FFE];
	[sflag:s23] =	ssyncadd.s32 $0xFFFFFFFF  }
0xa6: {  	s26 =	simm.s32 $execute0_lowered;
	[smem:$0x3FD2] =	sst s25  }
0xa7: {  	s6 =	sshll.u32 s26, $0x1;
	_ =	strace $0x80000046;
	[dreg:$0x1] =	wrdreg $0xFFFFFFFF  }
0xa8: {  	s28 =	simm.s32 $_size_execute0_lowered;
	s4 =	sadd.s32 s4, s6;
	[dreg:$0x0] =	wrdreg $0x0  }
0xa9: {  	s6 =	sshll.u32 s28, $0x1;
	[dreg:$0x2] =	wrdreg s4  }
0xaa: {  	[dreg:$0x3] =	wrdreg s6  }
0xab: {  	[dreg:$0x4] =	wrdreg $0xC0  }
0xac: {  	_ =	task [dreg:s8], $0x5FFFF  }
0xad: {  	[dreg:$0x1] =	wrdreg $0xFFFFFFFF  }
0xae: {  	[dreg:$0x0] =	wrdreg $0x60  }
0xaf: {  	[dreg:$0x2] =	wrdreg s2  }
0xb0: {  	[dreg:$0x3] =	wrdreg s24  }
0xb1: {  	[dreg:$0x4] =	wrdreg s18  }
0xb2: {  	[dreg:$0x5] =	wrdreg $0x9  }
0xb3: {  	_ =	task.clear_ibuf [dreg:s8], $0x6FFFF;
	_ =	strace $0x90000046  }
0xb4: {  	s29 =	simm.s32 $0x9;
	_ =	strace $0x80000048  }
0xb5: {  	_ =	swait.ge [sflag:s29], $0x1  }
0xb6: {  	[sflag:s29] =	ssyncadd.s32 $0xFFFFFFFF  }
0xb7: {  	_ =	strace $0x90000048  }
0xb8: {  	_ =	sfence  }
0xb9: {  	s30 =	sld [smem:$0x0];
	_ =	sdelay $0x2  }
0xba: {  	s31 =	sshll.u32 s1, $0xD;
	s1 =	sshrl.u32 s1, $0x2  }
0xbb: {  	s3 =	sand.u32 $0x4000, s31;
	s1 =	sadd.s32 s1, s30  }
0xbc: {  	s0 =	sor.u32 s3, s0;
	s1 =	sshll.u32 s1, $0x11  }
0xbd: {  	s0 =	sor.u32 s1, s0  }
0xbe: {  	s0 =	sadd.s32 $0x8F2B, s0  }
0xbf: {  	[sflag:s0] =	ssyncadd.remote.s32 $0x1  }
0xc0: {  	_ =	sfence.sel $0xFFFF  }
0xc1: {  	[dreg:$0x0] =	wrdreg $0xFFFFFFFF;
	(pc) =	sbr.abs _section_cstart, $3  }
0xc2: {  	[dreg:$0x1] =	wrdreg $0xFFFFFFFF  }
0xc3: {  	_ =	task.clear_ibuf [dreg:s8], $0x2FFFF;
	_ =	strace $0x9FFFFFFF  }
0xc4: {  	(tm) =	ssettm $0x7FFFFFFF  }
0xc5: {  	_ =	shalt  }
tec
execute0_lowered:
.L_overlay_start_1:
0x0: {  	(tag) =	ssettag $0x1  }
0x1: {  	v0 =	vlaneseq.u32  }
0x2: {  	v32 =	vmul.u32 $0x20, v0;
	v1 =	vor.u32 $0x30, v0  }
0x3: {  	v57 =	vor.u32 $0x40, v0;
	[tilespmem:$0x1FC10] =	vst v1  }
0x4: {  	s0 =	rddreg [dreg:$0x0];
	[tilespmem:$0x1FC30] =	vst v57;
	v56 =	vor.u32 $0x800, v32  }
0x5: {  	s2 =	rddreg [dreg:$0x1];
	s5 =	simm.s32 $0x0;
	v58 =	vor.u32 $0xA00, v32;
	[tilespmem:$0x1FC20] =	vst v56  }
0x6: {  	[smem:$0x7FF] =	sst s5;
	v59 =	vor.u32 $0x810, v0;
	[tilespmem:$0x1FC40] =	vst v58  }
0x7: {  	s1 =	rddreg [dreg:$0x2];
	v60 =	vor.u32 $0x2400, v32;
	_ =	strace $0x80000047;
	[tilespmem:$0x1FC50] =	vst v59  }
0x8: {  	v61 =	vor.u32 $0x820, v0;
	[tilespmem:$0x1FC60] =	vst v60  }
0x9: {  	v62 =	vor.u32 $0x850, v0;
	[tilespmem:$0x1FC70] =	vst v61  }
0xa: {  	v63 =	vor.u32 $0x2C00, v32;
	[tilespmem:$0x1FC80] =	vst v62  }
0xb: {  	v4 =	vor.u32 $0x860, v0;
	[tilespmem:$0x1FC90] =	vst v63  }
0xc: {  	v5 =	vor.u32 $0x2E00, v32;
	[tilespmem:$0x1FCA0] =	vst v4  }
0xd: {  	v6 =	vor.u32 $0x870, v0;
	[tilespmem:$0x1FCB0] =	vst v5  }
0xe: {  	v7 =	vor.u32 $0x3000, v32;
	[tilespmem:$0x1FCC0] =	vst v6  }
0xf: {  	v8 =	vor.u32 $0xC00, v0;
	[tilespmem:$0x1FCD0] =	vst v7  }
0x10: {  	v9 =	vor.u32 $0x3200, v32;
	[tilespmem:$0x1FCE0] =	vst v8  }
0x11: {  	v10 =	vor.u32 $0xC10, v0;
	[tilespmem:$0x1FCF0] =	vst v9  }
0x12: {  	v11 =	vor.u32 $0x3400, v32;
	[tilespmem:$0x1FD00] =	vst v10  }
0x13: {  	v35 =	vor.u32 $0xC20, v0;
	[tilespmem:$0x1FD10] =	vst v11  }
0x14: {  	v36 =	vor.u32 $0x3600, v32;
	[tilespmem:$0x1FD20] =	vst v35  }
0x15: {  	v37 =	vor.u32 $0xC30, v0;
	[tilespmem:$0x1FD30] =	vst v36  }
0x16: {  	v38 =	vor.u32 $0x3800, v32;
	[tilespmem:$0x1FD40] =	vst v37  }
0x17: {  	v55 =	vor.u32 $0xC40, v0;
	[tilespmem:$0x1FD50] =	vst v38  }
0x18: {  	[tilespmem:$0x1FD60] =	vst v55  }
0x19: {  	v33 =	vor.u32 $0x200, v32;
	[tilespmem:$0x1FDD0] =	vst v32  }
0x1a: {  	v12 =	vor.u32 $0x10, v0;
	[tilespmem:$0x1FDE0] =	vst v33  }
0x1b: {  	v42 =	vor.u32 $0x400, v32;
	[tilespmem:$0x1FDF0] =	vst v12  }
0x1c: {  	v29 =	vor.u32 $0x20, v0;
	[tilespmem:$0x1FE00] =	vst v42  }
0x1d: {  	v30 =	vor.u32 $0x600, v32;
	[tilespmem:$0x1FE10] =	vst v29  }
0x1e: {  	v31 =	vor.u32 $0x50, v0;
	[tilespmem:$0x1FE20] =	vst v30  }
0x1f: {  	v46 =	vor.u32 $0xC00, v32;
	[tilespmem:$0x1FE30] =	vst v31  }
0x20: {  	v47 =	vor.u32 $0x60, v0;
	[tilespmem:$0x1FE40] =	vst v46  }
0x21: {  	v48 =	vor.u32 $0xE00, v32;
	[tilespmem:$0x1FE50] =	vst v47  }
0x22: {  	v49 =	vor.u32 $0x70, v0;
	[tilespmem:$0x1FE60] =	vst v48  }
0x23: {  	v50 =	vor.u32 $0x1000, v32;
	[tilespmem:$0x1FE70] =	vst v49  }
0x24: {  	v51 =	vor.u32 $0x400, v0;
	[tilespmem:$0x1FE80] =	vst v50  }
0x25: {  	v44 =	vor.u32 $0x1200, v32;
	[tilespmem:$0x1FE90] =	vst v51  }
0x26: {  	v54 =	vor.u32 $0x410, v0;
	[tilespmem:$0x1FEA0] =	vst v44  }
0x27: {  	v40 =	vor.u32 $0x1400, v32;
	[tilespmem:$0x1FEB0] =	vst v54  }
0x28: {  	v41 =	vor.u32 $0x420, v0;
	[tilespmem:$0x1FEC0] =	vst v40  }
0x29: {  	v43 =	vor.u32 $0x1600, v32;
	[tilespmem:$0x1FED0] =	vst v41  }
0x2a: {  	v52 =	vor.u32 $0x430, v0;
	[tilespmem:$0x1FEE0] =	vst v43  }
0x2b: {  	v39 =	vor.u32 $0x1800, v32;
	[tilespmem:$0x1FEF0] =	vst v52  }
0x2c: {  	v53 =	vor.u32 $0x440, v0;
	[tilespmem:$0x1FF00] =	vst v39  }
0x2d: {  	v57 =	vor.u32 $0x1A00, v32;
	[tilespmem:$0x1FF10] =	vst v53  }
0x2e: {  	v13 =	vor.u32 $0x450, v0;
	[tilespmem:$0x1FF20] =	vst v57  }
0x2f: {  	v14 =	vor.u32 $0x1C00, v32;
	[tilespmem:$0x1FF30] =	vst v13  }
0x30: {  	v15 =	vor.u32 $0x460, v0;
	[tilespmem:$0x1FF40] =	vst v14  }
0x31: {  	v16 =	vor.u32 $0x1E00, v32;
	[tilespmem:$0x1FF50] =	vst v15  }
0x32: {  	v17 =	vor.u32 $0x470, v0;
	[tilespmem:$0x1FF60] =	vst v16  }
0x33: {  	v18 =	vor.u32 $0x2000, v32;
	[tilespmem:$0x1FF70] =	vst v17  }
0x34: {  	v19 =	vor.u32 $0x800, v0;
	[tilespmem:$0x1FF80] =	vst v18  }
0x35: {  	s3 =	srdreg.scid;
	s4 =	stileid.u32;
	s15 =	simm.s32 $0x400;
	v20 =	vor.u32 $0x2200, v32;
	[tilespmem:$0x1FF90] =	vst v19  }
0x36: {  	s18 =	simm.s32 $0x200;
	s19 =	simm.s32 $0x6400;
	s20 =	simm.s32 $0xA400;
	v24 =	vor.u32 $0x2600, v32;
	[tilespmem:$0x1FFA0] =	vst v20  }
0x37: {  	s21 =	simm.s32 $0x1;
	s22 =	simm.s32 $0xE400;
	s23 =	simm.s32 $0x20000;
	v45 =	vor.u32 $0x2A00, v32;
	[tilespmem:$0x1FFB0] =	vst v24  }
0x38: {  	s28 =	simm.s32 $0x2;
	s29 =	simm.s32 $0x12400;
	s30 =	simm.s32 $0x13400;
	v34 =	vor.u32 $0x2800, v32;
	[tilespmem:$0x1FFC0] =	vst v45  }
0x39: {  	s31 =	simm.s32 $0x14400;
	s16 =	simm.s32 $0x4;
	s3 =	sand.u32 $0x1, s3;
	v58 =	vor.u32 $0x830, v0;
	[tilespmem:$0x1FFD0] =	vst v34  }
0x3a: {  	s4 =	sshll.u32 s4, $0xB;
	s5 =	sadd.s32 $0xF42800, s2;
	s7 =	sadd.s32 $0x1000, s1;
	v56 =	vor.u32 $0x840, v0;
	[tilespmem:$0x1FFE0] =	vst v58  }
0x3b: {  	s8 =	sadd.s32 $0x2000, s1;
	s9 =	sadd.s32 $0x3000, s1;
	s10 =	sadd.s32 $0x10000, s1;
	v59 =	vor.u32 $0x3A00, v32;
	[tilespmem:$0x1FFF0] =	vst v56  }
0x3c: {  	s11 =	sadd.s32 $0x11000, s1;
	s12 =	sadd.s32 $0x12000, s1;
	s24 =	sshll.u32 s3, $0xA;
	v60 =	vor.u32 $0xC50, v0;
	[tilespmem:$0x1FD70] =	vst v59  }
.Ltmp0:
0x3d: {  	s3 =	ssub.s32 $0x2, s3;
	s4 =	sor.u32 s24, s4;
	v61 =	vor.u32 $0x3C00, v32;
	[tilespmem:$0x1FD80] =	vst v60;
	(pc) =	sbr.rel .LBB2_1-.Ltmp0, $4  }
0x3e: {  	s13 =	sadd.s32 $0x13000, s1;
	s25 =	sshrl.u32 s3, $0x1;
	s6 =	sshrl.u32 s4, $0x3;
	v62 =	vor.u32 $0xC60, v0;
	[tilespmem:$0x1FD90] =	vst v61  }
0x3f: {  	s2 =	ssub.s32 s3, s25;
	s25 =	smov.u32 s1;
	s0 =	sadd.s32 s0, s6;
	v63 =	vor.u32 $0x3E00, v32;
	[tilespmem:$0x1FDA0] =	vst v62  }
0x40: {  	s26 =	smax.u32 s2, $0x1;
	v0 =	vor.u32 $0xC70, v0;
	s2 =	simm.s32 $0x0;
	[dreg:$0x4] =	wrdreg s0;
	[tilespmem:$0x1FDB0] =	vst v63  }
0x41: {  	[dreg:$0x5] =	wrdreg s26;
	s26 =	simm.s32 $0x11400;
	s0 =	simm.s32 $0x15400;
	[tilespmem:$0x1FDC0] =	vst v0  }
.LBB2_8:
0x42: {  	s1 =	simm.s32 $0x3  }
0x43: {  	_ =	swait.ge [sflag:s1], $0x1000  }
0x44: {  	[sflag:s1] =	ssyncset.done $0x0  }
0x45: {  	[sflag:s1] =	ssyncadd.s32 $0xFFFFF000  }
0x46: {  	_ =	swait.ge [sflag:s1], $0x1000  }
0x47: {  	[sflag:s1] =	ssyncset.done $0x0  }
0x48: {  	[sflag:s1] =	ssyncadd.s32 $0xFFFFF000  }
0x49: {  	_ =	swait.ge [sflag:s1], $0x1000  }
0x4a: {  	[sflag:s1] =	ssyncset.done $0x0  }
0x4b: {  	[sflag:s1] =	ssyncadd.s32 $0xFFFFF000  }
0x4c: {  	_ =	swait.ge [sflag:s1], $0x1000  }
0x4d: {  	[sflag:s1] =	ssyncset.done $0x0  }
0x4e: {  	[sflag:s1] =	ssyncadd.s32 $0xFFFFF000  }
0x4f: {  	_ =	swait.ge [sflag:s16], $0x1000  }
0x50: {  	[sflag:s16] =	ssyncset.done $0x0  }
0x51: {  	[sflag:s16] =	ssyncadd.s32 $0xFFFFF000  }
0x52: {  	_ =	swait.ge [sflag:s16], $0x1000  }
0x53: {  	[sflag:s16] =	ssyncset.done $0x0  }
0x54: {  	[sflag:s16] =	ssyncadd.s32 $0xFFFFF000  }
0x55: {  	_ =	swait.ge [sflag:s16], $0x1000  }
0x56: {  	[sflag:s16] =	ssyncset.done $0x0  }
0x57: {  	[sflag:s16] =	ssyncadd.s32 $0xFFFFF000  }
0x58: {  	_ =	swait.ge [sflag:s16], $0x1000  }
0x59: {  	v33 =	vld [tilespmem:$0x1FDE0]  }
0x5a: {  	v12 =	vld [tilespmem:$0x1FDF0]  }
0x5b: {  	v42 =	vld [tilespmem:$0x1FE00]  }
0x5c: {  	v29 =	vld [tilespmem:$0x1FE10]  }
0x5d: {  	v30 =	vld [tilespmem:$0x1FE20]  }
0x5e: {  	v31 =	vld [tilespmem:$0x1FE30]  }
0x5f: {  	v46 =	vld [tilespmem:$0x1FE40]  }
0x60: {  	v47 =	vld [tilespmem:$0x1FE50]  }
0x61: {  	v48 =	vld [tilespmem:$0x1FE60]  }
0x62: {  	v49 =	vld [tilespmem:$0x1FE70]  }
0x63: {  	v50 =	vld [tilespmem:$0x1FE80]  }
0x64: {  	v51 =	vld [tilespmem:$0x1FE90]  }
0x65: {  	v44 =	vld [tilespmem:$0x1FEA0]  }
0x66: {  	v54 =	vld [tilespmem:$0x1FEB0]  }
0x67: {  	v40 =	vld [tilespmem:$0x1FEC0]  }
0x68: {  	v41 =	vld [tilespmem:$0x1FED0]  }
0x69: {  	v43 =	vld [tilespmem:$0x1FEE0]  }
0x6a: {  	v52 =	vld [tilespmem:$0x1FEF0]  }
0x6b: {  	v39 =	vld [tilespmem:$0x1FF00]  }
0x6c: {  	v53 =	vld [tilespmem:$0x1FF10]  }
0x6d: {  	v57 =	vld [tilespmem:$0x1FF20]  }
0x6e: {  	s2 =	rddreg [dreg:$0x6];
	v13 =	vld [tilespmem:$0x1FF30]  }
0x6f: {  	s24 =	rddreg [dreg:$0x5];
	v14 =	vld [tilespmem:$0x1FF40];
	s2 =	sadd.s32 $0x1, s2  }
0x70: {  	v15 =	vld [tilespmem:$0x1FF50];
	p0 =	sne.s32 s2, s24  }
.Ltmp1:
0x71: {  	v16 =	vld [tilespmem:$0x1FF60];
	(pc) =	sbr.rel @!p0 .LBB2_9-.Ltmp1, $4  }
0x72: {  	v17 =	vld [tilespmem:$0x1FF70]  }
0x73: {  	v18 =	vld [tilespmem:$0x1FF80]  }
0x74: {  	[sflag:s16] =	ssyncset.done $0x0;
	v19 =	vld [tilespmem:$0x1FF90]  }
0x75: {  	v20 =	vld [tilespmem:$0x1FFA0];
	[sflag:s16] =	ssyncadd.s32 $0xFFFFF000  }
.LBB2_1:
0x76: {  	[dreg:$0x6] =	wrdreg s2;
	s1 =	simm.s32 $0x0  }
0x77: {  	s17 =	rddreg [dreg:$0x4];
	s3 =	simm.s32 $0x8000;
	s24 =	simm.s32 $0x5  }
0x78: {  	[tilespmem:s1], [sflag:$0x5] =	stream.strided.gather [hbm4b:s17+s15], $0x6400, s3, s15, $0x38;
	[tilespmem:$0x16400] =	vst v63  }
0x79: {  	_ =	swait.ge [sflag:s24], $0x6400  }
0x7a: {  	[sflag:s24] =	ssyncset.done $0x0  }
0x7b: {  	[sflag:s24] =	ssyncadd.s32 $0xFFFF9C00  }
0x7c: {  	[tilespmem:s19], [sflag:$0x1] =	stream.indirect.gather [hbm4b:s5+s18], $0x20, s1, s18, $0xb8;
	[tilespmem:$0x16400] =	vst v63  }
0x7d: {  	s6 =	simm.s32 $0x0  }
0x7e: {  	[tilespmem:s20], [sflag:$0x2] =	stream.indirect.gather [hbm4b:s5+s18], $0x20, s18, s18, $0xb8;
	[tilespmem:$0x16400] =	vst v63  }
.LBB2_2:
0x7f: {  	p0 =	seq.s32 s6, $0x0  }
0x80: {  	s2 =	simm.s32 @!p0 $0x3  }
0x81: {  	_ =	swait.ge @!p0 [sflag:s2], $0x1000  }
0x82: {  	[sflag:s2] =	ssyncset.done @!p0 $0x0  }
0x83: {  	[sflag:s2] =	ssyncadd.s32 @!p0 $0xFFFFF000  }
0x84: {  	_ =	swait.ge @!p0 [sflag:s2], $0x1000  }
0x85: {  	[sflag:s2] =	ssyncset.done @!p0 $0x0  }
0x86: {  	[sflag:s2] =	ssyncadd.s32 @!p0 $0xFFFFF000  }
0x87: {  	_ =	swait.ge @!p0 [sflag:s2], $0x1000  }
0x88: {  	s14 =	simm.s32 $0x1;
	v62 =	vlaneseq.u32;
	[sflag:s2] =	ssyncset.done @!p0 $0x0  }
0x89: {  	v0 =	vadd.s32 s14, v62;
	[sflag:s2] =	ssyncadd.s32 @!p0 $0xFFFFF000  }
0x8a: {  	v8 =	vand.u32 $0x1F, v0;
	_ =	swait.ge @!p0 [sflag:s2], $0x1000  }
0x8b: {  	v1 =	vor.u32 v32, v8;
	[sflag:s2] =	ssyncset.done @!p0 $0x0  }
0x8c: {  	s17 =	simm.s32 $0x2;
	[sflag:s2] =	ssyncadd.s32 @!p0 $0xFFFFF000  }
0x8d: {  	v2 =	vadd.s32 s17, v62;
	v3 =	vshll.u32 v0, $0x7;
	v0 =	vshll.u32 v0, $0x9;
	_ =	swait.ge [sflag:s21], $0x4000  }
0x8e: {  	v55 =	vand.u32 $0x1F, v2;
	v0 =	vand.u32 $0x3000, v0;
	v3 =	vand.u32 $0x380, v3;
	[sflag:s21] =	ssyncset.done $0x0  }
0x8f: {  	s24 =	simm.s32 $0x3;
	v4 =	vor.u32 v32, v55;
	v28 =	vor.u32 v3, v0;
	[sflag:s21] =	ssyncadd.s32 $0xFFFFC000  }
0x90: {  	v5 =	vadd.s32 s24, v62;
	v3 =	vor.u32 v62, v28;
	v1 =	vld.idx.msk [tilespmem:v1+s19+$0x0], $0xffff  }
0x91: {  	v6 =	vor.u32 v33, v8;
	v0 =	vshll.u32 v2, $0x9;
	v2 =	vshll.u32 v2, $0x7  }
0x92: {  	v25 =	vand.u32 $0x1F, v5;
	v0 =	vand.u32 $0x3000, v0;
	v2 =	vand.u32 $0x380, v2  }
0x93: {  	s1 =	simm.s32 $0x0;
	v9 =	vshll.u32 v5, $0x9;
	v5 =	vshll.u32 v5, $0x7;
	v27 =	vor.u32 v2, v0  }
0x94: {  	v0 =	vadd.s32 s1, v62;
	v2 =	vor.u32 v32, v25;
	v7 =	vor.u32 v62, v27;
	v4 =	vld.idx.msk [tilespmem:v4+s19+$0x0], $0xffff  }
0x95: {  	v10 =	vor.u32 v33, v55;
	v9 =	vand.u32 $0x3000, v9;
	v26 =	vand.u32 $0x1F, v0;
	[tilespmem:v3+s22+$0x0] =	vst.idx.msk $0xffff, v1  }
0x96: {  	v11 =	vor.u32 v32, v26;
	v1 =	vand.u32 $0x380, v5;
	v5 =	vld.idx.msk [tilespmem:v6+s19+$0x0], $0xffff;
	v6 =	vor.u32 v12, v28  }
0x97: {  	v22 =	vor.u32 v1, v9;
	v1 =	vor.u32 v42, v8  }
0x98: {  	v3 =	vshll.u32 v0, $0x9;
	v0 =	vshll.u32 v0, $0x7  }
0x99: {  	v2 =	vld.idx.msk [tilespmem:v2+s19+$0x0], $0xffff;
	[tilespmem:v7+s22+$0x0] =	vst.idx.msk $0xffff, v4;
	v3 =	vand.u32 $0x3000, v3;
	v0 =	vand.u32 $0x380, v0;
	v9 =	vor.u32 v62, v22  }
0x9a: {  	v7 =	vld.idx.msk [tilespmem:v10+s19+$0x0], $0xffff;
	v23 =	vor.u32 v0, v3;
	v0 =	vor.u32 v12, v27  }
0x9b: {  	v3 =	vld.idx.msk [tilespmem:v11+s19+$0x0], $0xffff;
	v10 =	vor.u32 v62, v23;
	[tilespmem:v6+s22+$0x0] =	vst.idx.msk $0xffff, v5  }
0x9c: {  	v4 =	vor.u32 v33, v25;
	v5 =	vor.u32 v29, v28;
	v1 =	vld.idx.msk [tilespmem:v1+s19+$0x0], $0xffff;
	_ =	sdelay $0x1  }
0x9d: {  	[tilespmem:v9+s22+$0x0] =	vst.idx.msk $0xffff, v2  }
0x9e: {  	v11 =	vor.u32 v42, v55;
	[tilespmem:v0+s22+$0x0] =	vst.idx.msk $0xffff, v7  }
0x9f: {  	v21 =	vmov v12;
	v12 =	vor.u32 v33, v26;
	[tilespmem:v10+s22+$0x0] =	vst.idx.msk $0xffff, v3  }
0xa0: {  	v6 =	vor.u32 v21, v22;
	v2 =	vor.u32 v30, v8;
	v4 =	vld.idx.msk [tilespmem:v4+s19+$0x0], $0xffff;
	[tilespmem:v5+s22+$0x0] =	vst.idx.msk $0xffff, v1  }
0xa1: {  	v38 =	vld [tilespmem:$0x1FC10]  }
0xa2: {  	v0 =	vor.u32 v42, v25  }
0xa3: {  	v3 =	vld.idx.msk [tilespmem:v11+s19+$0x0], $0xffff  }
0xa4: {  	v7 =	vor.u32 v29, v27;
	v9 =	vld.idx.msk [tilespmem:v12+s19+$0x0], $0xffff  }
0xa5: {  	v10 =	vor.u32 v21, v23;
	v1 =	vld.idx.msk [tilespmem:v2+s19+$0x0], $0xffff;
	[tilespmem:v6+s22+$0x0] =	vst.idx.msk $0xffff, v4  }
0xa6: {  	v35 =	vld [tilespmem:$0x1FC20];
	v2 =	vor.u32 v38, v28  }
0xa7: {  	v5 =	vor.u32 v29, v22;
	v0 =	vld.idx.msk [tilespmem:v0+s19+$0x0], $0xffff;
	_ =	sdelay $0x1  }
0xa8: {  	[tilespmem:v7+s22+$0x0] =	vst.idx.msk $0xffff, v3  }
0xa9: {  	v11 =	vor.u32 v30, v55;
	[tilespmem:v10+s22+$0x0] =	vst.idx.msk $0xffff, v9  }
0xaa: {  	v12 =	vor.u32 v42, v26;
	[tilespmem:v2+s22+$0x0] =	vst.idx.msk $0xffff, v1  }
0xab: {  	v4 =	vor.u32 v35, v8;
	v36 =	vld [tilespmem:$0x1FC30];
	[tilespmem:v5+s22+$0x0] =	vst.idx.msk $0xffff, v0  }
0xac: {  	v37 =	vld [tilespmem:$0x1FC40];
	_ =	sdelay $0x1  }
0xad: {  	v3 =	vor.u32 v30, v25;
	v6 =	vld.idx.msk [tilespmem:v11+s19+$0x0], $0xffff;
	v7 =	vor.u32 v38, v27  }
0xae: {  	v10 =	vor.u32 v29, v23;
	v9 =	vld.idx.msk [tilespmem:v12+s19+$0x0], $0xffff;
	v11 =	vor.u32 v35, v55  }
0xaf: {  	v12 =	vor.u32 v30, v26;
	v1 =	vld.idx.msk [tilespmem:v4+s19+$0x0], $0xffff;
	v2 =	vor.u32 v36, v28  }
0xb0: {  	v0 =	vor.u32 v37, v8;
	_ =	sdelay $0x1  }
0xb1: {  	v4 =	vor.u32 v38, v22;
	v3 =	vld.idx.msk [tilespmem:v3+s19+$0x0], $0xffff;
	[tilespmem:v7+s22+$0x0] =	vst.idx.msk $0xffff, v6  }
0xb2: {  	v5 =	vor.u32 v35, v25;
	[tilespmem:v10+s22+$0x0] =	vst.idx.msk $0xffff, v9;
	v6 =	vld.idx.msk [tilespmem:v11+s19+$0x0], $0xffff;
	v7 =	vor.u32 v36, v27  }
0xb3: {  	v10 =	vor.u32 v38, v23;
	v9 =	vld.idx.msk [tilespmem:v12+s19+$0x0], $0xffff;
	v11 =	vor.u32 v37, v55;
	[tilespmem:v2+s22+$0x0] =	vst.idx.msk $0xffff, v1  }
0xb4: {  	v12 =	vor.u32 v35, v26;
	v1 =	vor.u32 v31, v28;
	v0 =	vld.idx.msk [tilespmem:v0+s19+$0x0], $0xffff  }
0xb5: {  	v2 =	vor.u32 v46, v8  }
0xb6: {  	[tilespmem:v4+s22+$0x0] =	vst.idx.msk $0xffff, v3  }
0xb7: {  	v4 =	vor.u32 v36, v22;
	v3 =	vld.idx.msk [tilespmem:v5+s19+$0x0], $0xffff;
	[tilespmem:v7+s22+$0x0] =	vst.idx.msk $0xffff, v6  }
0xb8: {  	v5 =	vor.u32 v37, v25;
	[tilespmem:v10+s22+$0x0] =	vst.idx.msk $0xffff, v9;
	v7 =	vor.u32 v31, v27;
	v6 =	vld.idx.msk [tilespmem:v11+s19+$0x0], $0xffff  }
0xb9: {  	v10 =	vor.u32 v36, v23;
	v9 =	vld.idx.msk [tilespmem:v12+s19+$0x0], $0xffff;
	v11 =	vor.u32 v46, v55;
	[tilespmem:v1+s22+$0x0] =	vst.idx.msk $0xffff, v0  }
0xba: {  	v12 =	vor.u32 v37, v26;
	v1 =	vor.u32 v47, v28;
	v0 =	vld.idx.msk [tilespmem:v2+s19+$0x0], $0xffff  }
0xbb: {  	v2 =	vor.u32 v48, v8  }
0xbc: {  	[tilespmem:v4+s22+$0x0] =	vst.idx.msk $0xffff, v3  }
0xbd: {  	v4 =	vor.u32 v31, v22;
	v3 =	vld.idx.msk [tilespmem:v5+s19+$0x0], $0xffff;
	[tilespmem:v7+s22+$0x0] =	vst.idx.msk $0xffff, v6  }
0xbe: {  	v5 =	vor.u32 v46, v25;
	[tilespmem:v10+s22+$0x0] =	vst.idx.msk $0xffff, v9;
	v7 =	vor.u32 v47, v27;
	v6 =	vld.idx.msk [tilespmem:v11+s19+$0x0], $0xffff  }
0xbf: {  	v10 =	vor.u32 v31, v23;
	v9 =	vld.idx.msk [tilespmem:v12+s19+$0x0], $0xffff;
	v11 =	vor.u32 v48, v55;
	[tilespmem:v1+s22+$0x0] =	vst.idx.msk $0xffff, v0  }
0xc0: {  	v12 =	vor.u32 v46, v26;
	v1 =	vor.u32 v49, v28;
	v0 =	vld.idx.msk [tilespmem:v2+s19+$0x0], $0xffff  }
0xc1: {  	v2 =	vor.u32 v50, v8  }
0xc2: {  	[tilespmem:v4+s22+$0x0] =	vst.idx.msk $0xffff, v3  }
0xc3: {  	v4 =	vor.u32 v47, v22;
	v3 =	vld.idx.msk [tilespmem:v5+s19+$0x0], $0xffff;
	[tilespmem:v7+s22+$0x0] =	vst.idx.msk $0xffff, v6  }
0xc4: {  	v5 =	vor.u32 v48, v25;
	[tilespmem:v10+s22+$0x0] =	vst.idx.msk $0xffff, v9;
	v7 =	vor.u32 v49, v27;
	v6 =	vld.idx.msk [tilespmem:v11+s19+$0x0], $0xffff  }
0xc5: {  	v10 =	vor.u32 v50, v55;
	v9 =	vld.idx.msk [tilespmem:v12+s19+$0x0], $0xffff;
	v11 =	vor.u32 v47, v23;
	[tilespmem:v1+s22+$0x0] =	vst.idx.msk $0xffff, v0  }
0xc6: {  	v12 =	vor.u32 v48, v26;
	v1 =	vor.u32 v51, v28;
	v0 =	vld.idx.msk [tilespmem:v2+s19+$0x0], $0xffff  }
0xc7: {  	v2 =	vor.u32 v44, v8  }
0xc8: {  	[tilespmem:v4+s22+$0x0] =	vst.idx.msk $0xffff, v3  }
0xc9: {  	v4 =	vor.u32 v49, v22;
	v3 =	vld.idx.msk [tilespmem:v5+s19+$0x0], $0xffff;
	[tilespmem:v7+s22+$0x0] =	vst.idx.msk $0xffff, v6  }
0xca: {  	v5 =	vor.u32 v50, v25;
	[tilespmem:v11+s22+$0x0] =	vst.idx.msk $0xffff, v9;
	v7 =	vor.u32 v51, v27;
	v6 =	vld.idx.msk [tilespmem:v10+s19+$0x0], $0xffff  }
0xcb: {  	v11 =	vor.u32 v49, v23;
	v9 =	vld.idx.msk [tilespmem:v12+s19+$0x0], $0xffff;
	v10 =	vor.u32 v44, v55;
	[tilespmem:v1+s22+$0x0] =	vst.idx.msk $0xffff, v0  }
0xcc: {  	v12 =	vor.u32 v50, v26;
	v1 =	vor.u32 v54, v28;
	v0 =	vld.idx.msk [tilespmem:v2+s19+$0x0], $0xffff  }
0xcd: {  	v2 =	vor.u32 v40, v8  }
0xce: {  	[tilespmem:v4+s22+$0x0] =	vst.idx.msk $0xffff, v3  }
0xcf: {  	v4 =	vor.u32 v51, v22;
	v3 =	vld.idx.msk [tilespmem:v5+s19+$0x0], $0xffff;
	[tilespmem:v7+s22+$0x0] =	vst.idx.msk $0xffff, v6  }
0xd0: {  	v5 =	vor.u32 v44, v25;
	[tilespmem:v11+s22+$0x0] =	vst.idx.msk $0xffff, v9;
	v7 =	vor.u32 v54, v27;
	v6 =	vld.idx.msk [tilespmem:v10+s19+$0x0], $0xffff  }
0xd1: {  	v11 =	vor.u32 v51, v23;
	v9 =	vld.idx.msk [tilespmem:v12+s19+$0x0], $0xffff;
	v10 =	vor.u32 v40, v55;
	[tilespmem:v1+s22+$0x0] =	vst.idx.msk $0xffff, v0  }
0xd2: {  	v12 =	vor.u32 v44, v26;
	v1 =	vor.u32 v41, v28;
	v0 =	vld.idx.msk [tilespmem:v2+s19+$0x0], $0xffff  }
0xd3: {  	v2 =	vor.u32 v43, v8  }
0xd4: {  	[tilespmem:v4+s22+$0x0] =	vst.idx.msk $0xffff, v3  }
0xd5: {  	v4 =	vor.u32 v54, v22;
	v3 =	vld.idx.msk [tilespmem:v5+s19+$0x0], $0xffff;
	[tilespmem:v7+s22+$0x0] =	vst.idx.msk $0xffff, v6  }
0xd6: {  	v5 =	vor.u32 v40, v25;
	[tilespmem:v11+s22+$0x0] =	vst.idx.msk $0xffff, v9;
	v7 =	vor.u32 v41, v27;
	v6 =	vld.idx.msk [tilespmem:v10+s19+$0x0], $0xffff  }
0xd7: {  	v11 =	vor.u32 v54, v23;
	v9 =	vld.idx.msk [tilespmem:v12+s19+$0x0], $0xffff;
	v10 =	vor.u32 v43, v55;
	[tilespmem:v1+s22+$0x0] =	vst.idx.msk $0xffff, v0  }
0xd8: {  	v12 =	vor.u32 v40, v26;
	v1 =	vor.u32 v52, v28;
	v0 =	vld.idx.msk [tilespmem:v2+s19+$0x0], $0xffff  }
0xd9: {  	v2 =	vor.u32 v39, v8  }
0xda: {  	[tilespmem:v4+s22+$0x0] =	vst.idx.msk $0xffff, v3  }
0xdb: {  	v4 =	vor.u32 v41, v22;
	v3 =	vld.idx.msk [tilespmem:v5+s19+$0x0], $0xffff;
	[tilespmem:v7+s22+$0x0] =	vst.idx.msk $0xffff, v6  }
0xdc: {  	[tilespmem:v11+s22+$0x0] =	vst.idx.msk $0xffff, v9;
	v6 =	vor.u32 v52, v27;
	v7 =	vor.u32 v43, v25;
	v5 =	vld.idx.msk [tilespmem:v10+s19+$0x0], $0xffff  }
0xdd: {  	v11 =	vor.u32 v41, v23;
	v9 =	vld.idx.msk [tilespmem:v12+s19+$0x0], $0xffff;
	v10 =	vor.u32 v39, v55;
	[tilespmem:v1+s22+$0x0] =	vst.idx.msk $0xffff, v0  }
0xde: {  	v12 =	vor.u32 v43, v26;
	v1 =	vor.u32 v53, v28;
	v0 =	vld.idx.msk [tilespmem:v2+s19+$0x0], $0xffff  }
0xdf: {  	v2 =	vor.u32 v57, v8  }
0xe0: {  	[tilespmem:v4+s22+$0x0] =	vst.idx.msk $0xffff, v3  }
0xe1: {  	v4 =	vor.u32 v52, v22;
	v3 =	vld.idx.msk [tilespmem:v7+s19+$0x0], $0xffff;
	[tilespmem:v6+s22+$0x0] =	vst.idx.msk $0xffff, v5  }
0xe2: {  	v7 =	vor.u32 v39, v25;
	[tilespmem:v11+s22+$0x0] =	vst.idx.msk $0xffff, v9;
	v6 =	vor.u32 v53, v27;
	v5 =	vld.idx.msk [tilespmem:v10+s19+$0x0], $0xffff  }
0xe3: {  	v11 =	vor.u32 v52, v23;
	v9 =	vld.idx.msk [tilespmem:v12+s19+$0x0], $0xffff;
	v10 =	vor.u32 v57, v55;
	[tilespmem:v1+s22+$0x0] =	vst.idx.msk $0xffff, v0  }
0xe4: {  	v12 =	vor.u32 v39, v26;
	v1 =	vor.u32 v13, v28;
	v0 =	vld.idx.msk [tilespmem:v2+s19+$0x0], $0xffff  }
0xe5: {  	v2 =	vor.u32 v14, v8  }
0xe6: {  	[tilespmem:v4+s22+$0x0] =	vst.idx.msk $0xffff, v3  }
0xe7: {  	v4 =	vor.u32 v53, v22;
	v3 =	vld.idx.msk [tilespmem:v7+s19+$0x0], $0xffff;
	[tilespmem:v6+s22+$0x0] =	vst.idx.msk $0xffff, v5  }
0xe8: {  	v7 =	vor.u32 v57, v25;
	[tilespmem:v11+s22+$0x0] =	vst.idx.msk $0xffff, v9;
	v6 =	vor.u32 v13, v27;
	v5 =	vld.idx.msk [tilespmem:v10+s19+$0x0], $0xffff  }
0xe9: {  	v11 =	vor.u32 v53, v23;
	v9 =	vld.idx.msk [tilespmem:v12+s19+$0x0], $0xffff;
	v10 =	vor.u32 v14, v55;
	[tilespmem:v1+s22+$0x0] =	vst.idx.msk $0xffff, v0  }
0xea: {  	v12 =	vor.u32 v57, v26;
	v1 =	vor.u32 v15, v28;
	v0 =	vld.idx.msk [tilespmem:v2+s19+$0x0], $0xffff  }
0xeb: {  	v2 =	vor.u32 v16, v8  }
0xec: {  	[tilespmem:v4+s22+$0x0] =	vst.idx.msk $0xffff, v3  }
0xed: {  	v4 =	vor.u32 v13, v22;
	v3 =	vld.idx.msk [tilespmem:v7+s19+$0x0], $0xffff;
	[tilespmem:v6+s22+$0x0] =	vst.idx.msk $0xffff, v5  }
0xee: {  	v7 =	vor.u32 v14, v25;
	[tilespmem:v11+s22+$0x0] =	vst.idx.msk $0xffff, v9;
	v6 =	vor.u32 v15, v27;
	v5 =	vld.idx.msk [tilespmem:v10+s19+$0x0], $0xffff  }
0xef: {  	v11 =	vor.u32 v13, v23;
	v9 =	vld.idx.msk [tilespmem:v12+s19+$0x0], $0xffff;
	v10 =	vor.u32 v16, v55;
	[tilespmem:v1+s22+$0x0] =	vst.idx.msk $0xffff, v0  }
0xf0: {  	v12 =	vor.u32 v14, v26;
	v1 =	vor.u32 v17, v28;
	v0 =	vld.idx.msk [tilespmem:v2+s19+$0x0], $0xffff  }
0xf1: {  	v2 =	vor.u32 v18, v8  }
0xf2: {  	[tilespmem:v4+s22+$0x0] =	vst.idx.msk $0xffff, v3  }
0xf3: {  	v4 =	vor.u32 v15, v22;
	v3 =	vld.idx.msk [tilespmem:v7+s19+$0x0], $0xffff;
	[tilespmem:v6+s22+$0x0] =	vst.idx.msk $0xffff, v5  }
0xf4: {  	[tilespmem:v11+s22+$0x0] =	vst.idx.msk $0xffff, v9;
	v6 =	vor.u32 v17, v27;
	v5 =	vld.idx.msk [tilespmem:v10+s19+$0x0], $0xffff  }
0xf5: {  	v7 =	vor.u32 v16, v25;
	v11 =	vor.u32 v15, v23;
	v9 =	vld.idx.msk [tilespmem:v12+s19+$0x0], $0xffff;
	[tilespmem:v1+s22+$0x0] =	vst.idx.msk $0xffff, v0  }
0xf6: {  	v10 =	vor.u32 v18, v55;
	v1 =	vor.u32 v19, v28;
	v0 =	vld.idx.msk [tilespmem:v2+s19+$0x0], $0xffff;
	_ =	sdelay $0x1  }
0xf7: {  	[tilespmem:v4+s22+$0x0] =	vst.idx.msk $0xffff, v3  }
0xf8: {  	[tilespmem:v6+s22+$0x0] =	vst.idx.msk $0xffff, v5  }
0xf9: {  	v3 =	vld.idx.msk [tilespmem:v7+s19+$0x0], $0xffff;
	[tilespmem:v11+s22+$0x0] =	vst.idx.msk $0xffff, v9  }
0xfa: {  	v12 =	vor.u32 v16, v26;
	v4 =	vor.u32 v17, v22;
	v5 =	vld.idx.msk [tilespmem:v10+s19+$0x0], $0xffff;
	[tilespmem:v1+s22+$0x0] =	vst.idx.msk $0xffff, v0  }
0xfb: {  	v6 =	vor.u32 v19, v27;
	v2 =	vor.u32 v20, v8;
	v61 =	vld [tilespmem:$0x1FC50];
	_ =	sdelay $0x3  }
0xfc: {  	v9 =	vld.idx.msk [tilespmem:v12+s19+$0x0], $0xffff;
	v10 =	vor.u32 v17, v23;
	[tilespmem:v4+s22+$0x0] =	vst.idx.msk $0xffff, v3  }
0xfd: {  	v0 =	vld.idx.msk [tilespmem:v2+s19+$0x0], $0xffff;
	[tilespmem:v6+s22+$0x0] =	vst.idx.msk $0xffff, v5;
	v1 =	vor.u32 v61, v28  }
0xfe: {  	v63 =	vld [tilespmem:$0x1FC60];
	_ =	sdelay $0x2  }
0xff: {  	v7 =	vor.u32 v18, v25;
	[tilespmem:v10+s22+$0x0] =	vst.idx.msk $0xffff, v9  }
0x100: {  	v11 =	vor.u32 v18, v26;
	[tilespmem:v1+s22+$0x0] =	vst.idx.msk $0xffff, v0  }
0x101: {  	v60 =	vor.u32 v34, v8;
	v51 =	vmov v34;
	v4 =	vor.u32 v63, v8;
	v34 =	vld [tilespmem:$0x1FC70];
	_ =	sdelay $0x2  }
0x102: {  	v3 =	vor.u32 v20, v55;
	v6 =	vor.u32 v19, v22;
	v5 =	vld.idx.msk [tilespmem:v7+s19+$0x0], $0xffff  }
0x103: {  	v9 =	vor.u32 v20, v25;
	v10 =	vld.idx.msk [tilespmem:v11+s19+$0x0], $0xffff;
	v11 =	vor.u32 v19, v23  }
0x104: {  	v13 =	vor.u32 v20, v26;
	v4 =	vld.idx.msk [tilespmem:v4+s19+$0x0], $0xffff;
	v7 =	vor.u32 v34, v28  }
0x105: {  	v0 =	vor.u32 v58, v28  }
0x106: {  	s3 =	simm.s32 $0x4;
	s17 =	simm.s32 $0x7;
	v12 =	vor.u32 v61, v27;
	v19 =	vor.u32 v61, v23;
	[tilespmem:$0x1FAE0] =	vst v0  }
0x107: {  	v18 =	vadd.s32 s3, v62;
	v20 =	vld.idx.msk [tilespmem:v3+s19+$0x0], $0xffff;
	[tilespmem:v6+s22+$0x0] =	vst.idx.msk $0xffff, v5;
	v5 =	vor.u32 v61, v22;
	v3 =	vadd.s32 s17, v62  }
0x108: {  	v59 =	vmovc v21;
	[tilespmem:v11+s22+$0x0] =	vst.idx.msk $0xffff, v10;
	v9 =	vld.idx.msk [tilespmem:v9+s19+$0x0], $0xffff;
	v11 =	vshll.u32 v3, $0x9;
	v21 =	vshll.u32 v3, $0x7;
	v3 =	vand.u32 $0x1F, v3  }
0x109: {  	v0 =	vand.u32 $0x1F, v18;
	v13 =	vld.idx.msk [tilespmem:v13+s19+$0x0], $0xffff;
	[tilespmem:v7+s22+$0x0] =	vst.idx.msk $0xffff, v4;
	v7 =	vor.u32 v32, v3  }
0x10a: {  	v4 =	vor.u32 v32, v0  }
0x10b: {  	s14 =	simm.s32 $0x5;
	[tilespmem:$0x1FB00] =	vst v4  }
0x10c: {  	v6 =	vadd.s32 s14, v62;
	[tilespmem:v12+s22+$0x0] =	vst.idx.msk $0xffff, v20  }
0x10d: {  	v16 =	vor.u32 v24, v8;
	v10 =	vshll.u32 v6, $0x7;
	v2 =	vshll.u32 v6, $0x9;
	[tilespmem:v5+s22+$0x0] =	vst.idx.msk $0xffff, v9  }
0x10e: {  	v2 =	vand.u32 $0x3000, v2;
	v10 =	vand.u32 $0x380, v10;
	[tilespmem:v19+s22+$0x0] =	vst.idx.msk $0xffff, v13;
	v20 =	vld.idx.msk [tilespmem:v7+s19+$0x0], $0xffff  }
0x10f: {  	v15 =	vor.u32 v63, v25;
	v7 =	vor.u32 v10, v2;
	v2 =	vld [tilespmem:$0x1FAE0]  }
0x110: {  	v14 =	vor.u32 v63, v26  }
0x111: {  	s24 =	simm.s32 $0x6;
	v6 =	vand.u32 $0x1F, v6  }
0x112: {  	v1 =	vadd.s32 s24, v62;
	v12 =	vld.idx.msk [tilespmem:v16+s19+$0x0], $0xffff;
	v16 =	vor.u32 v32, v6  }
0x113: {  	v11 =	vand.u32 $0x3000, v11;
	v21 =	vand.u32 $0x380, v21;
	v4 =	vshll.u32 v1, $0x9  }
0x114: {  	v54 =	vor.u32 v34, v22;
	v5 =	vshll.u32 v1, $0x7;
	v17 =	vand.u32 $0x3000, v4;
	v15 =	vld.idx.msk [tilespmem:v15+s19+$0x0], $0xffff  }
0x115: {  	v1 =	vand.u32 $0x1F, v1;
	v4 =	vor.u32 v21, v11;
	v11 =	vld.idx.msk [tilespmem:v14+s19+$0x0], $0xffff;
	v14 =	vor.u32 v34, v23  }
0x116: {  	v13 =	vor.u32 v32, v1;
	v21 =	vor.u32 v62, v4  }
0x117: {  	[tilespmem:v2+s22+$0x0] =	vst.idx.msk $0xffff, v12;
	v12 =	vld.idx.msk [tilespmem:v16+s19+$0x0], $0xffff;
	v16 =	vor.u32 v62, v7;
	v2 =	vor.u32 v24, v25  }
0x118: {  	v19 =	vor.u32 v63, v55;
	v5 =	vand.u32 $0x380, v5;
	v10 =	vor.u32 v24, v26;
	[tilespmem:$0x1FAF0] =	vst v2  }
0x119: {  	v2 =	vor.u32 v5, v17;
	v5 =	vor.u32 v56, v28;
	v9 =	vld.idx.msk [tilespmem:v60+s19+$0x0], $0xffff;
	[tilespmem:v54+s22+$0x0] =	vst.idx.msk $0xffff, v15  }
0x11a: {  	[tilespmem:v14+s22+$0x0] =	vst.idx.msk $0xffff, v11  }
0x11b: {  	[tilespmem:v21+s22+$0x0] =	vst.idx.msk $0xffff, v20  }
0x11c: {  	v13 =	vld.idx.msk [tilespmem:v13+s19+$0x0], $0xffff;
	v11 =	vor.u32 v33, v3;
	[tilespmem:v16+s22+$0x0] =	vst.idx.msk $0xffff, v12  }
0x11d: {  	v14 =	vld.idx.msk [tilespmem:v19+s19+$0x0], $0xffff;
	[tilespmem:$0x1FB20] =	vst v11  }
0x11e: {  	v10 =	vld.idx.msk [tilespmem:v10+s19+$0x0], $0xffff;
	[tilespmem:v5+s22+$0x0] =	vst.idx.msk $0xffff, v9;
	v5 =	vor.u32 v51, v26  }
0x11f: {  	[tilespmem:$0x1FB10] =	vst v5;
	v5 =	vld [tilespmem:$0x1FAF0]  }
0x120: {  	v60 =	vor.u32 v33, v6;
	v17 =	vor.u32 v62, v2  }
0x121: {  	v15 =	vor.u32 v45, v8;
	v19 =	vor.u32 v34, v27;
	_ =	sdelay $0x1  }
0x122: {  	v16 =	vor.u32 v58, v23;
	_ =	sdelay $0x1  }
0x123: {  	[tilespmem:v17+s22+$0x0] =	vst.idx.msk $0xffff, v13;
	v17 =	vld.idx.msk [tilespmem:v60+s19+$0x0], $0xffff  }
0x124: {  	v15 =	vld.idx.msk [tilespmem:v15+s19+$0x0], $0xffff;
	[tilespmem:v19+s22+$0x0] =	vst.idx.msk $0xffff, v14;
	v19 =	vor.u32 v42, v6  }
0x125: {  	v11 =	vld.idx.msk [tilespmem:v5+s19+$0x0], $0xffff;
	[tilespmem:$0x1FB30] =	vst v19  }
0x126: {  	v60 =	vld [tilespmem:$0x1FC80];
	[tilespmem:v16+s22+$0x0] =	vst.idx.msk $0xffff, v10  }
0x127: {  	v10 =	vld [tilespmem:$0x1FB00]  }
0x128: {  	v21 =	vor.u32 v33, v1;
	_ =	sdelay $0x1  }
0x129: {  	v9 =	vor.u32 v58, v22;
	_ =	sdelay $0x1  }
0x12a: {  	v20 =	vshll.u32 v18, $0x9  }
0x12b: {  	v5 =	vand.u32 $0x3000, v20;
	v20 =	vld.idx.msk [tilespmem:v21+s19+$0x0], $0xffff  }
0x12c: {  	v54 =	vmov v57;
	v13 =	vor.u32 v24, v55;
	v57 =	vld [tilespmem:$0x1FC90]  }
0x12d: {  	[tilespmem:v9+s22+$0x0] =	vst.idx.msk $0xffff, v11;
	v9 =	vor.u32 v42, v1;
	v16 =	vld.idx.msk [tilespmem:v10+s19+$0x0], $0xffff  }
0x12e: {  	[tilespmem:$0x1FB40] =	vst v9;
	v9 =	vld [tilespmem:$0x1FB10];
	_ =	sdelay $0x2  }
0x12f: {  	v10 =	vld.idx.msk [tilespmem:v13+s19+$0x0], $0xffff  }
0x130: {  	v12 =	vor.u32 v59, v7  }
0x131: {  	v14 =	vor.u32 v60, v28;
	_ =	sdelay $0x2  }
0x132: {  	v11 =	vld.idx.msk [tilespmem:v9+s19+$0x0], $0xffff;
	[tilespmem:$0x1FB50] =	vst v10  }
0x133: {  	[tilespmem:v12+s22+$0x0] =	vst.idx.msk $0xffff, v17  }
0x134: {  	[tilespmem:v14+s22+$0x0] =	vst.idx.msk $0xffff, v15  }
0x135: {  	v10 =	vld [tilespmem:$0x1FB20];
	_ =	sdelay $0x7  }
0x136: {  	v15 =	vld.idx.msk [tilespmem:v10+s19+$0x0], $0xffff  }
0x137: {  	v10 =	vld [tilespmem:$0x1FB30];
	_ =	sdelay $0x6  }
0x138: {  	v18 =	vshll.u32 v18, $0x7  }
0x139: {  	v18 =	vand.u32 $0x380, v18;
	v10 =	vld.idx.msk [tilespmem:v10+s19+$0x0], $0xffff  }
0x13a: {  	v5 =	vor.u32 v18, v5;
	v18 =	vor.u32 v59, v2  }
0x13b: {  	v21 =	vor.u32 v62, v5  }
0x13c: {  	v9 =	vor.u32 v56, v23;
	_ =	sdelay $0x1  }
0x13d: {  	[tilespmem:$0x1FB60] =	vst v10  }
0x13e: {  	[tilespmem:v18+s22+$0x0] =	vst.idx.msk $0xffff, v20  }
0x13f: {  	[tilespmem:v21+s22+$0x0] =	vst.idx.msk $0xffff, v16  }
0x140: {  	v24 =	vmov v59;
	v59 =	vor.u32 v57, v8;
	v62 =	vld [tilespmem:$0x1FCA0];
	[tilespmem:v9+s22+$0x0] =	vst.idx.msk $0xffff, v11  }
0x141: {  	v12 =	vor.u32 v33, v0;
	v17 =	vor.u32 v58, v27;
	v11 =	vld [tilespmem:$0x1FB50]  }
0x142: {  	v14 =	vor.u32 v24, v4;
	v9 =	vld [tilespmem:$0x1FB40];
	_ =	sdelay $0x2  }
0x143: {  	v21 =	vld.idx.msk [tilespmem:v59+s19+$0x0], $0xffff  }
0x144: {  	v59 =	vld.idx.msk [tilespmem:v12+s19+$0x0], $0xffff;
	[tilespmem:v17+s22+$0x0] =	vst.idx.msk $0xffff, v11  }
0x145: {  	v19 =	vor.u32 v45, v26;
	v10 =	vor.u32 v62, v28;
	v58 =	vld [tilespmem:$0x1FCB0];
	[tilespmem:v14+s22+$0x0] =	vst.idx.msk $0xffff, v15  }
0x146: {  	v18 =	vor.u32 v51, v55;
	v20 =	vor.u32 v29, v7;
	v12 =	vld [tilespmem:$0x1FB60];
	_ =	sdelay $0x1  }
0x147: {  	v13 =	vld.idx.msk [tilespmem:v9+s19+$0x0], $0xffff;
	v9 =	vor.u32 v29, v2  }
0x148: {  	v11 =	vor.u32 v24, v5  }
0x149: {  	v15 =	vld.idx.msk [tilespmem:v19+s19+$0x0], $0xffff;
	v19 =	vor.u32 v60, v23;
	[tilespmem:v10+s22+$0x0] =	vst.idx.msk $0xffff, v21  }
0x14a: {  	v18 =	vld.idx.msk [tilespmem:v18+s19+$0x0], $0xffff;
	v10 =	vor.u32 v57, v26;
	[tilespmem:v20+s22+$0x0] =	vst.idx.msk $0xffff, v12;
	v12 =	vor.u32 v56, v27  }
0x14b: {  	[tilespmem:$0x1FB70] =	vst v10  }
0x14c: {  	[tilespmem:v9+s22+$0x0] =	vst.idx.msk $0xffff, v13  }
0x14d: {  	v16 =	vor.u32 v42, v3;
	[tilespmem:v11+s22+$0x0] =	vst.idx.msk $0xffff, v59  }
0x14e: {  	v33 =	vor.u32 v30, v6;
	v59 =	vld [tilespmem:$0x1FCC0];
	[tilespmem:v19+s22+$0x0] =	vst.idx.msk $0xffff, v15  }
0x14f: {  	v24 =	vor.u32 v30, v1;
	[tilespmem:v12+s22+$0x0] =	vst.idx.msk $0xffff, v18  }
0x150: {  	v17 =	vor.u32 v58, v8;
	v12 =	vmov v56;
	v56 =	vld [tilespmem:$0x1FCD0]  }
0x151: {  	v20 =	vor.u32 v42, v0  }
0x152: {  	v14 =	vor.u32 v29, v4;
	v10 =	vld.idx.msk [tilespmem:v16+s19+$0x0], $0xffff  }
0x153: {  	v21 =	vld.idx.msk [tilespmem:v33+s19+$0x0], $0xffff  }
0x154: {  	v19 =	vld.idx.msk [tilespmem:v24+s19+$0x0], $0xffff  }
0x155: {  	v17 =	vld.idx.msk [tilespmem:v17+s19+$0x0], $0xffff;
	v18 =	vor.u32 v56, v8  }
0x156: {  	v20 =	vld.idx.msk [tilespmem:v20+s19+$0x0], $0xffff;
	[tilespmem:$0x1FB80] =	vst v18  }
0x157: {  	[tilespmem:v14+s22+$0x0] =	vst.idx.msk $0xffff, v10  }
0x158: {  	v16 =	vor.u32 v51, v25;
	v13 =	vor.u32 v38, v7;
	v10 =	vld [tilespmem:$0x1FB70]  }
0x159: {  	v33 =	vor.u32 v30, v3;
	v9 =	vor.u32 v59, v28  }
0x15a: {  	v11 =	vor.u32 v38, v2;
	v15 =	vor.u32 v35, v6;
	_ =	sdelay $0x1  }
0x15b: {  	v18 =	vor.u32 v29, v5  }
0x15c: {  	v24 =	vld.idx.msk [tilespmem:v16+s19+$0x0], $0xffff;
	[tilespmem:v13+s22+$0x0] =	vst.idx.msk $0xffff, v21  }
0x15d: {  	[tilespmem:v9+s22+$0x0] =	vst.idx.msk $0xffff, v17;
	v17 =	vld.idx.msk [tilespmem:v33+s19+$0x0], $0xffff  }
0x15e: {  	v21 =	vor.u32 v12, v22;
	[tilespmem:v11+s22+$0x0] =	vst.idx.msk $0xffff, v19;
	v9 =	vor.u32 v45, v25;
	v33 =	vld.idx.msk [tilespmem:v15+s19+$0x0], $0xffff  }
0x15f: {  	v42 =	vmov v51;
	v51 =	vor.u32 v35, v1;
	v14 =	vld.idx.msk [tilespmem:v10+s19+$0x0], $0xffff;
	v10 =	vor.u32 v62, v23;
	[tilespmem:$0x1FB90] =	vst v9  }
0x160: {  	v16 =	vor.u32 v38, v4;
	[tilespmem:v18+s22+$0x0] =	vst.idx.msk $0xffff, v20  }
0x161: {  	v13 =	vor.u32 v30, v0;
	v19 =	vor.u32 v36, v7;
	v9 =	vld [tilespmem:$0x1FB80];
	_ =	sdelay $0x1  }
0x162: {  	v29 =	vmov v45;
	v45 =	vld [tilespmem:$0x1FCE0];
	[tilespmem:v21+s22+$0x0] =	vst.idx.msk $0xffff, v24  }
0x163: {  	[tilespmem:v10+s22+$0x0] =	vst.idx.msk $0xffff, v14;
	v14 =	vld.idx.msk [tilespmem:v51+s19+$0x0], $0xffff  }
0x164: {  	v24 =	vld [tilespmem:$0x1FCF0];
	[tilespmem:v16+s22+$0x0] =	vst.idx.msk $0xffff, v17  }
0x165: {  	v51 =	vld.idx.msk [tilespmem:v13+s19+$0x0], $0xffff;
	[tilespmem:v19+s22+$0x0] =	vst.idx.msk $0xffff, v33  }
0x166: {  	v13 =	vld [tilespmem:$0x1FB90]  }
0x167: {  	v12 =	vor.u32 v58, v26  }
0x168: {  	v18 =	vor.u32 v35, v3;
	v11 =	vor.u32 v45, v28;
	v20 =	vld.idx.msk [tilespmem:v9+s19+$0x0], $0xffff;
	_ =	sdelay $0x1  }
0x169: {  	v15 =	vor.u32 v37, v6;
	_ =	sdelay $0x1  }
0x16a: {  	v12 =	vld.idx.msk [tilespmem:v12+s19+$0x0], $0xffff  }
0x16b: {  	v33 =	vld.idx.msk [tilespmem:v18+s19+$0x0], $0xffff;
	[tilespmem:v11+s22+$0x0] =	vst.idx.msk $0xffff, v20;
	v11 =	vor.u32 v56, v26  }
0x16c: {  	v16 =	vld.idx.msk [tilespmem:v13+s19+$0x0], $0xffff;
	[tilespmem:$0x1FBA0] =	vst v11  }
0x16d: {  	v11 =	vld.idx.msk [tilespmem:v15+s19+$0x0], $0xffff  }
0x16e: {  	v10 =	vor.u32 v36, v2;
	_ =	sdelay $0x1  }
0x16f: {  	v9 =	vor.u32 v38, v5  }
0x170: {  	v17 =	vor.u32 v59, v23  }
0x171: {  	v13 =	vor.u32 v60, v22;
	[tilespmem:$0x1FBB0] =	vst v11  }
0x172: {  	v20 =	vor.u32 v36, v4;
	[tilespmem:v10+s22+$0x0] =	vst.idx.msk $0xffff, v14;
	v10 =	vor.u32 v57, v25  }
0x173: {  	[tilespmem:$0x1FBC0] =	vst v10  }
0x174: {  	[tilespmem:v9+s22+$0x0] =	vst.idx.msk $0xffff, v51  }
0x175: {  	v19 =	vor.u32 v35, v0;
	v35 =	vld [tilespmem:$0x1FD00];
	[tilespmem:v17+s22+$0x0] =	vst.idx.msk $0xffff, v12  }
0x176: {  	[tilespmem:v13+s22+$0x0] =	vst.idx.msk $0xffff, v16  }
0x177: {  	v38 =	vld [tilespmem:$0x1FD10];
	[tilespmem:v20+s22+$0x0] =	vst.idx.msk $0xffff, v33  }
0x178: {  	v14 =	vor.u32 v31, v7;
	v12 =	vld [tilespmem:$0x1FBB0];
	_ =	sdelay $0x3  }
0x179: {  	v15 =	vor.u32 v37, v3  }
0x17a: {  	v21 =	vor.u32 v24, v8;
	v9 =	vld [tilespmem:$0x1FBA0];
	[tilespmem:v14+s22+$0x0] =	vst.idx.msk $0xffff, v12  }
0x17b: {  	v30 =	vor.u32 v37, v1;
	v12 =	vld [tilespmem:$0x1FBC0];
	_ =	sdelay $0x2  }
0x17c: {  	v14 =	vld.idx.msk [tilespmem:v15+s19+$0x0], $0xffff  }
0x17d: {  	v21 =	vld.idx.msk [tilespmem:v21+s19+$0x0], $0xffff;
	v11 =	vor.u32 v35, v28  }
0x17e: {  	v10 =	vor.u32 v31, v2;
	v17 =	vld.idx.msk [tilespmem:v30+s19+$0x0], $0xffff  }
0x17f: {  	v18 =	vor.u32 v46, v6;
	v19 =	vld.idx.msk [tilespmem:v19+s19+$0x0], $0xffff  }
0x180: {  	v16 =	vor.u32 v36, v5;
	v20 =	vld.idx.msk [tilespmem:v9+s19+$0x0], $0xffff  }
0x181: {  	v9 =	vor.u32 v45, v23;
	v13 =	vld.idx.msk [tilespmem:v12+s19+$0x0], $0xffff;
	[tilespmem:$0x1FBD0] =	vst v14  }
0x182: {  	v12 =	vor.u32 v62, v22;
	[tilespmem:v11+s22+$0x0] =	vst.idx.msk $0xffff, v21  }
0x183: {  	[tilespmem:v10+s22+$0x0] =	vst.idx.msk $0xffff, v17;
	v10 =	vor.u32 v58, v25  }
0x184: {  	v51 =	vor.u32 v38, v8;
	v18 =	vld.idx.msk [tilespmem:v18+s19+$0x0], $0xffff;
	[tilespmem:$0x1FBE0] =	vst v10  }
0x185: {  	v30 =	vor.u32 v46, v1;
	[tilespmem:v16+s22+$0x0] =	vst.idx.msk $0xffff, v19  }
0x186: {  	v37 =	vor.u32 v37, v0;
	v36 =	vld [tilespmem:$0x1FD20];
	[tilespmem:v9+s22+$0x0] =	vst.idx.msk $0xffff, v20  }
0x187: {  	v17 =	vor.u32 v47, v7;
	[tilespmem:v12+s22+$0x0] =	vst.idx.msk $0xffff, v13  }
0x188: {  	v11 =	vor.u32 v24, v26;
	v21 =	vor.u32 v31, v4;
	v9 =	vld [tilespmem:$0x1FBD0]  }
0x189: {  	v19 =	vld.idx.msk [tilespmem:v51+s19+$0x0], $0xffff  }
0x18a: {  	v20 =	vld.idx.msk [tilespmem:v30+s19+$0x0], $0xffff  }
0x18b: {  	v16 =	vld.idx.msk [tilespmem:v37+s19+$0x0], $0xffff  }
0x18c: {  	v14 =	vor.u32 v47, v2;
	v37 =	vld [tilespmem:$0x1FD30];
	[tilespmem:v17+s22+$0x0] =	vst.idx.msk $0xffff, v18  }
0x18d: {  	v13 =	vor.u32 v31, v5;
	[tilespmem:v21+s22+$0x0] =	vst.idx.msk $0xffff, v9;
	v21 =	vld.idx.msk [tilespmem:v11+s19+$0x0], $0xffff  }
0x18e: {  	v10 =	vor.u32 v36, v28;
	v11 =	vld [tilespmem:$0x1FBE0];
	_ =	sdelay $0x2  }
0x18f: {  	[tilespmem:v14+s22+$0x0] =	vst.idx.msk $0xffff, v20  }
0x190: {  	v33 =	vor.u32 v46, v3;
	[tilespmem:v13+s22+$0x0] =	vst.idx.msk $0xffff, v16  }
0x191: {  	v15 =	vor.u32 v48, v6;
	[tilespmem:v10+s22+$0x0] =	vst.idx.msk $0xffff, v19  }
0x192: {  	v31 =	vor.u32 v29, v55;
	v51 =	vor.u32 v37, v8;
	v29 =	vld [tilespmem:$0x1FD40]  }
0x193: {  	v30 =	vor.u32 v48, v1;
	v9 =	vor.u32 v35, v23  }
0x194: {  	v18 =	vld.idx.msk [tilespmem:v11+s19+$0x0], $0xffff;
	v11 =	vor.u32 v59, v22  }
0x195: {  	v12 =	vor.u32 v47, v4;
	v19 =	vld.idx.msk [tilespmem:v33+s19+$0x0], $0xffff  }
0x196: {  	v15 =	vld.idx.msk [tilespmem:v15+s19+$0x0], $0xffff;
	v20 =	vor.u32 v49, v7  }
0x197: {  	v17 =	vor.u32 v46, v0;
	v16 =	vld.idx.msk [tilespmem:v51+s19+$0x0], $0xffff;
	v10 =	vor.u32 v29, v28  }
0x198: {  	v13 =	vor.u32 v49, v2;
	[tilespmem:v9+s22+$0x0] =	vst.idx.msk $0xffff, v21;
	v51 =	vor.u32 v50, v6;
	v21 =	vld.idx.msk [tilespmem:v30+s19+$0x0], $0xffff  }
0x199: {  	[tilespmem:v11+s22+$0x0] =	vst.idx.msk $0xffff, v18;
	v18 =	vld.idx.msk [tilespmem:v31+s19+$0x0], $0xffff  }
0x19a: {  	v46 =	vor.u32 v56, v25;
	v9 =	vor.u32 v60, v27;
	v33 =	vld [tilespmem:$0x1FD50];
	[tilespmem:v12+s22+$0x0] =	vst.idx.msk $0xffff, v19  }
0x19b: {  	[tilespmem:v20+s22+$0x0] =	vst.idx.msk $0xffff, v15  }
0x19c: {  	v14 =	vor.u32 v48, v3;
	v17 =	vld.idx.msk [tilespmem:v17+s19+$0x0], $0xffff;
	[tilespmem:v10+s22+$0x0] =	vst.idx.msk $0xffff, v16  }
0x19d: {  	v15 =	vor.u32 v48, v0;
	[tilespmem:v13+s22+$0x0] =	vst.idx.msk $0xffff, v21;
	v48 =	vld.idx.msk [tilespmem:v51+s19+$0x0], $0xffff  }
0x19e: {  	v12 =	vor.u32 v50, v1;
	v19 =	vor.u32 v47, v5;
	v51 =	vld [tilespmem:$0x1FE90]  }
0x19f: {  	v31 =	vor.u32 v57, v55;
	v11 =	vor.u32 v45, v22;
	v20 =	vld.idx.msk [tilespmem:v46+s19+$0x0], $0xffff;
	[tilespmem:v9+s22+$0x0] =	vst.idx.msk $0xffff, v18  }
0x1a0: {  	v30 =	vor.u32 v33, v8;
	v57 =	vld [tilespmem:$0x1FD60]  }
0x1a1: {  	v16 =	vld.idx.msk [tilespmem:v14+s19+$0x0], $0xffff;
	v14 =	vor.u32 v49, v4;
	_ =	sdelay $0x1  }
0x1a2: {  	[tilespmem:v19+s22+$0x0] =	vst.idx.msk $0xffff, v17;
	v19 =	vld.idx.msk [tilespmem:v12+s19+$0x0], $0xffff;
	v21 =	vor.u32 v51, v7  }
0x1a3: {  	[tilespmem:v11+s22+$0x0] =	vst.idx.msk $0xffff, v20;
	v20 =	vld.idx.msk [tilespmem:v31+s19+$0x0], $0xffff;
	v12 =	vor.u32 v51, v2  }
0x1a4: {  	v18 =	vld.idx.msk [tilespmem:v30+s19+$0x0], $0xffff;
	v9 =	vor.u32 v57, v28  }
0x1a5: {  	v10 =	vor.u32 v62, v27;
	v11 =	vor.u32 v44, v1;
	v60 =	vld [tilespmem:$0x1FD70];
	[tilespmem:v14+s22+$0x0] =	vst.idx.msk $0xffff, v16  }
0x1a6: {  	v62 =	vld.idx.msk [tilespmem:v15+s19+$0x0], $0xffff;
	v16 =	vor.u32 v49, v5;
	[tilespmem:$0x1FBF0] =	vst v11  }
0x1a7: {  	[tilespmem:v21+s22+$0x0] =	vst.idx.msk $0xffff, v48  }
0x1a8: {  	[tilespmem:v12+s22+$0x0] =	vst.idx.msk $0xffff, v19  }
0x1a9: {  	v13 =	vor.u32 v24, v25;
	[tilespmem:v9+s22+$0x0] =	vst.idx.msk $0xffff, v18  }
0x1aa: {  	v30 =	vld [tilespmem:$0x1FEB0];
	[tilespmem:v10+s22+$0x0] =	vst.idx.msk $0xffff, v20  }
0x1ab: {  	v46 =	vor.u32 v50, v3;
	v31 =	vor.u32 v58, v55;
	v58 =	vld [tilespmem:$0x1FD80];
	[tilespmem:v16+s22+$0x0] =	vst.idx.msk $0xffff, v62  }
0x1ac: {  	v17 =	vor.u32 v44, v6;
	v10 =	vld [tilespmem:$0x1FBF0]  }
0x1ad: {  	v47 =	vor.u32 v60, v8  }
0x1ae: {  	v11 =	vor.u32 v35, v22;
	v13 =	vld.idx.msk [tilespmem:v13+s19+$0x0], $0xffff;
	_ =	sdelay $0x1  }
0x1af: {  	v14 =	vor.u32 v51, v4;
	v18 =	vld.idx.msk [tilespmem:v46+s19+$0x0], $0xffff  }
0x1b0: {  	v15 =	vor.u32 v50, v0;
	v48 =	vld.idx.msk [tilespmem:v17+s19+$0x0], $0xffff  }
0x1b1: {  	v20 =	vld.idx.msk [tilespmem:v47+s19+$0x0], $0xffff;
	v19 =	vor.u32 v30, v7  }
0x1b2: {  	[tilespmem:v11+s22+$0x0] =	vst.idx.msk $0xffff, v13;
	v13 =	vld.idx.msk [tilespmem:v31+s19+$0x0], $0xffff;
	v9 =	vor.u32 v58, v28  }
0x1b3: {  	v12 =	vor.u32 v30, v2;
	v17 =	vld.idx.msk [tilespmem:v10+s19+$0x0], $0xffff  }
0x1b4: {  	v11 =	vor.u32 v40, v1;
	v62 =	vld [tilespmem:$0x1FD90];
	[tilespmem:v14+s22+$0x0] =	vst.idx.msk $0xffff, v18;
	v10 =	vor.u32 v59, v27  }
0x1b5: {  	v18 =	vor.u32 v51, v5;
	v59 =	vld.idx.msk [tilespmem:v15+s19+$0x0], $0xffff;
	[tilespmem:$0x1FC00] =	vst v11  }
0x1b6: {  	[tilespmem:v19+s22+$0x0] =	vst.idx.msk $0xffff, v48  }
0x1b7: {  	v21 =	vor.u32 v38, v25;
	[tilespmem:v9+s22+$0x0] =	vst.idx.msk $0xffff, v20  }
0x1b8: {  	[tilespmem:v12+s22+$0x0] =	vst.idx.msk $0xffff, v17  }
0x1b9: {  	[tilespmem:v10+s22+$0x0] =	vst.idx.msk $0xffff, v13  }
0x1ba: {  	v46 =	vor.u32 v44, v3;
	v31 =	vor.u32 v56, v55;
	v56 =	vld [tilespmem:$0x1FDA0];
	[tilespmem:v18+s22+$0x0] =	vst.idx.msk $0xffff, v59  }
0x1bb: {  	v16 =	vor.u32 v40, v6;
	v10 =	vld [tilespmem:$0x1FC00]  }
0x1bc: {  	v11 =	vor.u32 v36, v22;
	v21 =	vld.idx.msk [tilespmem:v21+s19+$0x0], $0xffff  }
0x1bd: {  	v47 =	vor.u32 v62, v8;
	_ =	sdelay $0x1  }
0x1be: {  	v14 =	vor.u32 v30, v4;
	v20 =	vld.idx.msk [tilespmem:v46+s19+$0x0], $0xffff  }
0x1bf: {  	v16 =	vld.idx.msk [tilespmem:v16+s19+$0x0], $0xffff;
	v17 =	vor.u32 v41, v7  }
0x1c0: {  	v15 =	vor.u32 v44, v0;
	[tilespmem:v11+s22+$0x0] =	vst.idx.msk $0xffff, v21;
	v11 =	vld.idx.msk [tilespmem:v31+s19+$0x0], $0xffff;
	v21 =	vor.u32 v45, v27  }
0x1c1: {  	v19 =	vor.u32 v37, v25;
	v13 =	vld.idx.msk [tilespmem:v47+s19+$0x0], $0xffff;
	v9 =	vor.u32 v56, v28  }
0x1c2: {  	v44 =	vor.u32 v40, v3;
	v12 =	vld.idx.msk [tilespmem:v10+s19+$0x0], $0xffff;
	v10 =	vor.u32 v41, v2  }
0x1c3: {  	v59 =	vld [tilespmem:$0x1FDB0];
	[tilespmem:v14+s22+$0x0] =	vst.idx.msk $0xffff, v20  }
0x1c4: {  	v18 =	vor.u32 v43, v6;
	[tilespmem:v17+s22+$0x0] =	vst.idx.msk $0xffff, v16  }
0x1c5: {  	v48 =	vor.u32 v43, v1;
	v15 =	vld.idx.msk [tilespmem:v15+s19+$0x0], $0xffff;
	v20 =	vor.u32 v30, v5;
	[tilespmem:v21+s22+$0x0] =	vst.idx.msk $0xffff, v11  }
0x1c6: {  	v30 =	vor.u32 v24, v55;
	v17 =	vld.idx.msk [tilespmem:v19+s19+$0x0], $0xffff;
	v19 =	vor.u32 v29, v22;
	[tilespmem:v9+s22+$0x0] =	vst.idx.msk $0xffff, v13  }
0x1c7: {  	v14 =	vor.u32 v40, v0;
	v13 =	vld.idx.msk [tilespmem:v44+s19+$0x0], $0xffff;
	v9 =	vor.u32 v41, v4;
	[tilespmem:v10+s22+$0x0] =	vst.idx.msk $0xffff, v12  }
0x1c8: {  	v8 =	vor.u32 v59, v8;
	v24 =	vld [tilespmem:$0x1FDC0]  }
0x1c9: {  	v16 =	vor.u32 v33, v25;
	v18 =	vld.idx.msk [tilespmem:v18+s19+$0x0], $0xffff;
	v12 =	vor.u32 v52, v7  }
0x1ca: {  	v10 =	vor.u32 v52, v2;
	[tilespmem:v20+s22+$0x0] =	vst.idx.msk $0xffff, v15;
	v15 =	vor.u32 v39, v6;
	v20 =	vld.idx.msk [tilespmem:v48+s19+$0x0], $0xffff  }
0x1cb: {  	v11 =	vor.u32 v35, v27;
	[tilespmem:v19+s22+$0x0] =	vst.idx.msk $0xffff, v17;
	v17 =	vor.u32 v43, v3;
	v19 =	vld.idx.msk [tilespmem:v30+s19+$0x0], $0xffff  }
0x1cc: {  	[tilespmem:v9+s22+$0x0] =	vst.idx.msk $0xffff, v13;
	v9 =	vor.u32 v39, v1;
	v13 =	vor.u32 v41, v5;
	v14 =	vld.idx.msk [tilespmem:v14+s19+$0x0], $0xffff  }
0x1cd: {  	v31 =	vor.u32 v38, v26;
	v21 =	vld.idx.msk [tilespmem:v8+s19+$0x0], $0xffff;
	v8 =	vor.u32 v24, v28  }
0x1ce: {  	v16 =	vld.idx.msk [tilespmem:v16+s19+$0x0], $0xffff;
	[tilespmem:v12+s22+$0x0] =	vst.idx.msk $0xffff, v18;
	v18 =	vor.u32 v57, v22  }
0x1cf: {  	v15 =	vld.idx.msk [tilespmem:v15+s19+$0x0], $0xffff;
	[tilespmem:v10+s22+$0x0] =	vst.idx.msk $0xffff, v20;
	v20 =	vor.u32 v53, v7  }
0x1d0: {  	v17 =	vld.idx.msk [tilespmem:v17+s19+$0x0], $0xffff;
	[tilespmem:v11+s22+$0x0] =	vst.idx.msk $0xffff, v19;
	v19 =	vor.u32 v52, v4  }
0x1d1: {  	[tilespmem:v13+s22+$0x0] =	vst.idx.msk $0xffff, v14;
	v14 =	vld.idx.msk [tilespmem:v9+s19+$0x0], $0xffff;
	v9 =	vor.u32 v53, v2  }
0x1d2: {  	v28 =	vor.u32 v38, v55;
	[tilespmem:v8+s22+$0x0] =	vst.idx.msk $0xffff, v21;
	v21 =	vld.idx.msk [tilespmem:v31+s19+$0x0], $0xffff;
	v8 =	vor.u32 v36, v23  }
0x1d3: {  	[tilespmem:v18+s22+$0x0] =	vst.idx.msk $0xffff, v16  }
0x1d4: {  	v12 =	vor.u32 v43, v0;
	[tilespmem:v20+s22+$0x0] =	vst.idx.msk $0xffff, v15  }
0x1d5: {  	v31 =	vor.u32 v60, v25;
	[tilespmem:v19+s22+$0x0] =	vst.idx.msk $0xffff, v17  }
0x1d6: {  	v11 =	vor.u32 v37, v26;
	[tilespmem:v9+s22+$0x0] =	vst.idx.msk $0xffff, v14  }
0x1d7: {  	v10 =	vor.u32 v36, v27;
	v16 =	vor.u32 v39, v3;
	v18 =	vld.idx.msk [tilespmem:v28+s19+$0x0], $0xffff;
	[tilespmem:v8+s22+$0x0] =	vst.idx.msk $0xffff, v21  }
0x1d8: {  	v13 =	vor.u32 v54, v6;
	v28 =	vld [tilespmem:$0x1FF30]  }
0x1d9: {  	v40 =	vor.u32 v54, v1;
	v12 =	vld.idx.msk [tilespmem:v12+s19+$0x0], $0xffff;
	v21 =	vor.u32 v52, v5  }
0x1da: {  	v20 =	vld.idx.msk [tilespmem:v31+s19+$0x0], $0xffff;
	v8 =	vor.u32 v58, v22  }
0x1db: {  	v19 =	vor.u32 v29, v23;
	v15 =	vld.idx.msk [tilespmem:v11+s19+$0x0], $0xffff  }
0x1dc: {  	v16 =	vld.idx.msk [tilespmem:v16+s19+$0x0], $0xffff;
	[tilespmem:v10+s22+$0x0] =	vst.idx.msk $0xffff, v18;
	v18 =	vor.u32 v53, v4  }
0x1dd: {  	v13 =	vld.idx.msk [tilespmem:v13+s19+$0x0], $0xffff;
	v14 =	vor.u32 v28, v7  }
0x1de: {  	v30 =	vor.u32 v37, v55;
	[tilespmem:v21+s22+$0x0] =	vst.idx.msk $0xffff, v12;
	v21 =	vld.idx.msk [tilespmem:v40+s19+$0x0], $0xffff;
	v9 =	vor.u32 v28, v2  }
0x1df: {  	v31 =	vld [tilespmem:$0x1FF40];
	[tilespmem:v8+s22+$0x0] =	vst.idx.msk $0xffff, v20  }
0x1e0: {  	v17 =	vor.u32 v39, v0;
	[tilespmem:v19+s22+$0x0] =	vst.idx.msk $0xffff, v15  }
0x1e1: {  	v10 =	vor.u32 v33, v26;
	[tilespmem:v18+s22+$0x0] =	vst.idx.msk $0xffff, v16  }
0x1e2: {  	v41 =	vor.u32 v62, v25;
	[tilespmem:v14+s22+$0x0] =	vst.idx.msk $0xffff, v13  }
0x1e3: {  	v11 =	vor.u32 v29, v27;
	v12 =	vor.u32 v54, v3;
	v20 =	vld.idx.msk [tilespmem:v30+s19+$0x0], $0xffff;
	[tilespmem:v9+s22+$0x0] =	vst.idx.msk $0xffff, v21  }
0x1e4: {  	v43 =	vor.u32 v31, v6;
	v45 =	vld [tilespmem:$0x1FF50]  }
0x1e5: {  	v17 =	vld.idx.msk [tilespmem:v17+s19+$0x0], $0xffff;
	v19 =	vor.u32 v53, v5;
	v44 =	vor.u32 v31, v1  }
0x1e6: {  	v18 =	vld.idx.msk [tilespmem:v10+s19+$0x0], $0xffff;
	v10 =	vor.u32 v57, v23  }
0x1e7: {  	v15 =	vor.u32 v56, v22;
	v14 =	vld.idx.msk [tilespmem:v41+s19+$0x0], $0xffff  }
0x1e8: {  	v12 =	vld.idx.msk [tilespmem:v12+s19+$0x0], $0xffff;
	[tilespmem:v11+s22+$0x0] =	vst.idx.msk $0xffff, v20;
	v20 =	vor.u32 v28, v4  }
0x1e9: {  	v13 =	vld.idx.msk [tilespmem:v43+s19+$0x0], $0xffff;
	v8 =	vor.u32 v45, v7  }
0x1ea: {  	v30 =	vor.u32 v33, v55;
	[tilespmem:v19+s22+$0x0] =	vst.idx.msk $0xffff, v17;
	v19 =	vld.idx.msk [tilespmem:v44+s19+$0x0], $0xffff;
	v9 =	vor.u32 v45, v2  }
0x1eb: {  	v29 =	vld [tilespmem:$0x1FF60];
	[tilespmem:v10+s22+$0x0] =	vst.idx.msk $0xffff, v18  }
0x1ec: {  	v16 =	vor.u32 v54, v0;
	[tilespmem:v15+s22+$0x0] =	vst.idx.msk $0xffff, v14  }
0x1ed: {  	v21 =	vor.u32 v59, v25;
	[tilespmem:v20+s22+$0x0] =	vst.idx.msk $0xffff, v12  }
0x1ee: {  	v46 =	vor.u32 v60, v26;
	[tilespmem:v8+s22+$0x0] =	vst.idx.msk $0xffff, v13  }
0x1ef: {  	v11 =	vor.u32 v57, v27;
	v14 =	vor.u32 v31, v3;
	v15 =	vld.idx.msk [tilespmem:v30+s19+$0x0], $0xffff;
	[tilespmem:v9+s22+$0x0] =	vst.idx.msk $0xffff, v19  }
0x1f0: {  	v17 =	vor.u32 v29, v6;
	v30 =	vld [tilespmem:$0x1FF70]  }
0x1f1: {  	v47 =	vld.idx.msk [tilespmem:v16+s19+$0x0], $0xffff;
	v18 =	vor.u32 v28, v5  }
0x1f2: {  	v10 =	vor.u32 v29, v1;
	v13 =	vld.idx.msk [tilespmem:v21+s19+$0x0], $0xffff;
	v21 =	vor.u32 v24, v22  }
0x1f3: {  	v20 =	vld.idx.msk [tilespmem:v46+s19+$0x0], $0xffff;
	v8 =	vor.u32 v58, v23  }
0x1f4: {  	v14 =	vld.idx.msk [tilespmem:v14+s19+$0x0], $0xffff;
	[tilespmem:v11+s22+$0x0] =	vst.idx.msk $0xffff, v15;
	v15 =	vor.u32 v45, v4  }
0x1f5: {  	v16 =	vor.u32 v60, v55;
	v17 =	vld.idx.msk [tilespmem:v17+s19+$0x0], $0xffff;
	v9 =	vor.u32 v30, v7  }
0x1f6: {  	v22 =	vld [tilespmem:$0x1FF80];
	[tilespmem:v18+s22+$0x0] =	vst.idx.msk $0xffff, v47  }
0x1f7: {  	v12 =	vor.u32 v31, v0;
	v48 =	vld.idx.msk [tilespmem:v10+s19+$0x0], $0xffff;
	[tilespmem:v21+s22+$0x0] =	vst.idx.msk $0xffff, v13;
	v18 =	vor.u32 v30, v2  }
0x1f8: {  	[tilespmem:v8+s22+$0x0] =	vst.idx.msk $0xffff, v20  }
0x1f9: {  	v19 =	vor.u32 v62, v26;
	[tilespmem:v15+s22+$0x0] =	vst.idx.msk $0xffff, v14  }
0x1fa: {  	v10 =	vor.u32 v29, v3;
	v57 =	vld.idx.msk [tilespmem:v16+s19+$0x0], $0xffff;
	[tilespmem:v9+s22+$0x0] =	vst.idx.msk $0xffff, v17  }
0x1fb: {  	v52 =	vmovc v30;
	v11 =	vor.u32 v22, v6;
	v13 =	vor.u32 v22, v1;
	v30 =	vmov v22;
	v22 =	vld [tilespmem:$0x1FF90]  }
0x1fc: {  	v16 =	vld.idx.msk [tilespmem:v12+s19+$0x0], $0xffff;
	v21 =	vor.u32 v58, v27;
	[tilespmem:v18+s22+$0x0] =	vst.idx.msk $0xffff, v48  }
0x1fd: {  	v12 =	vor.u32 v45, v5;
	v20 =	vor.u32 v62, v55;
	v58 =	vld [tilespmem:$0x1FFA0]  }
0x1fe: {  	v29 =	vor.u32 v29, v0;
	v17 =	vld.idx.msk [tilespmem:v19+s19+$0x0], $0xffff;
	v19 =	vor.u32 v56, v23  }
0x1ff: {  	v10 =	vld.idx.msk [tilespmem:v10+s19+$0x0], $0xffff;
	v8 =	vor.u32 v52, v4  }
0x200: {  	v15 =	vor.u32 v59, v26;
	v11 =	vld.idx.msk [tilespmem:v11+s19+$0x0], $0xffff;
	v14 =	vor.u32 v22, v7  }
0x201: {  	v9 =	vor.u32 v30, v3;
	v36 =	vld.idx.msk [tilespmem:v13+s19+$0x0], $0xffff;
	[tilespmem:v21+s22+$0x0] =	vst.idx.msk $0xffff, v57;
	v21 =	vor.u32 v22, v2  }
0x202: {  	[tilespmem:v12+s22+$0x0] =	vst.idx.msk $0xffff, v16;
	v35 =	vld.idx.msk [tilespmem:v20+s19+$0x0], $0xffff;
	v20 =	vor.u32 v56, v27;
	v18 =	vor.u32 v58, v6  }
0x203: {  	v29 =	vld.idx.msk [tilespmem:v29+s19+$0x0], $0xffff;
	[tilespmem:v19+s22+$0x0] =	vst.idx.msk $0xffff, v17;
	v19 =	vor.u32 v52, v5;
	v16 =	vor.u32 v58, v1  }
0x204: {  	[tilespmem:v8+s22+$0x0] =	vst.idx.msk $0xffff, v10  }
0x205: {  	v13 =	vld.idx.msk [tilespmem:v15+s19+$0x0], $0xffff;
	v15 =	vor.u32 v24, v23;
	[tilespmem:v14+s22+$0x0] =	vst.idx.msk $0xffff, v11  }
0x206: {  	v60 =	vld.idx.msk [tilespmem:v9+s19+$0x0], $0xffff;
	[tilespmem:v21+s22+$0x0] =	vst.idx.msk $0xffff, v36;
	v21 =	vor.u32 v22, v4  }
0x207: {  	[tilespmem:v20+s22+$0x0] =	vst.idx.msk $0xffff, v35;
	v14 =	vor.u32 v61, v7;
	v18 =	vld.idx.msk [tilespmem:v18+s19+$0x0], $0xffff  }
0x208: {  	v62 =	vor.u32 v61, v2;
	[tilespmem:v19+s22+$0x0] =	vst.idx.msk $0xffff, v29;
	v23 =	vld.idx.msk [tilespmem:v16+s19+$0x0], $0xffff  }
0x209: {  	v8 =	vld [tilespmem:$0x1FFB0]  }
0x20a: {  	[tilespmem:v15+s22+$0x0] =	vst.idx.msk $0xffff, v13  }
0x20b: {  	v12 =	vor.u32 v30, v0;
	[tilespmem:v21+s22+$0x0] =	vst.idx.msk $0xffff, v60  }
0x20c: {  	v11 =	vor.u32 v59, v55;
	[tilespmem:v14+s22+$0x0] =	vst.idx.msk $0xffff, v18  }
0x20d: {  	v30 =	vor.u32 v58, v3;
	[tilespmem:v62+s22+$0x0] =	vst.idx.msk $0xffff, v23  }
0x20e: {  	v17 =	vor.u32 v63, v6;
	v29 =	vor.u32 v8, v6;
	v8 =	vld [tilespmem:$0x1FFE0]  }
0x20f: {  	v33 =	vmov v63;
	v10 =	vor.u32 v24, v27  }
0x210: {  	v20 =	vor.u32 v58, v0;
	v19 =	vor.u32 v34, v7;
	v12 =	vld.idx.msk [tilespmem:v12+s19+$0x0], $0xffff;
	v55 =	vmovc v58;
	v58 =	vmov v39  }
0x211: {  	v13 =	vor.u32 v22, v5;
	v16 =	vor.u32 v34, v4;
	v9 =	vld.idx.msk [tilespmem:v11+s19+$0x0], $0xffff;
	v11 =	vor.u32 v42, v6  }
0x212: {  	v59 =	vmovc v53;
	v60 =	vmovc v54;
	v14 =	vor.u32 v63, v0;
	v21 =	vld.idx.msk [tilespmem:v30+s19+$0x0], $0xffff;
	v30 =	vmov v61;
	v61 =	vmov v28  }
0x213: {  	s17 =	simm.s32 $0x8;
	v62 =	vmovc v31;
	v18 =	vld.idx.msk [tilespmem:v17+s19+$0x0], $0xffff;
	v17 =	vor.u32 v63, v3;
	v63 =	vmov v45;
	v15 =	vor.u32 v8, v7  }
.LBB2_3:
0x214: {  	v39 =	vld [tilespmem:$0x1FDE0]  }
0x215: {  	v41 =	vld [tilespmem:$0x1FC90]  }
0x216: {  	v52 =	vlaneseq.u32;
	v43 =	vld [tilespmem:$0x1FFF0]  }
0x217: {  	s2 =	sadd.s32 $0x1, s17;
	s3 =	sadd.s32 $0x3, s17;
	v23 =	vor.u32 v30, v5;
	v24 =	vor.u32 v30, v4;
	v44 =	vld [tilespmem:$0x1FFC0];
	v22 =	vadd.s32 s17, v52  }
0x218: {  	s1 =	smov.u32 s17;
	v46 =	vld [tilespmem:$0x1FFD0];
	v25 =	vadd.s32 s3, v52;
	v8 =	vshll.u32 v22, $0x9;
	[tilespmem:v10+s22+$0x0] =	vst.idx.msk $0xffff, v9;
	v10 =	vadd.s32 s2, v52  }
0x219: {  	v36 =	vld [tilespmem:$0x1FC70];
	s1 =	sadd.s32 $0x2, s1;
	[tilespmem:v13+s22+$0x0] =	vst.idx.msk $0xffff, v12;
	v13 =	vshll.u32 v25, $0x9;
	v26 =	vshll.u32 v10, $0x7;
	v28 =	vshll.u32 v10, $0x9  }
0x21a: {  	[tilespmem:v19+s22+$0x0] =	vst.idx.msk $0xffff, v18;
	v20 =	vld.idx.msk [tilespmem:v20+s19+$0x0], $0xffff;
	v47 =	vand.u32 $0x3000, v13;
	v13 =	vand.u32 $0x1F, v10;
	v10 =	vadd.s32 s1, v52  }
0x21b: {  	v12 =	vand.u32 $0x1F, v25;
	v29 =	vld.idx.msk [tilespmem:v29+s19+$0x0], $0xffff;
	v30 =	vshll.u32 v10, $0x9;
	v31 =	vshll.u32 v10, $0x7  }
0x21c: {  	v48 =	vand.u32 $0x3000, v30;
	v30 =	vand.u32 $0x380, v31;
	v31 =	vand.u32 $0x3000, v8;
	v8 =	vld [tilespmem:$0x1FFB0]  }
0x21d: {  	v40 =	vld [tilespmem:$0x1FDF0];
	v19 =	vand.u32 $0x3000, v28;
	v28 =	vor.u32 v32, v12  }
0x21e: {  	v42 =	vld [tilespmem:$0x1FE00];
	[tilespmem:v24+s22+$0x0] =	vst.idx.msk $0xffff, v21;
	v21 =	vor.u32 v32, v13  }
0x21f: {  	v27 =	vshll.u32 v25, $0x7;
	v17 =	vld.idx.msk [tilespmem:v17+s19+$0x0], $0xffff;
	[tilespmem:v23+s22+$0x0] =	vst.idx.msk $0xffff, v20  }
0x220: {  	v45 =	vld [tilespmem:$0x1FE10];
	v27 =	vand.u32 $0x380, v27;
	v10 =	vand.u32 $0x1F, v10;
	v26 =	vand.u32 $0x380, v26;
	[tilespmem:v15+s22+$0x0] =	vst.idx.msk $0xffff, v29  }
0x221: {  	v23 =	vld.idx.msk [tilespmem:v14+s19+$0x0], $0xffff;
	v14 =	vor.u32 v27, v47;
	v27 =	vor.u32 v33, v1;
	v20 =	vor.u32 v8, v13  }
0x222: {  	v15 =	vor.u32 v26, v19;
	v28 =	vld.idx.msk [tilespmem:v28+s19+$0x0], $0xffff;
	[tilespmem:$0x1FAD0] =	vst v20;
	v20 =	vor.u32 v32, v10  }
0x223: {  	v54 =	vor.u32 v34, v5;
	v9 =	vand.u32 $0x1F, v22;
	v21 =	vld.idx.msk [tilespmem:v21+s19+$0x0], $0xffff;
	v29 =	vor.u32 v52, v15  }
0x224: {  	v34 =	vld.idx.msk [tilespmem:v11+s19+$0x0], $0xffff;
	[tilespmem:v16+s22+$0x0] =	vst.idx.msk $0xffff, v17;
	v16 =	vor.u32 v39, v13;
	v53 =	vor.u32 v8, v0  }
0x225: {  	v11 =	vor.u32 v30, v48;
	v26 =	vor.u32 v8, v3;
	v48 =	vor.u32 v8, v1;
	v8 =	vld [tilespmem:$0x1FC80]  }
0x226: {  	v18 =	vor.u32 v32, v9;
	v56 =	vor.u32 v52, v14;
	v57 =	vld.idx.msk [tilespmem:v27+s19+$0x0], $0xffff  }
0x227: {  	v17 =	vld.idx.msk [tilespmem:v20+s19+$0x0], $0xffff;
	v20 =	vor.u32 v43, v7  }
0x228: {  	v24 =	vor.u32 v52, v11;
	[tilespmem:v54+s22+$0x0] =	vst.idx.msk $0xffff, v23;
	v23 =	vor.u32 v44, v6;
	v54 =	vld [tilespmem:$0x1FFE0]  }
0x229: {  	v27 =	vor.u32 v39, v10;
	[tilespmem:v29+s22+$0x0] =	vst.idx.msk $0xffff, v21;
	v30 =	vld.idx.msk [tilespmem:v53+s19+$0x0], $0xffff  }
0x22a: {  	v37 =	vld.idx.msk [tilespmem:v16+s19+$0x0], $0xffff;
	v53 =	vor.u32 v40, v15  }
0x22b: {  	v36 =	vor.u32 v36, v2;
	[tilespmem:v56+s22+$0x0] =	vst.idx.msk $0xffff, v28;
	v18 =	vld.idx.msk [tilespmem:v18+s19+$0x0], $0xffff  }
0x22c: {  	v26 =	vld.idx.msk [tilespmem:v26+s19+$0x0], $0xffff;
	[tilespmem:v20+s22+$0x0] =	vst.idx.msk $0xffff, v34  }
0x22d: {  	v22 =	vshll.u32 v22, $0x7;
	[tilespmem:v24+s22+$0x0] =	vst.idx.msk $0xffff, v17;
	v17 =	vld.idx.msk [tilespmem:v23+s19+$0x0], $0xffff  }
0x22e: {  	v19 =	vor.u32 v39, v12;
	v16 =	vand.u32 $0x380, v22;
	v22 =	vor.u32 v42, v13;
	v24 =	vld.idx.msk [tilespmem:v27+s19+$0x0], $0xffff  }
0x22f: {  	v47 =	vor.u32 v46, v0;
	v28 =	vor.u32 v54, v5;
	[tilespmem:v53+s22+$0x0] =	vst.idx.msk $0xffff, v37;
	v53 =	vld [tilespmem:$0x1FE20]  }
0x230: {  	v29 =	vor.u32 v54, v4;
	[tilespmem:v36+s22+$0x0] =	vst.idx.msk $0xffff, v57;
	v57 =	vor.u32 v39, v9;
	v39 =	vld [tilespmem:$0x1FCB0]  }
0x231: {  	v37 =	vld [tilespmem:$0x1FCC0]  }
0x232: {  	v20 =	vor.u32 v46, v3;
	v23 =	vor.u32 v8, v7;
	v27 =	vld.idx.msk [tilespmem:v48+s19+$0x0], $0xffff  }
0x233: {  	v35 =	vor.u32 v41, v6;
	v16 =	vor.u32 v16, v31;
	v22 =	vld.idx.msk [tilespmem:v22+s19+$0x0], $0xffff  }
0x234: {  	v56 =	vor.u32 v40, v11;
	[tilespmem:v28+s22+$0x0] =	vst.idx.msk $0xffff, v30;
	v28 =	vor.u32 v52, v16;
	v52 =	vld [tilespmem:$0x1FCA0]  }
0x235: {  	v30 =	vor.u32 v42, v10;
	[tilespmem:v29+s22+$0x0] =	vst.idx.msk $0xffff, v26;
	v31 =	vld.idx.msk [tilespmem:v47+s19+$0x0], $0xffff  }
0x236: {  	v19 =	vld.idx.msk [tilespmem:v19+s19+$0x0], $0xffff  }
0x237: {  	v29 =	vor.u32 v43, v5;
	v20 =	vld.idx.msk [tilespmem:v20+s19+$0x0], $0xffff;
	[tilespmem:v23+s22+$0x0] =	vst.idx.msk $0xffff, v17  }
0x238: {  	v47 =	vor.u32 v54, v2;
	v48 =	vld.idx.msk [tilespmem:v35+s19+$0x0], $0xffff  }
0x239: {  	v32 =	vor.u32 v44, v0;
	v21 =	vor.u32 v40, v14;
	[tilespmem:v56+s22+$0x0] =	vst.idx.msk $0xffff, v24;
	v35 =	vld [tilespmem:$0x1FCD0]  }
0x23a: {  	v38 =	vor.u32 v42, v12;
	[tilespmem:v28+s22+$0x0] =	vst.idx.msk $0xffff, v18;
	v28 =	vld.idx.msk [tilespmem:v30+s19+$0x0], $0xffff  }
0x23b: {  	v17 =	vor.u32 v46, v1;
	v23 =	vor.u32 v45, v15;
	v26 =	vld.idx.msk [tilespmem:v57+s19+$0x0], $0xffff  }
0x23c: {  	v18 =	vor.u32 v53, v13;
	[tilespmem:v29+s22+$0x0] =	vst.idx.msk $0xffff, v31;
	v31 =	vor.u32 v40, v16;
	v40 =	vld [tilespmem:$0x1FC10]  }
0x23d: {  	v30 =	vor.u32 v52, v7;
	[tilespmem:v47+s22+$0x0] =	vst.idx.msk $0xffff, v27;
	v27 =	vor.u32 v42, v9;
	v42 =	vld [tilespmem:$0x1FC20]  }
0x23e: {  	v56 =	vor.u32 v45, v11;
	[tilespmem:v21+s22+$0x0] =	vst.idx.msk $0xffff, v19;
	v32 =	vld.idx.msk [tilespmem:v32+s19+$0x0], $0xffff  }
0x23f: {  	v29 =	vor.u32 v39, v6;
	v21 =	vld.idx.msk [tilespmem:v38+s19+$0x0], $0xffff  }
0x240: {  	v57 =	vor.u32 v53, v10;
	v38 =	vld [tilespmem:$0x1FC40]  }
0x241: {  	v33 =	vor.u32 v45, v14;
	v19 =	vor.u32 v8, v5;
	v17 =	vld.idx.msk [tilespmem:v17+s19+$0x0], $0xffff;
	[tilespmem:v23+s22+$0x0] =	vst.idx.msk $0xffff, v22  }
0x242: {  	v24 =	vor.u32 v41, v0;
	v23 =	vor.u32 v43, v2;
	v18 =	vld.idx.msk [tilespmem:v18+s19+$0x0], $0xffff;
	[tilespmem:v30+s22+$0x0] =	vst.idx.msk $0xffff, v48  }
0x243: {  	[tilespmem:v56+s22+$0x0] =	vst.idx.msk $0xffff, v28;
	v56 =	vor.u32 v45, v16;
	v45 =	vor.u32 v43, v4;
	v43 =	vld [tilespmem:$0x1FCF0]  }
0x244: {  	v36 =	vor.u32 v53, v12;
	v47 =	vor.u32 v40, v15;
	v28 =	vld.idx.msk [tilespmem:v29+s19+$0x0], $0xffff  }
0x245: {  	[tilespmem:v31+s22+$0x0] =	vst.idx.msk $0xffff, v26;
	v29 =	vld.idx.msk [tilespmem:v57+s19+$0x0], $0xffff  }
0x246: {  	v27 =	vld.idx.msk [tilespmem:v27+s19+$0x0], $0xffff;
	[tilespmem:v19+s22+$0x0] =	vst.idx.msk $0xffff, v32  }
0x247: {  	v30 =	vor.u32 v37, v7;
	v31 =	vor.u32 v40, v11;
	[tilespmem:v33+s22+$0x0] =	vst.idx.msk $0xffff, v21;
	v24 =	vld.idx.msk [tilespmem:v24+s19+$0x0], $0xffff  }
0x248: {  	v48 =	vor.u32 v42, v13;
	[tilespmem:v23+s22+$0x0] =	vst.idx.msk $0xffff, v17;
	v17 =	vor.u32 v53, v9;
	v53 =	vld [tilespmem:$0x1FC30]  }
0x249: {  	v57 =	vor.u32 v42, v10;
	[tilespmem:v47+s22+$0x0] =	vst.idx.msk $0xffff, v18;
	v18 =	vld.idx.msk [tilespmem:v36+s19+$0x0], $0xffff  }
0x24a: {  	v22 =	vor.u32 v40, v14;
	v19 =	vor.u32 v35, v6;
	v36 =	vld [tilespmem:$0x1FCE0]  }
0x24b: {  	v21 =	vor.u32 v52, v5;
	v23 =	vor.u32 v39, v0;
	[tilespmem:v45+s22+$0x0] =	vst.idx.msk $0xffff, v20;
	v45 =	vld [tilespmem:$0x1FE30]  }
0x24c: {  	[tilespmem:v31+s22+$0x0] =	vst.idx.msk $0xffff, v29;
	v29 =	vor.u32 v42, v12;
	v20 =	vor.u32 v42, v9;
	v42 =	vld [tilespmem:$0x1FD10]  }
0x24d: {  	v26 =	vld.idx.msk [tilespmem:v48+s19+$0x0], $0xffff;
	[tilespmem:v30+s22+$0x0] =	vst.idx.msk $0xffff, v28;
	v28 =	vor.u32 v44, v3  }
0x24e: {  	[tilespmem:v56+s22+$0x0] =	vst.idx.msk $0xffff, v27;
	v31 =	vld.idx.msk [tilespmem:v57+s19+$0x0], $0xffff;
	v30 =	vor.u32 v53, v15  }
0x24f: {  	v40 =	vor.u32 v40, v16;
	v17 =	vld.idx.msk [tilespmem:v17+s19+$0x0], $0xffff  }
0x250: {  	v27 =	vor.u32 v38, v13;
	v19 =	vld.idx.msk [tilespmem:v19+s19+$0x0], $0xffff;
	v57 =	vor.u32 v53, v11;
	[tilespmem:v21+s22+$0x0] =	vst.idx.msk $0xffff, v24  }
0x251: {  	v48 =	vor.u32 v38, v10;
	v23 =	vld.idx.msk [tilespmem:v23+s19+$0x0], $0xffff;
	[tilespmem:v22+s22+$0x0] =	vst.idx.msk $0xffff, v18  }
0x252: {  	v22 =	vld.idx.msk [tilespmem:v28+s19+$0x0], $0xffff  }
0x253: {  	v47 =	vor.u32 v36, v7;
	v25 =	vld.idx.msk [tilespmem:v29+s19+$0x0], $0xffff;
	[tilespmem:v30+s22+$0x0] =	vst.idx.msk $0xffff, v26  }
0x254: {  	v21 =	vor.u32 v43, v6;
	v18 =	vor.u32 v37, v5;
	[tilespmem:v40+s22+$0x0] =	vst.idx.msk $0xffff, v17;
	v40 =	vld [tilespmem:$0x1FD00]  }
0x255: {  	v56 =	vor.u32 v35, v0;
	[tilespmem:v57+s22+$0x0] =	vst.idx.msk $0xffff, v31;
	v27 =	vld.idx.msk [tilespmem:v27+s19+$0x0], $0xffff  }
0x256: {  	v28 =	vor.u32 v8, v4;
	v24 =	vld.idx.msk [tilespmem:v48+s19+$0x0], $0xffff  }
0x257: {  	v29 =	vor.u32 v53, v14;
	v20 =	vld.idx.msk [tilespmem:v20+s19+$0x0], $0xffff  }
0x258: {  	v30 =	vor.u32 v45, v15;
	v31 =	vor.u32 v38, v12;
	[tilespmem:v47+s22+$0x0] =	vst.idx.msk $0xffff, v19;
	v47 =	vld [tilespmem:$0x1FE40]  }
0x259: {  	v48 =	vor.u32 v45, v11;
	[tilespmem:v18+s22+$0x0] =	vst.idx.msk $0xffff, v23;
	v21 =	vld.idx.msk [tilespmem:v21+s19+$0x0], $0xffff  }
0x25a: {  	v19 =	vor.u32 v41, v3;
	v23 =	vor.u32 v53, v16;
	v26 =	vld.idx.msk [tilespmem:v56+s19+$0x0], $0xffff  }
0x25b: {  	[tilespmem:v28+s22+$0x0] =	vst.idx.msk $0xffff, v22;
	v22 =	vor.u32 v38, v9;
	v56 =	vld [tilespmem:$0x1FE50]  }
0x25c: {  	v53 =	vor.u32 v36, v5;
	v38 =	vld [tilespmem:$0x1FD20];
	[tilespmem:v29+s22+$0x0] =	vst.idx.msk $0xffff, v25  }
0x25d: {  	v28 =	vor.u32 v43, v0;
	[tilespmem:v30+s22+$0x0] =	vst.idx.msk $0xffff, v27;
	v27 =	vld.idx.msk [tilespmem:v31+s19+$0x0], $0xffff  }
0x25e: {  	v57 =	vor.u32 v40, v7;
	[tilespmem:v48+s22+$0x0] =	vst.idx.msk $0xffff, v24;
	v48 =	vld [tilespmem:$0x1FE60];
	v17 =	vor.u32 v47, v13  }
0x25f: {  	v34 =	vor.u32 v47, v10;
	v19 =	vld.idx.msk [tilespmem:v19+s19+$0x0], $0xffff;
	[tilespmem:v23+s22+$0x0] =	vst.idx.msk $0xffff, v20  }
0x260: {  	v29 =	vor.u32 v52, v4;
	v22 =	vld.idx.msk [tilespmem:v22+s19+$0x0], $0xffff  }
0x261: {  	v18 =	vor.u32 v42, v6;
	[tilespmem:v53+s22+$0x0] =	vst.idx.msk $0xffff, v26;
	v53 =	vld [tilespmem:$0x1FD30]  }
0x262: {  	v30 =	vor.u32 v45, v14;
	v28 =	vld.idx.msk [tilespmem:v28+s19+$0x0], $0xffff  }
0x263: {  	v17 =	vld.idx.msk [tilespmem:v17+s19+$0x0], $0xffff;
	[tilespmem:v57+s22+$0x0] =	vst.idx.msk $0xffff, v21;
	v21 =	vor.u32 v39, v3  }
0x264: {  	v24 =	vor.u32 v47, v12;
	v31 =	vor.u32 v56, v15;
	v33 =	vor.u32 v56, v11;
	v23 =	vld.idx.msk [tilespmem:v34+s19+$0x0], $0xffff  }
0x265: {  	v20 =	vor.u32 v48, v13;
	[tilespmem:v29+s22+$0x0] =	vst.idx.msk $0xffff, v19;
	v29 =	vor.u32 v47, v9;
	v47 =	vld [tilespmem:$0x1FEA0]  }
0x266: {  	v57 =	vor.u32 v45, v16;
	v45 =	vor.u32 v48, v10;
	v18 =	vld.idx.msk [tilespmem:v18+s19+$0x0], $0xffff  }
0x267: {  	v32 =	vor.u32 v38, v7;
	[tilespmem:v30+s22+$0x0] =	vst.idx.msk $0xffff, v27;
	v27 =	vor.u32 v44, v1;
	v44 =	vld [tilespmem:$0x1FD40]  }
0x268: {  	v21 =	vld.idx.msk [tilespmem:v21+s19+$0x0], $0xffff  }
0x269: {  	v19 =	vor.u32 v40, v5;
	[tilespmem:v31+s22+$0x0] =	vst.idx.msk $0xffff, v17;
	v17 =	vld.idx.msk [tilespmem:v24+s19+$0x0], $0xffff  }
0x26a: {  	v25 =	vor.u32 v53, v6;
	v24 =	vor.u32 v37, v4;
	[tilespmem:v33+s22+$0x0] =	vst.idx.msk $0xffff, v23;
	v20 =	vld.idx.msk [tilespmem:v20+s19+$0x0], $0xffff  }
0x26b: {  	v30 =	vor.u32 v56, v14;
	v26 =	vld.idx.msk [tilespmem:v45+s19+$0x0], $0xffff  }
0x26c: {  	v34 =	vor.u32 v8, v2;
	[tilespmem:v32+s22+$0x0] =	vst.idx.msk $0xffff, v18;
	v18 =	vor.u32 v35, v3;
	v45 =	vld [tilespmem:$0x1FD50]  }
0x26d: {  	v8 =	vld [tilespmem:$0x1FD60];
	v31 =	vor.u32 v49, v15;
	v23 =	vor.u32 v48, v12;
	[tilespmem:v57+s22+$0x0] =	vst.idx.msk $0xffff, v22  }
0x26e: {  	v22 =	vor.u32 v50, v13;
	v57 =	vor.u32 v49, v11;
	[tilespmem:v19+s22+$0x0] =	vst.idx.msk $0xffff, v28;
	v27 =	vld.idx.msk [tilespmem:v27+s19+$0x0], $0xffff  }
0x26f: {  	v32 =	vor.u32 v44, v7;
	v25 =	vld.idx.msk [tilespmem:v25+s19+$0x0], $0xffff;
	[tilespmem:v24+s22+$0x0] =	vst.idx.msk $0xffff, v21  }
0x270: {  	v28 =	vld.idx.msk [tilespmem:v29+s19+$0x0], $0xffff;
	v29 =	vor.u32 v50, v10;
	[tilespmem:v30+s22+$0x0] =	vst.idx.msk $0xffff, v17  }
0x271: {  	v21 =	vor.u32 v56, v16;
	v19 =	vor.u32 v45, v6;
	v18 =	vld.idx.msk [tilespmem:v18+s19+$0x0], $0xffff  }
0x272: {  	v17 =	vor.u32 v41, v1;
	[tilespmem:v31+s22+$0x0] =	vst.idx.msk $0xffff, v20;
	v20 =	vld.idx.msk [tilespmem:v23+s19+$0x0], $0xffff;
	v23 =	vor.u32 v36, v4  }
0x273: {  	v24 =	vor.u32 v48, v9;
	v31 =	vor.u32 v51, v15;
	[tilespmem:v57+s22+$0x0] =	vst.idx.msk $0xffff, v26;
	v22 =	vld.idx.msk [tilespmem:v22+s19+$0x0], $0xffff  }
0x274: {  	v30 =	vor.u32 v49, v14;
	v57 =	vor.u32 v47, v13;
	v41 =	vld [tilespmem:$0x1FD70];
	[tilespmem:v32+s22+$0x0] =	vst.idx.msk $0xffff, v25  }
0x275: {  	v29 =	vld.idx.msk [tilespmem:v29+s19+$0x0], $0xffff;
	[tilespmem:v34+s22+$0x0] =	vst.idx.msk $0xffff, v27  }
0x276: {  	[tilespmem:v21+s22+$0x0] =	vst.idx.msk $0xffff, v28;
	v19 =	vld.idx.msk [tilespmem:v19+s19+$0x0], $0xffff  }
0x277: {  	v56 =	vor.u32 v50, v12;
	v17 =	vld.idx.msk [tilespmem:v17+s19+$0x0], $0xffff;
	[tilespmem:v23+s22+$0x0] =	vst.idx.msk $0xffff, v18  }
0x278: {  	v24 =	vld.idx.msk [tilespmem:v24+s19+$0x0], $0xffff;
	[tilespmem:v31+s22+$0x0] =	vst.idx.msk $0xffff, v22  }
0x279: {  	v25 =	vor.u32 v43, v3;
	v21 =	vor.u32 v51, v11;
	[tilespmem:v30+s22+$0x0] =	vst.idx.msk $0xffff, v20;
	v30 =	vld.idx.msk [tilespmem:v57+s19+$0x0], $0xffff  }
0x27a: {  	v48 =	vor.u32 v8, v7;
	v28 =	vor.u32 v47, v10;
	v57 =	vld [tilespmem:$0x1FEC0]  }
0x27b: {  	v52 =	vor.u32 v52, v2;
	v20 =	vor.u32 v39, v1;
	v39 =	vld [tilespmem:$0x1FD80]  }
0x27c: {  	v27 =	vor.u32 v41, v6;
	v22 =	vld.idx.msk [tilespmem:v56+s19+$0x0], $0xffff  }
0x27d: {  	v18 =	vor.u32 v49, v16;
	v56 =	vld [tilespmem:$0x1FEB0]  }
0x27e: {  	v23 =	vld.idx.msk [tilespmem:v25+s19+$0x0], $0xffff;
	v25 =	vor.u32 v50, v9;
	[tilespmem:v21+s22+$0x0] =	vst.idx.msk $0xffff, v29  }
0x27f: {  	v26 =	vor.u32 v40, v4;
	[tilespmem:v48+s22+$0x0] =	vst.idx.msk $0xffff, v19;
	v28 =	vld.idx.msk [tilespmem:v28+s19+$0x0], $0xffff  }
0x280: {  	v31 =	vor.u32 v51, v14;
	[tilespmem:v52+s22+$0x0] =	vst.idx.msk $0xffff, v17;
	v52 =	vld [tilespmem:$0x1FD90]  }
0x281: {  	v19 =	vor.u32 v42, v3;
	v27 =	vld.idx.msk [tilespmem:v27+s19+$0x0], $0xffff  }
0x282: {  	v21 =	vor.u32 v47, v12;
	[tilespmem:v18+s22+$0x0] =	vst.idx.msk $0xffff, v24;
	v20 =	vld.idx.msk [tilespmem:v20+s19+$0x0], $0xffff;
	v32 =	vor.u32 v56, v15  }
0x283: {  	v29 =	vor.u32 v57, v13;
	v48 =	vor.u32 v39, v7;
	v17 =	vor.u32 v56, v11;
	v24 =	vld.idx.msk [tilespmem:v25+s19+$0x0], $0xffff  }
0x284: {  	v25 =	vor.u32 v57, v10;
	[tilespmem:v26+s22+$0x0] =	vst.idx.msk $0xffff, v23;
	v26 =	vor.u32 v47, v9;
	v47 =	vld [tilespmem:$0x1FED0]  }
0x285: {  	v23 =	vor.u32 v51, v16;
	[tilespmem:v31+s22+$0x0] =	vst.idx.msk $0xffff, v22;
	v22 =	vor.u32 v35, v1;
	v35 =	vld [tilespmem:$0x1FDA0]  }
0x286: {  	v37 =	vor.u32 v37, v2;
	v19 =	vld.idx.msk [tilespmem:v19+s19+$0x0], $0xffff  }
0x287: {  	v21 =	vld.idx.msk [tilespmem:v21+s19+$0x0], $0xffff;
	[tilespmem:v32+s22+$0x0] =	vst.idx.msk $0xffff, v30  }
0x288: {  	[tilespmem:v17+s22+$0x0] =	vst.idx.msk $0xffff, v28;
	v29 =	vld.idx.msk [tilespmem:v29+s19+$0x0], $0xffff  }
0x289: {  	v18 =	vor.u32 v52, v6;
	v30 =	vor.u32 v38, v4;
	[tilespmem:v48+s22+$0x0] =	vst.idx.msk $0xffff, v27;
	v48 =	vld [tilespmem:$0x1FEE0]  }
0x28a: {  	v31 =	vor.u32 v56, v14;
	[tilespmem:v23+s22+$0x0] =	vst.idx.msk $0xffff, v24;
	v25 =	vld.idx.msk [tilespmem:v25+s19+$0x0], $0xffff  }
0x28b: {  	[tilespmem:v37+s22+$0x0] =	vst.idx.msk $0xffff, v20;
	v37 =	vld [tilespmem:$0x1FDB0]  }
0x28c: {  	v32 =	vor.u32 v47, v15;
	v27 =	vor.u32 v53, v3;
	v23 =	vld.idx.msk [tilespmem:v26+s19+$0x0], $0xffff  }
0x28d: {  	v17 =	vor.u32 v57, v12;
	v33 =	vor.u32 v35, v7;
	v26 =	vor.u32 v36, v2;
	v36 =	vld [tilespmem:$0x1FDC0]  }
0x28e: {  	v20 =	vor.u32 v47, v11;
	v18 =	vld.idx.msk [tilespmem:v18+s19+$0x0], $0xffff;
	[tilespmem:v30+s22+$0x0] =	vst.idx.msk $0xffff, v19;
	v28 =	vor.u32 v48, v13  }
0x28f: {  	v24 =	vor.u32 v48, v10;
	[tilespmem:v31+s22+$0x0] =	vst.idx.msk $0xffff, v21;
	v21 =	vor.u32 v43, v1;
	v43 =	vld [tilespmem:$0x1FEF0]  }
0x290: {  	v22 =	vld.idx.msk [tilespmem:v22+s19+$0x0], $0xffff;
	v19 =	vor.u32 v56, v16;
	v6 =	vor.u32 v37, v6  }
0x291: {  	v30 =	vor.u32 v57, v9;
	v27 =	vld.idx.msk [tilespmem:v27+s19+$0x0], $0xffff  }
0x292: {  	[tilespmem:v32+s22+$0x0] =	vst.idx.msk $0xffff, v29;
	v29 =	vor.u32 v44, v4;
	v17 =	vld.idx.msk [tilespmem:v17+s19+$0x0], $0xffff  }
0x293: {  	v31 =	vor.u32 v47, v14;
	[tilespmem:v20+s22+$0x0] =	vst.idx.msk $0xffff, v25;
	v20 =	vor.u32 v42, v0;
	v28 =	vld.idx.msk [tilespmem:v28+s19+$0x0], $0xffff  }
0x294: {  	[tilespmem:v33+s22+$0x0] =	vst.idx.msk $0xffff, v18;
	v18 =	vor.u32 v45, v3;
	v32 =	vor.u32 v43, v15;
	v24 =	vld.idx.msk [tilespmem:v24+s19+$0x0], $0xffff  }
0x295: {  	v56 =	vor.u32 v58, v13;
	v7 =	vor.u32 v36, v7;
	[tilespmem:v19+s22+$0x0] =	vst.idx.msk $0xffff, v23;
	v6 =	vld.idx.msk [tilespmem:v6+s19+$0x0], $0xffff  }
0x296: {  	[tilespmem:v26+s22+$0x0] =	vst.idx.msk $0xffff, v22;
	v19 =	vor.u32 v43, v11;
	v22 =	vor.u32 v48, v12;
	v23 =	vld.idx.msk [tilespmem:v30+s19+$0x0], $0xffff  }
0x297: {  	v57 =	vor.u32 v58, v10;
	v30 =	vor.u32 v40, v2;
	v21 =	vld.idx.msk [tilespmem:v21+s19+$0x0], $0xffff;
	[tilespmem:v29+s22+$0x0] =	vst.idx.msk $0xffff, v27  }
0x298: {  	v20 =	vld.idx.msk [tilespmem:v20+s19+$0x0], $0xffff;
	v27 =	vor.u32 v47, v16;
	[tilespmem:v31+s22+$0x0] =	vst.idx.msk $0xffff, v17;
	v17 =	vor.u32 v42, v1  }
0x299: {  	v29 =	vor.u32 v48, v9;
	v18 =	vld.idx.msk [tilespmem:v18+s19+$0x0], $0xffff;
	[tilespmem:v32+s22+$0x0] =	vst.idx.msk $0xffff, v28;
	v28 =	vor.u32 v8, v4  }
0x29a: {  	v31 =	vor.u32 v38, v5;
	v25 =	vld.idx.msk [tilespmem:v56+s19+$0x0], $0xffff;
	[tilespmem:v7+s22+$0x0] =	vst.idx.msk $0xffff, v6;
	v6 =	vor.u32 v41, v3  }
0x29b: {  	[tilespmem:v19+s22+$0x0] =	vst.idx.msk $0xffff, v24;
	v19 =	vld.idx.msk [tilespmem:v22+s19+$0x0], $0xffff;
	v22 =	vor.u32 v53, v0;
	v7 =	vor.u32 v59, v15  }
0x29c: {  	v42 =	vor.u32 v43, v14;
	v26 =	vld.idx.msk [tilespmem:v57+s19+$0x0], $0xffff;
	[tilespmem:v30+s22+$0x0] =	vst.idx.msk $0xffff, v21  }
0x29d: {  	v40 =	vor.u32 v60, v13;
	[tilespmem:v27+s22+$0x0] =	vst.idx.msk $0xffff, v23;
	v17 =	vld.idx.msk [tilespmem:v17+s19+$0x0], $0xffff  }
0x29e: {  	v21 =	vor.u32 v59, v11;
	v23 =	vor.u32 v58, v12;
	v27 =	vld.idx.msk [tilespmem:v29+s19+$0x0], $0xffff;
	[tilespmem:v28+s22+$0x0] =	vst.idx.msk $0xffff, v18  }
0x29f: {  	v30 =	vor.u32 v38, v2;
	v29 =	vor.u32 v60, v10;
	[tilespmem:v31+s22+$0x0] =	vst.idx.msk $0xffff, v20;
	v6 =	vld.idx.msk [tilespmem:v6+s19+$0x0], $0xffff  }
0x2a0: {  	v20 =	vor.u32 v53, v1;
	v18 =	vor.u32 v43, v16;
	[tilespmem:v7+s22+$0x0] =	vst.idx.msk $0xffff, v25;
	v7 =	vld.idx.msk [tilespmem:v22+s19+$0x0], $0xffff  }
0x2a1: {  	v28 =	vor.u32 v58, v9;
	v22 =	vor.u32 v39, v4;
	[tilespmem:v42+s22+$0x0] =	vst.idx.msk $0xffff, v19;
	v42 =	vld [tilespmem:$0x1FF60]  }
0x2a2: {  	v47 =	vor.u32 v52, v3;
	v19 =	vor.u32 v44, v5;
	v24 =	vld.idx.msk [tilespmem:v40+s19+$0x0], $0xffff  }
0x2a3: {  	v31 =	vor.u32 v61, v15;
	[tilespmem:v21+s22+$0x0] =	vst.idx.msk $0xffff, v26;
	v21 =	vld.idx.msk [tilespmem:v23+s19+$0x0], $0xffff;
	v23 =	vor.u32 v45, v0  }
0x2a4: {  	v48 =	vor.u32 v62, v13;
	v53 =	vor.u32 v59, v14;
	v29 =	vld.idx.msk [tilespmem:v29+s19+$0x0], $0xffff;
	[tilespmem:v30+s22+$0x0] =	vst.idx.msk $0xffff, v17  }
0x2a5: {  	v56 =	vor.u32 v35, v4;
	v17 =	vor.u32 v61, v11;
	v20 =	vld.idx.msk [tilespmem:v20+s19+$0x0], $0xffff;
	[tilespmem:v18+s22+$0x0] =	vst.idx.msk $0xffff, v27  }
0x2a6: {  	v30 =	vor.u32 v44, v2;
	v27 =	vld.idx.msk [tilespmem:v28+s19+$0x0], $0xffff;
	v28 =	vor.u32 v62, v10;
	[tilespmem:v22+s22+$0x0] =	vst.idx.msk $0xffff, v6  }
0x2a7: {  	v18 =	vor.u32 v60, v12;
	v6 =	vor.u32 v59, v16;
	[tilespmem:v19+s22+$0x0] =	vst.idx.msk $0xffff, v7;
	v19 =	vld.idx.msk [tilespmem:v47+s19+$0x0], $0xffff  }
0x2a8: {  	v43 =	vor.u32 v8, v2;
	v7 =	vor.u32 v45, v1;
	[tilespmem:v31+s22+$0x0] =	vst.idx.msk $0xffff, v24;
	v23 =	vld.idx.msk [tilespmem:v23+s19+$0x0], $0xffff  }
0x2a9: {  	v22 =	vor.u32 v60, v9;
	[tilespmem:v53+s22+$0x0] =	vst.idx.msk $0xffff, v21;
	v21 =	vor.u32 v8, v5;
	v8 =	vld [tilespmem:$0x1FF70]  }
0x2aa: {  	v3 =	vor.u32 v37, v3;
	v40 =	vor.u32 v63, v15;
	[tilespmem:v17+s22+$0x0] =	vst.idx.msk $0xffff, v29;
	v57 =	vld.idx.msk [tilespmem:v48+s19+$0x0], $0xffff  }
0x2ab: {  	v29 =	vor.u32 v42, v13;
	v28 =	vld.idx.msk [tilespmem:v28+s19+$0x0], $0xffff;
	[tilespmem:v30+s22+$0x0] =	vst.idx.msk $0xffff, v20  }
0x2ac: {  	v17 =	vld.idx.msk [tilespmem:v18+s19+$0x0], $0xffff;
	v18 =	vor.u32 v41, v0;
	[tilespmem:v6+s22+$0x0] =	vst.idx.msk $0xffff, v27  }
0x2ad: {  	v31 =	vor.u32 v61, v14;
	v7 =	vld.idx.msk [tilespmem:v7+s19+$0x0], $0xffff;
	[tilespmem:v56+s22+$0x0] =	vst.idx.msk $0xffff, v19  }
0x2ae: {  	v20 =	vor.u32 v63, v11;
	v27 =	vor.u32 v62, v12;
	v22 =	vld.idx.msk [tilespmem:v22+s19+$0x0], $0xffff;
	[tilespmem:v21+s22+$0x0] =	vst.idx.msk $0xffff, v23  }
0x2af: {  	v30 =	vor.u32 v42, v10;
	v23 =	vld.idx.msk [tilespmem:v3+s19+$0x0], $0xffff;
	[tilespmem:v40+s22+$0x0] =	vst.idx.msk $0xffff, v57  }
0x2b0: {  	v19 =	vor.u32 v61, v16;
	v25 =	vld.idx.msk [tilespmem:v29+s19+$0x0], $0xffff  }
0x2b1: {  	v4 =	vor.u32 v36, v4;
	v44 =	vor.u32 v62, v9;
	v18 =	vld.idx.msk [tilespmem:v18+s19+$0x0], $0xffff  }
0x2b2: {  	v3 =	vmov v12;
	v12 =	vor.u32 v8, v15;
	[tilespmem:v31+s22+$0x0] =	vst.idx.msk $0xffff, v17;
	v31 =	vld [tilespmem:$0x1FF80]  }
0x2b3: {  	v6 =	vmov v13;
	[tilespmem:v20+s22+$0x0] =	vst.idx.msk $0xffff, v28;
	v13 =	vld.idx.msk [tilespmem:v27+s19+$0x0], $0xffff;
	v28 =	vor.u32 v63, v14  }
0x2b4: {  	v21 =	vor.u32 v41, v1;
	v17 =	vor.u32 v39, v5;
	v27 =	vld.idx.msk [tilespmem:v30+s19+$0x0], $0xffff;
	[tilespmem:v43+s22+$0x0] =	vst.idx.msk $0xffff, v7  }
0x2b5: {  	v34 =	vld [tilespmem:$0x1FC70];
	v20 =	vor.u32 v52, v0;
	[tilespmem:v19+s22+$0x0] =	vst.idx.msk $0xffff, v22;
	v19 =	vor.u32 v8, v11  }
0x2b6: {  	v22 =	vor.u32 v42, v3;
	v24 =	vld.idx.msk [tilespmem:v44+s19+$0x0], $0xffff;
	[tilespmem:v4+s22+$0x0] =	vst.idx.msk $0xffff, v23;
	v23 =	vor.u32 v63, v16  }
0x2b7: {  	v33 =	vld [tilespmem:$0x1FC60];
	v4 =	vmov v14;
	v14 =	vor.u32 v42, v9;
	[tilespmem:v12+s22+$0x0] =	vst.idx.msk $0xffff, v25  }
0x2b8: {  	v45 =	vor.u32 v31, v6;
	[tilespmem:v28+s22+$0x0] =	vst.idx.msk $0xffff, v13;
	v28 =	vld [tilespmem:$0x1FF90]  }
0x2b9: {  	v30 =	vor.u32 v39, v2;
	v21 =	vld.idx.msk [tilespmem:v21+s19+$0x0], $0xffff;
	v29 =	vor.u32 v31, v10;
	[tilespmem:v17+s22+$0x0] =	vst.idx.msk $0xffff, v18  }
0x2ba: {  	v12 =	vld.idx.msk [tilespmem:v20+s19+$0x0], $0xffff;
	[tilespmem:v19+s22+$0x0] =	vst.idx.msk $0xffff, v27  }
0x2bb: {  	v17 =	vor.u32 v52, v1;
	v13 =	vor.u32 v35, v5;
	v19 =	vld.idx.msk [tilespmem:v22+s19+$0x0], $0xffff;
	[tilespmem:v23+s22+$0x0] =	vst.idx.msk $0xffff, v24  }
0x2bc: {  	v7 =	vmov v15;
	v48 =	vor.u32 v8, v4;
	v14 =	vld.idx.msk [tilespmem:v14+s19+$0x0], $0xffff  }
0x2bd: {  	v20 =	vor.u32 v37, v0;
	v15 =	vld.idx.msk [tilespmem:v45+s19+$0x0], $0xffff;
	v18 =	vor.u32 v28, v7  }
0x2be: {  	v23 =	vor.u32 v31, v3;
	v47 =	vld.idx.msk [tilespmem:v29+s19+$0x0], $0xffff;
	[tilespmem:v30+s22+$0x0] =	vst.idx.msk $0xffff, v21;
	v21 =	vor.u32 v28, v11  }
0x2bf: {  	v52 =	vor.u32 v55, v10;
	v22 =	vor.u32 v55, v6;
	v30 =	vld [tilespmem:$0x1FC50]  }
0x2c0: {  	v0 =	vmov v9;
	v27 =	vor.u32 v35, v2;
	v17 =	vld.idx.msk [tilespmem:v17+s19+$0x0], $0xffff;
	[tilespmem:v13+s22+$0x0] =	vst.idx.msk $0xffff, v12  }
0x2c1: {  	v32 =	vld [tilespmem:$0x1FDD0];
	v9 =	vor.u32 v8, v16;
	v12 =	vor.u32 v37, v1;
	v1 =	vmov v10;
	[tilespmem:v48+s22+$0x0] =	vst.idx.msk $0xffff, v19  }
0x2c2: {  	v10 =	vor.u32 v31, v0;
	v19 =	vor.u32 v36, v5;
	[tilespmem:v18+s22+$0x0] =	vst.idx.msk $0xffff, v15;
	v15 =	vld.idx.msk [tilespmem:v20+s19+$0x0], $0xffff  }
0x2c3: {  	v53 =	vor.u32 v28, v4;
	[tilespmem:v21+s22+$0x0] =	vst.idx.msk $0xffff, v47;
	v21 =	vld.idx.msk [tilespmem:v23+s19+$0x0], $0xffff  }
0x2c4: {  	v57 =	vor.u32 v55, v3;
	v5 =	vmov v16;
	v16 =	vor.u32 v30, v7;
	v18 =	vld.idx.msk [tilespmem:v22+s19+$0x0], $0xffff  }
0x2c5: {  	p0 =	slt.u32 s17, $0x1C;
	v56 =	vor.u32 v30, v11;
	v22 =	vor.u32 v33, v6;
	v23 =	vld.idx.msk [tilespmem:v52+s19+$0x0], $0xffff;
	[tilespmem:v27+s22+$0x0] =	vst.idx.msk $0xffff, v17  }
.Ltmp2:
0x2c6: {  	v13 =	vor.u32 v28, v5;
	[tilespmem:v9+s22+$0x0] =	vst.idx.msk $0xffff, v14;
	v9 =	vld.idx.msk [tilespmem:v12+s19+$0x0], $0xffff;
	(pc) =	sbr.rel @p0 .LBB2_3-.Ltmp2, $4  }
0x2c7: {  	v20 =	vor.u32 v55, v0;
	v14 =	vor.u32 v33, v0;
	v12 =	vld.idx.msk [tilespmem:v10+s19+$0x0], $0xffff;
	[tilespmem:v19+s22+$0x0] =	vst.idx.msk $0xffff, v15  }
0x2c8: {  	v29 =	vld [tilespmem:$0x1FAD0];
	v17 =	vor.u32 v33, v3;
	v10 =	vor.u32 v36, v2;
	v2 =	vmov v11;
	[tilespmem:v53+s22+$0x0] =	vst.idx.msk $0xffff, v21  }
0x2c9: {  	s14 =	sadd.s32 $0x4, s17;
	v11 =	vor.u32 v46, v6;
	v19 =	vor.u32 v34, v7;
	[tilespmem:v16+s22+$0x0] =	vst.idx.msk $0xffff, v18;
	v21 =	vld.idx.msk [tilespmem:v57+s19+$0x0], $0xffff  }
0x2ca: {  	s17 =	smov.u32 s14;
	v15 =	vor.u32 v54, v7;
	v16 =	vor.u32 v34, v4;
	[tilespmem:v56+s22+$0x0] =	vst.idx.msk $0xffff, v23;
	v18 =	vld.idx.msk [tilespmem:v22+s19+$0x0], $0xffff  }
0x2cb: {  	_ =	sdelay $0x3  }
0x2cc: {  	v22 =	vor.u32 v30, v4;
	[tilespmem:v13+s22+$0x0] =	vst.idx.msk $0xffff, v12  }
0x2cd: {  	v12 =	vor.u32 v30, v5;
	v13 =	vld.idx.msk [tilespmem:v20+s19+$0x0], $0xffff;
	_ =	sdelay $0x3  }
0x2ce: {  	[tilespmem:v22+s22+$0x0] =	vst.idx.msk $0xffff, v21  }
0x2cf: {  	[tilespmem:v12+s22+$0x0] =	vst.idx.msk $0xffff, v13  }
0x2d0: {  	v8 =	vld [tilespmem:$0x1FFB0];
	_ =	sdelay $0x1  }
0x2d1: {  	v20 =	vor.u32 v33, v1;
	v17 =	vld.idx.msk [tilespmem:v17+s19+$0x0], $0xffff  }
0x2d2: {  	v13 =	vor.u32 v34, v5;
	v12 =	vld.idx.msk [tilespmem:v14+s19+$0x0], $0xffff;
	_ =	sdelay $0x1  }
0x2d3: {  	v14 =	vor.u32 v8, v3  }
0x2d4: {  	[tilespmem:v19+s22+$0x0] =	vst.idx.msk $0xffff, v18;
	v21 =	vor.u32 v8, v0  }
0x2d5: {  	v22 =	vor.u32 v34, v2;
	v20 =	vld.idx.msk [tilespmem:v20+s19+$0x0], $0xffff;
	[tilespmem:v16+s22+$0x0] =	vst.idx.msk $0xffff, v17  }
0x2d6: {  	v51 =	vmov v8;
	v23 =	vor.u32 v8, v1;
	v8 =	vld.idx.msk [tilespmem:v29+s19+$0x0], $0xffff;
	[tilespmem:v13+s22+$0x0] =	vst.idx.msk $0xffff, v12  }
0x2d7: {  	v24 =	vld [tilespmem:$0x1FFE0]  }
0x2d8: {  	v12 =	vld.idx.msk [tilespmem:v14+s19+$0x0], $0xffff  }
0x2d9: {  	v14 =	vld.idx.msk [tilespmem:v21+s19+$0x0], $0xffff  }
0x2da: {  	v21 =	vld [tilespmem:$0x1FFD0];
	[tilespmem:v22+s22+$0x0] =	vst.idx.msk $0xffff, v20  }
0x2db: {  	[tilespmem:v15+s22+$0x0] =	vst.idx.msk $0xffff, v8  }
0x2dc: {  	v13 =	vor.u32 v24, v4;
	v46 =	vld [tilespmem:$0x1FFF0];
	_ =	sdelay $0x2  }
0x2dd: {  	v16 =	vor.u32 v24, v5  }
0x2de: {  	v19 =	vld.idx.msk [tilespmem:v23+s19+$0x0], $0xffff;
	v20 =	vor.u32 v24, v2  }
0x2df: {  	v8 =	vld.idx.msk [tilespmem:v11+s19+$0x0], $0xffff;
	v17 =	vor.u32 v21, v3;
	v11 =	vor.u32 v46, v7;
	[tilespmem:v13+s22+$0x0] =	vst.idx.msk $0xffff, v12  }
0x2e0: {  	v25 =	vld [tilespmem:$0x1FFC0];
	_ =	sdelay $0x1  }
0x2e1: {  	[tilespmem:v16+s22+$0x0] =	vst.idx.msk $0xffff, v14  }
0x2e2: {  	v18 =	vor.u32 v21, v0;
	[tilespmem:v20+s22+$0x0] =	vst.idx.msk $0xffff, v19  }
0x2e3: {  	v58 =	vmov v21;
	v21 =	vor.u32 v21, v1;
	v13 =	vld.idx.msk [tilespmem:v17+s19+$0x0], $0xffff;
	[tilespmem:v11+s22+$0x0] =	vst.idx.msk $0xffff, v8  }
0x2e4: {  	v14 =	vor.u32 v46, v4;
	v12 =	vor.u32 v25, v6;
	v47 =	vld [tilespmem:$0x1FC80];
	_ =	sdelay $0x2  }
0x2e5: {  	v16 =	vor.u32 v46, v5;
	v15 =	vld.idx.msk [tilespmem:v18+s19+$0x0], $0xffff  }
0x2e6: {  	v20 =	vor.u32 v46, v2;
	v19 =	vld.idx.msk [tilespmem:v21+s19+$0x0], $0xffff  }
0x2e7: {  	v17 =	vor.u32 v25, v3;
	[tilespmem:v14+s22+$0x0] =	vst.idx.msk $0xffff, v13;
	v8 =	vld.idx.msk [tilespmem:v12+s19+$0x0], $0xffff;
	v11 =	vor.u32 v47, v7  }
0x2e8: {  	v26 =	vld [tilespmem:$0x1FC90];
	_ =	sdelay $0x1  }
0x2e9: {  	[tilespmem:v16+s22+$0x0] =	vst.idx.msk $0xffff, v15  }
0x2ea: {  	v18 =	vor.u32 v25, v0;
	[tilespmem:v20+s22+$0x0] =	vst.idx.msk $0xffff, v19  }
0x2eb: {  	v21 =	vor.u32 v25, v1;
	v13 =	vld.idx.msk [tilespmem:v17+s19+$0x0], $0xffff;
	[tilespmem:v11+s22+$0x0] =	vst.idx.msk $0xffff, v8  }
0x2ec: {  	v14 =	vor.u32 v47, v4;
	v12 =	vor.u32 v26, v6;
	v27 =	vld [tilespmem:$0x1FCA0];
	_ =	sdelay $0x2  }
0x2ed: {  	v15 =	vld.idx.msk [tilespmem:v18+s19+$0x0], $0xffff;
	v16 =	vor.u32 v47, v5  }
0x2ee: {  	v19 =	vld.idx.msk [tilespmem:v21+s19+$0x0], $0xffff;
	v20 =	vor.u32 v47, v2  }
0x2ef: {  	v17 =	vor.u32 v26, v3;
	[tilespmem:v14+s22+$0x0] =	vst.idx.msk $0xffff, v13;
	v8 =	vld.idx.msk [tilespmem:v12+s19+$0x0], $0xffff;
	v11 =	vor.u32 v27, v7  }
0x2f0: {  	v28 =	vld [tilespmem:$0x1FCB0];
	_ =	sdelay $0x1  }
0x2f1: {  	[tilespmem:v16+s22+$0x0] =	vst.idx.msk $0xffff, v15  }
0x2f2: {  	v18 =	vor.u32 v26, v0;
	[tilespmem:v20+s22+$0x0] =	vst.idx.msk $0xffff, v19  }
0x2f3: {  	v21 =	vor.u32 v26, v1;
	v13 =	vld.idx.msk [tilespmem:v17+s19+$0x0], $0xffff;
	[tilespmem:v11+s22+$0x0] =	vst.idx.msk $0xffff, v8  }
0x2f4: {  	v14 =	vor.u32 v27, v4;
	v12 =	vor.u32 v28, v6;
	v48 =	vld [tilespmem:$0x1FCC0];
	_ =	sdelay $0x2  }
0x2f5: {  	v15 =	vld.idx.msk [tilespmem:v18+s19+$0x0], $0xffff;
	v16 =	vor.u32 v27, v5  }
0x2f6: {  	v19 =	vld.idx.msk [tilespmem:v21+s19+$0x0], $0xffff;
	v20 =	vor.u32 v27, v2  }
0x2f7: {  	v17 =	vor.u32 v28, v3;
	v8 =	vld.idx.msk [tilespmem:v12+s19+$0x0], $0xffff;
	[tilespmem:v14+s22+$0x0] =	vst.idx.msk $0xffff, v13;
	v11 =	vor.u32 v48, v7  }
0x2f8: {  	v49 =	vld [tilespmem:$0x1FCD0];
	_ =	sdelay $0x1  }
0x2f9: {  	[tilespmem:v16+s22+$0x0] =	vst.idx.msk $0xffff, v15  }
0x2fa: {  	v18 =	vor.u32 v28, v0;
	[tilespmem:v20+s22+$0x0] =	vst.idx.msk $0xffff, v19  }
0x2fb: {  	v21 =	vor.u32 v28, v1;
	v13 =	vld.idx.msk [tilespmem:v17+s19+$0x0], $0xffff;
	[tilespmem:v11+s22+$0x0] =	vst.idx.msk $0xffff, v8  }
0x2fc: {  	v14 =	vor.u32 v48, v4;
	v12 =	vor.u32 v49, v6;
	v50 =	vld [tilespmem:$0x1FCE0];
	_ =	sdelay $0x2  }
0x2fd: {  	v15 =	vld.idx.msk [tilespmem:v18+s19+$0x0], $0xffff;
	v16 =	vor.u32 v48, v5  }
0x2fe: {  	v19 =	vld.idx.msk [tilespmem:v21+s19+$0x0], $0xffff;
	v20 =	vor.u32 v48, v2  }
0x2ff: {  	v17 =	vor.u32 v49, v3;
	v8 =	vld.idx.msk [tilespmem:v12+s19+$0x0], $0xffff;
	[tilespmem:v14+s22+$0x0] =	vst.idx.msk $0xffff, v13;
	v11 =	vor.u32 v50, v7  }
0x300: {  	v52 =	vld [tilespmem:$0x1FCF0];
	_ =	sdelay $0x1  }
0x301: {  	[tilespmem:v16+s22+$0x0] =	vst.idx.msk $0xffff, v15  }
0x302: {  	v18 =	vor.u32 v49, v0;
	[tilespmem:v20+s22+$0x0] =	vst.idx.msk $0xffff, v19  }
0x303: {  	v21 =	vor.u32 v49, v1;
	v13 =	vld.idx.msk [tilespmem:v17+s19+$0x0], $0xffff;
	[tilespmem:v11+s22+$0x0] =	vst.idx.msk $0xffff, v8  }
0x304: {  	v14 =	vor.u32 v50, v4;
	v12 =	vor.u32 v52, v6;
	v53 =	vld [tilespmem:$0x1FD00];
	_ =	sdelay $0x2  }
0x305: {  	v15 =	vld.idx.msk [tilespmem:v18+s19+$0x0], $0xffff;
	v16 =	vor.u32 v50, v5  }
0x306: {  	v19 =	vld.idx.msk [tilespmem:v21+s19+$0x0], $0xffff;
	v20 =	vor.u32 v50, v2  }
0x307: {  	v17 =	vor.u32 v52, v3;
	v8 =	vld.idx.msk [tilespmem:v12+s19+$0x0], $0xffff;
	[tilespmem:v14+s22+$0x0] =	vst.idx.msk $0xffff, v13;
	v11 =	vor.u32 v53, v7  }
0x308: {  	v54 =	vld [tilespmem:$0x1FD10];
	_ =	sdelay $0x1  }
0x309: {  	[tilespmem:v16+s22+$0x0] =	vst.idx.msk $0xffff, v15  }
0x30a: {  	v18 =	vor.u32 v52, v0;
	[tilespmem:v20+s22+$0x0] =	vst.idx.msk $0xffff, v19  }
0x30b: {  	v21 =	vor.u32 v52, v1;
	v13 =	vld.idx.msk [tilespmem:v17+s19+$0x0], $0xffff;
	[tilespmem:v11+s22+$0x0] =	vst.idx.msk $0xffff, v8  }
0x30c: {  	v14 =	vor.u32 v53, v4;
	v12 =	vor.u32 v54, v6;
	v55 =	vld [tilespmem:$0x1FD20];
	_ =	sdelay $0x2  }
0x30d: {  	v15 =	vld.idx.msk [tilespmem:v18+s19+$0x0], $0xffff;
	v16 =	vor.u32 v53, v5  }
0x30e: {  	v19 =	vld.idx.msk [tilespmem:v21+s19+$0x0], $0xffff;
	v20 =	vor.u32 v53, v2  }
0x30f: {  	v17 =	vor.u32 v54, v3;
	v8 =	vld.idx.msk [tilespmem:v12+s19+$0x0], $0xffff;
	[tilespmem:v14+s22+$0x0] =	vst.idx.msk $0xffff, v13;
	v11 =	vor.u32 v55, v7  }
0x310: {  	v56 =	vld [tilespmem:$0x1FD30];
	_ =	sdelay $0x1  }
0x311: {  	[tilespmem:v16+s22+$0x0] =	vst.idx.msk $0xffff, v15  }
0x312: {  	v18 =	vor.u32 v54, v0;
	[tilespmem:v20+s22+$0x0] =	vst.idx.msk $0xffff, v19  }
0x313: {  	v21 =	vor.u32 v54, v1;
	v13 =	vld.idx.msk [tilespmem:v17+s19+$0x0], $0xffff;
	[tilespmem:v11+s22+$0x0] =	vst.idx.msk $0xffff, v8  }
0x314: {  	v14 =	vor.u32 v55, v4;
	v12 =	vor.u32 v56, v6;
	v57 =	vld [tilespmem:$0x1FD40];
	_ =	sdelay $0x2  }
0x315: {  	v16 =	vld.idx.msk [tilespmem:v18+s19+$0x0], $0xffff;
	v17 =	vor.u32 v55, v5  }
0x316: {  	v19 =	vld.idx.msk [tilespmem:v21+s19+$0x0], $0xffff;
	v20 =	vor.u32 v55, v2  }
0x317: {  	v15 =	vor.u32 v56, v3;
	v8 =	vld.idx.msk [tilespmem:v12+s19+$0x0], $0xffff;
	[tilespmem:v14+s22+$0x0] =	vst.idx.msk $0xffff, v13;
	v11 =	vor.u32 v57, v7  }
0x318: {  	v59 =	vld [tilespmem:$0x1FD50];
	_ =	sdelay $0x1  }
0x319: {  	[tilespmem:v17+s22+$0x0] =	vst.idx.msk $0xffff, v16  }
0x31a: {  	v18 =	vor.u32 v56, v0;
	[tilespmem:v20+s22+$0x0] =	vst.idx.msk $0xffff, v19  }
0x31b: {  	v21 =	vor.u32 v56, v1;
	v13 =	vld.idx.msk [tilespmem:v15+s19+$0x0], $0xffff;
	[tilespmem:v11+s22+$0x0] =	vst.idx.msk $0xffff, v8  }
0x31c: {  	v14 =	vor.u32 v57, v4;
	v12 =	vor.u32 v59, v6;
	v60 =	vld [tilespmem:$0x1FD60];
	_ =	sdelay $0x2  }
0x31d: {  	v16 =	vld.idx.msk [tilespmem:v18+s19+$0x0], $0xffff;
	v17 =	vor.u32 v57, v5  }
0x31e: {  	v19 =	vld.idx.msk [tilespmem:v21+s19+$0x0], $0xffff;
	v20 =	vor.u32 v57, v2  }
0x31f: {  	v15 =	vor.u32 v59, v3;
	v8 =	vld.idx.msk [tilespmem:v12+s19+$0x0], $0xffff;
	[tilespmem:v14+s22+$0x0] =	vst.idx.msk $0xffff, v13;
	v11 =	vor.u32 v60, v7  }
0x320: {  	v61 =	vld [tilespmem:$0x1FD70];
	_ =	sdelay $0x1  }
0x321: {  	[tilespmem:v17+s22+$0x0] =	vst.idx.msk $0xffff, v16  }
0x322: {  	v18 =	vor.u32 v59, v0;
	[tilespmem:v20+s22+$0x0] =	vst.idx.msk $0xffff, v19  }
0x323: {  	v21 =	vor.u32 v59, v1;
	v13 =	vld.idx.msk [tilespmem:v15+s19+$0x0], $0xffff;
	[tilespmem:v11+s22+$0x0] =	vst.idx.msk $0xffff, v8  }
0x324: {  	v14 =	vor.u32 v60, v4;
	v12 =	vor.u32 v61, v6;
	v62 =	vld [tilespmem:$0x1FD80];
	_ =	sdelay $0x2  }
0x325: {  	v16 =	vld.idx.msk [tilespmem:v18+s19+$0x0], $0xffff;
	v17 =	vor.u32 v60, v5  }
0x326: {  	v19 =	vld.idx.msk [tilespmem:v21+s19+$0x0], $0xffff;
	v20 =	vor.u32 v60, v2  }
0x327: {  	v15 =	vor.u32 v61, v3;
	v8 =	vld.idx.msk [tilespmem:v12+s19+$0x0], $0xffff;
	[tilespmem:v14+s22+$0x0] =	vst.idx.msk $0xffff, v13;
	v11 =	vor.u32 v62, v7  }
0x328: {  	v63 =	vld [tilespmem:$0x1FD90];
	_ =	sdelay $0x1  }
0x329: {  	[tilespmem:v17+s22+$0x0] =	vst.idx.msk $0xffff, v16  }
0x32a: {  	v18 =	vor.u32 v61, v0;
	[tilespmem:v20+s22+$0x0] =	vst.idx.msk $0xffff, v19  }
0x32b: {  	v21 =	vor.u32 v61, v1;
	v13 =	vld.idx.msk [tilespmem:v15+s19+$0x0], $0xffff;
	[tilespmem:v11+s22+$0x0] =	vst.idx.msk $0xffff, v8  }
0x32c: {  	v14 =	vor.u32 v62, v4;
	v12 =	vor.u32 v63, v6;
	v35 =	vld [tilespmem:$0x1FDA0];
	_ =	sdelay $0x2  }
0x32d: {  	v16 =	vld.idx.msk [tilespmem:v18+s19+$0x0], $0xffff;
	v17 =	vor.u32 v62, v5;
	v15 =	vor.u32 v63, v3  }
0x32e: {  	v19 =	vld.idx.msk [tilespmem:v21+s19+$0x0], $0xffff;
	v20 =	vor.u32 v62, v2;
	v18 =	vor.u32 v63, v0  }
0x32f: {  	v21 =	vor.u32 v63, v1;
	v8 =	vld.idx.msk [tilespmem:v12+s19+$0x0], $0xffff;
	[tilespmem:v14+s22+$0x0] =	vst.idx.msk $0xffff, v13;
	v11 =	vor.u32 v35, v7  }
0x330: {  	v36 =	vld [tilespmem:$0x1FDB0];
	_ =	sdelay $0x1  }
0x331: {  	v12 =	vld.idx.msk [tilespmem:v15+s19+$0x0], $0xffff;
	[tilespmem:v17+s22+$0x0] =	vst.idx.msk $0xffff, v16  }
0x332: {  	[tilespmem:v20+s22+$0x0] =	vst.idx.msk $0xffff, v19;
	v14 =	vld.idx.msk [tilespmem:v18+s19+$0x0], $0xffff  }
0x333: {  	v16 =	vld.idx.msk [tilespmem:v21+s19+$0x0], $0xffff;
	[tilespmem:v11+s22+$0x0] =	vst.idx.msk $0xffff, v8  }
0x334: {  	v13 =	vor.u32 v35, v4;
	v6 =	vor.u32 v36, v6;
	v8 =	vld [tilespmem:$0x1FDC0]  }
0x335: {  	v15 =	vor.u32 v35, v5;
	v3 =	vor.u32 v36, v3  }
0x336: {  	v17 =	vor.u32 v35, v2;
	v0 =	vor.u32 v36, v0  }
0x337: {  	v1 =	vor.u32 v36, v1;
	_ =	sdelay $0x1  }
0x338: {  	v6 =	vld.idx.msk [tilespmem:v6+s19+$0x0], $0xffff;
	[tilespmem:v13+s22+$0x0] =	vst.idx.msk $0xffff, v12;
	v7 =	vor.u32 v8, v7  }
0x339: {  	[tilespmem:v15+s22+$0x0] =	vst.idx.msk $0xffff, v14;
	v3 =	vld.idx.msk [tilespmem:v3+s19+$0x0], $0xffff;
	v4 =	vor.u32 v8, v4  }
0x33a: {  	[tilespmem:v17+s22+$0x0] =	vst.idx.msk $0xffff, v16;
	v0 =	vld.idx.msk [tilespmem:v0+s19+$0x0], $0xffff;
	v5 =	vor.u32 v8, v5  }
0x33b: {  	v1 =	vld.idx.msk [tilespmem:v1+s19+$0x0], $0xffff;
	v2 =	vor.u32 v8, v2  }
0x33c: {  	[tilespmem:v10+s22+$0x0] =	vst.idx.msk $0xffff, v9  }
0x33d: {  	s1 =	sshll.u32 s6, $0x14;
	[tilespmem:v7+s22+$0x0] =	vst.idx.msk $0xffff, v6  }
0x33e: {  	s1 =	sor.u32 s4, s1;
	[tilespmem:v4+s22+$0x0] =	vst.idx.msk $0xffff, v3  }
0x33f: {  	s14 =	sshrl.u32 s1, $0x3;
	[tilespmem:v5+s22+$0x0] =	vst.idx.msk $0xffff, v0  }
0x340: {  	s2 =	simm.s32 $0xF400;
	s1 =	sadd.s32 s25, s14;
	[tilespmem:v2+s22+$0x0] =	vst.idx.msk $0xffff, v1  }
0x341: {  	[hbm4b:s1+s15] =	stream.strided.scatter [tilespmem:s22], [sflag:$0x3], $0x1000, s23, s15, $0x38;
	[tilespmem:$0x16400] =	vst v63  }
0x342: {  	s17 =	simm.s32 $0x10400;
	p0 =	seq.s32 s6, $0x18;
	s24 =	sadd.s32 s14, s7  }
0x343: {  	[hbm4b:s24+s15] =	stream.strided.scatter [tilespmem:s2], [sflag:$0x3], $0x1000, s23, s15, $0x38;
	[tilespmem:$0x16400] =	vst v63  }
0x344: {  	p1 =	seq.s32 @!p0 s6, $0x0;
	s3 =	sadd.s32 s14, s8;
	s1 =	sshll.u32 @!p0 s6, $0xA  }
0x345: {  	[hbm4b:s3+s15] =	stream.strided.scatter [tilespmem:s17], [sflag:$0x3], $0x1000, s23, s15, $0x38;
	[tilespmem:$0x16400] =	vst v63  }
0x346: {  	p1 =	por p0, !p1;
	s1 =	sand.u32 @!p0 $0x3FFFFC00, s1;
	s24 =	sadd.s32 s14, s9  }
0x347: {  	[hbm4b:s24+s15] =	stream.strided.scatter [tilespmem:s26], [sflag:$0x3], $0x1000, s23, s15, $0x38;
	[tilespmem:$0x16400] =	vst v63  }
0x348: {  	s1 =	sadd.s32 @!p0 $0x400, s1;
	s2 =	simm.s32 @!p0 $0x200;
	s3 =	simm.s32 @!p0 $0x6400  }
0x349: {  	[tilespmem:s3], [sflag:$0x1] =	stream.indirect.gather @!p0 [hbm4b:s5+s2], $0x20, s1, s2, $0xb8;
	[tilespmem:$0x16400] =	vst v63  }
0x34a: {  	_ =	swait.ge @p1 [sflag:s16], $0x1000  }
0x34b: {  	[sflag:s16] =	ssyncset.done @p1 $0x0  }
0x34c: {  	[sflag:s16] =	ssyncadd.s32 @p1 $0xFFFFF000  }
0x34d: {  	_ =	swait.ge @p1 [sflag:s16], $0x1000  }
0x34e: {  	[sflag:s16] =	ssyncset.done @p1 $0x0  }
0x34f: {  	[sflag:s16] =	ssyncadd.s32 @p1 $0xFFFFF000  }
0x350: {  	_ =	swait.ge @p1 [sflag:s16], $0x1000  }
0x351: {  	v59 =	vlaneseq.u32;
	s2 =	simm.s32 $0x1;
	[sflag:s16] =	ssyncset.done @p1 $0x0  }
0x352: {  	v0 =	vadd.s32 s2, v59;
	[sflag:s16] =	ssyncadd.s32 @p1 $0xFFFFF000  }
0x353: {  	v8 =	vand.u32 $0x1F, v0;
	_ =	swait.ge @p1 [sflag:s16], $0x1000  }
0x354: {  	v1 =	vor.u32 v32, v8;
	[sflag:s16] =	ssyncset.done @p1 $0x0  }
0x355: {  	[sflag:s16] =	ssyncadd.s32 @p1 $0xFFFFF000  }
0x356: {  	v3 =	vshll.u32 v0, $0x7;
	v0 =	vshll.u32 v0, $0x9;
	_ =	swait.ge [sflag:s28], $0x4000  }
0x357: {  	v0 =	vand.u32 $0x3000, v0;
	v3 =	vand.u32 $0x380, v3;
	[sflag:s28] =	ssyncset.done $0x0  }
0x358: {  	v28 =	vor.u32 v3, v0;
	[sflag:s28] =	ssyncadd.s32 $0xFFFFC000  }
0x359: {  	v3 =	vor.u32 v59, v28;
	v1 =	vld.idx.msk [tilespmem:v1+s20+$0x0], $0xffff  }
0x35a: {  	s3 =	simm.s32 $0x2;
	v40 =	vld [tilespmem:$0x1FDE0]  }
0x35b: {  	v2 =	vadd.s32 s3, v59  }
0x35c: {  	v35 =	vand.u32 $0x1F, v2  }
0x35d: {  	v4 =	vor.u32 v32, v35  }
0x35e: {  	[tilespmem:v3+s29+$0x0] =	vst.idx.msk $0xffff, v1  }
0x35f: {  	v6 =	vor.u32 v40, v8;
	v41 =	vld [tilespmem:$0x1FDF0]  }
0x360: {  	s17 =	simm.s32 $0x3;
	v0 =	vshll.u32 v2, $0x9;
	v2 =	vshll.u32 v2, $0x7  }
0x361: {  	v5 =	vadd.s32 s17, v59;
	v0 =	vand.u32 $0x3000, v0;
	v2 =	vand.u32 $0x380, v2  }
0x362: {  	v27 =	vand.u32 $0x1F, v5;
	v31 =	vor.u32 v2, v0;
	v4 =	vld.idx.msk [tilespmem:v4+s20+$0x0], $0xffff  }
0x363: {  	v9 =	vshll.u32 v5, $0x9;
	v5 =	vshll.u32 v5, $0x7;
	v7 =	vor.u32 v59, v31;
	v42 =	vld [tilespmem:$0x1FE00]  }
0x364: {  	s24 =	simm.s32 $0x0;
	v2 =	vor.u32 v32, v27;
	v1 =	vand.u32 $0x380, v5;
	v5 =	vld.idx.msk [tilespmem:v6+s20+$0x0], $0xffff;
	v6 =	vor.u32 v41, v28  }
0x365: {  	v0 =	vadd.s32 s24, v59  }
0x366: {  	v29 =	vand.u32 $0x1F, v0  }
0x367: {  	v9 =	vand.u32 $0x3000, v9;
	v11 =	vor.u32 v32, v29  }
0x368: {  	v38 =	vmov v24;
	v10 =	vor.u32 v40, v35;
	v24 =	vor.u32 v1, v9;
	[tilespmem:v7+s29+$0x0] =	vst.idx.msk $0xffff, v4  }
0x369: {  	v2 =	vld.idx.msk [tilespmem:v2+s20+$0x0], $0xffff;
	v9 =	vor.u32 v59, v24;
	v1 =	vor.u32 v42, v8;
	[tilespmem:v6+s29+$0x0] =	vst.idx.msk $0xffff, v5  }
0x36a: {  	v3 =	vshll.u32 v0, $0x9;
	v0 =	vshll.u32 v0, $0x7;
	v43 =	vld [tilespmem:$0x1FE10]  }
0x36b: {  	v3 =	vand.u32 $0x3000, v3;
	v0 =	vand.u32 $0x380, v0  }
0x36c: {  	v26 =	vor.u32 v0, v3;
	v3 =	vld.idx.msk [tilespmem:v11+s20+$0x0], $0xffff  }
0x36d: {  	v7 =	vld.idx.msk [tilespmem:v10+s20+$0x0], $0xffff;
	v0 =	vor.u32 v41, v31  }
0x36e: {  	v10 =	vor.u32 v59, v26;
	v1 =	vld.idx.msk [tilespmem:v1+s20+$0x0], $0xffff;
	[tilespmem:v9+s29+$0x0] =	vst.idx.msk $0xffff, v2  }
0x36f: {  	v4 =	vor.u32 v40, v27;
	v53 =	vld [tilespmem:$0x1FE20];
	v5 =	vor.u32 v43, v28;
	_ =	sdelay $0x2  }
0x370: {  	v11 =	vor.u32 v42, v35;
	[tilespmem:v0+s29+$0x0] =	vst.idx.msk $0xffff, v7  }
0x371: {  	v12 =	vor.u32 v40, v29;
	[tilespmem:v10+s29+$0x0] =	vst.idx.msk $0xffff, v3  }
0x372: {  	v6 =	vor.u32 v41, v24;
	v4 =	vld.idx.msk [tilespmem:v4+s20+$0x0], $0xffff;
	v2 =	vor.u32 v53, v8;
	[tilespmem:v5+s29+$0x0] =	vst.idx.msk $0xffff, v1  }
0x373: {  	v48 =	vld [tilespmem:$0x1FC10];
	_ =	sdelay $0x1  }
0x374: {  	v3 =	vld.idx.msk [tilespmem:v11+s20+$0x0], $0xffff  }
0x375: {  	v9 =	vld.idx.msk [tilespmem:v12+s20+$0x0], $0xffff;
	v7 =	vor.u32 v43, v31  }
0x376: {  	v10 =	vor.u32 v41, v26;
	v1 =	vld.idx.msk [tilespmem:v2+s20+$0x0], $0xffff;
	[tilespmem:v6+s29+$0x0] =	vst.idx.msk $0xffff, v4  }
0x377: {  	v0 =	vor.u32 v42, v27;
	v49 =	vld [tilespmem:$0x1FC20];
	v2 =	vor.u32 v48, v28;
	_ =	sdelay $0x2  }
0x378: {  	v11 =	vor.u32 v53, v35;
	[tilespmem:v7+s29+$0x0] =	vst.idx.msk $0xffff, v3  }
0x379: {  	v12 =	vor.u32 v42, v29;
	[tilespmem:v10+s29+$0x0] =	vst.idx.msk $0xffff, v9  }
0x37a: {  	v5 =	vor.u32 v43, v24;
	v0 =	vld.idx.msk [tilespmem:v0+s20+$0x0], $0xffff;
	v4 =	vor.u32 v49, v8;
	[tilespmem:v2+s29+$0x0] =	vst.idx.msk $0xffff, v1  }
0x37b: {  	v54 =	vld [tilespmem:$0x1FC30];
	_ =	sdelay $0x1  }
0x37c: {  	v6 =	vld.idx.msk [tilespmem:v11+s20+$0x0], $0xffff  }
0x37d: {  	v9 =	vld.idx.msk [tilespmem:v12+s20+$0x0], $0xffff;
	v7 =	vor.u32 v48, v31  }
0x37e: {  	v10 =	vor.u32 v43, v26;
	v1 =	vld.idx.msk [tilespmem:v4+s20+$0x0], $0xffff;
	[tilespmem:v5+s29+$0x0] =	vst.idx.msk $0xffff, v0  }
0x37f: {  	v3 =	vor.u32 v53, v27;
	v56 =	vld [tilespmem:$0x1FC40];
	v2 =	vor.u32 v54, v28;
	_ =	sdelay $0x2  }
0x380: {  	v11 =	vor.u32 v49, v35;
	[tilespmem:v7+s29+$0x0] =	vst.idx.msk $0xffff, v6  }
0x381: {  	v12 =	vor.u32 v53, v29;
	[tilespmem:v10+s29+$0x0] =	vst.idx.msk $0xffff, v9  }
0x382: {  	v4 =	vor.u32 v48, v24;
	v3 =	vld.idx.msk [tilespmem:v3+s20+$0x0], $0xffff;
	v0 =	vor.u32 v56, v8;
	[tilespmem:v2+s29+$0x0] =	vst.idx.msk $0xffff, v1  }
0x383: {  	v44 =	vld [tilespmem:$0x1FE30];
	_ =	sdelay $0x1  }
0x384: {  	v6 =	vld.idx.msk [tilespmem:v11+s20+$0x0], $0xffff  }
0x385: {  	v9 =	vld.idx.msk [tilespmem:v12+s20+$0x0], $0xffff;
	v7 =	vor.u32 v54, v31  }
0x386: {  	v10 =	vor.u32 v48, v26;
	v0 =	vld.idx.msk [tilespmem:v0+s20+$0x0], $0xffff;
	[tilespmem:v4+s29+$0x0] =	vst.idx.msk $0xffff, v3  }
0x387: {  	v5 =	vor.u32 v49, v27;
	v45 =	vld [tilespmem:$0x1FE40];
	v1 =	vor.u32 v44, v28;
	_ =	sdelay $0x2  }
0x388: {  	v11 =	vor.u32 v56, v35;
	[tilespmem:v7+s29+$0x0] =	vst.idx.msk $0xffff, v6  }
0x389: {  	v12 =	vor.u32 v49, v29;
	[tilespmem:v10+s29+$0x0] =	vst.idx.msk $0xffff, v9  }
0x38a: {  	v4 =	vor.u32 v54, v24;
	v3 =	vld.idx.msk [tilespmem:v5+s20+$0x0], $0xffff;
	v2 =	vor.u32 v45, v8;
	[tilespmem:v1+s29+$0x0] =	vst.idx.msk $0xffff, v0  }
0x38b: {  	v46 =	vld [tilespmem:$0x1FE50];
	_ =	sdelay $0x1  }
0x38c: {  	v6 =	vld.idx.msk [tilespmem:v11+s20+$0x0], $0xffff  }
0x38d: {  	v9 =	vld.idx.msk [tilespmem:v12+s20+$0x0], $0xffff;
	v7 =	vor.u32 v44, v31  }
0x38e: {  	v10 =	vor.u32 v54, v26;
	v0 =	vld.idx.msk [tilespmem:v2+s20+$0x0], $0xffff;
	[tilespmem:v4+s29+$0x0] =	vst.idx.msk $0xffff, v3  }
0x38f: {  	v5 =	vor.u32 v56, v27;
	v47 =	vld [tilespmem:$0x1FE60];
	v1 =	vor.u32 v46, v28;
	_ =	sdelay $0x2  }
0x390: {  	v11 =	vor.u32 v45, v35;
	[tilespmem:v7+s29+$0x0] =	vst.idx.msk $0xffff, v6  }
0x391: {  	v12 =	vor.u32 v56, v29;
	[tilespmem:v10+s29+$0x0] =	vst.idx.msk $0xffff, v9  }
0x392: {  	v4 =	vor.u32 v44, v24;
	v3 =	vld.idx.msk [tilespmem:v5+s20+$0x0], $0xffff;
	v2 =	vor.u32 v47, v8;
	[tilespmem:v1+s29+$0x0] =	vst.idx.msk $0xffff, v0  }
0x393: {  	v50 =	vld [tilespmem:$0x1FE70];
	_ =	sdelay $0x1  }
0x394: {  	v6 =	vld.idx.msk [tilespmem:v11+s20+$0x0], $0xffff  }
0x395: {  	v9 =	vld.idx.msk [tilespmem:v12+s20+$0x0], $0xffff;
	v7 =	vor.u32 v46, v31  }
0x396: {  	v10 =	vor.u32 v44, v26;
	v0 =	vld.idx.msk [tilespmem:v2+s20+$0x0], $0xffff;
	[tilespmem:v4+s29+$0x0] =	vst.idx.msk $0xffff, v3  }
0x397: {  	v5 =	vor.u32 v45, v27;
	v52 =	vld [tilespmem:$0x1FE80];
	v1 =	vor.u32 v50, v28;
	_ =	sdelay $0x2  }
0x398: {  	v11 =	vor.u32 v47, v35;
	[tilespmem:v7+s29+$0x0] =	vst.idx.msk $0xffff, v6  }
0x399: {  	v12 =	vor.u32 v45, v29;
	[tilespmem:v10+s29+$0x0] =	vst.idx.msk $0xffff, v9  }
0x39a: {  	v4 =	vor.u32 v46, v24;
	v3 =	vld.idx.msk [tilespmem:v5+s20+$0x0], $0xffff;
	v2 =	vor.u32 v52, v8;
	[tilespmem:v1+s29+$0x0] =	vst.idx.msk $0xffff, v0  }
0x39b: {  	v55 =	vld [tilespmem:$0x1FE90];
	_ =	sdelay $0x1  }
0x39c: {  	v6 =	vld.idx.msk [tilespmem:v11+s20+$0x0], $0xffff  }
0x39d: {  	v9 =	vld.idx.msk [tilespmem:v12+s20+$0x0], $0xffff;
	v7 =	vor.u32 v50, v31  }
0x39e: {  	v11 =	vor.u32 v46, v26;
	v0 =	vld.idx.msk [tilespmem:v2+s20+$0x0], $0xffff;
	[tilespmem:v4+s29+$0x0] =	vst.idx.msk $0xffff, v3  }
0x39f: {  	v5 =	vor.u32 v47, v27;
	v57 =	vld [tilespmem:$0x1FEA0];
	v1 =	vor.u32 v55, v28;
	_ =	sdelay $0x2  }
0x3a0: {  	v10 =	vor.u32 v52, v35;
	[tilespmem:v7+s29+$0x0] =	vst.idx.msk $0xffff, v6  }
0x3a1: {  	v12 =	vor.u32 v47, v29;
	[tilespmem:v11+s29+$0x0] =	vst.idx.msk $0xffff, v9  }
0x3a2: {  	v4 =	vor.u32 v50, v24;
	v3 =	vld.idx.msk [tilespmem:v5+s20+$0x0], $0xffff;
	v2 =	vor.u32 v57, v8;
	[tilespmem:v1+s29+$0x0] =	vst.idx.msk $0xffff, v0  }
0x3a3: {  	v60 =	vld [tilespmem:$0x1FEB0];
	_ =	sdelay $0x1  }
0x3a4: {  	v6 =	vld.idx.msk [tilespmem:v10+s20+$0x0], $0xffff  }
0x3a5: {  	v9 =	vld.idx.msk [tilespmem:v12+s20+$0x0], $0xffff;
	v7 =	vor.u32 v55, v31  }
0x3a6: {  	v11 =	vor.u32 v50, v26;
	v0 =	vld.idx.msk [tilespmem:v2+s20+$0x0], $0xffff;
	[tilespmem:v4+s29+$0x0] =	vst.idx.msk $0xffff, v3  }
0x3a7: {  	v5 =	vor.u32 v52, v27;
	v61 =	vld [tilespmem:$0x1FEC0];
	v1 =	vor.u32 v60, v28;
	_ =	sdelay $0x2  }
0x3a8: {  	v10 =	vor.u32 v57, v35;
	[tilespmem:v7+s29+$0x0] =	vst.idx.msk $0xffff, v6  }
0x3a9: {  	v12 =	vor.u32 v52, v29;
	[tilespmem:v11+s29+$0x0] =	vst.idx.msk $0xffff, v9  }
0x3aa: {  	v4 =	vor.u32 v55, v24;
	v3 =	vld.idx.msk [tilespmem:v5+s20+$0x0], $0xffff;
	v2 =	vor.u32 v61, v8;
	[tilespmem:v1+s29+$0x0] =	vst.idx.msk $0xffff, v0  }
0x3ab: {  	v62 =	vld [tilespmem:$0x1FED0];
	_ =	sdelay $0x1  }
0x3ac: {  	v6 =	vld.idx.msk [tilespmem:v10+s20+$0x0], $0xffff  }
0x3ad: {  	v9 =	vld.idx.msk [tilespmem:v12+s20+$0x0], $0xffff;
	v7 =	vor.u32 v60, v31  }
0x3ae: {  	v11 =	vor.u32 v55, v26;
	v0 =	vld.idx.msk [tilespmem:v2+s20+$0x0], $0xffff;
	[tilespmem:v4+s29+$0x0] =	vst.idx.msk $0xffff, v3  }
0x3af: {  	v5 =	vor.u32 v57, v27;
	v63 =	vld [tilespmem:$0x1FEE0];
	v1 =	vor.u32 v62, v28;
	_ =	sdelay $0x2  }
0x3b0: {  	v10 =	vor.u32 v61, v35;
	[tilespmem:v7+s29+$0x0] =	vst.idx.msk $0xffff, v6  }
0x3b1: {  	v12 =	vor.u32 v57, v29;
	[tilespmem:v11+s29+$0x0] =	vst.idx.msk $0xffff, v9  }
0x3b2: {  	v4 =	vor.u32 v60, v24;
	v3 =	vld.idx.msk [tilespmem:v5+s20+$0x0], $0xffff;
	v2 =	vor.u32 v63, v8;
	[tilespmem:v1+s29+$0x0] =	vst.idx.msk $0xffff, v0  }
0x3b3: {  	v16 =	vld [tilespmem:$0x1FEF0];
	_ =	sdelay $0x1  }
0x3b4: {  	v6 =	vld.idx.msk [tilespmem:v10+s20+$0x0], $0xffff  }
0x3b5: {  	v9 =	vld.idx.msk [tilespmem:v12+s20+$0x0], $0xffff;
	v7 =	vor.u32 v62, v31  }
0x3b6: {  	v11 =	vor.u32 v60, v26;
	v0 =	vld.idx.msk [tilespmem:v2+s20+$0x0], $0xffff;
	[tilespmem:v4+s29+$0x0] =	vst.idx.msk $0xffff, v3  }
0x3b7: {  	v5 =	vor.u32 v61, v27;
	v15 =	vld [tilespmem:$0x1FF00];
	v1 =	vor.u32 v16, v28;
	_ =	sdelay $0x2  }
0x3b8: {  	v10 =	vor.u32 v63, v35;
	[tilespmem:v7+s29+$0x0] =	vst.idx.msk $0xffff, v6  }
0x3b9: {  	v12 =	vor.u32 v61, v29;
	[tilespmem:v11+s29+$0x0] =	vst.idx.msk $0xffff, v9  }
0x3ba: {  	v4 =	vor.u32 v62, v24;
	v3 =	vld.idx.msk [tilespmem:v5+s20+$0x0], $0xffff;
	v2 =	vor.u32 v15, v8;
	[tilespmem:v1+s29+$0x0] =	vst.idx.msk $0xffff, v0  }
0x3bb: {  	v17 =	vld [tilespmem:$0x1FF10];
	_ =	sdelay $0x1  }
0x3bc: {  	v5 =	vld.idx.msk [tilespmem:v10+s20+$0x0], $0xffff  }
0x3bd: {  	v9 =	vld.idx.msk [tilespmem:v12+s20+$0x0], $0xffff;
	v6 =	vor.u32 v16, v31  }
0x3be: {  	v11 =	vor.u32 v62, v26;
	v0 =	vld.idx.msk [tilespmem:v2+s20+$0x0], $0xffff;
	[tilespmem:v4+s29+$0x0] =	vst.idx.msk $0xffff, v3  }
0x3bf: {  	v7 =	vor.u32 v63, v27;
	v14 =	vld [tilespmem:$0x1FF20];
	v1 =	vor.u32 v17, v28;
	_ =	sdelay $0x2  }
0x3c0: {  	v10 =	vor.u32 v15, v35;
	[tilespmem:v6+s29+$0x0] =	vst.idx.msk $0xffff, v5  }
0x3c1: {  	v12 =	vor.u32 v63, v29;
	[tilespmem:v11+s29+$0x0] =	vst.idx.msk $0xffff, v9  }
0x3c2: {  	v4 =	vor.u32 v16, v24;
	v3 =	vld.idx.msk [tilespmem:v7+s20+$0x0], $0xffff;
	v2 =	vor.u32 v14, v8;
	[tilespmem:v1+s29+$0x0] =	vst.idx.msk $0xffff, v0  }
0x3c3: {  	v11 =	vor.u32 v16, v26;
	v16 =	vld [tilespmem:$0x1FF30];
	_ =	sdelay $0x1  }
0x3c4: {  	v5 =	vld.idx.msk [tilespmem:v10+s20+$0x0], $0xffff  }
0x3c5: {  	v9 =	vld.idx.msk [tilespmem:v12+s20+$0x0], $0xffff;
	v6 =	vor.u32 v17, v31  }
0x3c6: {  	v0 =	vld.idx.msk [tilespmem:v2+s20+$0x0], $0xffff;
	[tilespmem:v4+s29+$0x0] =	vst.idx.msk $0xffff, v3  }
0x3c7: {  	v7 =	vor.u32 v15, v27;
	v12 =	vor.u32 v15, v29;
	v15 =	vld [tilespmem:$0x1FF40];
	v1 =	vor.u32 v16, v28;
	_ =	sdelay $0x2  }
0x3c8: {  	v10 =	vor.u32 v14, v35;
	[tilespmem:v6+s29+$0x0] =	vst.idx.msk $0xffff, v5  }
0x3c9: {  	[tilespmem:v11+s29+$0x0] =	vst.idx.msk $0xffff, v9  }
0x3ca: {  	v4 =	vor.u32 v17, v24;
	v3 =	vld.idx.msk [tilespmem:v7+s20+$0x0], $0xffff;
	v2 =	vor.u32 v15, v8;
	[tilespmem:v1+s29+$0x0] =	vst.idx.msk $0xffff, v0  }
0x3cb: {  	v11 =	vor.u32 v17, v26;
	v17 =	vld [tilespmem:$0x1FF50];
	_ =	sdelay $0x1  }
0x3cc: {  	v5 =	vld.idx.msk [tilespmem:v10+s20+$0x0], $0xffff  }
0x3cd: {  	v9 =	vld.idx.msk [tilespmem:v12+s20+$0x0], $0xffff;
	v6 =	vor.u32 v16, v31  }
0x3ce: {  	v0 =	vld.idx.msk [tilespmem:v2+s20+$0x0], $0xffff;
	[tilespmem:v4+s29+$0x0] =	vst.idx.msk $0xffff, v3  }
0x3cf: {  	v7 =	vor.u32 v14, v27;
	v12 =	vor.u32 v14, v29;
	v14 =	vld [tilespmem:$0x1FF60];
	v1 =	vor.u32 v17, v28;
	_ =	sdelay $0x2  }
0x3d0: {  	v10 =	vor.u32 v15, v35;
	[tilespmem:v6+s29+$0x0] =	vst.idx.msk $0xffff, v5  }
0x3d1: {  	[tilespmem:v11+s29+$0x0] =	vst.idx.msk $0xffff, v9  }
0x3d2: {  	v4 =	vor.u32 v16, v24;
	v3 =	vld.idx.msk [tilespmem:v7+s20+$0x0], $0xffff;
	v2 =	vor.u32 v14, v8;
	[tilespmem:v1+s29+$0x0] =	vst.idx.msk $0xffff, v0  }
0x3d3: {  	v11 =	vor.u32 v16, v26;
	v16 =	vld [tilespmem:$0x1FF70]  }
0x3d4: {  	v7 =	vor.u32 v15, v27  }
0x3d5: {  	v5 =	vld.idx.msk [tilespmem:v10+s20+$0x0], $0xffff  }
0x3d6: {  	v9 =	vld.idx.msk [tilespmem:v12+s20+$0x0], $0xffff;
	v6 =	vor.u32 v17, v31  }
0x3d7: {  	v0 =	vld.idx.msk [tilespmem:v2+s20+$0x0], $0xffff;
	[tilespmem:v4+s29+$0x0] =	vst.idx.msk $0xffff, v3  }
0x3d8: {  	v12 =	vor.u32 v15, v29;
	v15 =	vld [tilespmem:$0x1FF80];
	v1 =	vor.u32 v16, v28  }
0x3d9: {  	v4 =	vor.u32 v17, v24;
	v3 =	vld.idx.msk [tilespmem:v7+s20+$0x0], $0xffff;
	_ =	sdelay $0x1  }
0x3da: {  	v10 =	vor.u32 v14, v35;
	[tilespmem:v6+s29+$0x0] =	vst.idx.msk $0xffff, v5  }
0x3db: {  	[tilespmem:v11+s29+$0x0] =	vst.idx.msk $0xffff, v9  }
0x3dc: {  	v9 =	vld.idx.msk [tilespmem:v12+s20+$0x0], $0xffff;
	[tilespmem:v1+s29+$0x0] =	vst.idx.msk $0xffff, v0  }
0x3dd: {  	v2 =	vor.u32 v15, v8;
	v13 =	vld [tilespmem:$0x1FF90];
	[tilespmem:v4+s29+$0x0] =	vst.idx.msk $0xffff, v3  }
0x3de: {  	v7 =	vor.u32 v14, v27;
	v12 =	vor.u32 v14, v29;
	v14 =	vld [tilespmem:$0x1FFA0]  }
0x3df: {  	v5 =	vld.idx.msk [tilespmem:v10+s20+$0x0], $0xffff;
	v6 =	vor.u32 v16, v31  }
0x3e0: {  	v11 =	vor.u32 v17, v26;
	v10 =	vor.u32 v15, v35;
	_ =	sdelay $0x1  }
0x3e1: {  	v0 =	vld.idx.msk [tilespmem:v2+s20+$0x0], $0xffff;
	v1 =	vor.u32 v13, v28  }
0x3e2: {  	v2 =	vor.u32 v14, v8  }
0x3e3: {  	v4 =	vor.u32 v16, v24;
	[tilespmem:v6+s29+$0x0] =	vst.idx.msk $0xffff, v5;
	v3 =	vld.idx.msk [tilespmem:v7+s20+$0x0], $0xffff  }
0x3e4: {  	[tilespmem:v11+s29+$0x0] =	vst.idx.msk $0xffff, v9;
	v5 =	vld.idx.msk [tilespmem:v10+s20+$0x0], $0xffff  }
0x3e5: {  	v9 =	vld.idx.msk [tilespmem:v12+s20+$0x0], $0xffff;
	v10 =	vor.u32 v16, v26  }
0x3e6: {  	v7 =	vor.u32 v15, v27;
	v6 =	vor.u32 v13, v31;
	[tilespmem:v1+s29+$0x0] =	vst.idx.msk $0xffff, v0  }
0x3e7: {  	v11 =	vor.u32 v15, v29;
	v1 =	vor.u32 v30, v28;
	v0 =	vld.idx.msk [tilespmem:v2+s20+$0x0], $0xffff  }
0x3e8: {  	[tilespmem:v4+s29+$0x0] =	vst.idx.msk $0xffff, v3;
	v4 =	vor.u32 v33, v8;
	_ =	sdelay $0x1  }
0x3e9: {  	[tilespmem:v10+s29+$0x0] =	vst.idx.msk $0xffff, v9  }
0x3ea: {  	v3 =	vor.u32 v14, v35;
	[tilespmem:v6+s29+$0x0] =	vst.idx.msk $0xffff, v5;
	v5 =	vld.idx.msk [tilespmem:v7+s20+$0x0], $0xffff;
	v6 =	vor.u32 v13, v24  }
0x3eb: {  	v9 =	vor.u32 v14, v27;
	v10 =	vld.idx.msk [tilespmem:v11+s20+$0x0], $0xffff;
	v11 =	vor.u32 v13, v26;
	[tilespmem:v1+s29+$0x0] =	vst.idx.msk $0xffff, v0  }
0x3ec: {  	v13 =	vor.u32 v14, v29;
	v1 =	vor.u32 v34, v28;
	v4 =	vld.idx.msk [tilespmem:v4+s20+$0x0], $0xffff  }
0x3ed: {  	v19 =	vor.u32 v30, v26;
	v2 =	vor.u32 v51, v8  }
0x3ee: {  	v17 =	vor.u32 v38, v28;
	v15 =	vor.u32 v33, v27;
	v12 =	vor.u32 v58, v8  }
0x3ef: {  	s17 =	simm.s32 $0x7;
	s24 =	simm.s32 $0x6;
	v16 =	vor.u32 v34, v24;
	v7 =	vor.u32 v30, v31;
	v20 =	vld.idx.msk [tilespmem:v3+s20+$0x0], $0xffff;
	[tilespmem:v6+s29+$0x0] =	vst.idx.msk $0xffff, v5  }
0x3f0: {  	v23 =	vadd.s32 s24, v59;
	v3 =	vadd.s32 s17, v59;
	[tilespmem:v11+s29+$0x0] =	vst.idx.msk $0xffff, v10;
	v5 =	vor.u32 v30, v24;
	v9 =	vld.idx.msk [tilespmem:v9+s20+$0x0], $0xffff  }
0x3f1: {  	s3 =	simm.s32 $0x5;
	v14 =	vor.u32 v33, v29;
	v21 =	vshll.u32 v3, $0x7;
	v11 =	vshll.u32 v3, $0x9;
	v13 =	vld.idx.msk [tilespmem:v13+s20+$0x0], $0xffff;
	[tilespmem:v1+s29+$0x0] =	vst.idx.msk $0xffff, v4  }
0x3f2: {  	v3 =	vand.u32 $0x1F, v3;
	v21 =	vand.u32 $0x380, v21;
	v6 =	vadd.s32 s3, v59;
	v2 =	vld.idx.msk [tilespmem:v2+s20+$0x0], $0xffff  }
0x3f3: {  	v11 =	vand.u32 $0x3000, v11;
	v37 =	vor.u32 v32, v3;
	v10 =	vshll.u32 v6, $0x7  }
0x3f4: {  	v22 =	vshll.u32 v6, $0x9;
	v6 =	vand.u32 $0x1F, v6;
	[tilespmem:v7+s29+$0x0] =	vst.idx.msk $0xffff, v20;
	v1 =	vshll.u32 v23, $0x9  }
0x3f5: {  	v20 =	vor.u32 v32, v6;
	[tilespmem:v5+s29+$0x0] =	vst.idx.msk $0xffff, v9;
	v9 =	vand.u32 $0x3000, v1;
	v1 =	vand.u32 $0x1F, v23  }
0x3f6: {  	[tilespmem:v19+s29+$0x0] =	vst.idx.msk $0xffff, v13;
	v19 =	vor.u32 v33, v35;
	v15 =	vld.idx.msk [tilespmem:v15+s20+$0x0], $0xffff;
	v13 =	vor.u32 v32, v1  }
0x3f7: {  	v4 =	vor.u32 v21, v11;
	v11 =	vld.idx.msk [tilespmem:v14+s20+$0x0], $0xffff;
	v14 =	vor.u32 v34, v26;
	[tilespmem:v17+s29+$0x0] =	vst.idx.msk $0xffff, v2  }
0x3f8: {  	v7 =	vand.u32 $0x3000, v22;
	v10 =	vand.u32 $0x380, v10;
	v5 =	vshll.u32 v23, $0x7;
	v25 =	vld [tilespmem:$0x1FFF0]  }
0x3f9: {  	v7 =	vor.u32 v10, v7;
	v5 =	vand.u32 $0x380, v5;
	v21 =	vld.idx.msk [tilespmem:v37+s20+$0x0], $0xffff;
	v22 =	vor.u32 v59, v4  }
0x3fa: {  	v17 =	vld.idx.msk [tilespmem:v20+s20+$0x0], $0xffff;
	v20 =	vor.u32 v59, v7;
	v2 =	vor.u32 v5, v9  }
0x3fb: {  	[tilespmem:v16+s29+$0x0] =	vst.idx.msk $0xffff, v15;
	v13 =	vld.idx.msk [tilespmem:v13+s20+$0x0], $0xffff;
	v15 =	vor.u32 v59, v2  }
0x3fc: {  	[tilespmem:v14+s29+$0x0] =	vst.idx.msk $0xffff, v11;
	v14 =	vld.idx.msk [tilespmem:v19+s20+$0x0], $0xffff;
	v16 =	vor.u32 v34, v31  }
0x3fd: {  	v10 =	vor.u32 v51, v29;
	v12 =	vld.idx.msk [tilespmem:v12+s20+$0x0], $0xffff;
	v5 =	vor.u32 v25, v28  }
0x3fe: {  	v37 =	vld [tilespmem:$0x1FFC0];
	[tilespmem:v22+s29+$0x0] =	vst.idx.msk $0xffff, v21  }
0x3ff: {  	s2 =	simm.s32 $0x4;
	v23 =	vor.u32 v51, v27;
	[tilespmem:v20+s29+$0x0] =	vst.idx.msk $0xffff, v17  }
0x400: {  	v18 =	vadd.s32 s2, v59;
	v9 =	vor.u32 v40, v6;
	[tilespmem:v15+s29+$0x0] =	vst.idx.msk $0xffff, v13  }
0x401: {  	v0 =	vand.u32 $0x1F, v18;
	v21 =	vor.u32 v40, v1;
	[tilespmem:v16+s29+$0x0] =	vst.idx.msk $0xffff, v14  }
0x402: {  	v39 =	vor.u32 v32, v0;
	v10 =	vld.idx.msk [tilespmem:v10+s20+$0x0], $0xffff;
	v20 =	vor.u32 v38, v26;
	[tilespmem:v5+s29+$0x0] =	vst.idx.msk $0xffff, v12  }
0x403: {  	v13 =	vor.u32 v51, v35;
	v11 =	vor.u32 v37, v8;
	v51 =	vld [tilespmem:$0x1FC80]  }
0x404: {  	v19 =	vshll.u32 v18, $0x9;
	v18 =	vshll.u32 v18, $0x7;
	v22 =	vld.idx.msk [tilespmem:v23+s20+$0x0], $0xffff;
	v23 =	vor.u32 v38, v24  }
0x405: {  	v9 =	vld.idx.msk [tilespmem:v9+s20+$0x0], $0xffff;
	v15 =	vor.u32 v41, v7;
	v16 =	vand.u32 $0x380, v18;
	v5 =	vand.u32 $0x3000, v19  }
0x406: {  	v19 =	vld.idx.msk [tilespmem:v21+s20+$0x0], $0xffff;
	v5 =	vor.u32 v16, v5;
	v16 =	vor.u32 v41, v2  }
0x407: {  	v12 =	vor.u32 v58, v29;
	[tilespmem:v20+s29+$0x0] =	vst.idx.msk $0xffff, v10;
	v20 =	vld.idx.msk [tilespmem:v39+s20+$0x0], $0xffff;
	v21 =	vor.u32 v59, v5  }
0x408: {  	v11 =	vld.idx.msk [tilespmem:v11+s20+$0x0], $0xffff;
	v14 =	vor.u32 v51, v28  }
0x409: {  	v36 =	vld [tilespmem:$0x1FC90];
	[tilespmem:v23+s29+$0x0] =	vst.idx.msk $0xffff, v22  }
0x40a: {  	v18 =	vor.u32 v42, v6;
	[tilespmem:v15+s29+$0x0] =	vst.idx.msk $0xffff, v9  }
0x40b: {  	v17 =	vor.u32 v40, v3;
	[tilespmem:v16+s29+$0x0] =	vst.idx.msk $0xffff, v19  }
0x40c: {  	v22 =	vor.u32 v42, v1;
	v23 =	vor.u32 v25, v26;
	v12 =	vld.idx.msk [tilespmem:v12+s20+$0x0], $0xffff;
	[tilespmem:v21+s29+$0x0] =	vst.idx.msk $0xffff, v20  }
0x40d: {  	v13 =	vld.idx.msk [tilespmem:v13+s20+$0x0], $0xffff;
	v9 =	vor.u32 v40, v0;
	v15 =	vor.u32 v38, v31;
	[tilespmem:v14+s29+$0x0] =	vst.idx.msk $0xffff, v11  }
0x40e: {  	v10 =	vor.u32 v36, v8;
	v38 =	vld [tilespmem:$0x1FCA0]  }
0x40f: {  	v18 =	vld.idx.msk [tilespmem:v18+s20+$0x0], $0xffff;
	v19 =	vor.u32 v43, v7  }
0x410: {  	v11 =	vor.u32 v41, v4;
	v14 =	vld.idx.msk [tilespmem:v17+s20+$0x0], $0xffff  }
0x411: {  	v22 =	vld.idx.msk [tilespmem:v22+s20+$0x0], $0xffff;
	[tilespmem:v23+s29+$0x0] =	vst.idx.msk $0xffff, v12;
	v23 =	vor.u32 v43, v2  }
0x412: {  	v9 =	vld.idx.msk [tilespmem:v9+s20+$0x0], $0xffff;
	v17 =	vor.u32 v37, v29;
	[tilespmem:v15+s29+$0x0] =	vst.idx.msk $0xffff, v13;
	v15 =	vor.u32 v41, v5  }
0x413: {  	v16 =	vor.u32 v58, v35;
	v10 =	vld.idx.msk [tilespmem:v10+s20+$0x0], $0xffff;
	v21 =	vor.u32 v38, v28  }
0x414: {  	v39 =	vld [tilespmem:$0x1FCB0];
	[tilespmem:v19+s29+$0x0] =	vst.idx.msk $0xffff, v18  }
0x415: {  	v12 =	vor.u32 v53, v6;
	[tilespmem:v11+s29+$0x0] =	vst.idx.msk $0xffff, v14  }
0x416: {  	v20 =	vor.u32 v42, v3;
	[tilespmem:v23+s29+$0x0] =	vst.idx.msk $0xffff, v22  }
0x417: {  	v11 =	vor.u32 v53, v1;
	v14 =	vld.idx.msk [tilespmem:v17+s20+$0x0], $0xffff;
	v17 =	vor.u32 v51, v26;
	[tilespmem:v15+s29+$0x0] =	vst.idx.msk $0xffff, v9  }
0x418: {  	v18 =	vor.u32 v42, v0;
	v16 =	vld.idx.msk [tilespmem:v16+s20+$0x0], $0xffff;
	v19 =	vor.u32 v25, v31;
	[tilespmem:v21+s29+$0x0] =	vst.idx.msk $0xffff, v10  }
0x419: {  	v13 =	vor.u32 v39, v8;
	v40 =	vld [tilespmem:$0x1FCC0]  }
0x41a: {  	v12 =	vld.idx.msk [tilespmem:v12+s20+$0x0], $0xffff;
	v23 =	vor.u32 v48, v7  }
0x41b: {  	v20 =	vld.idx.msk [tilespmem:v20+s20+$0x0], $0xffff;
	v10 =	vor.u32 v43, v4  }
0x41c: {  	v11 =	vld.idx.msk [tilespmem:v11+s20+$0x0], $0xffff;
	[tilespmem:v17+s29+$0x0] =	vst.idx.msk $0xffff, v14;
	v17 =	vor.u32 v48, v2  }
0x41d: {  	v18 =	vld.idx.msk [tilespmem:v18+s20+$0x0], $0xffff;
	v21 =	vor.u32 v36, v29;
	[tilespmem:v19+s29+$0x0] =	vst.idx.msk $0xffff, v16;
	v19 =	vor.u32 v43, v5  }
0x41e: {  	v22 =	vor.u32 v58, v27;
	v13 =	vld.idx.msk [tilespmem:v13+s20+$0x0], $0xffff;
	v15 =	vor.u32 v40, v28  }
0x41f: {  	v59 =	vld [tilespmem:$0x1FCD0];
	[tilespmem:v23+s29+$0x0] =	vst.idx.msk $0xffff, v12  }
0x420: {  	v14 =	vor.u32 v49, v6;
	[tilespmem:v10+s29+$0x0] =	vst.idx.msk $0xffff, v20  }
0x421: {  	v9 =	vor.u32 v53, v3;
	[tilespmem:v17+s29+$0x0] =	vst.idx.msk $0xffff, v11  }
0x422: {  	v10 =	vor.u32 v49, v1;
	v20 =	vld.idx.msk [tilespmem:v21+s20+$0x0], $0xffff;
	v21 =	vor.u32 v38, v26;
	[tilespmem:v19+s29+$0x0] =	vst.idx.msk $0xffff, v18  }
0x423: {  	v22 =	vld.idx.msk [tilespmem:v22+s20+$0x0], $0xffff;
	v12 =	vor.u32 v53, v0;
	v23 =	vor.u32 v25, v24;
	[tilespmem:v15+s29+$0x0] =	vst.idx.msk $0xffff, v13  }
0x424: {  	v16 =	vor.u32 v59, v8;
	v42 =	vld [tilespmem:$0x1FCE0]  }
0x425: {  	v14 =	vld.idx.msk [tilespmem:v14+s20+$0x0], $0xffff;
	v17 =	vor.u32 v54, v7  }
0x426: {  	v9 =	vld.idx.msk [tilespmem:v9+s20+$0x0], $0xffff;
	v13 =	vor.u32 v48, v4  }
0x427: {  	v10 =	vld.idx.msk [tilespmem:v10+s20+$0x0], $0xffff;
	[tilespmem:v21+s29+$0x0] =	vst.idx.msk $0xffff, v20;
	v21 =	vor.u32 v54, v2  }
0x428: {  	v12 =	vld.idx.msk [tilespmem:v12+s20+$0x0], $0xffff;
	v15 =	vor.u32 v39, v29;
	[tilespmem:v23+s29+$0x0] =	vst.idx.msk $0xffff, v22;
	v23 =	vor.u32 v48, v5  }
0x429: {  	v11 =	vor.u32 v37, v27;
	v16 =	vld.idx.msk [tilespmem:v16+s20+$0x0], $0xffff;
	v19 =	vor.u32 v42, v28  }
0x42a: {  	v43 =	vld [tilespmem:$0x1FCF0];
	[tilespmem:v17+s29+$0x0] =	vst.idx.msk $0xffff, v14  }
0x42b: {  	v20 =	vor.u32 v56, v6;
	[tilespmem:v13+s29+$0x0] =	vst.idx.msk $0xffff, v9  }
0x42c: {  	v18 =	vor.u32 v49, v3;
	[tilespmem:v21+s29+$0x0] =	vst.idx.msk $0xffff, v10  }
0x42d: {  	v9 =	vor.u32 v56, v1;
	v13 =	vld.idx.msk [tilespmem:v15+s20+$0x0], $0xffff;
	v15 =	vor.u32 v40, v26;
	[tilespmem:v23+s29+$0x0] =	vst.idx.msk $0xffff, v12  }
0x42e: {  	v14 =	vor.u32 v49, v0;
	v11 =	vld.idx.msk [tilespmem:v11+s20+$0x0], $0xffff;
	v17 =	vor.u32 v51, v24;
	[tilespmem:v19+s29+$0x0] =	vst.idx.msk $0xffff, v16  }
0x42f: {  	v22 =	vor.u32 v43, v8;
	v41 =	vld [tilespmem:$0x1FD00]  }
0x430: {  	v20 =	vld.idx.msk [tilespmem:v20+s20+$0x0], $0xffff;
	v21 =	vor.u32 v44, v7  }
0x431: {  	v18 =	vld.idx.msk [tilespmem:v18+s20+$0x0], $0xffff;
	v19 =	vor.u32 v54, v4  }
0x432: {  	v9 =	vld.idx.msk [tilespmem:v9+s20+$0x0], $0xffff;
	[tilespmem:v15+s29+$0x0] =	vst.idx.msk $0xffff, v13;
	v15 =	vor.u32 v44, v2  }
0x433: {  	v14 =	vld.idx.msk [tilespmem:v14+s20+$0x0], $0xffff;
	v16 =	vor.u32 v59, v29;
	[tilespmem:v17+s29+$0x0] =	vst.idx.msk $0xffff, v11;
	v17 =	vor.u32 v54, v5  }
0x434: {  	v10 =	vor.u32 v36, v27;
	v22 =	vld.idx.msk [tilespmem:v22+s20+$0x0], $0xffff;
	v23 =	vor.u32 v41, v28  }
0x435: {  	v53 =	vld [tilespmem:$0x1FD10];
	[tilespmem:v21+s29+$0x0] =	vst.idx.msk $0xffff, v20  }
0x436: {  	v13 =	vor.u32 v45, v6;
	[tilespmem:v19+s29+$0x0] =	vst.idx.msk $0xffff, v18  }
0x437: {  	v12 =	vor.u32 v56, v3;
	[tilespmem:v15+s29+$0x0] =	vst.idx.msk $0xffff, v9  }
0x438: {  	v18 =	vor.u32 v45, v1;
	v16 =	vld.idx.msk [tilespmem:v16+s20+$0x0], $0xffff;
	v19 =	vor.u32 v42, v26;
	[tilespmem:v17+s29+$0x0] =	vst.idx.msk $0xffff, v14  }
0x439: {  	v20 =	vor.u32 v56, v0;
	v10 =	vld.idx.msk [tilespmem:v10+s20+$0x0], $0xffff;
	v21 =	vor.u32 v38, v24;
	[tilespmem:v23+s29+$0x0] =	vst.idx.msk $0xffff, v22  }
0x43a: {  	v11 =	vor.u32 v53, v8;
	v54 =	vld [tilespmem:$0x1FD20]  }
0x43b: {  	v13 =	vld.idx.msk [tilespmem:v13+s20+$0x0], $0xffff;
	v15 =	vor.u32 v46, v7  }
0x43c: {  	v12 =	vld.idx.msk [tilespmem:v12+s20+$0x0], $0xffff;
	v23 =	vor.u32 v44, v4  }
0x43d: {  	v18 =	vld.idx.msk [tilespmem:v18+s20+$0x0], $0xffff;
	[tilespmem:v19+s29+$0x0] =	vst.idx.msk $0xffff, v16;
	v19 =	vor.u32 v46, v2  }
0x43e: {  	v20 =	vld.idx.msk [tilespmem:v20+s20+$0x0], $0xffff;
	v22 =	vor.u32 v43, v29;
	[tilespmem:v21+s29+$0x0] =	vst.idx.msk $0xffff, v10;
	v21 =	vor.u32 v44, v5  }
0x43f: {  	v9 =	vor.u32 v39, v27;
	v11 =	vld.idx.msk [tilespmem:v11+s20+$0x0], $0xffff;
	v17 =	vor.u32 v54, v28  }
0x440: {  	v58 =	vld [tilespmem:$0x1FD30];
	[tilespmem:v15+s29+$0x0] =	vst.idx.msk $0xffff, v13  }
0x441: {  	v16 =	vor.u32 v47, v6;
	[tilespmem:v23+s29+$0x0] =	vst.idx.msk $0xffff, v12  }
0x442: {  	v25 =	vmov v40;
	v14 =	vor.u32 v45, v3;
	[tilespmem:v19+s29+$0x0] =	vst.idx.msk $0xffff, v18  }
0x443: {  	v12 =	vor.u32 v47, v1;
	v22 =	vld.idx.msk [tilespmem:v22+s20+$0x0], $0xffff;
	v23 =	vor.u32 v41, v26;
	[tilespmem:v21+s29+$0x0] =	vst.idx.msk $0xffff, v20  }
0x444: {  	v13 =	vor.u32 v37, v35;
	v9 =	vld.idx.msk [tilespmem:v9+s20+$0x0], $0xffff;
	v15 =	vor.u32 v25, v24;
	[tilespmem:v17+s29+$0x0] =	vst.idx.msk $0xffff, v11  }
0x445: {  	v48 =	vmov v51;
	v10 =	vor.u32 v58, v8;
	v51 =	vld [tilespmem:$0x1FD40]  }
0x446: {  	v16 =	vld.idx.msk [tilespmem:v16+s20+$0x0], $0xffff;
	v19 =	vor.u32 v50, v7  }
0x447: {  	v14 =	vld.idx.msk [tilespmem:v14+s20+$0x0], $0xffff;
	v17 =	vor.u32 v46, v4  }
0x448: {  	v12 =	vld.idx.msk [tilespmem:v12+s20+$0x0], $0xffff;
	[tilespmem:v23+s29+$0x0] =	vst.idx.msk $0xffff, v22;
	v23 =	vor.u32 v50, v2  }
0x449: {  	v13 =	vld.idx.msk [tilespmem:v13+s20+$0x0], $0xffff;
	v11 =	vor.u32 v45, v0;
	[tilespmem:v15+s29+$0x0] =	vst.idx.msk $0xffff, v9;
	v15 =	vor.u32 v48, v31  }
0x44a: {  	v18 =	vor.u32 v59, v27;
	v10 =	vld.idx.msk [tilespmem:v10+s20+$0x0], $0xffff;
	v21 =	vor.u32 v51, v28  }
0x44b: {  	v44 =	vld [tilespmem:$0x1FD50];
	[tilespmem:v19+s29+$0x0] =	vst.idx.msk $0xffff, v16  }
0x44c: {  	v22 =	vor.u32 v52, v6;
	[tilespmem:v17+s29+$0x0] =	vst.idx.msk $0xffff, v14  }
0x44d: {  	v20 =	vor.u32 v47, v3;
	[tilespmem:v23+s29+$0x0] =	vst.idx.msk $0xffff, v12  }
0x44e: {  	v11 =	vld.idx.msk [tilespmem:v11+s20+$0x0], $0xffff;
	v14 =	vor.u32 v52, v1;
	v17 =	vor.u32 v46, v5;
	[tilespmem:v15+s29+$0x0] =	vst.idx.msk $0xffff, v13  }
0x44f: {  	v16 =	vor.u32 v36, v35;
	v18 =	vld.idx.msk [tilespmem:v18+s20+$0x0], $0xffff;
	v19 =	vor.u32 v42, v24;
	[tilespmem:v21+s29+$0x0] =	vst.idx.msk $0xffff, v10  }
0x450: {  	v9 =	vor.u32 v44, v8;
	v49 =	vld [tilespmem:$0x1FD60]  }
0x451: {  	v22 =	vld.idx.msk [tilespmem:v22+s20+$0x0], $0xffff;
	v23 =	vor.u32 v55, v7  }
0x452: {  	v20 =	vld.idx.msk [tilespmem:v20+s20+$0x0], $0xffff;
	v21 =	vor.u32 v50, v4  }
0x453: {  	v56 =	vmov v38;
	v14 =	vld.idx.msk [tilespmem:v14+s20+$0x0], $0xffff;
	[tilespmem:v17+s29+$0x0] =	vst.idx.msk $0xffff, v11;
	v17 =	vor.u32 v55, v2  }
0x454: {  	v16 =	vld.idx.msk [tilespmem:v16+s20+$0x0], $0xffff;
	v10 =	vor.u32 v47, v0;
	[tilespmem:v19+s29+$0x0] =	vst.idx.msk $0xffff, v18;
	v19 =	vor.u32 v56, v31  }
0x455: {  	v12 =	vor.u32 v43, v27;
	v9 =	vld.idx.msk [tilespmem:v9+s20+$0x0], $0xffff;
	v15 =	vor.u32 v49, v28  }
0x456: {  	v38 =	vmov v39;
	v39 =	vld [tilespmem:$0x1FD70];
	[tilespmem:v23+s29+$0x0] =	vst.idx.msk $0xffff, v22  }
0x457: {  	v11 =	vor.u32 v57, v6;
	[tilespmem:v21+s29+$0x0] =	vst.idx.msk $0xffff, v20  }
0x458: {  	v13 =	vor.u32 v52, v3;
	[tilespmem:v17+s29+$0x0] =	vst.idx.msk $0xffff, v14  }
0x459: {  	v10 =	vld.idx.msk [tilespmem:v10+s20+$0x0], $0xffff;
	v20 =	vor.u32 v57, v1;
	v21 =	vor.u32 v50, v5;
	[tilespmem:v19+s29+$0x0] =	vst.idx.msk $0xffff, v16  }
0x45a: {  	v22 =	vor.u32 v38, v35;
	v12 =	vld.idx.msk [tilespmem:v12+s20+$0x0], $0xffff;
	v23 =	vor.u32 v41, v24;
	[tilespmem:v15+s29+$0x0] =	vst.idx.msk $0xffff, v9  }
0x45b: {  	v18 =	vor.u32 v39, v8;
	v36 =	vld [tilespmem:$0x1FD80]  }
0x45c: {  	v11 =	vld.idx.msk [tilespmem:v11+s20+$0x0], $0xffff;
	v17 =	vor.u32 v60, v7  }
0x45d: {  	v13 =	vld.idx.msk [tilespmem:v13+s20+$0x0], $0xffff;
	v15 =	vor.u32 v55, v4  }
0x45e: {  	v20 =	vld.idx.msk [tilespmem:v20+s20+$0x0], $0xffff;
	[tilespmem:v21+s29+$0x0] =	vst.idx.msk $0xffff, v10;
	v21 =	vor.u32 v60, v2  }
0x45f: {  	v22 =	vld.idx.msk [tilespmem:v22+s20+$0x0], $0xffff;
	[tilespmem:v23+s29+$0x0] =	vst.idx.msk $0xffff, v12;
	v23 =	vor.u32 v25, v31  }
0x460: {  	v9 =	vor.u32 v52, v0;
	v18 =	vld.idx.msk [tilespmem:v18+s20+$0x0], $0xffff;
	v19 =	vor.u32 v36, v28  }
0x461: {  	v48 =	vld [tilespmem:$0x1FD90];
	[tilespmem:v17+s29+$0x0] =	vst.idx.msk $0xffff, v11  }
0x462: {  	v14 =	vor.u32 v53, v27;
	[tilespmem:v15+s29+$0x0] =	vst.idx.msk $0xffff, v13  }
0x463: {  	v10 =	vor.u32 v61, v6;
	[tilespmem:v21+s29+$0x0] =	vst.idx.msk $0xffff, v20  }
0x464: {  	v16 =	vor.u32 v57, v3;
	[tilespmem:v23+s29+$0x0] =	vst.idx.msk $0xffff, v22  }
0x465: {  	v9 =	vld.idx.msk [tilespmem:v9+s20+$0x0], $0xffff;
	v13 =	vor.u32 v61, v1;
	v15 =	vor.u32 v55, v5;
	[tilespmem:v19+s29+$0x0] =	vst.idx.msk $0xffff, v18  }
0x466: {  	v12 =	vor.u32 v48, v8;
	v37 =	vld [tilespmem:$0x1FDA0]  }
0x467: {  	v11 =	vor.u32 v59, v35;
	v14 =	vld.idx.msk [tilespmem:v14+s20+$0x0], $0xffff;
	v17 =	vor.u32 v54, v24  }
0x468: {  	v10 =	vld.idx.msk [tilespmem:v10+s20+$0x0], $0xffff;
	v21 =	vor.u32 v62, v7  }
0x469: {  	v16 =	vld.idx.msk [tilespmem:v16+s20+$0x0], $0xffff;
	v19 =	vor.u32 v60, v4  }
0x46a: {  	v13 =	vld.idx.msk [tilespmem:v13+s20+$0x0], $0xffff;
	[tilespmem:v15+s29+$0x0] =	vst.idx.msk $0xffff, v9;
	v15 =	vor.u32 v62, v2  }
0x46b: {  	v18 =	vor.u32 v57, v0;
	v12 =	vld.idx.msk [tilespmem:v12+s20+$0x0], $0xffff;
	v23 =	vor.u32 v37, v28  }
0x46c: {  	v11 =	vld.idx.msk [tilespmem:v11+s20+$0x0], $0xffff;
	[tilespmem:v17+s29+$0x0] =	vst.idx.msk $0xffff, v14  }
0x46d: {  	v20 =	vor.u32 v58, v27;
	v14 =	vor.u32 v42, v31;
	v47 =	vld [tilespmem:$0x1FDB0];
	[tilespmem:v21+s29+$0x0] =	vst.idx.msk $0xffff, v10  }
0x46e: {  	[tilespmem:v19+s29+$0x0] =	vst.idx.msk $0xffff, v16  }
0x46f: {  	v22 =	vor.u32 v61, v3;
	[tilespmem:v15+s29+$0x0] =	vst.idx.msk $0xffff, v13  }
0x470: {  	v9 =	vor.u32 v63, v6;
	v17 =	vld.idx.msk [tilespmem:v18+s20+$0x0], $0xffff;
	[tilespmem:v23+s29+$0x0] =	vst.idx.msk $0xffff, v12  }
0x471: {  	v16 =	vor.u32 v63, v1;
	v52 =	vld [tilespmem:$0x1FEF0]  }
0x472: {  	v18 =	vor.u32 v60, v5;
	v19 =	vld.idx.msk [tilespmem:v20+s20+$0x0], $0xffff;
	v8 =	vor.u32 v47, v8;
	[tilespmem:v14+s29+$0x0] =	vst.idx.msk $0xffff, v11  }
0x473: {  	v46 =	vld [tilespmem:$0x1FDC0]  }
0x474: {  	v20 =	vor.u32 v51, v24;
	v21 =	vld.idx.msk [tilespmem:v22+s20+$0x0], $0xffff  }
0x475: {  	v22 =	vor.u32 v62, v4;
	v9 =	vld.idx.msk [tilespmem:v9+s20+$0x0], $0xffff  }
0x476: {  	v16 =	vld.idx.msk [tilespmem:v16+s20+$0x0], $0xffff;
	v15 =	vor.u32 v52, v7  }
0x477: {  	v10 =	vor.u32 v43, v35;
	v8 =	vld.idx.msk [tilespmem:v8+s20+$0x0], $0xffff;
	[tilespmem:v18+s29+$0x0] =	vst.idx.msk $0xffff, v17;
	v18 =	vor.u32 v52, v2  }
0x478: {  	v12 =	vor.u32 v61, v0;
	v55 =	vld [tilespmem:$0x1FF00];
	v14 =	vor.u32 v46, v28  }
0x479: {  	[tilespmem:v20+s29+$0x0] =	vst.idx.msk $0xffff, v19  }
0x47a: {  	v13 =	vor.u32 v44, v27;
	[tilespmem:v22+s29+$0x0] =	vst.idx.msk $0xffff, v21  }
0x47b: {  	v11 =	vor.u32 v53, v29;
	[tilespmem:v15+s29+$0x0] =	vst.idx.msk $0xffff, v9  }
0x47c: {  	v10 =	vld.idx.msk [tilespmem:v10+s20+$0x0], $0xffff;
	v19 =	vor.u32 v63, v3;
	[tilespmem:v18+s29+$0x0] =	vst.idx.msk $0xffff, v16  }
0x47d: {  	v20 =	vor.u32 v41, v31;
	v12 =	vld.idx.msk [tilespmem:v12+s20+$0x0], $0xffff;
	v17 =	vor.u32 v55, v6;
	[tilespmem:v14+s29+$0x0] =	vst.idx.msk $0xffff, v8  }
0x47e: {  	v22 =	vor.u32 v62, v5;
	v21 =	vor.u32 v55, v1;
	v57 =	vld [tilespmem:$0x1FF10]  }
0x47f: {  	v13 =	vld.idx.msk [tilespmem:v13+s20+$0x0], $0xffff  }
0x480: {  	v11 =	vld.idx.msk [tilespmem:v11+s20+$0x0], $0xffff;
	v15 =	vor.u32 v49, v24  }
0x481: {  	v19 =	vld.idx.msk [tilespmem:v19+s20+$0x0], $0xffff;
	v14 =	vor.u32 v54, v26  }
0x482: {  	v17 =	vld.idx.msk [tilespmem:v17+s20+$0x0], $0xffff;
	[tilespmem:v20+s29+$0x0] =	vst.idx.msk $0xffff, v10;
	v20 =	vor.u32 v52, v4  }
0x483: {  	v9 =	vor.u32 v53, v35;
	[tilespmem:v22+s29+$0x0] =	vst.idx.msk $0xffff, v12;
	v21 =	vld.idx.msk [tilespmem:v21+s20+$0x0], $0xffff;
	v18 =	vor.u32 v57, v7  }
0x484: {  	v8 =	vor.u32 v63, v0;
	v28 =	vld [tilespmem:$0x1FF20];
	v22 =	vor.u32 v57, v2  }
0x485: {  	[tilespmem:v15+s29+$0x0] =	vst.idx.msk $0xffff, v13  }
0x486: {  	v16 =	vor.u32 v39, v27;
	[tilespmem:v14+s29+$0x0] =	vst.idx.msk $0xffff, v11  }
0x487: {  	v10 =	vor.u32 v58, v29;
	[tilespmem:v20+s29+$0x0] =	vst.idx.msk $0xffff, v19  }
0x488: {  	v13 =	vor.u32 v55, v3;
	v9 =	vld.idx.msk [tilespmem:v9+s20+$0x0], $0xffff;
	[tilespmem:v18+s29+$0x0] =	vst.idx.msk $0xffff, v17  }
0x489: {  	v15 =	vor.u32 v54, v31;
	v8 =	vld.idx.msk [tilespmem:v8+s20+$0x0], $0xffff;
	v12 =	vor.u32 v28, v6;
	[tilespmem:v22+s29+$0x0] =	vst.idx.msk $0xffff, v21  }
0x48a: {  	v14 =	vor.u32 v52, v5;
	v11 =	vor.u32 v28, v1;
	v17 =	vor.u32 v58, v35;
	v58 =	vld [tilespmem:$0x1FF30]  }
0x48b: {  	v16 =	vld.idx.msk [tilespmem:v16+s20+$0x0], $0xffff  }
0x48c: {  	v10 =	vld.idx.msk [tilespmem:v10+s20+$0x0], $0xffff;
	v20 =	vor.u32 v51, v26  }
0x48d: {  	v13 =	vld.idx.msk [tilespmem:v13+s20+$0x0], $0xffff;
	v18 =	vor.u32 v36, v24  }
0x48e: {  	v12 =	vld.idx.msk [tilespmem:v12+s20+$0x0], $0xffff;
	[tilespmem:v15+s29+$0x0] =	vst.idx.msk $0xffff, v9;
	v15 =	vor.u32 v57, v4  }
0x48f: {  	v19 =	vor.u32 v55, v0;
	[tilespmem:v14+s29+$0x0] =	vst.idx.msk $0xffff, v8;
	v11 =	vld.idx.msk [tilespmem:v11+s20+$0x0], $0xffff;
	v22 =	vor.u32 v58, v7  }
0x490: {  	v60 =	vld [tilespmem:$0x1FF40];
	v14 =	vor.u32 v58, v2  }
0x491: {  	[tilespmem:v20+s29+$0x0] =	vst.idx.msk $0xffff, v10  }
0x492: {  	v21 =	vor.u32 v48, v27;
	[tilespmem:v18+s29+$0x0] =	vst.idx.msk $0xffff, v16  }
0x493: {  	v9 =	vor.u32 v44, v29;
	[tilespmem:v15+s29+$0x0] =	vst.idx.msk $0xffff, v13  }
0x494: {  	v19 =	vld.idx.msk [tilespmem:v19+s20+$0x0], $0xffff;
	v16 =	vor.u32 v28, v3;
	[tilespmem:v22+s29+$0x0] =	vst.idx.msk $0xffff, v12  }
0x495: {  	v17 =	vld.idx.msk [tilespmem:v17+s20+$0x0], $0xffff;
	v18 =	vor.u32 v51, v31;
	v8 =	vor.u32 v60, v6;
	[tilespmem:v14+s29+$0x0] =	vst.idx.msk $0xffff, v11  }
0x496: {  	v20 =	vor.u32 v57, v5;
	v10 =	vor.u32 v60, v1;
	v61 =	vld [tilespmem:$0x1FF50]  }
0x497: {  	v21 =	vld.idx.msk [tilespmem:v21+s20+$0x0], $0xffff  }
0x498: {  	v9 =	vld.idx.msk [tilespmem:v9+s20+$0x0], $0xffff;
	v15 =	vor.u32 v49, v26  }
0x499: {  	v16 =	vld.idx.msk [tilespmem:v16+s20+$0x0], $0xffff;
	v22 =	vor.u32 v37, v24  }
0x49a: {  	v8 =	vld.idx.msk [tilespmem:v8+s20+$0x0], $0xffff;
	[tilespmem:v18+s29+$0x0] =	vst.idx.msk $0xffff, v17;
	v18 =	vor.u32 v58, v4  }
0x49b: {  	v13 =	vor.u32 v28, v0;
	[tilespmem:v20+s29+$0x0] =	vst.idx.msk $0xffff, v19;
	v10 =	vld.idx.msk [tilespmem:v10+s20+$0x0], $0xffff;
	v14 =	vor.u32 v61, v7  }
0x49c: {  	v12 =	vor.u32 v44, v35;
	v28 =	vld [tilespmem:$0x1FF60];
	v20 =	vor.u32 v61, v2  }
0x49d: {  	[tilespmem:v15+s29+$0x0] =	vst.idx.msk $0xffff, v9  }
0x49e: {  	v11 =	vor.u32 v47, v27;
	[tilespmem:v22+s29+$0x0] =	vst.idx.msk $0xffff, v21  }
0x49f: {  	v17 =	vor.u32 v39, v29;
	[tilespmem:v18+s29+$0x0] =	vst.idx.msk $0xffff, v16  }
0x4a0: {  	v13 =	vld.idx.msk [tilespmem:v13+s20+$0x0], $0xffff;
	v21 =	vor.u32 v60, v3;
	[tilespmem:v14+s29+$0x0] =	vst.idx.msk $0xffff, v8  }
0x4a1: {  	v12 =	vld.idx.msk [tilespmem:v12+s20+$0x0], $0xffff;
	v22 =	vor.u32 v49, v31;
	v19 =	vor.u32 v28, v6;
	[tilespmem:v20+s29+$0x0] =	vst.idx.msk $0xffff, v10  }
0x4a2: {  	v9 =	vor.u32 v28, v1;
	v62 =	vld [tilespmem:$0x1FF70]  }
0x4a3: {  	v15 =	vor.u32 v58, v5;
	v11 =	vld.idx.msk [tilespmem:v11+s20+$0x0], $0xffff  }
0x4a4: {  	v17 =	vld.idx.msk [tilespmem:v17+s20+$0x0], $0xffff;
	v18 =	vor.u32 v36, v26  }
0x4a5: {  	v21 =	vld.idx.msk [tilespmem:v21+s20+$0x0], $0xffff;
	v14 =	vor.u32 v46, v24  }
0x4a6: {  	v19 =	vld.idx.msk [tilespmem:v19+s20+$0x0], $0xffff;
	[tilespmem:v22+s29+$0x0] =	vst.idx.msk $0xffff, v12;
	v22 =	vor.u32 v61, v4  }
0x4a7: {  	v8 =	vor.u32 v39, v35;
	v9 =	vld.idx.msk [tilespmem:v9+s20+$0x0], $0xffff;
	v10 =	vor.u32 v62, v7  }
0x4a8: {  	v63 =	vld [tilespmem:$0x1FF80];
	[tilespmem:v15+s29+$0x0] =	vst.idx.msk $0xffff, v13;
	v13 =	vor.u32 v62, v2  }
0x4a9: {  	[tilespmem:v18+s29+$0x0] =	vst.idx.msk $0xffff, v17  }
0x4aa: {  	v16 =	vor.u32 v60, v0;
	[tilespmem:v14+s29+$0x0] =	vst.idx.msk $0xffff, v11  }
0x4ab: {  	v20 =	vor.u32 v48, v29;
	[tilespmem:v22+s29+$0x0] =	vst.idx.msk $0xffff, v21  }
0x4ac: {  	v15 =	vor.u32 v28, v3;
	v8 =	vld.idx.msk [tilespmem:v8+s20+$0x0], $0xffff;
	[tilespmem:v10+s29+$0x0] =	vst.idx.msk $0xffff, v19  }
0x4ad: {  	v14 =	vor.u32 v36, v31;
	v12 =	vor.u32 v63, v6;
	v38 =	vld [tilespmem:$0x1FF90];
	[tilespmem:v13+s29+$0x0] =	vst.idx.msk $0xffff, v9  }
0x4ae: {  	v11 =	vor.u32 v63, v1;
	v40 =	vld [tilespmem:$0x1FFA0]  }
0x4af: {  	v17 =	vor.u32 v61, v5;
	v18 =	vor.u32 v48, v35;
	v16 =	vld.idx.msk [tilespmem:v16+s20+$0x0], $0xffff  }
0x4b0: {  	v10 =	vor.u32 v28, v0;
	v19 =	vld.idx.msk [tilespmem:v20+s20+$0x0], $0xffff;
	v20 =	vor.u32 v37, v26  }
0x4b1: {  	v22 =	vor.u32 v47, v29;
	v9 =	vld.idx.msk [tilespmem:v15+s20+$0x0], $0xffff;
	v15 =	vor.u32 v62, v4  }
0x4b2: {  	v12 =	vld.idx.msk [tilespmem:v12+s20+$0x0], $0xffff;
	[tilespmem:v14+s29+$0x0] =	vst.idx.msk $0xffff, v8;
	v14 =	vor.u32 v63, v3;
	v21 =	vor.u32 v38, v7  }
0x4b3: {  	v11 =	vld.idx.msk [tilespmem:v11+s20+$0x0], $0xffff;
	v8 =	vor.u32 v38, v2;
	v13 =	vor.u32 v40, v6  }
0x4b4: {  	[tilespmem:v17+s29+$0x0] =	vst.idx.msk $0xffff, v16;
	v16 =	vld.idx.msk [tilespmem:v18+s20+$0x0], $0xffff  }
0x4b5: {  	[tilespmem:v20+s29+$0x0] =	vst.idx.msk $0xffff, v19;
	v10 =	vld.idx.msk [tilespmem:v10+s20+$0x0], $0xffff  }
0x4b6: {  	v18 =	vor.u32 v37, v31;
	v20 =	vld.idx.msk [tilespmem:v22+s20+$0x0], $0xffff;
	[tilespmem:v15+s29+$0x0] =	vst.idx.msk $0xffff, v9;
	v17 =	vor.u32 v40, v1  }
0x4b7: {  	v19 =	vor.u32 v62, v5;
	v55 =	vld.idx.msk [tilespmem:v14+s20+$0x0], $0xffff;
	[tilespmem:v21+s29+$0x0] =	vst.idx.msk $0xffff, v12  }
0x4b8: {  	v21 =	vor.u32 v46, v26;
	[tilespmem:v8+s29+$0x0] =	vst.idx.msk $0xffff, v11;
	v22 =	vld.idx.msk [tilespmem:v13+s20+$0x0], $0xffff  }
0x4b9: {  	v23 =	vor.u32 v30, v7;
	v50 =	vld [tilespmem:$0x1FCC0]  }
0x4ba: {  	v58 =	vor.u32 v38, v4;
	v9 =	vmov v46;
	v12 =	vor.u32 v47, v35;
	v46 =	vld [tilespmem:$0x1FC80]  }
0x4bb: {  	v28 =	vor.u32 v30, v2;
	v15 =	vor.u32 v63, v0;
	v63 =	vld.idx.msk [tilespmem:v17+s20+$0x0], $0xffff;
	[tilespmem:v18+s29+$0x0] =	vst.idx.msk $0xffff, v16  }
0x4bc: {  	v47 =	vld [tilespmem:$0x1FC90];
	[tilespmem:v19+s29+$0x0] =	vst.idx.msk $0xffff, v10  }
0x4bd: {  	v8 =	vld [tilespmem:$0x1FFB0];
	[tilespmem:v21+s29+$0x0] =	vst.idx.msk $0xffff, v20  }
0x4be: {  	v11 =	vld [tilespmem:$0x1FFD0];
	[tilespmem:v23+s29+$0x0] =	vst.idx.msk $0xffff, v22  }
0x4bf: {  	v57 =	vor.u32 v33, v6;
	v10 =	vor.u32 v9, v31;
	v9 =	vld.idx.msk [tilespmem:v12+s20+$0x0], $0xffff;
	[tilespmem:v58+s29+$0x0] =	vst.idx.msk $0xffff, v55  }
0x4c0: {  	v29 =	vor.u32 v40, v3;
	v12 =	vld.idx.msk [tilespmem:v15+s20+$0x0], $0xffff;
	[tilespmem:v28+s29+$0x0] =	vst.idx.msk $0xffff, v63  }
0x4c1: {  	v15 =	vld [tilespmem:$0x1FFE0];
	_ =	sdelay $0x1  }
0x4c2: {  	v45 =	vmovc v43;
	v51 =	vmov v42;
	v44 =	vmov v59;
	v61 =	vmov v41  }
0x4c3: {  	v14 =	vor.u32 v33, v0;
	v13 =	vor.u32 v38, v5;
	v17 =	vor.u32 v33, v3;
	v18 =	vld.idx.msk [tilespmem:v57+s20+$0x0], $0xffff  }
0x4c4: {  	v16 =	vor.u32 v34, v4;
	v19 =	vor.u32 v34, v7;
	v20 =	vor.u32 v40, v0;
	v21 =	vld.idx.msk [tilespmem:v29+s20+$0x0], $0xffff  }
0x4c5: {  	s17 =	simm.s32 $0x8;
	v48 =	vmovc v56;
	v49 =	vld [tilespmem:$0x1FCB0];
	v8 =	vor.u32 v8, v6;
	v11 =	vor.u32 v11, v6;
	v15 =	vor.u32 v15, v7  }
.LBB2_5:
0x4c6: {  	v37 =	vld [tilespmem:$0x1FFB0]  }
0x4c7: {  	v41 =	vld [tilespmem:$0x1FDE0]  }
0x4c8: {  	v40 =	vlaneseq.u32;
	s3 =	sadd.s32 $0x3, s17;
	v24 =	vor.u32 v30, v4;
	v36 =	vld [tilespmem:$0x1FC70]  }
0x4c9: {  	s1 =	sadd.s32 $0x1, s17;
	v55 =	vor.u32 v33, v1;
	v39 =	vld [tilespmem:$0x1FFE0];
	v25 =	vadd.s32 s3, v40;
	[tilespmem:v13+s29+$0x0] =	vst.idx.msk $0xffff, v12  }
0x4ca: {  	v23 =	vor.u32 v30, v5;
	[tilespmem:v10+s29+$0x0] =	vst.idx.msk $0xffff, v9;
	v10 =	vadd.s32 s1, v40;
	v13 =	vshll.u32 v25, $0x9;
	v20 =	vld.idx.msk [tilespmem:v20+s20+$0x0], $0xffff  }
0x4cb: {  	v42 =	vld [tilespmem:$0x1FDF0];
	v12 =	vand.u32 $0x1F, v25;
	[tilespmem:v19+s29+$0x0] =	vst.idx.msk $0xffff, v18;
	v28 =	vshll.u32 v10, $0x9;
	v62 =	vand.u32 $0x3000, v13  }
0x4cc: {  	v13 =	vand.u32 $0x1F, v10;
	v29 =	vld.idx.msk [tilespmem:v8+s20+$0x0], $0xffff;
	v19 =	vand.u32 $0x3000, v28;
	v28 =	vor.u32 v32, v12  }
0x4cd: {  	s24 =	smov.u32 s17;
	v43 =	vld [tilespmem:$0x1FE00];
	[tilespmem:v24+s29+$0x0] =	vst.idx.msk $0xffff, v21;
	v21 =	vor.u32 v32, v13  }
0x4ce: {  	s24 =	sadd.s32 $0x2, s24;
	v59 =	vld.idx.msk [tilespmem:v55+s20+$0x0], $0xffff  }
0x4cf: {  	v22 =	vadd.s32 s17, v40;
	v26 =	vshll.u32 v10, $0x7;
	v10 =	vadd.s32 s24, v40;
	v17 =	vld.idx.msk [tilespmem:v17+s20+$0x0], $0xffff;
	[tilespmem:v23+s29+$0x0] =	vst.idx.msk $0xffff, v20  }
0x4d0: {  	v30 =	vshll.u32 v10, $0x9;
	v31 =	vshll.u32 v10, $0x7;
	v10 =	vand.u32 $0x1F, v10;
	v23 =	vld.idx.msk [tilespmem:v14+s20+$0x0], $0xffff  }
0x4d1: {  	v27 =	vshll.u32 v25, $0x7;
	v9 =	vand.u32 $0x1F, v22;
	v20 =	vor.u32 v32, v10;
	[tilespmem:v15+s29+$0x0] =	vst.idx.msk $0xffff, v29;
	v28 =	vld.idx.msk [tilespmem:v28+s20+$0x0], $0xffff  }
0x4d2: {  	v52 =	vor.u32 v34, v5;
	v27 =	vand.u32 $0x380, v27;
	v18 =	vor.u32 v32, v9;
	v21 =	vld.idx.msk [tilespmem:v21+s20+$0x0], $0xffff  }
0x4d3: {  	v38 =	vor.u32 v37, v0;
	v63 =	vand.u32 $0x3000, v30;
	v30 =	vand.u32 $0x380, v31;
	v58 =	vld.idx.msk [tilespmem:v11+s20+$0x0], $0xffff  }
0x4d4: {  	v26 =	vand.u32 $0x380, v26;
	v14 =	vor.u32 v27, v62;
	v11 =	vor.u32 v30, v63;
	v63 =	vld [tilespmem:$0x1FFF0]  }
0x4d5: {  	v15 =	vor.u32 v26, v19;
	v62 =	vld [tilespmem:$0x1FFC0];
	v56 =	vor.u32 v40, v14  }
0x4d6: {  	v57 =	vor.u32 v37, v3;
	v29 =	vor.u32 v40, v15;
	[tilespmem:v16+s29+$0x0] =	vst.idx.msk $0xffff, v17;
	v17 =	vld.idx.msk [tilespmem:v20+s20+$0x0], $0xffff  }
0x4d7: {  	v16 =	vor.u32 v41, v13;
	v24 =	vor.u32 v40, v11;
	[tilespmem:v52+s29+$0x0] =	vst.idx.msk $0xffff, v23;
	v52 =	vld [tilespmem:$0x1FFD0]  }
0x4d8: {  	v8 =	vshll.u32 v22, $0x9;
	v36 =	vor.u32 v36, v2;
	v60 =	vor.u32 v41, v10;
	v30 =	vld.idx.msk [tilespmem:v38+s20+$0x0], $0xffff  }
0x4d9: {  	v31 =	vand.u32 $0x3000, v8;
	v8 =	vor.u32 v37, v13;
	v20 =	vor.u32 v63, v7;
	v18 =	vld.idx.msk [tilespmem:v18+s20+$0x0], $0xffff  }
0x4da: {  	v23 =	vor.u32 v62, v6;
	[tilespmem:v56+s29+$0x0] =	vst.idx.msk $0xffff, v28;
	v56 =	vor.u32 v37, v1;
	v37 =	vld [tilespmem:$0x1FC40]  }
0x4db: {  	v22 =	vshll.u32 v22, $0x7;
	[tilespmem:v29+s29+$0x0] =	vst.idx.msk $0xffff, v21;
	v28 =	vor.u32 v39, v5;
	v26 =	vld.idx.msk [tilespmem:v57+s20+$0x0], $0xffff  }
0x4dc: {  	v19 =	vor.u32 v41, v12;
	v29 =	vor.u32 v39, v4;
	v57 =	vld.idx.msk [tilespmem:v16+s20+$0x0], $0xffff;
	[tilespmem:v24+s29+$0x0] =	vst.idx.msk $0xffff, v17  }
0x4dd: {  	v16 =	vand.u32 $0x380, v22;
	v22 =	vor.u32 v43, v13;
	v55 =	vor.u32 v52, v0;
	v24 =	vld.idx.msk [tilespmem:v60+s20+$0x0], $0xffff  }
0x4de: {  	[tilespmem:v20+s29+$0x0] =	vst.idx.msk $0xffff, v58;
	v58 =	vor.u32 v42, v15;
	v60 =	vor.u32 v41, v9;
	v41 =	vld [tilespmem:$0x1FE20]  }
0x4df: {  	v20 =	vor.u32 v52, v3;
	[tilespmem:v36+s29+$0x0] =	vst.idx.msk $0xffff, v59;
	v59 =	vor.u32 v42, v11;
	v17 =	vld.idx.msk [tilespmem:v23+s20+$0x0], $0xffff  }
0x4e0: {  	v16 =	vor.u32 v16, v31;
	v23 =	vor.u32 v46, v7;
	[tilespmem:v28+s29+$0x0] =	vst.idx.msk $0xffff, v30;
	v27 =	vld.idx.msk [tilespmem:v56+s20+$0x0], $0xffff  }
0x4e1: {  	v28 =	vor.u32 v40, v16;
	v30 =	vor.u32 v43, v10;
	v40 =	vld [tilespmem:$0x1FE10];
	[tilespmem:v29+s29+$0x0] =	vst.idx.msk $0xffff, v26  }
0x4e2: {  	v56 =	vor.u32 v39, v2;
	v19 =	vld.idx.msk [tilespmem:v19+s20+$0x0], $0xffff  }
0x4e3: {  	v35 =	vor.u32 v47, v6;
	v31 =	vld.idx.msk [tilespmem:v55+s20+$0x0], $0xffff;
	[tilespmem:v58+s29+$0x0] =	vst.idx.msk $0xffff, v57  }
0x4e4: {  	v20 =	vld.idx.msk [tilespmem:v20+s20+$0x0], $0xffff;
	[tilespmem:v59+s29+$0x0] =	vst.idx.msk $0xffff, v24  }
0x4e5: {  	v21 =	vor.u32 v42, v14;
	v38 =	vor.u32 v43, v12;
	v22 =	vld.idx.msk [tilespmem:v22+s20+$0x0], $0xffff;
	[tilespmem:v23+s29+$0x0] =	vst.idx.msk $0xffff, v17  }
0x4e6: {  	v33 =	vor.u32 v40, v14;
	v23 =	vor.u32 v40, v15;
	[tilespmem:v28+s29+$0x0] =	vst.idx.msk $0xffff, v18;
	v28 =	vld.idx.msk [tilespmem:v30+s20+$0x0], $0xffff  }
0x4e7: {  	v58 =	vor.u32 v40, v11;
	[tilespmem:v56+s29+$0x0] =	vst.idx.msk $0xffff, v27;
	v56 =	vor.u32 v40, v16;
	v40 =	vld [tilespmem:$0x1FE30]  }
0x4e8: {  	v29 =	vor.u32 v63, v5;
	v57 =	vld.idx.msk [tilespmem:v35+s20+$0x0], $0xffff  }
0x4e9: {  	v55 =	vor.u32 v62, v0;
	v26 =	vld.idx.msk [tilespmem:v60+s20+$0x0], $0xffff  }
0x4ea: {  	v17 =	vor.u32 v52, v1;
	v60 =	vor.u32 v43, v9;
	v43 =	vld [tilespmem:$0x1FC20];
	[tilespmem:v21+s29+$0x0] =	vst.idx.msk $0xffff, v19  }
0x4eb: {  	v18 =	vor.u32 v41, v13;
	v30 =	vor.u32 v48, v7;
	v21 =	vld.idx.msk [tilespmem:v38+s20+$0x0], $0xffff  }
0x4ec: {  	v38 =	vld [tilespmem:$0x1FC10]  }
0x4ed: {  	v35 =	vld [tilespmem:$0x1FD30];
	[tilespmem:v29+s29+$0x0] =	vst.idx.msk $0xffff, v31;
	v29 =	vor.u32 v49, v6  }
0x4ee: {  	v59 =	vor.u32 v41, v10;
	v31 =	vor.u32 v42, v16;
	v32 =	vld.idx.msk [tilespmem:v55+s20+$0x0], $0xffff  }
0x4ef: {  	v17 =	vld.idx.msk [tilespmem:v17+s20+$0x0], $0xffff;
	[tilespmem:v23+s29+$0x0] =	vst.idx.msk $0xffff, v22  }
0x4f0: {  	v23 =	vor.u32 v63, v2;
	v18 =	vld.idx.msk [tilespmem:v18+s20+$0x0], $0xffff;
	[tilespmem:v30+s29+$0x0] =	vst.idx.msk $0xffff, v57  }
0x4f1: {  	v36 =	vor.u32 v41, v12;
	v42 =	vor.u32 v38, v15;
	[tilespmem:v33+s29+$0x0] =	vst.idx.msk $0xffff, v21;
	v33 =	vld [tilespmem:$0x1FC60]  }
0x4f2: {  	v19 =	vor.u32 v46, v5;
	[tilespmem:v58+s29+$0x0] =	vst.idx.msk $0xffff, v28;
	v28 =	vld.idx.msk [tilespmem:v29+s20+$0x0], $0xffff  }
0x4f3: {  	v24 =	vor.u32 v47, v0;
	[tilespmem:v31+s29+$0x0] =	vst.idx.msk $0xffff, v26;
	v29 =	vld.idx.msk [tilespmem:v59+s20+$0x0], $0xffff  }
0x4f4: {  	v58 =	vor.u32 v63, v4;
	v27 =	vld.idx.msk [tilespmem:v60+s20+$0x0], $0xffff  }
0x4f5: {  	v55 =	vor.u32 v43, v13;
	[tilespmem:v23+s29+$0x0] =	vst.idx.msk $0xffff, v17;
	v17 =	vor.u32 v41, v9;
	v41 =	vld [tilespmem:$0x1FE80]  }
0x4f6: {  	v30 =	vor.u32 v50, v7;
	[tilespmem:v42+s29+$0x0] =	vst.idx.msk $0xffff, v18;
	v18 =	vld.idx.msk [tilespmem:v36+s20+$0x0], $0xffff  }
0x4f7: {  	v31 =	vor.u32 v38, v11;
	[tilespmem:v19+s29+$0x0] =	vst.idx.msk $0xffff, v32;
	v36 =	vld [tilespmem:$0x1FC30]  }
0x4f8: {  	v57 =	vor.u32 v43, v10;
	v21 =	vor.u32 v48, v5;
	v24 =	vld.idx.msk [tilespmem:v24+s20+$0x0], $0xffff  }
0x4f9: {  	v22 =	vor.u32 v38, v14;
	v23 =	vor.u32 v49, v0;
	[tilespmem:v58+s29+$0x0] =	vst.idx.msk $0xffff, v20;
	v42 =	vld [tilespmem:$0x1FE50]  }
0x4fa: {  	v38 =	vor.u32 v38, v16;
	v19 =	vor.u32 v44, v6;
	v26 =	vld.idx.msk [tilespmem:v55+s20+$0x0], $0xffff;
	[tilespmem:v56+s29+$0x0] =	vst.idx.msk $0xffff, v27  }
0x4fb: {  	v20 =	vor.u32 v43, v9;
	[tilespmem:v30+s29+$0x0] =	vst.idx.msk $0xffff, v28;
	v28 =	vor.u32 v62, v3;
	v17 =	vld.idx.msk [tilespmem:v17+s20+$0x0], $0xffff  }
0x4fc: {  	[tilespmem:v31+s29+$0x0] =	vst.idx.msk $0xffff, v29;
	v29 =	vor.u32 v43, v12;
	v43 =	vld [tilespmem:$0x1FE60];
	v30 =	vor.u32 v36, v15  }
0x4fd: {  	v31 =	vld.idx.msk [tilespmem:v57+s20+$0x0], $0xffff;
	[tilespmem:v21+s29+$0x0] =	vst.idx.msk $0xffff, v24;
	v63 =	vor.u32 v36, v11  }
0x4fe: {  	v23 =	vld.idx.msk [tilespmem:v23+s20+$0x0], $0xffff;
	[tilespmem:v22+s29+$0x0] =	vst.idx.msk $0xffff, v18;
	v18 =	vor.u32 v50, v5  }
0x4ff: {  	v59 =	vor.u32 v37, v13;
	v60 =	vor.u32 v51, v7;
	v19 =	vld.idx.msk [tilespmem:v19+s20+$0x0], $0xffff  }
0x500: {  	v55 =	vor.u32 v37, v10;
	v22 =	vld.idx.msk [tilespmem:v28+s20+$0x0], $0xffff;
	v28 =	vor.u32 v46, v4;
	[tilespmem:v38+s29+$0x0] =	vst.idx.msk $0xffff, v17  }
0x501: {  	v56 =	vor.u32 v44, v0;
	v57 =	vld [tilespmem:$0x1FE40];
	[tilespmem:v30+s29+$0x0] =	vst.idx.msk $0xffff, v26  }
0x502: {  	v21 =	vor.u32 v45, v6;
	v25 =	vld.idx.msk [tilespmem:v29+s20+$0x0], $0xffff;
	v29 =	vor.u32 v36, v14;
	[tilespmem:v63+s29+$0x0] =	vst.idx.msk $0xffff, v31  }
0x503: {  	v20 =	vld.idx.msk [tilespmem:v20+s20+$0x0], $0xffff;
	v31 =	vor.u32 v37, v12;
	[tilespmem:v18+s29+$0x0] =	vst.idx.msk $0xffff, v23;
	v23 =	vor.u32 v36, v16  }
0x504: {  	v30 =	vor.u32 v40, v15;
	v27 =	vld.idx.msk [tilespmem:v59+s20+$0x0], $0xffff;
	[tilespmem:v60+s29+$0x0] =	vst.idx.msk $0xffff, v19;
	v19 =	vor.u32 v47, v3  }
0x505: {  	v58 =	vld.idx.msk [tilespmem:v55+s20+$0x0], $0xffff;
	v60 =	vor.u32 v40, v11;
	[tilespmem:v28+s29+$0x0] =	vst.idx.msk $0xffff, v22;
	v22 =	vor.u32 v37, v9  }
0x506: {  	v36 =	vor.u32 v51, v5;
	v26 =	vld.idx.msk [tilespmem:v56+s20+$0x0], $0xffff  }
0x507: {  	v63 =	vor.u32 v57, v10;
	v21 =	vld.idx.msk [tilespmem:v21+s20+$0x0], $0xffff;
	[tilespmem:v29+s29+$0x0] =	vst.idx.msk $0xffff, v25  }
0x508: {  	v17 =	vor.u32 v57, v13;
	v59 =	vor.u32 v61, v7;
	v37 =	vld.idx.msk [tilespmem:v31+s20+$0x0], $0xffff;
	[tilespmem:v23+s29+$0x0] =	vst.idx.msk $0xffff, v20  }
0x509: {  	v28 =	vor.u32 v45, v0;
	v19 =	vld.idx.msk [tilespmem:v19+s20+$0x0], $0xffff;
	[tilespmem:v30+s29+$0x0] =	vst.idx.msk $0xffff, v27  }
0x50a: {  	v29 =	vor.u32 v48, v4;
	[tilespmem:v60+s29+$0x0] =	vst.idx.msk $0xffff, v58;
	v22 =	vld.idx.msk [tilespmem:v22+s20+$0x0], $0xffff  }
0x50b: {  	v18 =	vor.u32 v53, v6;
	v30 =	vor.u32 v40, v14;
	[tilespmem:v36+s29+$0x0] =	vst.idx.msk $0xffff, v26;
	v36 =	vld [tilespmem:$0x1FD50]  }
0x50c: {  	v56 =	vor.u32 v42, v11;
	v23 =	vld.idx.msk [tilespmem:v63+s20+$0x0], $0xffff  }
0x50d: {  	v17 =	vld.idx.msk [tilespmem:v17+s20+$0x0], $0xffff;
	[tilespmem:v59+s29+$0x0] =	vst.idx.msk $0xffff, v21;
	v21 =	vor.u32 v49, v3  }
0x50e: {  	v38 =	vor.u32 v57, v12;
	v31 =	vor.u32 v42, v15;
	v28 =	vld.idx.msk [tilespmem:v28+s20+$0x0], $0xffff  }
0x50f: {  	v20 =	vor.u32 v43, v13;
	v59 =	vor.u32 v40, v16;
	v40 =	vld [tilespmem:$0x1FE70];
	[tilespmem:v29+s29+$0x0] =	vst.idx.msk $0xffff, v19  }
0x510: {  	v55 =	vor.u32 v54, v7;
	v18 =	vld.idx.msk [tilespmem:v18+s20+$0x0], $0xffff;
	[tilespmem:v30+s29+$0x0] =	vst.idx.msk $0xffff, v37  }
0x511: {  	v63 =	vor.u32 v62, v1;
	[tilespmem:v56+s29+$0x0] =	vst.idx.msk $0xffff, v23;
	v56 =	vld [tilespmem:$0x1FD60]  }
0x512: {  	v21 =	vld.idx.msk [tilespmem:v21+s20+$0x0], $0xffff  }
0x513: {  	v58 =	vor.u32 v35, v6;
	[tilespmem:v31+s29+$0x0] =	vst.idx.msk $0xffff, v17;
	v17 =	vld.idx.msk [tilespmem:v38+s20+$0x0], $0xffff  }
0x514: {  	v60 =	vor.u32 v43, v10;
	v19 =	vor.u32 v61, v5;
	v20 =	vld.idx.msk [tilespmem:v20+s20+$0x0], $0xffff  }
0x515: {  	v29 =	vor.u32 v57, v9;
	[tilespmem:v55+s29+$0x0] =	vst.idx.msk $0xffff, v18;
	v55 =	vld [tilespmem:$0x1FD40]  }
0x516: {  	v57 =	vor.u32 v50, v4;
	v27 =	vld.idx.msk [tilespmem:v63+s20+$0x0], $0xffff  }
0x517: {  	v31 =	vor.u32 v40, v15;
	v23 =	vor.u32 v43, v12;
	v63 =	vor.u32 v43, v9;
	v43 =	vld [tilespmem:$0x1FEA0]  }
0x518: {  	v30 =	vor.u32 v42, v14;
	[tilespmem:v59+s29+$0x0] =	vst.idx.msk $0xffff, v22;
	v22 =	vor.u32 v41, v13;
	v25 =	vld.idx.msk [tilespmem:v58+s20+$0x0], $0xffff  }
0x519: {  	v58 =	vld.idx.msk [tilespmem:v60+s20+$0x0], $0xffff;
	v60 =	vor.u32 v40, v11;
	[tilespmem:v19+s29+$0x0] =	vst.idx.msk $0xffff, v28  }
0x51a: {  	v18 =	vor.u32 v44, v3;
	v28 =	vld.idx.msk [tilespmem:v29+s20+$0x0], $0xffff  }
0x51b: {  	[tilespmem:v57+s29+$0x0] =	vst.idx.msk $0xffff, v21;
	v21 =	vor.u32 v42, v16;
	v42 =	vld [tilespmem:$0x1FE90]  }
0x51c: {  	v29 =	vor.u32 v41, v10;
	[tilespmem:v31+s29+$0x0] =	vst.idx.msk $0xffff, v20;
	v57 =	vld [tilespmem:$0x1FD70]  }
0x51d: {  	v59 =	vor.u32 v55, v7;
	[tilespmem:v30+s29+$0x0] =	vst.idx.msk $0xffff, v17;
	v22 =	vld.idx.msk [tilespmem:v22+s20+$0x0], $0xffff  }
0x51e: {  	v62 =	vor.u32 v46, v2;
	v19 =	vor.u32 v36, v6;
	[tilespmem:v60+s29+$0x0] =	vst.idx.msk $0xffff, v58;
	v58 =	vld [tilespmem:$0x1FD80]  }
0x51f: {  	v17 =	vor.u32 v47, v1;
	v18 =	vld.idx.msk [tilespmem:v18+s20+$0x0], $0xffff  }
0x520: {  	v20 =	vld.idx.msk [tilespmem:v23+s20+$0x0], $0xffff;
	v23 =	vor.u32 v51, v4  }
0x521: {  	v30 =	vor.u32 v40, v14;
	v29 =	vld.idx.msk [tilespmem:v29+s20+$0x0], $0xffff  }
0x522: {  	v37 =	vor.u32 v45, v3;
	[tilespmem:v59+s29+$0x0] =	vst.idx.msk $0xffff, v25;
	v59 =	vld [tilespmem:$0x1FD90]  }
0x523: {  	[tilespmem:v62+s29+$0x0] =	vst.idx.msk $0xffff, v27;
	v19 =	vld.idx.msk [tilespmem:v19+s20+$0x0], $0xffff  }
0x524: {  	v38 =	vor.u32 v41, v12;
	v31 =	vor.u32 v42, v15;
	[tilespmem:v21+s29+$0x0] =	vst.idx.msk $0xffff, v28;
	v17 =	vld.idx.msk [tilespmem:v17+s20+$0x0], $0xffff  }
0x525: {  	v21 =	vor.u32 v42, v11;
	v24 =	vld.idx.msk [tilespmem:v63+s20+$0x0], $0xffff;
	[tilespmem:v23+s29+$0x0] =	vst.idx.msk $0xffff, v18  }
0x526: {  	v32 =	vor.u32 v43, v13;
	v18 =	vor.u32 v40, v16;
	v40 =	vld [tilespmem:$0x1FEB0];
	[tilespmem:v30+s29+$0x0] =	vst.idx.msk $0xffff, v20  }
0x527: {  	v60 =	vor.u32 v56, v7;
	v28 =	vor.u32 v43, v10;
	v23 =	vld.idx.msk [tilespmem:v37+s20+$0x0], $0xffff  }
0x528: {  	v62 =	vor.u32 v57, v6;
	v63 =	vor.u32 v48, v2;
	v37 =	vor.u32 v41, v9;
	v41 =	vld [tilespmem:$0x1FEC0]  }
0x529: {  	v26 =	vor.u32 v43, v9;
	v20 =	vor.u32 v49, v1;
	[tilespmem:v31+s29+$0x0] =	vst.idx.msk $0xffff, v22;
	v22 =	vld.idx.msk [tilespmem:v38+s20+$0x0], $0xffff  }
0x52a: {  	v38 =	vor.u32 v61, v4;
	[tilespmem:v21+s29+$0x0] =	vst.idx.msk $0xffff, v29;
	v21 =	vor.u32 v43, v12;
	v43 =	vld [tilespmem:$0x1FEE0]  }
0x52b: {  	v31 =	vor.u32 v42, v14;
	v30 =	vld.idx.msk [tilespmem:v32+s20+$0x0], $0xffff  }
0x52c: {  	[tilespmem:v60+s29+$0x0] =	vst.idx.msk $0xffff, v19;
	v19 =	vor.u32 v53, v3;
	v28 =	vld.idx.msk [tilespmem:v28+s20+$0x0], $0xffff  }
0x52d: {  	[tilespmem:v63+s29+$0x0] =	vst.idx.msk $0xffff, v17;
	v27 =	vld.idx.msk [tilespmem:v62+s20+$0x0], $0xffff  }
0x52e: {  	v60 =	vor.u32 v40, v15;
	[tilespmem:v18+s29+$0x0] =	vst.idx.msk $0xffff, v24;
	v20 =	vld.idx.msk [tilespmem:v20+s20+$0x0], $0xffff  }
0x52f: {  	v17 =	vor.u32 v40, v11;
	v29 =	vor.u32 v41, v13;
	v24 =	vld.idx.msk [tilespmem:v37+s20+$0x0], $0xffff;
	[tilespmem:v38+s29+$0x0] =	vst.idx.msk $0xffff, v23  }
0x530: {  	v63 =	vor.u32 v41, v10;
	v23 =	vor.u32 v42, v16;
	v42 =	vld [tilespmem:$0x1FED0];
	[tilespmem:v31+s29+$0x0] =	vst.idx.msk $0xffff, v22  }
0x531: {  	v62 =	vor.u32 v58, v7;
	v19 =	vld.idx.msk [tilespmem:v19+s20+$0x0], $0xffff  }
0x532: {  	v34 =	vor.u32 v50, v2;
	v18 =	vor.u32 v59, v6;
	v21 =	vld.idx.msk [tilespmem:v21+s20+$0x0], $0xffff  }
0x533: {  	v22 =	vor.u32 v44, v1;
	[tilespmem:v60+s29+$0x0] =	vst.idx.msk $0xffff, v30;
	v60 =	vld [tilespmem:$0x1FDA0]  }
0x534: {  	[tilespmem:v17+s29+$0x0] =	vst.idx.msk $0xffff, v28;
	v29 =	vld.idx.msk [tilespmem:v29+s20+$0x0], $0xffff  }
0x535: {  	v30 =	vor.u32 v54, v4;
	v25 =	vld.idx.msk [tilespmem:v63+s20+$0x0], $0xffff  }
0x536: {  	v31 =	vor.u32 v40, v14;
	[tilespmem:v62+s29+$0x0] =	vst.idx.msk $0xffff, v27;
	v63 =	vld [tilespmem:$0x1FDB0]  }
0x537: {  	v27 =	vor.u32 v35, v3;
	[tilespmem:v34+s29+$0x0] =	vst.idx.msk $0xffff, v20;
	v18 =	vld.idx.msk [tilespmem:v18+s20+$0x0], $0xffff  }
0x538: {  	v17 =	vor.u32 v41, v12;
	v37 =	vor.u32 v42, v15;
	[tilespmem:v23+s29+$0x0] =	vst.idx.msk $0xffff, v24;
	v22 =	vld.idx.msk [tilespmem:v22+s20+$0x0], $0xffff  }
0x539: {  	v28 =	vor.u32 v43, v13;
	v62 =	vor.u32 v43, v10;
	v20 =	vor.u32 v42, v11;
	v23 =	vld.idx.msk [tilespmem:v26+s20+$0x0], $0xffff  }
0x53a: {  	v26 =	vor.u32 v51, v2;
	[tilespmem:v30+s29+$0x0] =	vst.idx.msk $0xffff, v19;
	v19 =	vor.u32 v40, v16;
	v40 =	vld [tilespmem:$0x1FEF0]  }
0x53b: {  	v38 =	vor.u32 v60, v7;
	v30 =	vor.u32 v41, v9;
	v41 =	vld [tilespmem:$0x1FF00];
	[tilespmem:v31+s29+$0x0] =	vst.idx.msk $0xffff, v21  }
0x53c: {  	v21 =	vor.u32 v45, v1;
	v27 =	vld.idx.msk [tilespmem:v27+s20+$0x0], $0xffff  }
0x53d: {  	v17 =	vld.idx.msk [tilespmem:v17+s20+$0x0], $0xffff;
	[tilespmem:v37+s29+$0x0] =	vst.idx.msk $0xffff, v29  }
0x53e: {  	v6 =	vor.u32 v63, v6;
	v29 =	vor.u32 v55, v4;
	[tilespmem:v20+s29+$0x0] =	vst.idx.msk $0xffff, v25;
	v28 =	vld.idx.msk [tilespmem:v28+s20+$0x0], $0xffff  }
0x53f: {  	v31 =	vor.u32 v42, v14;
	v20 =	vor.u32 v53, v0;
	v24 =	vld.idx.msk [tilespmem:v62+s20+$0x0], $0xffff;
	[tilespmem:v26+s29+$0x0] =	vst.idx.msk $0xffff, v22  }
0x540: {  	v62 =	vld [tilespmem:$0x1FDC0];
	[tilespmem:v38+s29+$0x0] =	vst.idx.msk $0xffff, v18;
	v18 =	vor.u32 v36, v3  }
0x541: {  	v37 =	vor.u32 v40, v15;
	[tilespmem:v19+s29+$0x0] =	vst.idx.msk $0xffff, v23;
	v21 =	vld.idx.msk [tilespmem:v21+s20+$0x0], $0xffff  }
0x542: {  	v38 =	vor.u32 v41, v13;
	v23 =	vld.idx.msk [tilespmem:v30+s20+$0x0], $0xffff  }
0x543: {  	v19 =	vor.u32 v40, v11;
	v6 =	vld.idx.msk [tilespmem:v6+s20+$0x0], $0xffff;
	[tilespmem:v29+s29+$0x0] =	vst.idx.msk $0xffff, v27  }
0x544: {  	v26 =	vor.u32 v41, v10;
	v30 =	vor.u32 v61, v2;
	v20 =	vld.idx.msk [tilespmem:v20+s20+$0x0], $0xffff;
	[tilespmem:v31+s29+$0x0] =	vst.idx.msk $0xffff, v17  }
0x545: {  	v22 =	vor.u32 v43, v12;
	v7 =	vor.u32 v62, v7;
	v18 =	vld.idx.msk [tilespmem:v18+s20+$0x0], $0xffff  }
0x546: {  	v27 =	vor.u32 v42, v16;
	v17 =	vor.u32 v53, v1;
	[tilespmem:v37+s29+$0x0] =	vst.idx.msk $0xffff, v28;
	v37 =	vld [tilespmem:$0x1FF10]  }
0x547: {  	v29 =	vor.u32 v43, v9;
	v25 =	vld.idx.msk [tilespmem:v38+s20+$0x0], $0xffff  }
0x548: {  	v31 =	vor.u32 v54, v5;
	[tilespmem:v19+s29+$0x0] =	vst.idx.msk $0xffff, v24;
	v38 =	vld [tilespmem:$0x1FF20]  }
0x549: {  	v28 =	vor.u32 v56, v4;
	v26 =	vld.idx.msk [tilespmem:v26+s20+$0x0], $0xffff;
	[tilespmem:v30+s29+$0x0] =	vst.idx.msk $0xffff, v21  }
0x54a: {  	v43 =	vor.u32 v40, v14;
	v19 =	vld.idx.msk [tilespmem:v22+s20+$0x0], $0xffff;
	[tilespmem:v7+s29+$0x0] =	vst.idx.msk $0xffff, v6;
	v6 =	vor.u32 v57, v3  }
0x54b: {  	v22 =	vor.u32 v35, v0;
	[tilespmem:v27+s29+$0x0] =	vst.idx.msk $0xffff, v23;
	v17 =	vld.idx.msk [tilespmem:v17+s20+$0x0], $0xffff;
	v7 =	vor.u32 v37, v15  }
0x54c: {  	v23 =	vor.u32 v41, v12;
	v27 =	vld.idx.msk [tilespmem:v29+s20+$0x0], $0xffff;
	v21 =	vor.u32 v37, v11  }
0x54d: {  	[tilespmem:v31+s29+$0x0] =	vst.idx.msk $0xffff, v20;
	v20 =	vor.u32 v35, v1;
	v35 =	vld [tilespmem:$0x1FF30];
	v42 =	vor.u32 v38, v13  }
0x54e: {  	[tilespmem:v28+s29+$0x0] =	vst.idx.msk $0xffff, v18;
	v18 =	vor.u32 v40, v16;
	v40 =	vld [tilespmem:$0x1FF40];
	v29 =	vor.u32 v38, v10  }
0x54f: {  	v30 =	vor.u32 v54, v2;
	v28 =	vor.u32 v41, v9;
	v6 =	vld.idx.msk [tilespmem:v6+s20+$0x0], $0xffff;
	[tilespmem:v43+s29+$0x0] =	vst.idx.msk $0xffff, v19  }
0x550: {  	[tilespmem:v7+s29+$0x0] =	vst.idx.msk $0xffff, v25;
	v7 =	vld.idx.msk [tilespmem:v22+s20+$0x0], $0xffff;
	v22 =	vor.u32 v58, v4  }
0x551: {  	v19 =	vor.u32 v55, v5;
	[tilespmem:v21+s29+$0x0] =	vst.idx.msk $0xffff, v26;
	v21 =	vld.idx.msk [tilespmem:v23+s20+$0x0], $0xffff  }
0x552: {  	v25 =	vor.u32 v59, v3;
	v24 =	vld.idx.msk [tilespmem:v42+s20+$0x0], $0xffff  }
0x553: {  	v31 =	vor.u32 v35, v15;
	v23 =	vor.u32 v36, v0;
	[tilespmem:v18+s29+$0x0] =	vst.idx.msk $0xffff, v27;
	v29 =	vld.idx.msk [tilespmem:v29+s20+$0x0], $0xffff  }
0x554: {  	v43 =	vor.u32 v37, v14;
	[tilespmem:v30+s29+$0x0] =	vst.idx.msk $0xffff, v17;
	v27 =	vld.idx.msk [tilespmem:v28+s20+$0x0], $0xffff  }
0x555: {  	v18 =	vor.u32 v38, v12;
	v42 =	vor.u32 v40, v13;
	v20 =	vld.idx.msk [tilespmem:v20+s20+$0x0], $0xffff;
	[tilespmem:v22+s29+$0x0] =	vst.idx.msk $0xffff, v6  }
0x556: {  	v17 =	vor.u32 v35, v11;
	[tilespmem:v19+s29+$0x0] =	vst.idx.msk $0xffff, v7;
	v7 =	vor.u32 v36, v1;
	v36 =	vld [tilespmem:$0x1FF50]  }
0x557: {  	v28 =	vor.u32 v40, v10;
	v30 =	vor.u32 v55, v2;
	v19 =	vld.idx.msk [tilespmem:v25+s20+$0x0], $0xffff  }
0x558: {  	v6 =	vor.u32 v37, v16;
	[tilespmem:v31+s29+$0x0] =	vst.idx.msk $0xffff, v24;
	v23 =	vld.idx.msk [tilespmem:v23+s20+$0x0], $0xffff  }
0x559: {  	v22 =	vor.u32 v38, v9;
	v24 =	vor.u32 v60, v4;
	[tilespmem:v43+s29+$0x0] =	vst.idx.msk $0xffff, v21;
	v43 =	vld [tilespmem:$0x1FF60]  }
0x55a: {  	v3 =	vor.u32 v63, v3;
	v21 =	vor.u32 v56, v5;
	v41 =	vld.idx.msk [tilespmem:v42+s20+$0x0], $0xffff  }
0x55b: {  	[tilespmem:v17+s29+$0x0] =	vst.idx.msk $0xffff, v29;
	v31 =	vor.u32 v35, v14;
	v17 =	vld.idx.msk [tilespmem:v18+s20+$0x0], $0xffff  }
0x55c: {  	v28 =	vld.idx.msk [tilespmem:v28+s20+$0x0], $0xffff;
	[tilespmem:v30+s29+$0x0] =	vst.idx.msk $0xffff, v20  }
0x55d: {  	v18 =	vor.u32 v57, v0;
	v42 =	vor.u32 v36, v15;
	[tilespmem:v6+s29+$0x0] =	vst.idx.msk $0xffff, v27;
	v7 =	vld.idx.msk [tilespmem:v7+s20+$0x0], $0xffff  }
0x55e: {  	v55 =	vor.u32 v40, v12;
	v20 =	vor.u32 v36, v11;
	v22 =	vld.idx.msk [tilespmem:v22+s20+$0x0], $0xffff;
	[tilespmem:v24+s29+$0x0] =	vst.idx.msk $0xffff, v19  }
0x55f: {  	v29 =	vor.u32 v43, v13;
	[tilespmem:v21+s29+$0x0] =	vst.idx.msk $0xffff, v23;
	v23 =	vld.idx.msk [tilespmem:v3+s20+$0x0], $0xffff  }
0x560: {  	v56 =	vor.u32 v56, v2;
	v30 =	vor.u32 v43, v10;
	[tilespmem:v31+s29+$0x0] =	vst.idx.msk $0xffff, v17;
	v31 =	vld [tilespmem:$0x1FF70]  }
0x561: {  	v38 =	vor.u32 v40, v9;
	v40 =	vld [tilespmem:$0x1FF80];
	v19 =	vor.u32 v35, v16;
	v21 =	vor.u32 v57, v1  }
0x562: {  	v4 =	vor.u32 v62, v4;
	v18 =	vld.idx.msk [tilespmem:v18+s20+$0x0], $0xffff;
	[tilespmem:v42+s29+$0x0] =	vst.idx.msk $0xffff, v41  }
0x563: {  	v6 =	vmov v13;
	v13 =	vld.idx.msk [tilespmem:v55+s20+$0x0], $0xffff;
	[tilespmem:v20+s29+$0x0] =	vst.idx.msk $0xffff, v28;
	v28 =	vor.u32 v36, v14  }
0x564: {  	v17 =	vor.u32 v58, v5;
	v3 =	vmov v12;
	v25 =	vld.idx.msk [tilespmem:v29+s20+$0x0], $0xffff  }
0x565: {  	v20 =	vor.u32 v59, v0;
	v42 =	vld.idx.msk [tilespmem:v30+s20+$0x0], $0xffff;
	[tilespmem:v56+s29+$0x0] =	vst.idx.msk $0xffff, v7;
	v12 =	vor.u32 v31, v15  }
0x566: {  	[tilespmem:v19+s29+$0x0] =	vst.idx.msk $0xffff, v22;
	v22 =	vor.u32 v43, v3;
	v19 =	vor.u32 v31, v11;
	v21 =	vld.idx.msk [tilespmem:v21+s20+$0x0], $0xffff  }
0x567: {  	v41 =	vor.u32 v40, v6;
	v24 =	vld.idx.msk [tilespmem:v38+s20+$0x0], $0xffff;
	[tilespmem:v4+s29+$0x0] =	vst.idx.msk $0xffff, v23  }
0x568: {  	v29 =	vor.u32 v40, v10;
	v23 =	vor.u32 v36, v16;
	[tilespmem:v28+s29+$0x0] =	vst.idx.msk $0xffff, v13;
	v28 =	vld [tilespmem:$0x1FF90]  }
0x569: {  	v30 =	vor.u32 v58, v2;
	[tilespmem:v17+s29+$0x0] =	vst.idx.msk $0xffff, v18;
	v4 =	vmov v14;
	v14 =	vor.u32 v43, v9;
	v43 =	vld [tilespmem:$0x1FFA0]  }
0x56a: {  	[tilespmem:v12+s29+$0x0] =	vst.idx.msk $0xffff, v25;
	v12 =	vld.idx.msk [tilespmem:v20+s20+$0x0], $0xffff  }
0x56b: {  	v17 =	vor.u32 v59, v1;
	v13 =	vor.u32 v60, v5;
	[tilespmem:v19+s29+$0x0] =	vst.idx.msk $0xffff, v42;
	v19 =	vld.idx.msk [tilespmem:v22+s20+$0x0], $0xffff  }
0x56c: {  	v7 =	vmov v15;
	v56 =	vor.u32 v31, v4;
	v15 =	vld.idx.msk [tilespmem:v41+s20+$0x0], $0xffff  }
0x56d: {  	v20 =	vor.u32 v63, v0;
	[tilespmem:v23+s29+$0x0] =	vst.idx.msk $0xffff, v24;
	v55 =	vld.idx.msk [tilespmem:v29+s20+$0x0], $0xffff;
	v18 =	vor.u32 v28, v7  }
0x56e: {  	v23 =	vor.u32 v40, v3;
	[tilespmem:v30+s29+$0x0] =	vst.idx.msk $0xffff, v21;
	v30 =	vld [tilespmem:$0x1FC50];
	v21 =	vor.u32 v28, v11  }
0x56f: {  	v58 =	vor.u32 v60, v2;
	v22 =	vor.u32 v43, v6;
	v14 =	vld.idx.msk [tilespmem:v14+s20+$0x0], $0xffff  }
0x570: {  	v57 =	vor.u32 v43, v10;
	v0 =	vmov v9;
	v17 =	vld.idx.msk [tilespmem:v17+s20+$0x0], $0xffff;
	[tilespmem:v13+s29+$0x0] =	vst.idx.msk $0xffff, v12  }
0x571: {  	v34 =	vld [tilespmem:$0x1FC70];
	v9 =	vor.u32 v31, v16;
	v12 =	vor.u32 v63, v1;
	v1 =	vmov v10;
	[tilespmem:v56+s29+$0x0] =	vst.idx.msk $0xffff, v19  }
0x572: {  	v10 =	vor.u32 v40, v0;
	v19 =	vor.u32 v62, v5;
	[tilespmem:v18+s29+$0x0] =	vst.idx.msk $0xffff, v15;
	v15 =	vld.idx.msk [tilespmem:v20+s20+$0x0], $0xffff  }
0x573: {  	v59 =	vor.u32 v28, v4;
	[tilespmem:v21+s29+$0x0] =	vst.idx.msk $0xffff, v55;
	v21 =	vld.idx.msk [tilespmem:v23+s20+$0x0], $0xffff  }
0x574: {  	v5 =	vmov v16;
	v63 =	vor.u32 v43, v3;
	v16 =	vor.u32 v30, v7;
	v18 =	vld.idx.msk [tilespmem:v22+s20+$0x0], $0xffff  }
0x575: {  	p1 =	slt.u32 s17, $0x1C;
	v60 =	vor.u32 v30, v11;
	v22 =	vor.u32 v33, v6;
	v23 =	vld.idx.msk [tilespmem:v57+s20+$0x0], $0xffff;
	[tilespmem:v58+s29+$0x0] =	vst.idx.msk $0xffff, v17  }
.Ltmp3:
0x576: {  	v13 =	vor.u32 v28, v5;
	[tilespmem:v9+s29+$0x0] =	vst.idx.msk $0xffff, v14;
	v9 =	vld.idx.msk [tilespmem:v12+s20+$0x0], $0xffff;
	(pc) =	sbr.rel @p1 .LBB2_5-.Ltmp3, $4  }
0x577: {  	v20 =	vor.u32 v43, v0;
	v14 =	vor.u32 v33, v0;
	v12 =	vld.idx.msk [tilespmem:v10+s20+$0x0], $0xffff;
	[tilespmem:v19+s29+$0x0] =	vst.idx.msk $0xffff, v15  }
0x578: {  	v32 =	vld [tilespmem:$0x1FDD0];
	v17 =	vor.u32 v33, v3;
	v10 =	vor.u32 v62, v2;
	v2 =	vmov v11;
	[tilespmem:v59+s29+$0x0] =	vst.idx.msk $0xffff, v21  }
0x579: {  	s2 =	sadd.s32 $0x4, s17;
	v11 =	vor.u32 v52, v6;
	v19 =	vor.u32 v34, v7;
	[tilespmem:v16+s29+$0x0] =	vst.idx.msk $0xffff, v18;
	v21 =	vld.idx.msk [tilespmem:v63+s20+$0x0], $0xffff  }
0x57a: {  	s17 =	smov.u32 s2;
	v15 =	vor.u32 v39, v7;
	v16 =	vor.u32 v34, v4;
	[tilespmem:v60+s29+$0x0] =	vst.idx.msk $0xffff, v23;
	v18 =	vld.idx.msk [tilespmem:v22+s20+$0x0], $0xffff  }
0x57b: {  	_ =	sdelay $0x3  }
0x57c: {  	v22 =	vor.u32 v30, v4;
	[tilespmem:v13+s29+$0x0] =	vst.idx.msk $0xffff, v12  }
0x57d: {  	v56 =	vor.u32 v30, v5;
	v13 =	vld.idx.msk [tilespmem:v20+s20+$0x0], $0xffff;
	_ =	sdelay $0x3  }
0x57e: {  	[tilespmem:v22+s29+$0x0] =	vst.idx.msk $0xffff, v21  }
0x57f: {  	v17 =	vld.idx.msk [tilespmem:v17+s20+$0x0], $0xffff;
	[tilespmem:v56+s29+$0x0] =	vst.idx.msk $0xffff, v13  }
0x580: {  	v58 =	vor.u32 v34, v5;
	v12 =	vld.idx.msk [tilespmem:v14+s20+$0x0], $0xffff  }
0x581: {  	v24 =	vld [tilespmem:$0x1FFB0];
	_ =	sdelay $0x1  }
0x582: {  	v57 =	vor.u32 v33, v1;
	[tilespmem:v19+s29+$0x0] =	vst.idx.msk $0xffff, v18  }
0x583: {  	[tilespmem:v16+s29+$0x0] =	vst.idx.msk $0xffff, v17  }
0x584: {  	[tilespmem:v58+s29+$0x0] =	vst.idx.msk $0xffff, v12  }
0x585: {  	v59 =	vor.u32 v24, v3;
	v58 =	vld [tilespmem:$0x1FFE0];
	_ =	sdelay $0x1  }
0x586: {  	v62 =	vor.u32 v34, v2;
	v20 =	vld.idx.msk [tilespmem:v57+s20+$0x0], $0xffff  }
0x587: {  	v8 =	vld.idx.msk [tilespmem:v8+s20+$0x0], $0xffff;
	_ =	sdelay $0x1  }
0x588: {  	v23 =	vor.u32 v24, v1;
	v63 =	vld.idx.msk [tilespmem:v59+s20+$0x0], $0xffff;
	v28 =	vor.u32 v58, v4  }
0x589: {  	v34 =	vld [tilespmem:$0x1FFD0]  }
0x58a: {  	[tilespmem:v62+s29+$0x0] =	vst.idx.msk $0xffff, v20  }
0x58b: {  	v60 =	vor.u32 v24, v0;
	[tilespmem:v15+s29+$0x0] =	vst.idx.msk $0xffff, v8  }
0x58c: {  	v56 =	vld [tilespmem:$0x1FFF0]  }
0x58d: {  	v35 =	vld.idx.msk [tilespmem:v23+s20+$0x0], $0xffff;
	[tilespmem:v28+s29+$0x0] =	vst.idx.msk $0xffff, v63  }
0x58e: {  	v31 =	vor.u32 v34, v3;
	v23 =	vld [tilespmem:$0x1FFC0];
	_ =	sdelay $0x1  }
0x58f: {  	v29 =	vld.idx.msk [tilespmem:v60+s20+$0x0], $0xffff;
	v30 =	vor.u32 v58, v5  }
0x590: {  	v33 =	vor.u32 v34, v0;
	v36 =	vor.u32 v58, v2  }
0x591: {  	v8 =	vld.idx.msk [tilespmem:v11+s20+$0x0], $0xffff;
	v37 =	vor.u32 v34, v1;
	v38 =	vor.u32 v56, v7  }
0x592: {  	v40 =	vor.u32 v56, v4;
	v13 =	vld.idx.msk [tilespmem:v31+s20+$0x0], $0xffff;
	v39 =	vor.u32 v23, v6  }
0x593: {  	v43 =	vor.u32 v23, v3  }
0x594: {  	[tilespmem:v30+s29+$0x0] =	vst.idx.msk $0xffff, v29  }
0x595: {  	v42 =	vor.u32 v56, v5;
	[tilespmem:v36+s29+$0x0] =	vst.idx.msk $0xffff, v35;
	v41 =	vld.idx.msk [tilespmem:v33+s20+$0x0], $0xffff  }
0x596: {  	v55 =	vor.u32 v56, v2;
	[tilespmem:v38+s29+$0x0] =	vst.idx.msk $0xffff, v8;
	v19 =	vld.idx.msk [tilespmem:v37+s20+$0x0], $0xffff;
	v52 =	vor.u32 v23, v0  }
0x597: {  	v59 =	vor.u32 v46, v7;
	v57 =	vor.u32 v23, v1;
	[tilespmem:v40+s29+$0x0] =	vst.idx.msk $0xffff, v13;
	v8 =	vld.idx.msk [tilespmem:v39+s20+$0x0], $0xffff  }
0x598: {  	v62 =	vor.u32 v46, v4;
	v60 =	vor.u32 v47, v6;
	v13 =	vld.idx.msk [tilespmem:v43+s20+$0x0], $0xffff  }
0x599: {  	v28 =	vor.u32 v47, v3  }
0x59a: {  	[tilespmem:v42+s29+$0x0] =	vst.idx.msk $0xffff, v41  }
0x59b: {  	v63 =	vor.u32 v46, v5;
	[tilespmem:v55+s29+$0x0] =	vst.idx.msk $0xffff, v19;
	v15 =	vld.idx.msk [tilespmem:v52+s20+$0x0], $0xffff  }
0x59c: {  	v29 =	vor.u32 v47, v0;
	v30 =	vor.u32 v46, v2;
	v19 =	vld.idx.msk [tilespmem:v57+s20+$0x0], $0xffff;
	[tilespmem:v59+s29+$0x0] =	vst.idx.msk $0xffff, v8  }
0x59d: {  	v31 =	vor.u32 v47, v1;
	v33 =	vor.u32 v48, v7;
	[tilespmem:v62+s29+$0x0] =	vst.idx.msk $0xffff, v13;
	v8 =	vld.idx.msk [tilespmem:v60+s20+$0x0], $0xffff  }
0x59e: {  	v35 =	vor.u32 v49, v6;
	v36 =	vor.u32 v48, v4;
	v13 =	vld.idx.msk [tilespmem:v28+s20+$0x0], $0xffff  }
0x59f: {  	v38 =	vor.u32 v49, v3  }
0x5a0: {  	[tilespmem:v63+s29+$0x0] =	vst.idx.msk $0xffff, v15  }
0x5a1: {  	v37 =	vor.u32 v48, v5;
	[tilespmem:v30+s29+$0x0] =	vst.idx.msk $0xffff, v19;
	v15 =	vld.idx.msk [tilespmem:v29+s20+$0x0], $0xffff  }
0x5a2: {  	v40 =	vor.u32 v48, v2;
	v39 =	vor.u32 v49, v0;
	v19 =	vld.idx.msk [tilespmem:v31+s20+$0x0], $0xffff;
	[tilespmem:v33+s29+$0x0] =	vst.idx.msk $0xffff, v8  }
0x5a3: {  	v41 =	vor.u32 v49, v1;
	v42 =	vor.u32 v50, v7;
	[tilespmem:v36+s29+$0x0] =	vst.idx.msk $0xffff, v13;
	v8 =	vld.idx.msk [tilespmem:v35+s20+$0x0], $0xffff  }
0x5a4: {  	v46 =	vor.u32 v50, v4;
	v43 =	vor.u32 v44, v6;
	v13 =	vld.idx.msk [tilespmem:v38+s20+$0x0], $0xffff  }
0x5a5: {  	v48 =	vor.u32 v44, v3  }
0x5a6: {  	[tilespmem:v37+s29+$0x0] =	vst.idx.msk $0xffff, v15  }
0x5a7: {  	v47 =	vor.u32 v50, v5;
	[tilespmem:v40+s29+$0x0] =	vst.idx.msk $0xffff, v19;
	v15 =	vld.idx.msk [tilespmem:v39+s20+$0x0], $0xffff  }
0x5a8: {  	v50 =	vor.u32 v50, v2;
	v49 =	vor.u32 v44, v0;
	v19 =	vld.idx.msk [tilespmem:v41+s20+$0x0], $0xffff;
	[tilespmem:v42+s29+$0x0] =	vst.idx.msk $0xffff, v8  }
0x5a9: {  	v55 =	vor.u32 v51, v7;
	v52 =	vor.u32 v44, v1;
	[tilespmem:v46+s29+$0x0] =	vst.idx.msk $0xffff, v13;
	v8 =	vld.idx.msk [tilespmem:v43+s20+$0x0], $0xffff  }
0x5aa: {  	v57 =	vor.u32 v45, v6;
	v59 =	vor.u32 v51, v4;
	v13 =	vld.idx.msk [tilespmem:v48+s20+$0x0], $0xffff  }
0x5ab: {  	v62 =	vor.u32 v45, v3  }
0x5ac: {  	[tilespmem:v47+s29+$0x0] =	vst.idx.msk $0xffff, v15  }
0x5ad: {  	v60 =	vor.u32 v51, v5;
	[tilespmem:v50+s29+$0x0] =	vst.idx.msk $0xffff, v19;
	v15 =	vld.idx.msk [tilespmem:v49+s20+$0x0], $0xffff  }
0x5ae: {  	v63 =	vor.u32 v45, v0;
	v28 =	vor.u32 v51, v2;
	v19 =	vld.idx.msk [tilespmem:v52+s20+$0x0], $0xffff;
	[tilespmem:v55+s29+$0x0] =	vst.idx.msk $0xffff, v8  }
0x5af: {  	v30 =	vor.u32 v61, v7;
	v29 =	vor.u32 v45, v1;
	[tilespmem:v59+s29+$0x0] =	vst.idx.msk $0xffff, v13;
	v8 =	vld.idx.msk [tilespmem:v57+s20+$0x0], $0xffff  }
0x5b0: {  	v31 =	vor.u32 v53, v6;
	v33 =	vor.u32 v61, v4;
	v13 =	vld.idx.msk [tilespmem:v62+s20+$0x0], $0xffff;
	_ =	sdelay $0x1  }
0x5b1: {  	[tilespmem:v60+s29+$0x0] =	vst.idx.msk $0xffff, v15  }
0x5b2: {  	v35 =	vor.u32 v61, v5;
	[tilespmem:v28+s29+$0x0] =	vst.idx.msk $0xffff, v19;
	v15 =	vld.idx.msk [tilespmem:v63+s20+$0x0], $0xffff  }
0x5b3: {  	v38 =	vor.u32 v61, v2;
	v19 =	vld.idx.msk [tilespmem:v29+s20+$0x0], $0xffff;
	[tilespmem:v30+s29+$0x0] =	vst.idx.msk $0xffff, v8  }
0x5b4: {  	v36 =	vor.u32 v53, v3;
	v40 =	vor.u32 v54, v7;
	[tilespmem:v33+s29+$0x0] =	vst.idx.msk $0xffff, v13;
	v8 =	vld.idx.msk [tilespmem:v31+s20+$0x0], $0xffff  }
0x5b5: {  	v27 =	vld [tilespmem:$0x1FD30];
	_ =	sdelay $0x1  }
0x5b6: {  	[tilespmem:v35+s29+$0x0] =	vst.idx.msk $0xffff, v15  }
0x5b7: {  	v37 =	vor.u32 v53, v0;
	[tilespmem:v38+s29+$0x0] =	vst.idx.msk $0xffff, v19  }
0x5b8: {  	v39 =	vor.u32 v53, v1;
	v13 =	vld.idx.msk [tilespmem:v36+s20+$0x0], $0xffff;
	[tilespmem:v40+s29+$0x0] =	vst.idx.msk $0xffff, v8  }
0x5b9: {  	v42 =	vor.u32 v54, v4;
	v41 =	vor.u32 v27, v6;
	v28 =	vld [tilespmem:$0x1FD40];
	_ =	sdelay $0x2  }
0x5ba: {  	v44 =	vor.u32 v54, v5;
	v16 =	vld.idx.msk [tilespmem:v37+s20+$0x0], $0xffff  }
0x5bb: {  	v46 =	vor.u32 v54, v2;
	v19 =	vld.idx.msk [tilespmem:v39+s20+$0x0], $0xffff  }
0x5bc: {  	v43 =	vor.u32 v27, v3;
	[tilespmem:v42+s29+$0x0] =	vst.idx.msk $0xffff, v13;
	v8 =	vld.idx.msk [tilespmem:v41+s20+$0x0], $0xffff;
	v48 =	vor.u32 v28, v7  }
0x5bd: {  	v45 =	vor.u32 v27, v0;
	v47 =	vor.u32 v27, v1;
	v27 =	vld [tilespmem:$0x1FD50];
	_ =	sdelay $0x1  }
0x5be: {  	[tilespmem:v44+s29+$0x0] =	vst.idx.msk $0xffff, v16  }
0x5bf: {  	[tilespmem:v46+s29+$0x0] =	vst.idx.msk $0xffff, v19  }
0x5c0: {  	v13 =	vld.idx.msk [tilespmem:v43+s20+$0x0], $0xffff;
	[tilespmem:v48+s29+$0x0] =	vst.idx.msk $0xffff, v8  }
0x5c1: {  	v50 =	vor.u32 v28, v4;
	v49 =	vor.u32 v27, v6;
	v57 =	vld [tilespmem:$0x1FD60];
	_ =	sdelay $0x2  }
0x5c2: {  	v16 =	vld.idx.msk [tilespmem:v45+s20+$0x0], $0xffff;
	v52 =	vor.u32 v28, v5  }
0x5c3: {  	v19 =	vld.idx.msk [tilespmem:v47+s20+$0x0], $0xffff;
	v54 =	vor.u32 v28, v2  }
0x5c4: {  	v51 =	vor.u32 v27, v3;
	v8 =	vld.idx.msk [tilespmem:v49+s20+$0x0], $0xffff;
	[tilespmem:v50+s29+$0x0] =	vst.idx.msk $0xffff, v13;
	v59 =	vor.u32 v57, v7  }
0x5c5: {  	v53 =	vor.u32 v27, v0;
	v55 =	vor.u32 v27, v1;
	v27 =	vld [tilespmem:$0x1FD70];
	_ =	sdelay $0x1  }
0x5c6: {  	[tilespmem:v52+s29+$0x0] =	vst.idx.msk $0xffff, v16  }
0x5c7: {  	[tilespmem:v54+s29+$0x0] =	vst.idx.msk $0xffff, v19  }
0x5c8: {  	v13 =	vld.idx.msk [tilespmem:v51+s20+$0x0], $0xffff;
	[tilespmem:v59+s29+$0x0] =	vst.idx.msk $0xffff, v8  }
0x5c9: {  	v61 =	vor.u32 v57, v4;
	v60 =	vor.u32 v27, v6;
	v37 =	vld [tilespmem:$0x1FD80];
	_ =	sdelay $0x2  }
0x5ca: {  	v16 =	vld.idx.msk [tilespmem:v53+s20+$0x0], $0xffff;
	v63 =	vor.u32 v57, v5  }
0x5cb: {  	v19 =	vld.idx.msk [tilespmem:v55+s20+$0x0], $0xffff;
	v35 =	vor.u32 v57, v2  }
0x5cc: {  	v62 =	vor.u32 v27, v3;
	v8 =	vld.idx.msk [tilespmem:v60+s20+$0x0], $0xffff;
	[tilespmem:v61+s29+$0x0] =	vst.idx.msk $0xffff, v13;
	v38 =	vor.u32 v37, v7  }
0x5cd: {  	v33 =	vor.u32 v27, v0;
	v36 =	vor.u32 v27, v1;
	v27 =	vld [tilespmem:$0x1FD90];
	_ =	sdelay $0x1  }
0x5ce: {  	[tilespmem:v63+s29+$0x0] =	vst.idx.msk $0xffff, v16  }
0x5cf: {  	[tilespmem:v35+s29+$0x0] =	vst.idx.msk $0xffff, v19  }
0x5d0: {  	v13 =	vld.idx.msk [tilespmem:v62+s20+$0x0], $0xffff;
	[tilespmem:v38+s29+$0x0] =	vst.idx.msk $0xffff, v8  }
0x5d1: {  	v40 =	vor.u32 v37, v4;
	v39 =	vor.u32 v27, v6;
	v46 =	vld [tilespmem:$0x1FDA0];
	_ =	sdelay $0x2  }
0x5d2: {  	v16 =	vld.idx.msk [tilespmem:v33+s20+$0x0], $0xffff;
	v42 =	vor.u32 v37, v5  }
0x5d3: {  	v19 =	vld.idx.msk [tilespmem:v36+s20+$0x0], $0xffff;
	v44 =	vor.u32 v37, v2  }
0x5d4: {  	v41 =	vor.u32 v27, v3;
	v8 =	vld.idx.msk [tilespmem:v39+s20+$0x0], $0xffff;
	[tilespmem:v40+s29+$0x0] =	vst.idx.msk $0xffff, v13;
	v47 =	vor.u32 v46, v7  }
0x5d5: {  	v43 =	vor.u32 v27, v0;
	v45 =	vor.u32 v27, v1;
	v27 =	vld [tilespmem:$0x1FDB0];
	_ =	sdelay $0x1  }
0x5d6: {  	[tilespmem:v42+s29+$0x0] =	vst.idx.msk $0xffff, v16  }
0x5d7: {  	[tilespmem:v44+s29+$0x0] =	vst.idx.msk $0xffff, v19  }
0x5d8: {  	v49 =	vld.idx.msk [tilespmem:v41+s20+$0x0], $0xffff;
	[tilespmem:v47+s29+$0x0] =	vst.idx.msk $0xffff, v8  }
0x5d9: {  	v50 =	vor.u32 v46, v4;
	v48 =	vor.u32 v27, v6;
	v8 =	vld [tilespmem:$0x1FDC0]  }
0x5da: {  	v52 =	vld.idx.msk [tilespmem:v43+s20+$0x0], $0xffff;
	v53 =	vor.u32 v46, v5;
	v51 =	vor.u32 v27, v3  }
0x5db: {  	v55 =	vld.idx.msk [tilespmem:v45+s20+$0x0], $0xffff;
	v57 =	vor.u32 v46, v2;
	v54 =	vor.u32 v27, v0  }
0x5dc: {  	v59 =	vor.u32 v27, v1;
	_ =	sdelay $0x1  }
0x5dd: {  	v6 =	vld.idx.msk [tilespmem:v48+s20+$0x0], $0xffff;
	[tilespmem:v50+s29+$0x0] =	vst.idx.msk $0xffff, v49;
	v60 =	vor.u32 v8, v7  }
0x5de: {  	[tilespmem:v53+s29+$0x0] =	vst.idx.msk $0xffff, v52;
	v3 =	vld.idx.msk [tilespmem:v51+s20+$0x0], $0xffff;
	v61 =	vor.u32 v8, v4  }
0x5df: {  	[tilespmem:v57+s29+$0x0] =	vst.idx.msk $0xffff, v55;
	v0 =	vld.idx.msk [tilespmem:v54+s20+$0x0], $0xffff;
	v62 =	vor.u32 v8, v5  }
0x5e0: {  	v1 =	vld.idx.msk [tilespmem:v59+s20+$0x0], $0xffff;
	v63 =	vor.u32 v8, v2  }
0x5e1: {  	[tilespmem:v10+s29+$0x0] =	vst.idx.msk $0xffff, v9  }
0x5e2: {  	[tilespmem:v60+s29+$0x0] =	vst.idx.msk $0xffff, v6  }
0x5e3: {  	[tilespmem:v61+s29+$0x0] =	vst.idx.msk $0xffff, v3  }
0x5e4: {  	[tilespmem:v62+s29+$0x0] =	vst.idx.msk $0xffff, v0  }
0x5e5: {  	s1 =	sadd.s32 s14, s10;
	[tilespmem:v63+s29+$0x0] =	vst.idx.msk $0xffff, v1  }
0x5e6: {  	[hbm4b:s1+s15] =	stream.strided.scatter [tilespmem:s29], [sflag:$0x4], $0x1000, s23, s15, $0x38;
	[tilespmem:$0x16400] =	vst v63  }
0x5e7: {  	s3 =	sadd.s32 s14, s11  }
0x5e8: {  	[hbm4b:s3+s15] =	stream.strided.scatter [tilespmem:s30], [sflag:$0x4], $0x1000, s23, s15, $0x38;
	[tilespmem:$0x16400] =	vst v63  }
.Ltmp4:
0x5e9: {  	_ = 	snop;
	(pc) =	sbr.rel @p0 .LBB2_8-.Ltmp4, $4  }
0x5ea: {  	s17 =	sadd.s32 s14, s12  }
0x5eb: {  	[hbm4b:s17+s15] =	stream.strided.scatter [tilespmem:s31], [sflag:$0x4], $0x1000, s23, s15, $0x38;
	[tilespmem:$0x16400] =	vst v63  }
0x5ec: {  	s24 =	sadd.s32 s14, s13  }
0x5ed: {  	v45 =	vmov v23;
	[hbm4b:s24+s15] =	stream.strided.scatter [tilespmem:s0], [sflag:$0x4], $0x1000, s23, s15, $0x38;
	[tilespmem:$0x16400] =	vst v63  }
0x5ee: {  	v33 =	vld [tilespmem:$0x1FDE0]  }
0x5ef: {  	v12 =	vld [tilespmem:$0x1FDF0]  }
0x5f0: {  	v42 =	vld [tilespmem:$0x1FE00]  }
0x5f1: {  	v29 =	vld [tilespmem:$0x1FE10]  }
0x5f2: {  	v30 =	vld [tilespmem:$0x1FE20]  }
0x5f3: {  	v31 =	vld [tilespmem:$0x1FE30]  }
0x5f4: {  	v46 =	vld [tilespmem:$0x1FE40]  }
0x5f5: {  	v47 =	vld [tilespmem:$0x1FE50]  }
0x5f6: {  	v48 =	vld [tilespmem:$0x1FE60]  }
0x5f7: {  	v49 =	vld [tilespmem:$0x1FE70]  }
0x5f8: {  	v50 =	vld [tilespmem:$0x1FE80]  }
0x5f9: {  	v51 =	vld [tilespmem:$0x1FE90]  }
0x5fa: {  	v44 =	vld [tilespmem:$0x1FEA0]  }
0x5fb: {  	v54 =	vld [tilespmem:$0x1FEB0]  }
0x5fc: {  	v40 =	vld [tilespmem:$0x1FEC0]  }
0x5fd: {  	v41 =	vld [tilespmem:$0x1FED0]  }
0x5fe: {  	v43 =	vld [tilespmem:$0x1FEE0]  }
0x5ff: {  	v52 =	vld [tilespmem:$0x1FEF0]  }
0x600: {  	v39 =	vld [tilespmem:$0x1FF00]  }
0x601: {  	v53 =	vld [tilespmem:$0x1FF10]  }
0x602: {  	v57 =	vld [tilespmem:$0x1FF20]  }
0x603: {  	v13 =	vld [tilespmem:$0x1FF30]  }
0x604: {  	v14 =	vld [tilespmem:$0x1FF40]  }
0x605: {  	v15 =	vld [tilespmem:$0x1FF50]  }
.Ltmp5:
0x606: {  	v16 =	vld [tilespmem:$0x1FF60];
	(pc) =	sbr.rel .LBB2_2-.Ltmp5, $4  }
0x607: {  	s1 =	sshll.u32 s6, $0xA;
	v17 =	vld [tilespmem:$0x1FF70]  }
0x608: {  	v18 =	vld [tilespmem:$0x1FF80];
	s1 =	sand.u32 $0x3FFFFC00, s1  }
0x609: {  	s6 =	sadd.s32 $0x1, s6;
	v19 =	vld [tilespmem:$0x1FF90];
	s1 =	sadd.s32 $0x600, s1  }
0x60a: {  	v20 =	vld [tilespmem:$0x1FFA0];
	[tilespmem:s20], [sflag:$0x2] =	stream.indirect.gather [hbm4b:s5+s18], $0x20, s1, s18, $0xb8  }
.LBB2_9:
0x60b: {  	_ =	sfence.sel $0x180000  }
0x60c: {  	[bflag:$0x0] =	sbarrier.arrive $0xFFFF  }
0x60d: {  	_ =	strace $0x90000047  }
0x60e: {  	s0 =	stileid.u32;
	[bflag:$0x2] =	sbarrier.arrive $0xFFFF  }
0x60f: {  	p0 =	sne.s32 s0, $0x0;
	s0 =	rddreg [dreg:$0x3]  }
0x610: {  	s0 =	sadd.s32 @!p0 $0x100000, s0  }
0x611: {  	[sflag:s0] =	ssyncadd.tile.s32 @!p0 $0x1;
	_ =	shalt  }
.Lfunc_end2:
_tile_overlayer_lowered:
.L_overlay_start_2:
0x612: {  	(tag) =	ssettag $0x2  }
0x613: {  	s0 =	rddreg [dreg:$0x0];
	s2 =	stileid.u32  }
0x614: {  	s1 =	rddreg [dreg:$0x1];
	p0 =	sne.s32 s2, $0x0  }
0x615: {  	s3 =	rddreg [dreg:$0x2];
	[bflag:$0x3] =	sbarrier.arrive $0xFFFF;
	s2 =	simm.s32 @!p0 $0x1C05  }
0x616: {  	[timem:s3], [sflag:s2] =	dma.local @!p0 [hbm:s0], s1  }
0x617: {  	s0 =	simm.s32 @!p0 $0x5  }
0x618: {  	_ =	swait.ge @!p0 [sflag:s0], s1  }
0x619: {  	s1 =	ssub.s32 @!p0 $0x0, s1;
	[sflag:s0] =	ssyncset.done @!p0 $0x0  }
0x61a: {  	[sflag:s0] =	ssyncadd.s32 @!p0 s1  }
0x61b: {  	[bflag:$0x3] =	sbarrier.arrive $0xFFFF  }
0x61c: {  	_ =	shalt  }

</sc_bundles>
